<compile_context>
chip_gen: v7x
topology: tpu7x:2x2x1
jax: 0.10.2.dev20260603
libtpu: 0.0.44.dev20260713+nightly
codegen_flags: <defaults>
</compile_context>

<pallas_src>
import functools

import jax
import jax.numpy as jnp
from jax import lax
from jax.experimental import pallas as pl
from jax.experimental.pallas import tpu as pltpu
from jax.experimental.pallas import tpu_sc as plsc

N, E, D, C = 10000, 320000, 128, 40
NC, NS = 2, 16
NW = NC * NS
EPW = E // NW
CH = 80
NCHUNK = EPW // CH
CPB = 25
NBLK = NCHUNK // CPB
PAIRS = (CPB - 1) // 2
RPT = N // NS
DZ = 624
BN = 1000


def _proj_body(x_ref, w_ref, aler_ref, h_ref, eler_ref):
    h = jnp.dot(x_ref[...], w_ref[...],
                preferred_element_type=jnp.float32,
                precision=lax.Precision.HIGHEST)
    h_ref[...] = h
    eler_ref[...] = jnp.dot(h, aler_ref[...],
                            preferred_element_type=jnp.float32,
                            precision=lax.Precision.HIGHEST)


def _proj1(x, w, aler):
    return pl.pallas_call(
        _proj_body,
        grid=(N // BN,),
        in_specs=[
            pl.BlockSpec((BN, D), lambda i: (i, 0)),
            pl.BlockSpec((D, D), lambda i: (0, 0)),
            pl.BlockSpec((D, 2), lambda i: (0, 0)),
        ],
        out_specs=[
            pl.BlockSpec((BN, D), lambda i: (i, 0)),
            pl.BlockSpec((BN, 2), lambda i: (i, 0)),
        ],
        out_shape=[
            jax.ShapeDtypeStruct((N, D), jnp.float32),
            jax.ShapeDtypeStruct((N, 2), jnp.float32),
        ],
    )(x, w, aler)


def _mid_body(pa_ref, pb_ref, dna_ref, dnb_ref, b_ref, m_ref, w_ref, aler_ref,
              h_ref, eler_ref):
    ps = pa_ref[...] + pb_ref[...]
    dn = dna_ref[...] + dnb_ref[...]
    out1 = ps / (dn + 1e-9) + b_ref[...]
    hin = jnp.where(out1 > 0, out1, jnp.exp(out1) - 1.0) * m_ref[...]
    h = jnp.dot(hin, w_ref[...],
                preferred_element_type=jnp.float32,
                precision=lax.Precision.HIGHEST)
    h_ref[...] = h
    eler_ref[...] = jnp.dot(h, aler_ref[...],
                            preferred_element_type=jnp.float32,
                            precision=lax.Precision.HIGHEST)


def _proj2(pa, pb, dna, dnb, b, mask, w, aler):
    return pl.pallas_call(
        _mid_body,
        grid=(N // BN,),
        in_specs=[
            pl.BlockSpec((BN, D), lambda i: (i, 0)),
            pl.BlockSpec((BN, D), lambda i: (i, 0)),
            pl.BlockSpec((BN, 1), lambda i: (i, 0)),
            pl.BlockSpec((BN, 1), lambda i: (i, 0)),
            pl.BlockSpec((1, D), lambda i: (0, 0)),
            pl.BlockSpec((1, D), lambda i: (0, 0)),
            pl.BlockSpec((D, D), lambda i: (0, 0)),
            pl.BlockSpec((D, 2), lambda i: (0, 0)),
        ],
        out_specs=[
            pl.BlockSpec((BN, D), lambda i: (i, 0)),
            pl.BlockSpec((BN, 2), lambda i: (i, 0)),
        ],
        out_shape=[
            jax.ShapeDtypeStruct((N, D), jnp.float32),
            jax.ShapeDtypeStruct((N, 2), jnp.float32),
        ],
    )(pa, pb, dna, dnb, b, mask, w, aler)


def _final_body(pa_ref, pb_ref, dna_ref, dnb_ref, b_ref, wc_ref, bc_ref,
                out_ref, acc_ref):
    i = pl.program_id(0)
    ps = pa_ref[...] + pb_ref[...]
    dn = dna_ref[...] + dnb_ref[...]
    out2 = ps / (dn + 1e-9) + b_ref[...]
    s = jnp.sum(out2, axis=0, keepdims=True)

    @pl.when(i == 0)
    def _():
        acc_ref[...] = jnp.zeros_like(acc_ref)

    acc_ref[...] += s

    @pl.when(i == (N // BN) - 1)
    def _():
        out_ref[...] = jnp.dot(acc_ref[...] * (1.0 / N), wc_ref[...],
                               preferred_element_type=jnp.float32,
                               precision=lax.Precision.HIGHEST) + bc_ref[...]


def _final(pa, pb, dna, dnb, b, wc, bc):
    return pl.pallas_call(
        _final_body,
        grid=(N // BN,),
        in_specs=[
            pl.BlockSpec((BN, D), lambda i: (i, 0)),
            pl.BlockSpec((BN, D), lambda i: (i, 0)),
            pl.BlockSpec((BN, 1), lambda i: (i, 0)),
            pl.BlockSpec((BN, 1), lambda i: (i, 0)),
            pl.BlockSpec((1, D), lambda i: (0, 0)),
            pl.BlockSpec((D, C), lambda i: (0, 0)),
            pl.BlockSpec((1, C), lambda i: (0, 0)),
        ],
        out_specs=pl.BlockSpec((1, C), lambda i: (0, 0)),
        out_shape=jax.ShapeDtypeStruct((1, C), jnp.float32),
        scratch_shapes=[pltpu.VMEM((1, D), jnp.float32)],
    )(pa, pb, dna, dnb, b, wc, bc)


def _sc_body(h_hbm, el_hbm, er_hbm, src_hbm, dst_hbm, part_hbm, pdn_hbm,
             out_sh, dn_sh, el_v, er_v, srcb, dstb, eeA, eeB, rowsA, rowsB,
             gsA, gsB, ssA, ssB, dsA, dsB):
    core = lax.axis_index("c")
    sub = lax.axis_index("s")
    wid = sub * NC + core

    z16 = jnp.zeros((16,), jnp.float32)

    @pl.loop(0, CH)
    def _(r):
        for j in range(D // 16):
            rowsA[r, pl.ds(j * 16, 16)] = z16

    row0 = sub * RPT
    for k in range(RPT // CH):
        pltpu.sync_copy(rowsA, out_sh.at[pl.ds(row0 + k * CH, CH)])
    pltpu.sync_copy(rowsA.at[pl.ds(0, RPT % CH)],
                    out_sh.at[pl.ds(row0 + (RPT // CH) * CH, RPT % CH)])

    for g in range(CH // 16):
        eeA[pl.ds(g * 16, 16)] = z16
    d0 = sub * DZ
    for k in range(DZ // CH):
        pltpu.sync_copy(eeA, dn_sh.at[pl.ds(d0 + k * CH, CH)])
    pltpu.sync_copy(eeA.at[pl.ds(0, DZ % CH)],
                    dn_sh.at[pl.ds(d0 + (DZ // CH) * CH, DZ % CH)])

    @pl.when(sub == NS - 1)
    def _():
        pltpu.sync_copy(eeA.at[pl.ds(0, N - NS * DZ)],
                        dn_sh.at[pl.ds(NS * DZ, N - NS * DZ)])

    plsc.subcore_barrier()

    pltpu.sync_copy(el_hbm, el_v)
    pltpu.sync_copy(er_hbm, er_v)

    def compute_ee(jrow, eebuf):
        for g in range(CH // 16):
            sv = srcb[jrow, pl.ds(g * 16, 16)]
            dv = dstb[jrow, pl.ds(g * 16, 16)]
            s = plsc.load_gather(el_v, [sv]) + plsc.load_gather(er_v, [dv])
            e = jnp.where(s > 0.0, s, 0.2 * s)
            eebuf[pl.ds(g * 16, 16)] = jnp.exp(e)

    def scale_rows(rows, eebuf):
        @plsc.parallel_loop(0, CH, unroll=4)
        def _(r):
            ridx = jnp.full((16,), 0, jnp.int32) + r
            ev = plsc.load_gather(eebuf, [ridx])
            for j in range(D // 16):
                rows[r, pl.ds(j * 16, 16)] = rows[r, pl.ds(j * 16, 16)] * ev

    @pl.loop(0, NBLK)
    def _(b):
        blk = wid * NCHUNK + b * CPB

        @pl.when(b > 0)
        def _():
            pltpu.make_async_copy(eeB, dn_sh.at[dstb.at[0]], dsB).wait()

        pltpu.sync_copy(src_hbm.at[pl.ds(blk, CPB)], srcb)
        pltpu.sync_copy(dst_hbm.at[pl.ds(blk, CPB)], dstb)

        pltpu.async_copy(h_hbm.at[srcb.at[0]], rowsA, gsA)

        @pl.loop(0, PAIRS)
        def _(i):
            j0 = 2 * i
            j1 = j0 + 1

            @pl.when(i > 0)
            def _():
                pltpu.make_async_copy(eeA, dn_sh.at[dstb.at[j0]], dsA).wait()

            compute_ee(j0, eeA)
            pltpu.make_async_copy(h_hbm.at[srcb.at[j0]], rowsA, gsA).wait()

            @pl.when(i > 0)
            def _():
                pltpu.make_async_copy(rowsB, out_sh.at[dstb.at[j1]], ssB).wait()

            pltpu.async_copy(h_hbm.at[srcb.at[j1]], rowsB, gsB)
            scale_rows(rowsA, eeA)
            pltpu.async_copy(rowsA, out_sh.at[dstb.at[j0]], ssA, add=True)
            pltpu.async_copy(eeA, dn_sh.at[dstb.at[j0]], dsA, add=True)

            @pl.when(i > 0)
            def _():
                pltpu.make_async_copy(eeB, dn_sh.at[dstb.at[j1]], dsB).wait()

            compute_ee(j1, eeB)
            pltpu.make_async_copy(h_hbm.at[srcb.at[j1]], rowsB, gsB).wait()
            pltpu.make_async_copy(rowsA, out_sh.at[dstb.at[j0]], ssA).wait()
            pltpu.async_copy(h_hbm.at[srcb.at[j0 + 2]], rowsA, gsA)
            scale_rows(rowsB, eeB)
            pltpu.async_copy(rowsB, out_sh.at[dstb.at[j1]], ssB, add=True)
            pltpu.async_copy(eeB, dn_sh.at[dstb.at[j1]], dsB, add=True)

        jt = CPB - 1
        pltpu.make_async_copy(eeA, dn_sh.at[dstb.at[jt]], dsA).wait()
        compute_ee(jt, eeA)
        pltpu.make_async_copy(h_hbm.at[srcb.at[jt]], rowsA, gsA).wait()
        pltpu.make_async_copy(rowsB, out_sh.at[dstb.at[jt]], ssB).wait()
        scale_rows(rowsA, eeA)
        pltpu.sync_copy(rowsA, out_sh.at[dstb.at[jt]], add=True)
        pltpu.sync_copy(eeA, dn_sh.at[dstb.at[jt]], add=True)

    pltpu.make_async_copy(eeB, dn_sh.at[dstb.at[0]], dsB).wait()

    plsc.subcore_barrier()

    pltpu.sync_copy(out_sh.at[pl.ds(row0, RPT)],
                    part_hbm.at[core, pl.ds(row0, RPT)])
    pltpu.sync_copy(dn_sh.at[pl.ds(d0, DZ)],
                    pdn_hbm.at[core, pl.ds(d0, DZ)])

    @pl.when(sub == NS - 1)
    def _():
        pltpu.sync_copy(dn_sh.at[pl.ds(NS * DZ, N - NS * DZ)],
                        pdn_hbm.at[core, pl.ds(NS * DZ, N - NS * DZ)])


def _sc_aggregate(h, el, er, src2d, dst2d):
    mesh = plsc.VectorSubcoreMesh(core_axis_name="c", subcore_axis_name="s")
    f = functools.partial(
        pl.kernel,
        mesh=mesh,
        compiler_params=pltpu.CompilerParams(use_tc_tiling_on_sc=False,
                                             needs_layout_passes=False),
        out_type=[
            jax.ShapeDtypeStruct((NC, N, D), jnp.float32),
            jax.ShapeDtypeStruct((NC, N), jnp.float32),
        ],
        scratch_types=[
            pltpu.VMEM_SHARED((N, D), jnp.float32),
            pltpu.VMEM_SHARED((N,), jnp.float32),
            pltpu.VMEM((N,), jnp.float32),
            pltpu.VMEM((N,), jnp.float32),
            pltpu.VMEM((CPB, CH), jnp.int32),
            pltpu.VMEM((CPB, CH), jnp.int32),
            pltpu.VMEM((CH,), jnp.float32),
            pltpu.VMEM((CH,), jnp.float32),
            pltpu.VMEM((CH, D), jnp.float32),
            pltpu.VMEM((CH, D), jnp.float32),
            pltpu.SemaphoreType.DMA,
            pltpu.SemaphoreType.DMA,
            pltpu.SemaphoreType.DMA,
            pltpu.SemaphoreType.DMA,
            pltpu.SemaphoreType.DMA,
            pltpu.SemaphoreType.DMA,
        ],
    )(_sc_body)
    return f(h, el, er, src2d, dst2d)


@jax.jit
def kernel(x, edge_index, W1, al1, ar1, b1, p, W2, al2, ar2, b2, Wc, bc):
    src2d = edge_index[0].astype(jnp.int32).reshape(E // CH, CH)
    dst2d = edge_index[1].astype(jnp.int32).reshape(E // CH, CH)
    aler1 = jnp.stack([al1, ar1], axis=1)
    aler2 = jnp.stack([al2, ar2], axis=1)
    mask = jnp.clip(p, 0.0, 1.0).reshape(1, D)

    h1, eler1 = _proj1(x, W1, aler1)
    part1, pdn1 = _sc_aggregate(h1, eler1[:, 0], eler1[:, 1], src2d, dst2d)
    h2, eler2 = _proj2(part1[0], part1[1],
                       pdn1[0].reshape(N, 1), pdn1[1].reshape(N, 1),
                       b1.reshape(1, D), mask, W2, aler2)
    part2, pdn2 = _sc_aggregate(h2, eler2[:, 0], eler2[:, 1], src2d, dst2d)
    out = _final(part2[0], part2[1],
                 pdn2[0].reshape(N, 1), pdn2[1].reshape(N, 1),
                 b2.reshape(1, D), Wc, bc.reshape(1, C))
    return out.reshape(C)

# --- scband reference (transcript-rebuilt; emitter-appended) ---
"""Pipeline reference for scband-gat-59090160058840 (READ-ONLY COPY).

The authoritative reference and input builder live on the scoring server;
editing this copy changes nothing except your own understanding.
"""

import jax, jax.numpy as jnp
import numpy as np

N, E, D, H, O, C = 10000, 320000, 128, 128, 128, 40


def gat_conv(x, src, dst, W, a_l, a_r, b, n_nodes):
    # DGL GATConv, single head, no feat-drop/attn-drop (eval semantics)
    h = x @ W                                  # (N, out)
    el = h @ a_l                               # (N,)
    er = h @ a_r                               # (N,)
    e = jax.nn.leaky_relu(el[src] + er[dst], negative_slope=0.2)  # (E,)
    # edge softmax over destination nodes
    emax = jax.ops.segment_max(e, dst, num_segments=n_nodes)
    e = jnp.exp(e - emax[dst])
    denom = jax.ops.segment_sum(e, dst, num_segments=n_nodes)
    alpha = e / (denom[dst] + 1e-9)
    out = jax.ops.segment_sum(h[src] * alpha[:, None], dst, num_segments=n_nodes)
    return out + b


def setup_inputs(seed: int = 0):
    key = jax.random.key(seed)
    ks = jax.random.split(key, 16)
    x = jax.random.normal(ks[0], (N, D), dtype=jnp.float32)
    edge_index = jax.random.randint(ks[1], (2, E), 0, N)
    W1 = jax.random.normal(ks[2], (D, H), dtype=jnp.float32) / np.sqrt(D)
    al1 = jax.random.normal(ks[3], (H,), dtype=jnp.float32) / np.sqrt(H)
    ar1 = jax.random.normal(ks[4], (H,), dtype=jnp.float32) / np.sqrt(H)
    b1 = jnp.zeros((H,), dtype=jnp.float32)
    p = jnp.full((H,), 0.5, dtype=jnp.float32)  # VariationalDropout retain probs (deterministic mode)
    W2 = jax.random.normal(ks[5], (H, O), dtype=jnp.float32) / np.sqrt(H)
    al2 = jax.random.normal(ks[6], (O,), dtype=jnp.float32) / np.sqrt(O)
    ar2 = jax.random.normal(ks[7], (O,), dtype=jnp.float32) / np.sqrt(O)
    b2 = jnp.zeros((O,), dtype=jnp.float32)
    Wc = jax.random.normal(ks[8], (O, C), dtype=jnp.float32) / np.sqrt(O)
    bc = jnp.zeros((C,), dtype=jnp.float32)
    return {"x": x, "edge_index": edge_index, "W1": W1, "al1": al1, "ar1": ar1, "b1": b1,
            "p": p, "W2": W2, "al2": al2, "ar2": ar2, "b2": b2, "Wc": Wc, "bc": bc}


def reference(x, edge_index, W1, al1, ar1, b1, p, W2, al2, ar2, b2, Wc, bc):
    n_nodes = x.shape[0]
    src, dst = edge_index[0], edge_index[1]
    h = jax.nn.elu(gat_conv(x, src, dst, W1, al1, ar1, b1, n_nodes))
    # deterministic VariationalDropout: multiply by clamped retain probs
    mask = jnp.clip(p, 0.0, 1.0)
    h = h * mask[None, :]
    h = gat_conv(h, src, dst, W2, al2, ar2, b2, n_nodes)
    # dgl.mean_nodes over a single graph
    hg = jnp.mean(h, axis=0)
    return hg @ Wc + bc

if __name__ == "__main__":
    import jax
    _d = setup_inputs()
    print(jax.jit(kernel)(*tuple(_d.values())))

</pallas_src>

<mosaic_0001>
#map = affine_map<(d0, d1) -> (0, 0)>
#map1 = affine_map<(d0, d1) -> (0)>
#map2 = affine_map<(d0, d1) -> (0, 0, 0)>
module attributes {stable_mosaic.version = 14 : i64} {
  func.func @_sc_body(%arg0: i32, %arg1: i32, %arg2: memref<10000x128xf32, #tpu.memory_space<hbm>>, %arg3: memref<10000xf32, #tpu.memory_space<hbm>>, %arg4: memref<10000xf32, #tpu.memory_space<hbm>>, %arg5: memref<4000x80xi32, #tpu.memory_space<hbm>>, %arg6: memref<4000x80xi32, #tpu.memory_space<hbm>>, %arg7: memref<2x10000x128xf32, #tpu.memory_space<hbm>>, %arg8: memref<2x10000xf32, #tpu.memory_space<hbm>>, %arg9: memref<10000x128xf32, #tpu.memory_space<vmem_shared>>, %arg10: memref<10000xf32, #tpu.memory_space<vmem_shared>>, %arg11: memref<10000xf32, #tpu.memory_space<vmem>>, %arg12: memref<10000xf32, #tpu.memory_space<vmem>>, %arg13: memref<25x80xi32, #tpu.memory_space<vmem>>, %arg14: memref<25x80xi32, #tpu.memory_space<vmem>>, %arg15: memref<80xf32, #tpu.memory_space<vmem>>, %arg16: memref<80xf32, #tpu.memory_space<vmem>>, %arg17: memref<80x128xf32, #tpu.memory_space<vmem>>, %arg18: memref<80x128xf32, #tpu.memory_space<vmem>>, %arg19: memref<!tpu.dma_semaphore, #tpu.memory_space<semaphore_mem>>, %arg20: memref<!tpu.dma_semaphore, #tpu.memory_space<semaphore_mem>>, %arg21: memref<!tpu.dma_semaphore, #tpu.memory_space<semaphore_mem>>, %arg22: memref<!tpu.dma_semaphore, #tpu.memory_space<semaphore_mem>>, %arg23: memref<!tpu.dma_semaphore, #tpu.memory_space<semaphore_mem>>, %arg24: memref<!tpu.dma_semaphore, #tpu.memory_space<semaphore_mem>>) attributes {dimension_semantics = [#tpu.dimension_semantics<core_parallel>, #tpu.dimension_semantics<subcore_parallel>], iteration_bounds = array<i64: 2, 16>, scalar_prefetch = 0 : i64, scratch_operands = 16 : i64, tpu.core_type = #tpu.core_type<sc_vector_subcore>, window_params = [{transform_indices = #map}, {transform_indices = #map1}, {transform_indices = #map1}, {transform_indices = #map}, {transform_indices = #map}, {transform_indices = #map2}, {transform_indices = #map}]} {
    %mul3A = arith.constant 2 : i32
    %mul3A_0 = arith.muli %arg1, %mul3A : i32
    %add3A = arith.addi %mul3A_0, %arg0 : i32
    %broadcast_in_dim3A = arith.constant 0.000000e+00 : f32
    %broadcast_in_dim3A_1 = vector.broadcast %broadcast_in_dim3A : f32 to vector<16xf32>
    %scan3A = arith.constant 0 : i32
    %scan3A_2 = arith.constant 80 : i32
    %scan3A_3 = arith.addi %scan3A, %scan3A_2 : i32
    %scan3A_4 = arith.constant 1 : i32
    scf.for %scan3A_69 = %scan3A to %scan3A_3 step %scan3A_4  : i32 {
      %mul3A_70 = arith.constant 1 : i32
      %mul3A_71 = arith.muli %scan3A_69, %mul3A_70 : i32
      %add3A_72 = arith.constant 0 : i32
      %add3A_73 = arith.addi %add3A_72, %mul3A_71 : i32
      %swap3A_74 = arith.index_cast %add3A_73 : i32 to index
      %swap3A_75 = arith.constant 0 : index
      %swap3A_76 = tpu.vector_load %arg17[%swap3A_74, %swap3A_75] {strides = array<i32>} : memref<80x128xf32, #tpu.memory_space<vmem>>, vector<16xf32>,
      tpu.vector_store %arg17[%swap3A_74, %swap3A_75], %broadcast_in_dim3A_1 {strides = array<i32>} : memref<80x128xf32, #tpu.memory_space<vmem>>, vector<16xf32>,
      %swap3A_77 = arith.index_cast %add3A_73 : i32 to index
      %swap3A_78 = arith.constant 16 : index
      %swap3A_79 = tpu.vector_load %arg17[%swap3A_77, %swap3A_78] {strides = array<i32>} : memref<80x128xf32, #tpu.memory_space<vmem>>, vector<16xf32>,
      tpu.vector_store %arg17[%swap3A_77, %swap3A_78], %broadcast_in_dim3A_1 {strides = array<i32>} : memref<80x128xf32, #tpu.memory_space<vmem>>, vector<16xf32>,
      %swap3A_80 = arith.index_cast %add3A_73 : i32 to index
      %swap3A_81 = arith.constant 32 : index
      %swap3A_82 = tpu.vector_load %arg17[%swap3A_80, %swap3A_81] {strides = array<i32>} : memref<80x128xf32, #tpu.memory_space<vmem>>, vector<16xf32>,
      tpu.vector_store %arg17[%swap3A_80, %swap3A_81], %broadcast_in_dim3A_1 {strides = array<i32>} : memref<80x128xf32, #tpu.memory_space<vmem>>, vector<16xf32>,
      %swap3A_83 = arith.index_cast %add3A_73 : i32 to index
      %swap3A_84 = arith.constant 48 : index
      %swap3A_85 = tpu.vector_load %arg17[%swap3A_83, %swap3A_84] {strides = array<i32>} : memref<80x128xf32, #tpu.memory_space<vmem>>, vector<16xf32>,
      tpu.vector_store %arg17[%swap3A_83, %swap3A_84], %broadcast_in_dim3A_1 {strides = array<i32>} : memref<80x128xf32, #tpu.memory_space<vmem>>, vector<16xf32>,
      %swap3A_86 = arith.index_cast %add3A_73 : i32 to index
      %swap3A_87 = arith.constant 64 : index
      %swap3A_88 = tpu.vector_load %arg17[%swap3A_86, %swap3A_87] {strides = array<i32>} : memref<80x128xf32, #tpu.memory_space<vmem>>, vector<16xf32>,
      tpu.vector_store %arg17[%swap3A_86, %swap3A_87], %broadcast_in_dim3A_1 {strides = array<i32>} : memref<80x128xf32, #tpu.memory_space<vmem>>, vector<16xf32>,
      %swap3A_89 = arith.index_cast %add3A_73 : i32 to index
      %swap3A_90 = arith.constant 80 : index
      %swap3A_91 = tpu.vector_load %arg17[%swap3A_89, %swap3A_90] {strides = array<i32>} : memref<80x128xf32, #tpu.memory_space<vmem>>, vector<16xf32>,
      tpu.vector_store %arg17[%swap3A_89, %swap3A_90], %broadcast_in_dim3A_1 {strides = array<i32>} : memref<80x128xf32, #tpu.memory_space<vmem>>, vector<16xf32>,
      %swap3A_92 = arith.index_cast %add3A_73 : i32 to index
      %swap3A_93 = arith.constant 96 : index
      %swap3A_94 = tpu.vector_load %arg17[%swap3A_92, %swap3A_93] {strides = array<i32>} : memref<80x128xf32, #tpu.memory_space<vmem>>, vector<16xf32>,
      tpu.vector_store %arg17[%swap3A_92, %swap3A_93], %broadcast_in_dim3A_1 {strides = array<i32>} : memref<80x128xf32, #tpu.memory_space<vmem>>, vector<16xf32>,
      %swap3A_95 = arith.index_cast %add3A_73 : i32 to index
      %swap3A_96 = arith.constant 112 : index
      %swap3A_97 = tpu.vector_load %arg17[%swap3A_95, %swap3A_96] {strides = array<i32>} : memref<80x128xf32, #tpu.memory_space<vmem>>, vector<16xf32>,
      tpu.vector_store %arg17[%swap3A_95, %swap3A_96], %broadcast_in_dim3A_1 {strides = array<i32>} : memref<80x128xf32, #tpu.memory_space<vmem>>, vector<16xf32>,
    }
    %scan3A_5 = arith.constant 80 : i32
    %mul3A_6 = arith.constant 625 : i32
    %mul3A_7 = arith.muli %arg1, %mul3A_6 : i32
    %add3A_8 = arith.constant 0 : i32
    %add3A_9 = arith.addi %mul3A_7, %add3A_8 : i32
    "tpu.region"() ({
      %run_scoped3A = tpu.sem_alloc : memref<!tpu.dma_semaphore, #tpu.memory_space<semaphore_mem>>
      %dma_start3A = arith.constant 0 : i32
      %dma_start3A_69 = tpu.memref_slice %arg9[%add3A_9, %dma_start3A] : memref<10000x128xf32, #tpu.memory_space<vmem_shared>> -> memref<80x128xf32, #tpu.memory_space<vmem_shared>>
      %dma_start3A_70 = arith.constant 0 : i32
      %dma_start3A_71 = tpu.memref_slice %arg9[%add3A_9, %dma_start3A_70] : memref<10000x128xf32, #tpu.memory_space<vmem_shared>> -> memref<80x128xf32, #tpu.memory_space<vmem_shared>>
      tpu.enqueue_dma source(%arg17 : memref<80x128xf32, #tpu.memory_space<vmem>>) target(%dma_start3A_71 : memref<80x128xf32, #tpu.memory_space<vmem_shared>>) target_semaphore(%run_scoped3A : memref<!tpu.dma_semaphore, #tpu.memory_space<semaphore_mem>>)
      %dma_wait3A_72 = arith.constant 0 : i32
      %dma_wait3A_73 = tpu.memref_slice %arg9[%add3A_9, %dma_wait3A_72] : memref<10000x128xf32, #tpu.memory_space<vmem_shared>> -> memref<80x128xf32, #tpu.memory_space<vmem_shared>>
      %dma_wait3A_74 = arith.constant 0 : i32
      %dma_wait3A_75 = tpu.memref_slice %arg9[%add3A_9, %dma_wait3A_74] : memref<10000x128xf32, #tpu.memory_space<vmem_shared>> -> memref<80x128xf32, #tpu.memory_space<vmem_shared>>
      tpu.wait_dma2 semaphore(%run_scoped3A : memref<!tpu.dma_semaphore, #tpu.memory_space<semaphore_mem>>) src(%arg17 : memref<80x128xf32, #tpu.memory_space<vmem>>) dst(%dma_wait3A_75 : memref<80x128xf32, #tpu.memory_space<vmem_shared>>)
      tpu.yield
    }) : () -> ()
    %add3A_10 = arith.constant 80 : i32
    %add3A_11 = arith.addi %mul3A_7, %add3A_10 : i32
    "tpu.region"() ({
      %run_scoped3A = tpu.sem_alloc : memref<!tpu.dma_semaphore, #tpu.memory_space<semaphore_mem>>
      %dma_start3A = arith.constant 0 : i32
      %dma_start3A_69 = tpu.memref_slice %arg9[%add3A_11, %dma_start3A] : memref<10000x128xf32, #tpu.memory_space<vmem_shared>> -> memref<80x128xf32, #tpu.memory_space<vmem_shared>>
      %dma_start3A_70 = arith.constant 0 : i32
      %dma_start3A_71 = tpu.memref_slice %arg9[%add3A_11, %dma_start3A_70] : memref<10000x128xf32, #tpu.memory_space<vmem_shared>> -> memref<80x128xf32, #tpu.memory_space<vmem_shared>>
      tpu.enqueue_dma source(%arg17 : memref<80x128xf32, #tpu.memory_space<vmem>>) target(%dma_start3A_71 : memref<80x128xf32, #tpu.memory_space<vmem_shared>>) target_semaphore(%run_scoped3A : memref<!tpu.dma_semaphore, #tpu.memory_space<semaphore_mem>>)
      %dma_wait3A_72 = arith.constant 0 : i32
      %dma_wait3A_73 = tpu.memref_slice %arg9[%add3A_11, %dma_wait3A_72] : memref<10000x128xf32, #tpu.memory_space<vmem_shared>> -> memref<80x128xf32, #tpu.memory_space<vmem_shared>>
      %dma_wait3A_74 = arith.constant 0 : i32
      %dma_wait3A_75 = tpu.memref_slice %arg9[%add3A_11, %dma_wait3A_74] : memref<10000x128xf32, #tpu.memory_space<vmem_shared>> -> memref<80x128xf32, #tpu.memory_space<vmem_shared>>
      tpu.wait_dma2 semaphore(%run_scoped3A : memref<!tpu.dma_semaphore, #tpu.memory_space<semaphore_mem>>) src(%arg17 : memref<80x128xf32, #tpu.memory_space<vmem>>) dst(%dma_wait3A_75 : memref<80x128xf32, #tpu.memory_space<vmem_shared>>)
      tpu.yield
    }) : () -> ()
    %add3A_12 = arith.constant 160 : i32
    %add3A_13 = arith.addi %mul3A_7, %add3A_12 : i32
    "tpu.region"() ({
      %run_scoped3A = tpu.sem_alloc : memref<!tpu.dma_semaphore, #tpu.memory_space<semaphore_mem>>
      %dma_start3A = arith.constant 0 : i32
      %dma_start3A_69 = tpu.memref_slice %arg9[%add3A_13, %dma_start3A] : memref<10000x128xf32, #tpu.memory_space<vmem_shared>> -> memref<80x128xf32, #tpu.memory_space<vmem_shared>>
      %dma_start3A_70 = arith.constant 0 : i32
      %dma_start3A_71 = tpu.memref_slice %arg9[%add3A_13, %dma_start3A_70] : memref<10000x128xf32, #tpu.memory_space<vmem_shared>> -> memref<80x128xf32, #tpu.memory_space<vmem_shared>>
      tpu.enqueue_dma source(%arg17 : memref<80x128xf32, #tpu.memory_space<vmem>>) target(%dma_start3A_71 : memref<80x128xf32, #tpu.memory_space<vmem_shared>>) target_semaphore(%run_scoped3A : memref<!tpu.dma_semaphore, #tpu.memory_space<semaphore_mem>>)
      %dma_wait3A_72 = arith.constant 0 : i32
      %dma_wait3A_73 = tpu.memref_slice %arg9[%add3A_13, %dma_wait3A_72] : memref<10000x128xf32, #tpu.memory_space<vmem_shared>> -> memref<80x128xf32, #tpu.memory_space<vmem_shared>>
      %dma_wait3A_74 = arith.constant 0 : i32
      %dma_wait3A_75 = tpu.memref_slice %arg9[%add3A_13, %dma_wait3A_74] : memref<10000x128xf32, #tpu.memory_space<vmem_shared>> -> memref<80x128xf32, #tpu.memory_space<vmem_shared>>
      tpu.wait_dma2 semaphore(%run_scoped3A : memref<!tpu.dma_semaphore, #tpu.memory_space<semaphore_mem>>) src(%arg17 : memref<80x128xf32, #tpu.memory_space<vmem>>) dst(%dma_wait3A_75 : memref<80x128xf32, #tpu.memory_space<vmem_shared>>)
      tpu.yield
    }) : () -> ()
    %add3A_14 = arith.constant 240 : i32
    %add3A_15 = arith.addi %mul3A_7, %add3A_14 : i32
    "tpu.region"() ({
      %run_scoped3A = tpu.sem_alloc : memref<!tpu.dma_semaphore, #tpu.memory_space<semaphore_mem>>
      %dma_start3A = arith.constant 0 : i32
      %dma_start3A_69 = tpu.memref_slice %arg9[%add3A_15, %dma_start3A] : memref<10000x128xf32, #tpu.memory_space<vmem_shared>> -> memref<80x128xf32, #tpu.memory_space<vmem_shared>>
      %dma_start3A_70 = arith.constant 0 : i32
      %dma_start3A_71 = tpu.memref_slice %arg9[%add3A_15, %dma_start3A_70] : memref<10000x128xf32, #tpu.memory_space<vmem_shared>> -> memref<80x128xf32, #tpu.memory_space<vmem_shared>>
      tpu.enqueue_dma source(%arg17 : memref<80x128xf32, #tpu.memory_space<vmem>>) target(%dma_start3A_71 : memref<80x128xf32, #tpu.memory_space<vmem_shared>>) target_semaphore(%run_scoped3A : memref<!tpu.dma_semaphore, #tpu.memory_space<semaphore_mem>>)
      %dma_wait3A_72 = arith.constant 0 : i32
      %dma_wait3A_73 = tpu.memref_slice %arg9[%add3A_15, %dma_wait3A_72] : memref<10000x128xf32, #tpu.memory_space<vmem_shared>> -> memref<80x128xf32, #tpu.memory_space<vmem_shared>>
      %dma_wait3A_74 = arith.constant 0 : i32
      %dma_wait3A_75 = tpu.memref_slice %arg9[%add3A_15, %dma_wait3A_74] : memref<10000x128xf32, #tpu.memory_space<vmem_shared>> -> memref<80x128xf32, #tpu.memory_space<vmem_shared>>
      tpu.wait_dma2 semaphore(%run_scoped3A : memref<!tpu.dma_semaphore, #tpu.memory_space<semaphore_mem>>) src(%arg17 : memref<80x128xf32, #tpu.memory_space<vmem>>) dst(%dma_wait3A_75 : memref<80x128xf32, #tpu.memory_space<vmem_shared>>)
      tpu.yield
    }) : () -> ()
    %add3A_16 = arith.constant 320 : i32
    %add3A_17 = arith.addi %mul3A_7, %add3A_16 : i32
    "tpu.region"() ({
      %run_scoped3A = tpu.sem_alloc : memref<!tpu.dma_semaphore, #tpu.memory_space<semaphore_mem>>
      %dma_start3A = arith.constant 0 : i32
      %dma_start3A_69 = tpu.memref_slice %arg9[%add3A_17, %dma_start3A] : memref<10000x128xf32, #tpu.memory_space<vmem_shared>> -> memref<80x128xf32, #tpu.memory_space<vmem_shared>>
      %dma_start3A_70 = arith.constant 0 : i32
      %dma_start3A_71 = tpu.memref_slice %arg9[%add3A_17, %dma_start3A_70] : memref<10000x128xf32, #tpu.memory_space<vmem_shared>> -> memref<80x128xf32, #tpu.memory_space<vmem_shared>>
      tpu.enqueue_dma source(%arg17 : memref<80x128xf32, #tpu.memory_space<vmem>>) target(%dma_start3A_71 : memref<80x128xf32, #tpu.memory_space<vmem_shared>>) target_semaphore(%run_scoped3A : memref<!tpu.dma_semaphore, #tpu.memory_space<semaphore_mem>>)
      %dma_wait3A_72 = arith.constant 0 : i32
      %dma_wait3A_73 = tpu.memref_slice %arg9[%add3A_17, %dma_wait3A_72] : memref<10000x128xf32, #tpu.memory_space<vmem_shared>> -> memref<80x128xf32, #tpu.memory_space<vmem_shared>>
      %dma_wait3A_74 = arith.constant 0 : i32
      %dma_wait3A_75 = tpu.memref_slice %arg9[%add3A_17, %dma_wait3A_74] : memref<10000x128xf32, #tpu.memory_space<vmem_shared>> -> memref<80x128xf32, #tpu.memory_space<vmem_shared>>
      tpu.wait_dma2 semaphore(%run_scoped3A : memref<!tpu.dma_semaphore, #tpu.memory_space<semaphore_mem>>) src(%arg17 : memref<80x128xf32, #tpu.memory_space<vmem>>) dst(%dma_wait3A_75 : memref<80x128xf32, #tpu.memory_space<vmem_shared>>)
      tpu.yield
    }) : () -> ()
    %add3A_18 = arith.constant 400 : i32
    %add3A_19 = arith.addi %mul3A_7, %add3A_18 : i32
    "tpu.region"() ({
      %run_scoped3A = tpu.sem_alloc : memref<!tpu.dma_semaphore, #tpu.memory_space<semaphore_mem>>
      %dma_start3A = arith.constant 0 : i32
      %dma_start3A_69 = tpu.memref_slice %arg9[%add3A_19, %dma_start3A] : memref<10000x128xf32, #tpu.memory_space<vmem_shared>> -> memref<80x128xf32, #tpu.memory_space<vmem_shared>>
      %dma_start3A_70 = arith.constant 0 : i32
      %dma_start3A_71 = tpu.memref_slice %arg9[%add3A_19, %dma_start3A_70] : memref<10000x128xf32, #tpu.memory_space<vmem_shared>> -> memref<80x128xf32, #tpu.memory_space<vmem_shared>>
      tpu.enqueue_dma source(%arg17 : memref<80x128xf32, #tpu.memory_space<vmem>>) target(%dma_start3A_71 : memref<80x128xf32, #tpu.memory_space<vmem_shared>>) target_semaphore(%run_scoped3A : memref<!tpu.dma_semaphore, #tpu.memory_space<semaphore_mem>>)
      %dma_wait3A_72 = arith.constant 0 : i32
      %dma_wait3A_73 = tpu.memref_slice %arg9[%add3A_19, %dma_wait3A_72] : memref<10000x128xf32, #tpu.memory_space<vmem_shared>> -> memref<80x128xf32, #tpu.memory_space<vmem_shared>>
      %dma_wait3A_74 = arith.constant 0 : i32
      %dma_wait3A_75 = tpu.memref_slice %arg9[%add3A_19, %dma_wait3A_74] : memref<10000x128xf32, #tpu.memory_space<vmem_shared>> -> memref<80x128xf32, #tpu.memory_space<vmem_shared>>
      tpu.wait_dma2 semaphore(%run_scoped3A : memref<!tpu.dma_semaphore, #tpu.memory_space<semaphore_mem>>) src(%arg17 : memref<80x128xf32, #tpu.memory_space<vmem>>) dst(%dma_wait3A_75 : memref<80x128xf32, #tpu.memory_space<vmem_shared>>)
      tpu.yield
    }) : () -> ()
    %add3A_20 = arith.constant 480 : i32
    %add3A_21 = arith.addi %mul3A_7, %add3A_20 : i32
    "tpu.region"() ({
      %run_scoped3A = tpu.sem_alloc : memref<!tpu.dma_semaphore, #tpu.memory_space<semaphore_mem>>
      %dma_start3A = arith.constant 0 : i32
      %dma_start3A_69 = tpu.memref_slice %arg9[%add3A_21, %dma_start3A] : memref<10000x128xf32, #tpu.memory_space<vmem_shared>> -> memref<80x128xf32, #tpu.memory_space<vmem_shared>>
      %dma_start3A_70 = arith.constant 0 : i32
      %dma_start3A_71 = tpu.memref_slice %arg9[%add3A_21, %dma_start3A_70] : memref<10000x128xf32, #tpu.memory_space<vmem_shared>> -> memref<80x128xf32, #tpu.memory_space<vmem_shared>>
      tpu.enqueue_dma source(%arg17 : memref<80x128xf32, #tpu.memory_space<vmem>>) target(%dma_start3A_71 : memref<80x128xf32, #tpu.memory_space<vmem_shared>>) target_semaphore(%run_scoped3A : memref<!tpu.dma_semaphore, #tpu.memory_space<semaphore_mem>>)
      %dma_wait3A_72 = arith.constant 0 : i32
      %dma_wait3A_73 = tpu.memref_slice %arg9[%add3A_21, %dma_wait3A_72] : memref<10000x128xf32, #tpu.memory_space<vmem_shared>> -> memref<80x128xf32, #tpu.memory_space<vmem_shared>>
      %dma_wait3A_74 = arith.constant 0 : i32
      %dma_wait3A_75 = tpu.memref_slice %arg9[%add3A_21, %dma_wait3A_74] : memref<10000x128xf32, #tpu.memory_space<vmem_shared>> -> memref<80x128xf32, #tpu.memory_space<vmem_shared>>
      tpu.wait_dma2 semaphore(%run_scoped3A : memref<!tpu.dma_semaphore, #tpu.memory_space<semaphore_mem>>) src(%arg17 : memref<80x128xf32, #tpu.memory_space<vmem>>) dst(%dma_wait3A_75 : memref<80x128xf32, #tpu.memory_space<vmem_shared>>)
      tpu.yield
    }) : () -> ()
    %add3A_22 = arith.constant 560 : i32
    %add3A_23 = arith.addi %mul3A_7, %add3A_22 : i32
    "tpu.region"() ({
      %run_scoped3A = tpu.sem_alloc : memref<!tpu.dma_semaphore, #tpu.memory_space<semaphore_mem>>
      %dma_start3A = arith.constant 0 : i32
      %dma_start3A_69 = arith.constant 0 : i32
      %dma_start3A_70 = tpu.memref_slice %arg17[%dma_start3A, %dma_start3A_69] : memref<80x128xf32, #tpu.memory_space<vmem>> -> memref<65x128xf32, #tpu.memory_space<vmem>>
      %dma_start3A_71 = arith.constant 0 : i32
      %dma_start3A_72 = tpu.memref_slice %arg9[%add3A_23, %dma_start3A_71] : memref<10000x128xf32, #tpu.memory_space<vmem_shared>> -> memref<65x128xf32, #tpu.memory_space<vmem_shared>>
      %dma_start3A_73 = arith.constant 0 : i32
      %dma_start3A_74 = tpu.memref_slice %arg9[%add3A_23, %dma_start3A_73] : memref<10000x128xf32, #tpu.memory_space<vmem_shared>> -> memref<65x128xf32, #tpu.memory_space<vmem_shared>>
      %dma_start3A_75 = arith.constant 0 : i32
      %dma_start3A_76 = arith.constant 0 : i32
      %dma_start3A_77 = tpu.memref_slice %arg17[%dma_start3A_75, %dma_start3A_76] : memref<80x128xf32, #tpu.memory_space<vmem>> -> memref<65x128xf32, #tpu.memory_space<vmem>>
      tpu.enqueue_dma source(%dma_start3A_77 : memref<65x128xf32, #tpu.memory_space<vmem>>) target(%dma_start3A_74 : memref<65x128xf32, #tpu.memory_space<vmem_shared>>) target_semaphore(%run_scoped3A : memref<!tpu.dma_semaphore, #tpu.memory_space<semaphore_mem>>)
      %dma_wait3A_78 = arith.constant 0 : i32
      %dma_wait3A_79 = arith.constant 0 : i32
      %dma_wait3A_80 = tpu.memref_slice %arg17[%dma_wait3A_78, %dma_wait3A_79] : memref<80x128xf32, #tpu.memory_space<vmem>> -> memref<65x128xf32, #tpu.memory_space<vmem>>
      %dma_wait3A_81 = arith.constant 0 : i32
      %dma_wait3A_82 = tpu.memref_slice %arg9[%add3A_23, %dma_wait3A_81] : memref<10000x128xf32, #tpu.memory_space<vmem_shared>> -> memref<65x128xf32, #tpu.memory_space<vmem_shared>>
      %dma_wait3A_83 = arith.constant 0 : i32
      %dma_wait3A_84 = tpu.memref_slice %arg9[%add3A_23, %dma_wait3A_83] : memref<10000x128xf32, #tpu.memory_space<vmem_shared>> -> memref<65x128xf32, #tpu.memory_space<vmem_shared>>
      %dma_wait3A_85 = arith.constant 0 : i32
      %dma_wait3A_86 = arith.constant 0 : i32
      %dma_wait3A_87 = tpu.memref_slice %arg17[%dma_wait3A_85, %dma_wait3A_86] : memref<80x128xf32, #tpu.memory_space<vmem>> -> memref<65x128xf32, #tpu.memory_space<vmem>>
      tpu.wait_dma2 semaphore(%run_scoped3A : memref<!tpu.dma_semaphore, #tpu.memory_space<semaphore_mem>>) src(%dma_wait3A_87 : memref<65x128xf32, #tpu.memory_space<vmem>>) dst(%dma_wait3A_84 : memref<65x128xf32, #tpu.memory_space<vmem_shared>>)
      tpu.yield
    }) : () -> ()
    %swap3A = arith.constant 0 : index
    %swap3A_24 = tpu.vector_load %arg15[%swap3A] {strides = array<i32>} : memref<80xf32, #tpu.memory_space<vmem>>, vector<16xf32>,
    tpu.vector_store %arg15[%swap3A], %broadcast_in_dim3A_1 {strides = array<i32>} : memref<80xf32, #tpu.memory_space<vmem>>, vector<16xf32>,
    %swap3A_25 = arith.constant 16 : index
    %swap3A_26 = tpu.vector_load %arg15[%swap3A_25] {strides = array<i32>} : memref<80xf32, #tpu.memory_space<vmem>>, vector<16xf32>,
    tpu.vector_store %arg15[%swap3A_25], %broadcast_in_dim3A_1 {strides = array<i32>} : memref<80xf32, #tpu.memory_space<vmem>>, vector<16xf32>,
    %swap3A_27 = arith.constant 32 : index
    %swap3A_28 = tpu.vector_load %arg15[%swap3A_27] {strides = array<i32>} : memref<80xf32, #tpu.memory_space<vmem>>, vector<16xf32>,
    tpu.vector_store %arg15[%swap3A_27], %broadcast_in_dim3A_1 {strides = array<i32>} : memref<80xf32, #tpu.memory_space<vmem>>, vector<16xf32>,
    %swap3A_29 = arith.constant 48 : index
    %swap3A_30 = tpu.vector_load %arg15[%swap3A_29] {strides = array<i32>} : memref<80xf32, #tpu.memory_space<vmem>>, vector<16xf32>,
    tpu.vector_store %arg15[%swap3A_29], %broadcast_in_dim3A_1 {strides = array<i32>} : memref<80xf32, #tpu.memory_space<vmem>>, vector<16xf32>,
    %swap3A_31 = arith.constant 64 : index
    %swap3A_32 = tpu.vector_load %arg15[%swap3A_31] {strides = array<i32>} : memref<80xf32, #tpu.memory_space<vmem>>, vector<16xf32>,
    tpu.vector_store %arg15[%swap3A_31], %broadcast_in_dim3A_1 {strides = array<i32>} : memref<80xf32, #tpu.memory_space<vmem>>, vector<16xf32>,
    %mul3A_33 = arith.constant 624 : i32
    %mul3A_34 = arith.muli %arg1, %mul3A_33 : i32
    %add3A_35 = arith.constant 0 : i32
    %add3A_36 = arith.addi %mul3A_34, %add3A_35 : i32
    "tpu.region"() ({
      %run_scoped3A = tpu.sem_alloc : memref<!tpu.dma_semaphore, #tpu.memory_space<semaphore_mem>>
      %dma_start3A = tpu.memref_slice %arg10[%add3A_36] : memref<10000xf32, #tpu.memory_space<vmem_shared>> -> memref<80xf32, #tpu.memory_space<vmem_shared>>
      %dma_start3A_69 = tpu.memref_slice %arg10[%add3A_36] : memref<10000xf32, #tpu.memory_space<vmem_shared>> -> memref<80xf32, #tpu.memory_space<vmem_shared>>
      tpu.enqueue_dma source(%arg15 : memref<80xf32, #tpu.memory_space<vmem>>) target(%dma_start3A_69 : memref<80xf32, #tpu.memory_space<vmem_shared>>) target_semaphore(%run_scoped3A : memref<!tpu.dma_semaphore, #tpu.memory_space<semaphore_mem>>)
      %dma_wait3A_70 = tpu.memref_slice %arg10[%add3A_36] : memref<10000xf32, #tpu.memory_space<vmem_shared>> -> memref<80xf32, #tpu.memory_space<vmem_shared>>
      %dma_wait3A_71 = tpu.memref_slice %arg10[%add3A_36] : memref<10000xf32, #tpu.memory_space<vmem_shared>> -> memref<80xf32, #tpu.memory_space<vmem_shared>>
      tpu.wait_dma2 semaphore(%run_scoped3A : memref<!tpu.dma_semaphore, #tpu.memory_space<semaphore_mem>>) src(%arg15 : memref<80xf32, #tpu.memory_space<vmem>>) dst(%dma_wait3A_71 : memref<80xf32, #tpu.memory_space<vmem_shared>>)
      tpu.yield
    }) : () -> ()
    %add3A_37 = arith.constant 80 : i32
    %add3A_38 = arith.addi %mul3A_34, %add3A_37 : i32
    "tpu.region"() ({
      %run_scoped3A = tpu.sem_alloc : memref<!tpu.dma_semaphore, #tpu.memory_space<semaphore_mem>>
      %dma_start3A = tpu.memref_slice %arg10[%add3A_38] : memref<10000xf32, #tpu.memory_space<vmem_shared>> -> memref<80xf32, #tpu.memory_space<vmem_shared>>
      %dma_start3A_69 = tpu.memref_slice %arg10[%add3A_38] : memref<10000xf32, #tpu.memory_space<vmem_shared>> -> memref<80xf32, #tpu.memory_space<vmem_shared>>
      tpu.enqueue_dma source(%arg15 : memref<80xf32, #tpu.memory_space<vmem>>) target(%dma_start3A_69 : memref<80xf32, #tpu.memory_space<vmem_shared>>) target_semaphore(%run_scoped3A : memref<!tpu.dma_semaphore, #tpu.memory_space<semaphore_mem>>)
      %dma_wait3A_70 = tpu.memref_slice %arg10[%add3A_38] : memref<10000xf32, #tpu.memory_space<vmem_shared>> -> memref<80xf32, #tpu.memory_space<vmem_shared>>
      %dma_wait3A_71 = tpu.memref_slice %arg10[%add3A_38] : memref<10000xf32, #tpu.memory_space<vmem_shared>> -> memref<80xf32, #tpu.memory_space<vmem_shared>>
      tpu.wait_dma2 semaphore(%run_scoped3A : memref<!tpu.dma_semaphore, #tpu.memory_space<semaphore_mem>>) src(%arg15 : memref<80xf32, #tpu.memory_space<vmem>>) dst(%dma_wait3A_71 : memref<80xf32, #tpu.memory_space<vmem_shared>>)
      tpu.yield
    }) : () -> ()
    %add3A_39 = arith.constant 160 : i32
    %add3A_40 = arith.addi %mul3A_34, %add3A_39 : i32
    "tpu.region"() ({
      %run_scoped3A = tpu.sem_alloc : memref<!tpu.dma_semaphore, #tpu.memory_space<semaphore_mem>>
      %dma_start3A = tpu.memref_slice %arg10[%add3A_40] : memref<10000xf32, #tpu.memory_space<vmem_shared>> -> memref<80xf32, #tpu.memory_space<vmem_shared>>
      %dma_start3A_69 = tpu.memref_slice %arg10[%add3A_40] : memref<10000xf32, #tpu.memory_space<vmem_shared>> -> memref<80xf32, #tpu.memory_space<vmem_shared>>
      tpu.enqueue_dma source(%arg15 : memref<80xf32, #tpu.memory_space<vmem>>) target(%dma_start3A_69 : memref<80xf32, #tpu.memory_space<vmem_shared>>) target_semaphore(%run_scoped3A : memref<!tpu.dma_semaphore, #tpu.memory_space<semaphore_mem>>)
      %dma_wait3A_70 = tpu.memref_slice %arg10[%add3A_40] : memref<10000xf32, #tpu.memory_space<vmem_shared>> -> memref<80xf32, #tpu.memory_space<vmem_shared>>
      %dma_wait3A_71 = tpu.memref_slice %arg10[%add3A_40] : memref<10000xf32, #tpu.memory_space<vmem_shared>> -> memref<80xf32, #tpu.memory_space<vmem_shared>>
      tpu.wait_dma2 semaphore(%run_scoped3A : memref<!tpu.dma_semaphore, #tpu.memory_space<semaphore_mem>>) src(%arg15 : memref<80xf32, #tpu.memory_space<vmem>>) dst(%dma_wait3A_71 : memref<80xf32, #tpu.memory_space<vmem_shared>>)
      tpu.yield
    }) : () -> ()
    %add3A_41 = arith.constant 240 : i32
    %add3A_42 = arith.addi %mul3A_34, %add3A_41 : i32
    "tpu.region"() ({
      %run_scoped3A = tpu.sem_alloc : memref<!tpu.dma_semaphore, #tpu.memory_space<semaphore_mem>>
      %dma_start3A = tpu.memref_slice %arg10[%add3A_42] : memref<10000xf32, #tpu.memory_space<vmem_shared>> -> memref<80xf32, #tpu.memory_space<vmem_shared>>
      %dma_start3A_69 = tpu.memref_slice %arg10[%add3A_42] : memref<10000xf32, #tpu.memory_space<vmem_shared>> -> memref<80xf32, #tpu.memory_space<vmem_shared>>
      tpu.enqueue_dma source(%arg15 : memref<80xf32, #tpu.memory_space<vmem>>) target(%dma_start3A_69 : memref<80xf32, #tpu.memory_space<vmem_shared>>) target_semaphore(%run_scoped3A : memref<!tpu.dma_semaphore, #tpu.memory_space<semaphore_mem>>)
      %dma_wait3A_70 = tpu.memref_slice %arg10[%add3A_42] : memref<10000xf32, #tpu.memory_space<vmem_shared>> -> memref<80xf32, #tpu.memory_space<vmem_shared>>
      %dma_wait3A_71 = tpu.memref_slice %arg10[%add3A_42] : memref<10000xf32, #tpu.memory_space<vmem_shared>> -> memref<80xf32, #tpu.memory_space<vmem_shared>>
      tpu.wait_dma2 semaphore(%run_scoped3A : memref<!tpu.dma_semaphore, #tpu.memory_space<semaphore_mem>>) src(%arg15 : memref<80xf32, #tpu.memory_space<vmem>>) dst(%dma_wait3A_71 : memref<80xf32, #tpu.memory_space<vmem_shared>>)
      tpu.yield
    }) : () -> ()
    %add3A_43 = arith.constant 320 : i32
    %add3A_44 = arith.addi %mul3A_34, %add3A_43 : i32
    "tpu.region"() ({
      %run_scoped3A = tpu.sem_alloc : memref<!tpu.dma_semaphore, #tpu.memory_space<semaphore_mem>>
      %dma_start3A = tpu.memref_slice %arg10[%add3A_44] : memref<10000xf32, #tpu.memory_space<vmem_shared>> -> memref<80xf32, #tpu.memory_space<vmem_shared>>
      %dma_start3A_69 = tpu.memref_slice %arg10[%add3A_44] : memref<10000xf32, #tpu.memory_space<vmem_shared>> -> memref<80xf32, #tpu.memory_space<vmem_shared>>
      tpu.enqueue_dma source(%arg15 : memref<80xf32, #tpu.memory_space<vmem>>) target(%dma_start3A_69 : memref<80xf32, #tpu.memory_space<vmem_shared>>) target_semaphore(%run_scoped3A : memref<!tpu.dma_semaphore, #tpu.memory_space<semaphore_mem>>)
      %dma_wait3A_70 = tpu.memref_slice %arg10[%add3A_44] : memref<10000xf32, #tpu.memory_space<vmem_shared>> -> memref<80xf32, #tpu.memory_space<vmem_shared>>
      %dma_wait3A_71 = tpu.memref_slice %arg10[%add3A_44] : memref<10000xf32, #tpu.memory_space<vmem_shared>> -> memref<80xf32, #tpu.memory_space<vmem_shared>>
      tpu.wait_dma2 semaphore(%run_scoped3A : memref<!tpu.dma_semaphore, #tpu.memory_space<semaphore_mem>>) src(%arg15 : memref<80xf32, #tpu.memory_space<vmem>>) dst(%dma_wait3A_71 : memref<80xf32, #tpu.memory_space<vmem_shared>>)
      tpu.yield
    }) : () -> ()
    %add3A_45 = arith.constant 400 : i32
    %add3A_46 = arith.addi %mul3A_34, %add3A_45 : i32
    "tpu.region"() ({
      %run_scoped3A = tpu.sem_alloc : memref<!tpu.dma_semaphore, #tpu.memory_space<semaphore_mem>>
      %dma_start3A = tpu.memref_slice %arg10[%add3A_46] : memref<10000xf32, #tpu.memory_space<vmem_shared>> -> memref<80xf32, #tpu.memory_space<vmem_shared>>
      %dma_start3A_69 = tpu.memref_slice %arg10[%add3A_46] : memref<10000xf32, #tpu.memory_space<vmem_shared>> -> memref<80xf32, #tpu.memory_space<vmem_shared>>
      tpu.enqueue_dma source(%arg15 : memref<80xf32, #tpu.memory_space<vmem>>) target(%dma_start3A_69 : memref<80xf32, #tpu.memory_space<vmem_shared>>) target_semaphore(%run_scoped3A : memref<!tpu.dma_semaphore, #tpu.memory_space<semaphore_mem>>)
      %dma_wait3A_70 = tpu.memref_slice %arg10[%add3A_46] : memref<10000xf32, #tpu.memory_space<vmem_shared>> -> memref<80xf32, #tpu.memory_space<vmem_shared>>
      %dma_wait3A_71 = tpu.memref_slice %arg10[%add3A_46] : memref<10000xf32, #tpu.memory_space<vmem_shared>> -> memref<80xf32, #tpu.memory_space<vmem_shared>>
      tpu.wait_dma2 semaphore(%run_scoped3A : memref<!tpu.dma_semaphore, #tpu.memory_space<semaphore_mem>>) src(%arg15 : memref<80xf32, #tpu.memory_space<vmem>>) dst(%dma_wait3A_71 : memref<80xf32, #tpu.memory_space<vmem_shared>>)
      tpu.yield
    }) : () -> ()
    %add3A_47 = arith.constant 480 : i32
    %add3A_48 = arith.addi %mul3A_34, %add3A_47 : i32
    "tpu.region"() ({
      %run_scoped3A = tpu.sem_alloc : memref<!tpu.dma_semaphore, #tpu.memory_space<semaphore_mem>>
      %dma_start3A = tpu.memref_slice %arg10[%add3A_48] : memref<10000xf32, #tpu.memory_space<vmem_shared>> -> memref<80xf32, #tpu.memory_space<vmem_shared>>
      %dma_start3A_69 = tpu.memref_slice %arg10[%add3A_48] : memref<10000xf32, #tpu.memory_space<vmem_shared>> -> memref<80xf32, #tpu.memory_space<vmem_shared>>
      tpu.enqueue_dma source(%arg15 : memref<80xf32, #tpu.memory_space<vmem>>) target(%dma_start3A_69 : memref<80xf32, #tpu.memory_space<vmem_shared>>) target_semaphore(%run_scoped3A : memref<!tpu.dma_semaphore, #tpu.memory_space<semaphore_mem>>)
      %dma_wait3A_70 = tpu.memref_slice %arg10[%add3A_48] : memref<10000xf32, #tpu.memory_space<vmem_shared>> -> memref<80xf32, #tpu.memory_space<vmem_shared>>
      %dma_wait3A_71 = tpu.memref_slice %arg10[%add3A_48] : memref<10000xf32, #tpu.memory_space<vmem_shared>> -> memref<80xf32, #tpu.memory_space<vmem_shared>>
      tpu.wait_dma2 semaphore(%run_scoped3A : memref<!tpu.dma_semaphore, #tpu.memory_space<semaphore_mem>>) src(%arg15 : memref<80xf32, #tpu.memory_space<vmem>>) dst(%dma_wait3A_71 : memref<80xf32, #tpu.memory_space<vmem_shared>>)
      tpu.yield
    }) : () -> ()
    %add3A_49 = arith.constant 560 : i32
    %add3A_50 = arith.addi %mul3A_34, %add3A_49 : i32
    "tpu.region"() ({
      %run_scoped3A = tpu.sem_alloc : memref<!tpu.dma_semaphore, #tpu.memory_space<semaphore_mem>>
      %dma_start3A = arith.constant 0 : i32
      %dma_start3A_69 = tpu.memref_slice %arg15[%dma_start3A] : memref<80xf32, #tpu.memory_space<vmem>> -> memref<64xf32, #tpu.memory_space<vmem>>
      %dma_start3A_70 = tpu.memref_slice %arg10[%add3A_50] : memref<10000xf32, #tpu.memory_space<vmem_shared>> -> memref<64xf32, #tpu.memory_space<vmem_shared>>
      %dma_start3A_71 = tpu.memref_slice %arg10[%add3A_50] : memref<10000xf32, #tpu.memory_space<vmem_shared>> -> memref<64xf32, #tpu.memory_space<vmem_shared>>
      %dma_start3A_72 = arith.constant 0 : i32
      %dma_start3A_73 = tpu.memref_slice %arg15[%dma_start3A_72] : memref<80xf32, #tpu.memory_space<vmem>> -> memref<64xf32, #tpu.memory_space<vmem>>
      tpu.enqueue_dma source(%dma_start3A_73 : memref<64xf32, #tpu.memory_space<vmem>>) target(%dma_start3A_71 : memref<64xf32, #tpu.memory_space<vmem_shared>>) target_semaphore(%run_scoped3A : memref<!tpu.dma_semaphore, #tpu.memory_space<semaphore_mem>>)
      %dma_wait3A_74 = arith.constant 0 : i32
      %dma_wait3A_75 = tpu.memref_slice %arg15[%dma_wait3A_74] : memref<80xf32, #tpu.memory_space<vmem>> -> memref<64xf32, #tpu.memory_space<vmem>>
      %dma_wait3A_76 = tpu.memref_slice %arg10[%add3A_50] : memref<10000xf32, #tpu.memory_space<vmem_shared>> -> memref<64xf32, #tpu.memory_space<vmem_shared>>
      %dma_wait3A_77 = tpu.memref_slice %arg10[%add3A_50] : memref<10000xf32, #tpu.memory_space<vmem_shared>> -> memref<64xf32, #tpu.memory_space<vmem_shared>>
      %dma_wait3A_78 = arith.constant 0 : i32
      %dma_wait3A_79 = tpu.memref_slice %arg15[%dma_wait3A_78] : memref<80xf32, #tpu.memory_space<vmem>> -> memref<64xf32, #tpu.memory_space<vmem>>
      tpu.wait_dma2 semaphore(%run_scoped3A : memref<!tpu.dma_semaphore, #tpu.memory_space<semaphore_mem>>) src(%dma_wait3A_79 : memref<64xf32, #tpu.memory_space<vmem>>) dst(%dma_wait3A_77 : memref<64xf32, #tpu.memory_space<vmem_shared>>)
      tpu.yield
    }) : () -> ()
    %eq3A = arith.constant 15 : i32
    %eq3A_51 = arith.cmpi eq, %arg1, %eq3A : i32
    %convert_element_type3A = arith.extui %eq3A_51 : i1 to i32
    %cond3A = arith.constant 0 : i32
    %cond3A_52 = arith.cmpi ne, %convert_element_type3A, %cond3A : i32
    scf.if %cond3A_52 {
      "tpu.region"() ({
        %run_scoped3A = tpu.sem_alloc : memref<!tpu.dma_semaphore, #tpu.memory_space<semaphore_mem>>
        %dma_start3A = arith.constant 0 : i32
        %dma_start3A_69 = tpu.memref_slice %arg15[%dma_start3A] : memref<80xf32, #tpu.memory_space<vmem>> -> memref<16xf32, #tpu.memory_space<vmem>>
        %dma_start3A_70 = arith.constant 9984 : i32
        %dma_start3A_71 = tpu.memref_slice %arg10[%dma_start3A_70] : memref<10000xf32, #tpu.memory_space<vmem_shared>> -> memref<16xf32, #tpu.memory_space<vmem_shared>>
        %dma_start3A_72 = arith.constant 9984 : i32
        %dma_start3A_73 = tpu.memref_slice %arg10[%dma_start3A_72] : memref<10000xf32, #tpu.memory_space<vmem_shared>> -> memref<16xf32, #tpu.memory_space<vmem_shared>>
        %dma_start3A_74 = arith.constant 0 : i32
        %dma_start3A_75 = tpu.memref_slice %arg15[%dma_start3A_74] : memref<80xf32, #tpu.memory_space<vmem>> -> memref<16xf32, #tpu.memory_space<vmem>>
        tpu.enqueue_dma source(%dma_start3A_75 : memref<16xf32, #tpu.memory_space<vmem>>) target(%dma_start3A_73 : memref<16xf32, #tpu.memory_space<vmem_shared>>) target_semaphore(%run_scoped3A : memref<!tpu.dma_semaphore, #tpu.memory_space<semaphore_mem>>)
        %dma_wait3A_76 = arith.constant 0 : i32
        %dma_wait3A_77 = tpu.memref_slice %arg15[%dma_wait3A_76] : memref<80xf32, #tpu.memory_space<vmem>> -> memref<16xf32, #tpu.memory_space<vmem>>
        %dma_wait3A_78 = arith.constant 9984 : i32
        %dma_wait3A_79 = tpu.memref_slice %arg10[%dma_wait3A_78] : memref<10000xf32, #tpu.memory_space<vmem_shared>> -> memref<16xf32, #tpu.memory_space<vmem_shared>>
        %dma_wait3A_80 = arith.constant 9984 : i32
        %dma_wait3A_81 = tpu.memref_slice %arg10[%dma_wait3A_80] : memref<10000xf32, #tpu.memory_space<vmem_shared>> -> memref<16xf32, #tpu.memory_space<vmem_shared>>
        %dma_wait3A_82 = arith.constant 0 : i32
        %dma_wait3A_83 = tpu.memref_slice %arg15[%dma_wait3A_82] : memref<80xf32, #tpu.memory_space<vmem>> -> memref<16xf32, #tpu.memory_space<vmem>>
        tpu.wait_dma2 semaphore(%run_scoped3A : memref<!tpu.dma_semaphore, #tpu.memory_space<semaphore_mem>>) src(%dma_wait3A_83 : memref<16xf32, #tpu.memory_space<vmem>>) dst(%dma_wait3A_81 : memref<16xf32, #tpu.memory_space<vmem_shared>>)
        tpu.yield
      }) : () -> ()
    } else {
    }
    %barrier3A = arith.constant 0 : index
    tpu.barrier barrier_id(%barrier3A)
    "tpu.region"() ({
      %run_scoped3A = tpu.sem_alloc : memref<!tpu.dma_semaphore, #tpu.memory_space<semaphore_mem>>
      tpu.enqueue_dma source(%arg3 : memref<10000xf32, #tpu.memory_space<hbm>>) target(%arg11 : memref<10000xf32, #tpu.memory_space<vmem>>) target_semaphore(%run_scoped3A : memref<!tpu.dma_semaphore, #tpu.memory_space<semaphore_mem>>)
      tpu.wait_dma2 semaphore(%run_scoped3A : memref<!tpu.dma_semaphore, #tpu.memory_space<semaphore_mem>>) src(%arg3 : memref<10000xf32, #tpu.memory_space<hbm>>) dst(%arg11 : memref<10000xf32, #tpu.memory_space<vmem>>)
      tpu.yield
    }) : () -> ()
    "tpu.region"() ({
      %run_scoped3A = tpu.sem_alloc : memref<!tpu.dma_semaphore, #tpu.memory_space<semaphore_mem>>
      tpu.enqueue_dma source(%arg4 : memref<10000xf32, #tpu.memory_space<hbm>>) target(%arg12 : memref<10000xf32, #tpu.memory_space<vmem>>) target_semaphore(%run_scoped3A : memref<!tpu.dma_semaphore, #tpu.memory_space<semaphore_mem>>)
      tpu.wait_dma2 semaphore(%run_scoped3A : memref<!tpu.dma_semaphore, #tpu.memory_space<semaphore_mem>>) src(%arg4 : memref<10000xf32, #tpu.memory_space<hbm>>) dst(%arg12 : memref<10000xf32, #tpu.memory_space<vmem>>)
      tpu.yield
    }) : () -> ()
    %scan3A_53 = arith.constant 0 : i32
    %scan3A_54 = arith.constant 5 : i32
    %scan3A_55 = arith.addi %scan3A_53, %scan3A_54 : i32
    %scan3A_56 = arith.constant 1 : i32
    scf.for %scan3A_69 = %scan3A_53 to %scan3A_55 step %scan3A_56  : i32 {
      %mul3A_70 = arith.constant 1 : i32
      %mul3A_71 = arith.muli %scan3A_69, %mul3A_70 : i32
      %add3A_72 = arith.constant 0 : i32
      %add3A_73 = arith.addi %add3A_72, %mul3A_71 : i32
      %mul3A_74 = arith.constant 125 : i32
      %mul3A_75 = arith.muli %add3A, %mul3A_74 : i32
      %mul3A_76 = arith.constant 25 : i32
      %mul3A_77 = arith.muli %add3A_73, %mul3A_76 : i32
      %add3A_78 = arith.addi %mul3A_75, %mul3A_77 : i32
      %gt3A = arith.constant 0 : i32
      %gt3A_79 = arith.cmpi sgt, %add3A_73, %gt3A : i32
      %convert_element_type3A_80 = arith.extui %gt3A_79 : i1 to i32
      %cond3A_81 = arith.constant 0 : i32
      %cond3A_82 = arith.cmpi ne, %convert_element_type3A_80, %cond3A_81 : i32
      scf.if %cond3A_82 {
        %dma_wait3A_218 = arith.constant 0 : i32
        %dma_wait3A_219 = arith.constant 0 : i32
        %dma_wait3A_220 = tpu.memref_slice %arg14[%dma_wait3A_218, %dma_wait3A_219] : memref<25x80xi32, #tpu.memory_space<vmem>> -> memref<1x80xi32, #tpu.memory_space<vmem>>
        %dma_wait3A_221 = tpu.memref_squeeze %dma_wait3A_220 : memref<1x80xi32, #tpu.memory_space<vmem>> -> memref<80xi32, #tpu.memory_space<vmem>>
        %dma_wait3A_222 = arith.constant 0 : i32
        %dma_wait3A_223 = tpu.memref_slice %arg10[%dma_wait3A_222] : memref<10000xf32, #tpu.memory_space<vmem_shared>> -> memref<10000xf32, #tpu.memory_space<vmem_shared>>
        tpu.wait_indirect_dma semaphore(%arg24 : memref<!tpu.dma_semaphore, #tpu.memory_space<semaphore_mem>>) src(%arg16 : memref<80xf32, #tpu.memory_space<vmem>>) dst(%dma_wait3A_223 : memref<10000xf32, #tpu.memory_space<vmem_shared>>)
      } else {
      }
      "tpu.region"() ({
        %run_scoped3A_218 = tpu.sem_alloc : memref<!tpu.dma_semaphore, #tpu.memory_space<semaphore_mem>>
        %dma_start3A_219 = arith.constant 0 : i32
        %dma_start3A_220 = tpu.memref_slice %arg5[%add3A_78, %dma_start3A_219] : memref<4000x80xi32, #tpu.memory_space<hbm>> -> memref<25x80xi32, #tpu.memory_space<hbm>>
        %dma_start3A_221 = arith.constant 0 : i32
        %dma_start3A_222 = tpu.memref_slice %arg5[%add3A_78, %dma_start3A_221] : memref<4000x80xi32, #tpu.memory_space<hbm>> -> memref<25x80xi32, #tpu.memory_space<hbm>>
        tpu.enqueue_dma source(%dma_start3A_222 : memref<25x80xi32, #tpu.memory_space<hbm>>) target(%arg13 : memref<25x80xi32, #tpu.memory_space<vmem>>) target_semaphore(%run_scoped3A_218 : memref<!tpu.dma_semaphore, #tpu.memory_space<semaphore_mem>>)
        %dma_wait3A_223 = arith.constant 0 : i32
        %dma_wait3A_224 = tpu.memref_slice %arg5[%add3A_78, %dma_wait3A_223] : memref<4000x80xi32, #tpu.memory_space<hbm>> -> memref<25x80xi32, #tpu.memory_space<hbm>>
        %dma_wait3A_225 = arith.constant 0 : i32
        %dma_wait3A_226 = tpu.memref_slice %arg5[%add3A_78, %dma_wait3A_225] : memref<4000x80xi32, #tpu.memory_space<hbm>> -> memref<25x80xi32, #tpu.memory_space<hbm>>
        tpu.wait_dma2 semaphore(%run_scoped3A_218 : memref<!tpu.dma_semaphore, #tpu.memory_space<semaphore_mem>>) src(%dma_wait3A_226 : memref<25x80xi32, #tpu.memory_space<hbm>>) dst(%arg13 : memref<25x80xi32, #tpu.memory_space<vmem>>)
        tpu.yield
      }) : () -> ()
      "tpu.region"() ({
        %run_scoped3A_218 = tpu.sem_alloc : memref<!tpu.dma_semaphore, #tpu.memory_space<semaphore_mem>>
        %dma_start3A_219 = arith.constant 0 : i32
        %dma_start3A_220 = tpu.memref_slice %arg6[%add3A_78, %dma_start3A_219] : memref<4000x80xi32, #tpu.memory_space<hbm>> -> memref<25x80xi32, #tpu.memory_space<hbm>>
        %dma_start3A_221 = arith.constant 0 : i32
        %dma_start3A_222 = tpu.memref_slice %arg6[%add3A_78, %dma_start3A_221] : memref<4000x80xi32, #tpu.memory_space<hbm>> -> memref<25x80xi32, #tpu.memory_space<hbm>>
        tpu.enqueue_dma source(%dma_start3A_222 : memref<25x80xi32, #tpu.memory_space<hbm>>) target(%arg14 : memref<25x80xi32, #tpu.memory_space<vmem>>) target_semaphore(%run_scoped3A_218 : memref<!tpu.dma_semaphore, #tpu.memory_space<semaphore_mem>>)
        %dma_wait3A_223 = arith.constant 0 : i32
        %dma_wait3A_224 = tpu.memref_slice %arg6[%add3A_78, %dma_wait3A_223] : memref<4000x80xi32, #tpu.memory_space<hbm>> -> memref<25x80xi32, #tpu.memory_space<hbm>>
        %dma_wait3A_225 = arith.constant 0 : i32
        %dma_wait3A_226 = tpu.memref_slice %arg6[%add3A_78, %dma_wait3A_225] : memref<4000x80xi32, #tpu.memory_space<hbm>> -> memref<25x80xi32, #tpu.memory_space<hbm>>
        tpu.wait_dma2 semaphore(%run_scoped3A_218 : memref<!tpu.dma_semaphore, #tpu.memory_space<semaphore_mem>>) src(%dma_wait3A_226 : memref<25x80xi32, #tpu.memory_space<hbm>>) dst(%arg14 : memref<25x80xi32, #tpu.memory_space<vmem>>)
        tpu.yield
      }) : () -> ()
      %dma_start3A = arith.constant 0 : i32
      %dma_start3A_83 = arith.constant 0 : i32
      %dma_start3A_84 = tpu.memref_slice %arg13[%dma_start3A, %dma_start3A_83] : memref<25x80xi32, #tpu.memory_space<vmem>> -> memref<1x80xi32, #tpu.memory_space<vmem>>
      %dma_start3A_85 = tpu.memref_squeeze %dma_start3A_84 : memref<1x80xi32, #tpu.memory_space<vmem>> -> memref<80xi32, #tpu.memory_space<vmem>>
      %dma_start3A_86 = arith.constant 0 : i32
      %dma_start3A_87 = arith.constant 0 : i32
      %dma_start3A_88 = tpu.memref_slice %arg2[%dma_start3A_86, %dma_start3A_87] : memref<10000x128xf32, #tpu.memory_space<hbm>> -> memref<10000x128xf32, #tpu.memory_space<hbm>>
      tpu.enqueue_indirect_dma source(%dma_start3A_88 : memref<10000x128xf32, #tpu.memory_space<hbm>>) target(%arg17 : memref<80x128xf32, #tpu.memory_space<vmem>>) offsets(%dma_start3A_85 : memref<80xi32, #tpu.memory_space<vmem>>) semaphore(%arg19 : memref<!tpu.dma_semaphore, #tpu.memory_space<semaphore_mem>>)
      %scan3A_89 = arith.constant 0 : i32
      %scan3A_90 = arith.constant 12 : i32
      %scan3A_91 = arith.addi %scan3A_89, %scan3A_90 : i32
      %scan3A_92 = arith.constant 1 : i32
      scf.for %scan3A_218 = %scan3A_89 to %scan3A_91 step %scan3A_92  : i32 {
        %mul3A_219 = arith.constant 1 : i32
        %mul3A_220 = arith.muli %scan3A_218, %mul3A_219 : i32
        %add3A_221 = arith.constant 0 : i32
        %add3A_222 = arith.addi %add3A_221, %mul3A_220 : i32
        %mul3A_223 = arith.constant 2 : i32
        %mul3A_224 = arith.muli %mul3A_223, %add3A_222 : i32
        %add3A_225 = arith.constant 1 : i32
        %add3A_226 = arith.addi %mul3A_224, %add3A_225 : i32
        %gt3A_227 = arith.constant 0 : i32
        %gt3A_228 = arith.cmpi sgt, %add3A_222, %gt3A_227 : i32
        %convert_element_type3A_229 = arith.extui %gt3A_228 : i1 to i32
        %cond3A_230 = arith.constant 0 : i32
        %cond3A_231 = arith.cmpi ne, %convert_element_type3A_229, %cond3A_230 : i32
        scf.if %cond3A_231 {
          %dma_wait3A_492 = arith.constant 0 : i32
          %dma_wait3A_493 = tpu.memref_slice %arg14[%mul3A_224, %dma_wait3A_492] : memref<25x80xi32, #tpu.memory_space<vmem>> -> memref<1x80xi32, #tpu.memory_space<vmem>>
          %dma_wait3A_494 = tpu.memref_squeeze %dma_wait3A_493 : memref<1x80xi32, #tpu.memory_space<vmem>> -> memref<80xi32, #tpu.memory_space<vmem>>
          %dma_wait3A_495 = arith.constant 0 : i32
          %dma_wait3A_496 = tpu.memref_slice %arg10[%dma_wait3A_495] : memref<10000xf32, #tpu.memory_space<vmem_shared>> -> memref<10000xf32, #tpu.memory_space<vmem_shared>>
          tpu.wait_indirect_dma semaphore(%arg23 : memref<!tpu.dma_semaphore, #tpu.memory_space<semaphore_mem>>) src(%arg15 : memref<80xf32, #tpu.memory_space<vmem>>) dst(%dma_wait3A_496 : memref<10000xf32, #tpu.memory_space<vmem_shared>>)
        } else {
        }
        %get3A_232 = arith.index_cast %mul3A_224 : i32 to index
        %get3A_233 = arith.constant 0 : index
        %get3A_234 = tpu.vector_load %arg13[%get3A_232, %get3A_233] {strides = array<i32>} : memref<25x80xi32, #tpu.memory_space<vmem>>, vector<16xi32>,
        %get3A_235 = arith.index_cast %mul3A_224 : i32 to index
        %get3A_236 = arith.constant 0 : index
        %get3A_237 = tpu.vector_load %arg14[%get3A_235, %get3A_236] {strides = array<i32>} : memref<25x80xi32, #tpu.memory_space<vmem>>, vector<16xi32>,
        %gather3A_238 = tpu.vector_load_idx %arg11[%get3A_234] : memref<10000xf32, #tpu.memory_space<vmem>>[vector<16xi32>], vector<16xf32>,
        %gather3A_239 = tpu.vector_load_idx %arg12[%get3A_237] : memref<10000xf32, #tpu.memory_space<vmem>>[vector<16xi32>], vector<16xf32>,
        %add3A_240 = arith.addf %gather3A_238, %gather3A_239 : vector<16xf32>
        %gt3A_241 = arith.constant 0.000000e+00 : f32
        %gt3A_242 = vector.broadcast %gt3A_241 : f32 to vector<16xf32>
        %gt3A_243 = arith.cmpf ogt, %add3A_240, %gt3A_242 : vector<16xf32>
        %mul3A_244 = arith.constant 2.000000e-01 : f32
        %mul3A_245 = vector.broadcast %mul3A_244 : f32 to vector<16xf32>
        %mul3A_246 = arith.mulf %mul3A_245, %add3A_240 : vector<16xf32>
        %select_n3A_247 = arith.select %gt3A_243, %add3A_240, %mul3A_246 : vector<16xi1>, vector<16xf32>
        %exp3A_248 = math.exp %select_n3A_247 : vector<16xf32>
        %swap3A_249 = arith.constant 0 : index
        %swap3A_250 = tpu.vector_load %arg15[%swap3A_249] {strides = array<i32>} : memref<80xf32, #tpu.memory_space<vmem>>, vector<16xf32>,
        tpu.vector_store %arg15[%swap3A_249], %exp3A_248 {strides = array<i32>} : memref<80xf32, #tpu.memory_space<vmem>>, vector<16xf32>,
        %get3A_251 = arith.index_cast %mul3A_224 : i32 to index
        %get3A_252 = arith.constant 16 : index
        %get3A_253 = tpu.vector_load %arg13[%get3A_251, %get3A_252] {strides = array<i32>} : memref<25x80xi32, #tpu.memory_space<vmem>>, vector<16xi32>,
        %get3A_254 = arith.index_cast %mul3A_224 : i32 to index
        %get3A_255 = arith.constant 16 : index
        %get3A_256 = tpu.vector_load %arg14[%get3A_254, %get3A_255] {strides = array<i32>} : memref<25x80xi32, #tpu.memory_space<vmem>>, vector<16xi32>,
        %gather3A_257 = tpu.vector_load_idx %arg11[%get3A_253] : memref<10000xf32, #tpu.memory_space<vmem>>[vector<16xi32>], vector<16xf32>,
        %gather3A_258 = tpu.vector_load_idx %arg12[%get3A_256] : memref<10000xf32, #tpu.memory_space<vmem>>[vector<16xi32>], vector<16xf32>,
        %add3A_259 = arith.addf %gather3A_257, %gather3A_258 : vector<16xf32>
        %gt3A_260 = arith.constant 0.000000e+00 : f32
        %gt3A_261 = vector.broadcast %gt3A_260 : f32 to vector<16xf32>
        %gt3A_262 = arith.cmpf ogt, %add3A_259, %gt3A_261 : vector<16xf32>
        %mul3A_263 = arith.constant 2.000000e-01 : f32
        %mul3A_264 = vector.broadcast %mul3A_263 : f32 to vector<16xf32>
        %mul3A_265 = arith.mulf %mul3A_264, %add3A_259 : vector<16xf32>
        %select_n3A_266 = arith.select %gt3A_262, %add3A_259, %mul3A_265 : vector<16xi1>, vector<16xf32>
        %exp3A_267 = math.exp %select_n3A_266 : vector<16xf32>
        %swap3A_268 = arith.constant 16 : index
        %swap3A_269 = tpu.vector_load %arg15[%swap3A_268] {strides = array<i32>} : memref<80xf32, #tpu.memory_space<vmem>>, vector<16xf32>,
        tpu.vector_store %arg15[%swap3A_268], %exp3A_267 {strides = array<i32>} : memref<80xf32, #tpu.memory_space<vmem>>, vector<16xf32>,
        %get3A_270 = arith.index_cast %mul3A_224 : i32 to index
        %get3A_271 = arith.constant 32 : index
        %get3A_272 = tpu.vector_load %arg13[%get3A_270, %get3A_271] {strides = array<i32>} : memref<25x80xi32, #tpu.memory_space<vmem>>, vector<16xi32>,
        %get3A_273 = arith.index_cast %mul3A_224 : i32 to index
        %get3A_274 = arith.constant 32 : index
        %get3A_275 = tpu.vector_load %arg14[%get3A_273, %get3A_274] {strides = array<i32>} : memref<25x80xi32, #tpu.memory_space<vmem>>, vector<16xi32>,
        %gather3A_276 = tpu.vector_load_idx %arg11[%get3A_272] : memref<10000xf32, #tpu.memory_space<vmem>>[vector<16xi32>], vector<16xf32>,
        %gather3A_277 = tpu.vector_load_idx %arg12[%get3A_275] : memref<10000xf32, #tpu.memory_space<vmem>>[vector<16xi32>], vector<16xf32>,
        %add3A_278 = arith.addf %gather3A_276, %gather3A_277 : vector<16xf32>
        %gt3A_279 = arith.constant 0.000000e+00 : f32
        %gt3A_280 = vector.broadcast %gt3A_279 : f32 to vector<16xf32>
        %gt3A_281 = arith.cmpf ogt, %add3A_278, %gt3A_280 : vector<16xf32>
        %mul3A_282 = arith.constant 2.000000e-01 : f32
        %mul3A_283 = vector.broadcast %mul3A_282 : f32 to vector<16xf32>
        %mul3A_284 = arith.mulf %mul3A_283, %add3A_278 : vector<16xf32>
        %select_n3A_285 = arith.select %gt3A_281, %add3A_278, %mul3A_284 : vector<16xi1>, vector<16xf32>
        %exp3A_286 = math.exp %select_n3A_285 : vector<16xf32>
        %swap3A_287 = arith.constant 32 : index
        %swap3A_288 = tpu.vector_load %arg15[%swap3A_287] {strides = array<i32>} : memref<80xf32, #tpu.memory_space<vmem>>, vector<16xf32>,
        tpu.vector_store %arg15[%swap3A_287], %exp3A_286 {strides = array<i32>} : memref<80xf32, #tpu.memory_space<vmem>>, vector<16xf32>,
        %get3A_289 = arith.index_cast %mul3A_224 : i32 to index
        %get3A_290 = arith.constant 48 : index
        %get3A_291 = tpu.vector_load %arg13[%get3A_289, %get3A_290] {strides = array<i32>} : memref<25x80xi32, #tpu.memory_space<vmem>>, vector<16xi32>,
        %get3A_292 = arith.index_cast %mul3A_224 : i32 to index
        %get3A_293 = arith.constant 48 : index
        %get3A_294 = tpu.vector_load %arg14[%get3A_292, %get3A_293] {strides = array<i32>} : memref<25x80xi32, #tpu.memory_space<vmem>>, vector<16xi32>,
        %gather3A_295 = tpu.vector_load_idx %arg11[%get3A_291] : memref<10000xf32, #tpu.memory_space<vmem>>[vector<16xi32>], vector<16xf32>,
        %gather3A_296 = tpu.vector_load_idx %arg12[%get3A_294] : memref<10000xf32, #tpu.memory_space<vmem>>[vector<16xi32>], vector<16xf32>,
        %add3A_297 = arith.addf %gather3A_295, %gather3A_296 : vector<16xf32>
        %gt3A_298 = arith.constant 0.000000e+00 : f32
        %gt3A_299 = vector.broadcast %gt3A_298 : f32 to vector<16xf32>
        %gt3A_300 = arith.cmpf ogt, %add3A_297, %gt3A_299 : vector<16xf32>
        %mul3A_301 = arith.constant 2.000000e-01 : f32
        %mul3A_302 = vector.broadcast %mul3A_301 : f32 to vector<16xf32>
        %mul3A_303 = arith.mulf %mul3A_302, %add3A_297 : vector<16xf32>
        %select_n3A_304 = arith.select %gt3A_300, %add3A_297, %mul3A_303 : vector<16xi1>, vector<16xf32>
        %exp3A_305 = math.exp %select_n3A_304 : vector<16xf32>
        %swap3A_306 = arith.constant 48 : index
        %swap3A_307 = tpu.vector_load %arg15[%swap3A_306] {strides = array<i32>} : memref<80xf32, #tpu.memory_space<vmem>>, vector<16xf32>,
        tpu.vector_store %arg15[%swap3A_306], %exp3A_305 {strides = array<i32>} : memref<80xf32, #tpu.memory_space<vmem>>, vector<16xf32>,
        %get3A_308 = arith.index_cast %mul3A_224 : i32 to index
        %get3A_309 = arith.constant 64 : index
        %get3A_310 = tpu.vector_load %arg13[%get3A_308, %get3A_309] {strides = array<i32>} : memref<25x80xi32, #tpu.memory_space<vmem>>, vector<16xi32>,
        %get3A_311 = arith.index_cast %mul3A_224 : i32 to index
        %get3A_312 = arith.constant 64 : index
        %get3A_313 = tpu.vector_load %arg14[%get3A_311, %get3A_312] {strides = array<i32>} : memref<25x80xi32, #tpu.memory_space<vmem>>, vector<16xi32>,
        %gather3A_314 = tpu.vector_load_idx %arg11[%get3A_310] : memref<10000xf32, #tpu.memory_space<vmem>>[vector<16xi32>], vector<16xf32>,
        %gather3A_315 = tpu.vector_load_idx %arg12[%get3A_313] : memref<10000xf32, #tpu.memory_space<vmem>>[vector<16xi32>], vector<16xf32>,
        %add3A_316 = arith.addf %gather3A_314, %gather3A_315 : vector<16xf32>
        %gt3A_317 = arith.constant 0.000000e+00 : f32
        %gt3A_318 = vector.broadcast %gt3A_317 : f32 to vector<16xf32>
        %gt3A_319 = arith.cmpf ogt, %add3A_316, %gt3A_318 : vector<16xf32>
        %mul3A_320 = arith.constant 2.000000e-01 : f32
        %mul3A_321 = vector.broadcast %mul3A_320 : f32 to vector<16xf32>
        %mul3A_322 = arith.mulf %mul3A_321, %add3A_316 : vector<16xf32>
        %select_n3A_323 = arith.select %gt3A_319, %add3A_316, %mul3A_322 : vector<16xi1>, vector<16xf32>
        %exp3A_324 = math.exp %select_n3A_323 : vector<16xf32>
        %swap3A_325 = arith.constant 64 : index
        %swap3A_326 = tpu.vector_load %arg15[%swap3A_325] {strides = array<i32>} : memref<80xf32, #tpu.memory_space<vmem>>, vector<16xf32>,
        tpu.vector_store %arg15[%swap3A_325], %exp3A_324 {strides = array<i32>} : memref<80xf32, #tpu.memory_space<vmem>>, vector<16xf32>,
        %dma_wait3A_327 = arith.constant 0 : i32
        %dma_wait3A_328 = tpu.memref_slice %arg13[%mul3A_224, %dma_wait3A_327] : memref<25x80xi32, #tpu.memory_space<vmem>> -> memref<1x80xi32, #tpu.memory_space<vmem>>
        %dma_wait3A_329 = tpu.memref_squeeze %dma_wait3A_328 : memref<1x80xi32, #tpu.memory_space<vmem>> -> memref<80xi32, #tpu.memory_space<vmem>>
        %dma_wait3A_330 = arith.constant 0 : i32
        %dma_wait3A_331 = arith.constant 0 : i32
        %dma_wait3A_332 = tpu.memref_slice %arg2[%dma_wait3A_330, %dma_wait3A_331] : memref<10000x128xf32, #tpu.memory_space<hbm>> -> memref<10000x128xf32, #tpu.memory_space<hbm>>
        tpu.wait_indirect_dma semaphore(%arg19 : memref<!tpu.dma_semaphore, #tpu.memory_space<semaphore_mem>>) src(%dma_wait3A_332 : memref<10000x128xf32, #tpu.memory_space<hbm>>) dst(%arg17 : memref<80x128xf32, #tpu.memory_space<vmem>>)
        %gt3A_333 = arith.constant 0 : i32
        %gt3A_334 = arith.cmpi sgt, %add3A_222, %gt3A_333 : i32
        %convert_element_type3A_335 = arith.extui %gt3A_334 : i1 to i32
        %cond3A_336 = arith.constant 0 : i32
        %cond3A_337 = arith.cmpi ne, %convert_element_type3A_335, %cond3A_336 : i32
        scf.if %cond3A_337 {
          %dma_wait3A_492 = arith.constant 0 : i32
          %dma_wait3A_493 = tpu.memref_slice %arg14[%add3A_226, %dma_wait3A_492] : memref<25x80xi32, #tpu.memory_space<vmem>> -> memref<1x80xi32, #tpu.memory_space<vmem>>
          %dma_wait3A_494 = tpu.memref_squeeze %dma_wait3A_493 : memref<1x80xi32, #tpu.memory_space<vmem>> -> memref<80xi32, #tpu.memory_space<vmem>>
          %dma_wait3A_495 = arith.constant 0 : i32
          %dma_wait3A_496 = arith.constant 0 : i32
          %dma_wait3A_497 = tpu.memref_slice %arg9[%dma_wait3A_495, %dma_wait3A_496] : memref<10000x128xf32, #tpu.memory_space<vmem_shared>> -> memref<10000x128xf32, #tpu.memory_space<vmem_shared>>
          tpu.wait_indirect_dma semaphore(%arg22 : memref<!tpu.dma_semaphore, #tpu.memory_space<semaphore_mem>>) src(%arg18 : memref<80x128xf32, #tpu.memory_space<vmem>>) dst(%dma_wait3A_497 : memref<10000x128xf32, #tpu.memory_space<vmem_shared>>)
        } else {
        }
        %dma_start3A_338 = arith.constant 0 : i32
        %dma_start3A_339 = tpu.memref_slice %arg13[%add3A_226, %dma_start3A_338] : memref<25x80xi32, #tpu.memory_space<vmem>> -> memref<1x80xi32, #tpu.memory_space<vmem>>
        %dma_start3A_340 = tpu.memref_squeeze %dma_start3A_339 : memref<1x80xi32, #tpu.memory_space<vmem>> -> memref<80xi32, #tpu.memory_space<vmem>>
        %dma_start3A_341 = arith.constant 0 : i32
        %dma_start3A_342 = arith.constant 0 : i32
        %dma_start3A_343 = tpu.memref_slice %arg2[%dma_start3A_341, %dma_start3A_342] : memref<10000x128xf32, #tpu.memory_space<hbm>> -> memref<10000x128xf32, #tpu.memory_space<hbm>>
        tpu.enqueue_indirect_dma source(%dma_start3A_343 : memref<10000x128xf32, #tpu.memory_space<hbm>>) target(%arg18 : memref<80x128xf32, #tpu.memory_space<vmem>>) offsets(%dma_start3A_340 : memref<80xi32, #tpu.memory_space<vmem>>) semaphore(%arg20 : memref<!tpu.dma_semaphore, #tpu.memory_space<semaphore_mem>>)
        %parallel_loop3A_344 = arith.constant 0 : i32
        %parallel_loop3A_345 = arith.constant 80 : i32
        %parallel_loop3A_346 = arith.constant 1 : i32
        scf.for %parallel_loop3A_492 = %parallel_loop3A_344 to %parallel_loop3A_345 step %parallel_loop3A_346  : i32 {
          %parallel_loop3A_493 = arith.constant 0 : i32
          %parallel_loop3A_494 = vector.broadcast %parallel_loop3A_493 : i32 to vector<16xi32>
          %parallel_loop3A_495 = vector.broadcast %parallel_loop3A_492 : i32 to vector<16xi32>
          %parallel_loop3A_496 = arith.addi %parallel_loop3A_494, %parallel_loop3A_495 : vector<16xi32>
          %parallel_loop3A_497 = tpu.vector_load_idx %arg15[%parallel_loop3A_496] : memref<80xf32, #tpu.memory_space<vmem>>[vector<16xi32>], vector<16xf32>,
          %parallel_loop3A_498 = arith.index_cast %parallel_loop3A_492 : i32 to index
          %parallel_loop3A_499 = arith.constant 0 : index
          %parallel_loop3A_500 = tpu.vector_load %arg17[%parallel_loop3A_498, %parallel_loop3A_499] {strides = array<i32>} : memref<80x128xf32, #tpu.memory_space<vmem>>, vector<16xf32>,
          %parallel_loop3A_501 = arith.mulf %parallel_loop3A_500, %parallel_loop3A_497 : vector<16xf32>
          %parallel_loop3A_502 = arith.index_cast %parallel_loop3A_492 : i32 to index
          %parallel_loop3A_503 = arith.constant 0 : index
          %parallel_loop3A_504 = tpu.vector_load %arg17[%parallel_loop3A_502, %parallel_loop3A_503] {strides = array<i32>} : memref<80x128xf32, #tpu.memory_space<vmem>>, vector<16xf32>,
          tpu.vector_store %arg17[%parallel_loop3A_502, %parallel_loop3A_503], %parallel_loop3A_501 {strides = array<i32>} : memref<80x128xf32, #tpu.memory_space<vmem>>, vector<16xf32>,
          %parallel_loop3A_505 = arith.index_cast %parallel_loop3A_492 : i32 to index
          %parallel_loop3A_506 = arith.constant 16 : index
          %parallel_loop3A_507 = tpu.vector_load %arg17[%parallel_loop3A_505, %parallel_loop3A_506] {strides = array<i32>} : memref<80x128xf32, #tpu.memory_space<vmem>>, vector<16xf32>,
          %parallel_loop3A_508 = arith.mulf %parallel_loop3A_507, %parallel_loop3A_497 : vector<16xf32>
          %parallel_loop3A_509 = arith.index_cast %parallel_loop3A_492 : i32 to index
          %parallel_loop3A_510 = arith.constant 16 : index
          %parallel_loop3A_511 = tpu.vector_load %arg17[%parallel_loop3A_509, %parallel_loop3A_510] {strides = array<i32>} : memref<80x128xf32, #tpu.memory_space<vmem>>, vector<16xf32>,
          tpu.vector_store %arg17[%parallel_loop3A_509, %parallel_loop3A_510], %parallel_loop3A_508 {strides = array<i32>} : memref<80x128xf32, #tpu.memory_space<vmem>>, vector<16xf32>,
          %parallel_loop3A_512 = arith.index_cast %parallel_loop3A_492 : i32 to index
          %parallel_loop3A_513 = arith.constant 32 : index
          %parallel_loop3A_514 = tpu.vector_load %arg17[%parallel_loop3A_512, %parallel_loop3A_513] {strides = array<i32>} : memref<80x128xf32, #tpu.memory_space<vmem>>, vector<16xf32>,
          %parallel_loop3A_515 = arith.mulf %parallel_loop3A_514, %parallel_loop3A_497 : vector<16xf32>
          %parallel_loop3A_516 = arith.index_cast %parallel_loop3A_492 : i32 to index
          %parallel_loop3A_517 = arith.constant 32 : index
          %parallel_loop3A_518 = tpu.vector_load %arg17[%parallel_loop3A_516, %parallel_loop3A_517] {strides = array<i32>} : memref<80x128xf32, #tpu.memory_space<vmem>>, vector<16xf32>,
          tpu.vector_store %arg17[%parallel_loop3A_516, %parallel_loop3A_517], %parallel_loop3A_515 {strides = array<i32>} : memref<80x128xf32, #tpu.memory_space<vmem>>, vector<16xf32>,
          %parallel_loop3A_519 = arith.index_cast %parallel_loop3A_492 : i32 to index
          %parallel_loop3A_520 = arith.constant 48 : index
          %parallel_loop3A_521 = tpu.vector_load %arg17[%parallel_loop3A_519, %parallel_loop3A_520] {strides = array<i32>} : memref<80x128xf32, #tpu.memory_space<vmem>>, vector<16xf32>,
          %parallel_loop3A_522 = arith.mulf %parallel_loop3A_521, %parallel_loop3A_497 : vector<16xf32>
          %parallel_loop3A_523 = arith.index_cast %parallel_loop3A_492 : i32 to index
          %parallel_loop3A_524 = arith.constant 48 : index
          %parallel_loop3A_525 = tpu.vector_load %arg17[%parallel_loop3A_523, %parallel_loop3A_524] {strides = array<i32>} : memref<80x128xf32, #tpu.memory_space<vmem>>, vector<16xf32>,
          tpu.vector_store %arg17[%parallel_loop3A_523, %parallel_loop3A_524], %parallel_loop3A_522 {strides = array<i32>} : memref<80x128xf32, #tpu.memory_space<vmem>>, vector<16xf32>,
          %parallel_loop3A_526 = arith.index_cast %parallel_loop3A_492 : i32 to index
          %parallel_loop3A_527 = arith.constant 64 : index
          %parallel_loop3A_528 = tpu.vector_load %arg17[%parallel_loop3A_526, %parallel_loop3A_527] {strides = array<i32>} : memref<80x128xf32, #tpu.memory_space<vmem>>, vector<16xf32>,
          %parallel_loop3A_529 = arith.mulf %parallel_loop3A_528, %parallel_loop3A_497 : vector<16xf32>
          %parallel_loop3A_530 = arith.index_cast %parallel_loop3A_492 : i32 to index
          %parallel_loop3A_531 = arith.constant 64 : index
          %parallel_loop3A_532 = tpu.vector_load %arg17[%parallel_loop3A_530, %parallel_loop3A_531] {strides = array<i32>} : memref<80x128xf32, #tpu.memory_space<vmem>>, vector<16xf32>,
          tpu.vector_store %arg17[%parallel_loop3A_530, %parallel_loop3A_531], %parallel_loop3A_529 {strides = array<i32>} : memref<80x128xf32, #tpu.memory_space<vmem>>, vector<16xf32>,
          %parallel_loop3A_533 = arith.index_cast %parallel_loop3A_492 : i32 to index
          %parallel_loop3A_534 = arith.constant 80 : index
          %parallel_loop3A_535 = tpu.vector_load %arg17[%parallel_loop3A_533, %parallel_loop3A_534] {strides = array<i32>} : memref<80x128xf32, #tpu.memory_space<vmem>>, vector<16xf32>,
          %parallel_loop3A_536 = arith.mulf %parallel_loop3A_535, %parallel_loop3A_497 : vector<16xf32>
          %parallel_loop3A_537 = arith.index_cast %parallel_loop3A_492 : i32 to index
          %parallel_loop3A_538 = arith.constant 80 : index
          %parallel_loop3A_539 = tpu.vector_load %arg17[%parallel_loop3A_537, %parallel_loop3A_538] {strides = array<i32>} : memref<80x128xf32, #tpu.memory_space<vmem>>, vector<16xf32>,
          tpu.vector_store %arg17[%parallel_loop3A_537, %parallel_loop3A_538], %parallel_loop3A_536 {strides = array<i32>} : memref<80x128xf32, #tpu.memory_space<vmem>>, vector<16xf32>,
          %parallel_loop3A_540 = arith.index_cast %parallel_loop3A_492 : i32 to index
          %parallel_loop3A_541 = arith.constant 96 : index
          %parallel_loop3A_542 = tpu.vector_load %arg17[%parallel_loop3A_540, %parallel_loop3A_541] {strides = array<i32>} : memref<80x128xf32, #tpu.memory_space<vmem>>, vector<16xf32>,
          %parallel_loop3A_543 = arith.mulf %parallel_loop3A_542, %parallel_loop3A_497 : vector<16xf32>
          %parallel_loop3A_544 = arith.index_cast %parallel_loop3A_492 : i32 to index
          %parallel_loop3A_545 = arith.constant 96 : index
          %parallel_loop3A_546 = tpu.vector_load %arg17[%parallel_loop3A_544, %parallel_loop3A_545] {strides = array<i32>} : memref<80x128xf32, #tpu.memory_space<vmem>>, vector<16xf32>,
          tpu.vector_store %arg17[%parallel_loop3A_544, %parallel_loop3A_545], %parallel_loop3A_543 {strides = array<i32>} : memref<80x128xf32, #tpu.memory_space<vmem>>, vector<16xf32>,
          %parallel_loop3A_547 = arith.index_cast %parallel_loop3A_492 : i32 to index
          %parallel_loop3A_548 = arith.constant 112 : index
          %parallel_loop3A_549 = tpu.vector_load %arg17[%parallel_loop3A_547, %parallel_loop3A_548] {strides = array<i32>} : memref<80x128xf32, #tpu.memory_space<vmem>>, vector<16xf32>,
          %parallel_loop3A_550 = arith.mulf %parallel_loop3A_549, %parallel_loop3A_497 : vector<16xf32>
          %parallel_loop3A_551 = arith.index_cast %parallel_loop3A_492 : i32 to index
          %parallel_loop3A_552 = arith.constant 112 : index
          %parallel_loop3A_553 = tpu.vector_load %arg17[%parallel_loop3A_551, %parallel_loop3A_552] {strides = array<i32>} : memref<80x128xf32, #tpu.memory_space<vmem>>, vector<16xf32>,
          tpu.vector_store %arg17[%parallel_loop3A_551, %parallel_loop3A_552], %parallel_loop3A_550 {strides = array<i32>} : memref<80x128xf32, #tpu.memory_space<vmem>>, vector<16xf32>,
        } {sc.loop_unroll_factor = 4 : i64, sc.parallel_access}
        %dma_start3A_347 = arith.constant 0 : i32
        %dma_start3A_348 = tpu.memref_slice %arg14[%mul3A_224, %dma_start3A_347] : memref<25x80xi32, #tpu.memory_space<vmem>> -> memref<1x80xi32, #tpu.memory_space<vmem>>
        %dma_start3A_349 = tpu.memref_squeeze %dma_start3A_348 : memref<1x80xi32, #tpu.memory_space<vmem>> -> memref<80xi32, #tpu.memory_space<vmem>>
        %dma_start3A_350 = arith.constant 0 : i32
        %dma_start3A_351 = arith.constant 0 : i32
        %dma_start3A_352 = tpu.memref_slice %arg9[%dma_start3A_350, %dma_start3A_351] : memref<10000x128xf32, #tpu.memory_space<vmem_shared>> -> memref<10000x128xf32, #tpu.memory_space<vmem_shared>>
        tpu.enqueue_indirect_dma source(%arg17 : memref<80x128xf32, #tpu.memory_space<vmem>>) target(%dma_start3A_352 : memref<10000x128xf32, #tpu.memory_space<vmem_shared>>) offsets(%dma_start3A_349 : memref<80xi32, #tpu.memory_space<vmem>>) semaphore(%arg21 : memref<!tpu.dma_semaphore, #tpu.memory_space<semaphore_mem>>) {add = true}
        %dma_start3A_353 = arith.constant 0 : i32
        %dma_start3A_354 = tpu.memref_slice %arg14[%mul3A_224, %dma_start3A_353] : memref<25x80xi32, #tpu.memory_space<vmem>> -> memref<1x80xi32, #tpu.memory_space<vmem>>
        %dma_start3A_355 = tpu.memref_squeeze %dma_start3A_354 : memref<1x80xi32, #tpu.memory_space<vmem>> -> memref<80xi32, #tpu.memory_space<vmem>>
        %dma_start3A_356 = arith.constant 0 : i32
        %dma_start3A_357 = tpu.memref_slice %arg10[%dma_start3A_356] : memref<10000xf32, #tpu.memory_space<vmem_shared>> -> memref<10000xf32, #tpu.memory_space<vmem_shared>>
        tpu.enqueue_indirect_dma source(%arg15 : memref<80xf32, #tpu.memory_space<vmem>>) target(%dma_start3A_357 : memref<10000xf32, #tpu.memory_space<vmem_shared>>) offsets(%dma_start3A_355 : memref<80xi32, #tpu.memory_space<vmem>>) semaphore(%arg23 : memref<!tpu.dma_semaphore, #tpu.memory_space<semaphore_mem>>) {add = true}
        %gt3A_358 = arith.constant 0 : i32
        %gt3A_359 = arith.cmpi sgt, %add3A_222, %gt3A_358 : i32
        %convert_element_type3A_360 = arith.extui %gt3A_359 : i1 to i32
        %cond3A_361 = arith.constant 0 : i32
        %cond3A_362 = arith.cmpi ne, %convert_element_type3A_360, %cond3A_361 : i32
        scf.if %cond3A_362 {
          %dma_wait3A_492 = arith.constant 0 : i32
          %dma_wait3A_493 = tpu.memref_slice %arg14[%add3A_226, %dma_wait3A_492] : memref<25x80xi32, #tpu.memory_space<vmem>> -> memref<1x80xi32, #tpu.memory_space<vmem>>
          %dma_wait3A_494 = tpu.memref_squeeze %dma_wait3A_493 : memref<1x80xi32, #tpu.memory_space<vmem>> -> memref<80xi32, #tpu.memory_space<vmem>>
          %dma_wait3A_495 = arith.constant 0 : i32
          %dma_wait3A_496 = tpu.memref_slice %arg10[%dma_wait3A_495] : memref<10000xf32, #tpu.memory_space<vmem_shared>> -> memref<10000xf32, #tpu.memory_space<vmem_shared>>
          tpu.wait_indirect_dma semaphore(%arg24 : memref<!tpu.dma_semaphore, #tpu.memory_space<semaphore_mem>>) src(%arg16 : memref<80xf32, #tpu.memory_space<vmem>>) dst(%dma_wait3A_496 : memref<10000xf32, #tpu.memory_space<vmem_shared>>)
        } else {
        }
        %get3A_363 = arith.index_cast %add3A_226 : i32 to index
        %get3A_364 = arith.constant 0 : index
        %get3A_365 = tpu.vector_load %arg13[%get3A_363, %get3A_364] {strides = array<i32>} : memref<25x80xi32, #tpu.memory_space<vmem>>, vector<16xi32>,
        %get3A_366 = arith.index_cast %add3A_226 : i32 to index
        %get3A_367 = arith.constant 0 : index
        %get3A_368 = tpu.vector_load %arg14[%get3A_366, %get3A_367] {strides = array<i32>} : memref<25x80xi32, #tpu.memory_space<vmem>>, vector<16xi32>,
        %gather3A_369 = tpu.vector_load_idx %arg11[%get3A_365] : memref<10000xf32, #tpu.memory_space<vmem>>[vector<16xi32>], vector<16xf32>,
        %gather3A_370 = tpu.vector_load_idx %arg12[%get3A_368] : memref<10000xf32, #tpu.memory_space<vmem>>[vector<16xi32>], vector<16xf32>,
        %add3A_371 = arith.addf %gather3A_369, %gather3A_370 : vector<16xf32>
        %gt3A_372 = arith.constant 0.000000e+00 : f32
        %gt3A_373 = vector.broadcast %gt3A_372 : f32 to vector<16xf32>
        %gt3A_374 = arith.cmpf ogt, %add3A_371, %gt3A_373 : vector<16xf32>
        %mul3A_375 = arith.constant 2.000000e-01 : f32
        %mul3A_376 = vector.broadcast %mul3A_375 : f32 to vector<16xf32>
        %mul3A_377 = arith.mulf %mul3A_376, %add3A_371 : vector<16xf32>
        %select_n3A_378 = arith.select %gt3A_374, %add3A_371, %mul3A_377 : vector<16xi1>, vector<16xf32>
        %exp3A_379 = math.exp %select_n3A_378 : vector<16xf32>
        %swap3A_380 = arith.constant 0 : index
        %swap3A_381 = tpu.vector_load %arg16[%swap3A_380] {strides = array<i32>} : memref<80xf32, #tpu.memory_space<vmem>>, vector<16xf32>,
        tpu.vector_store %arg16[%swap3A_380], %exp3A_379 {strides = array<i32>} : memref<80xf32, #tpu.memory_space<vmem>>, vector<16xf32>,
        %get3A_382 = arith.index_cast %add3A_226 : i32 to index
        %get3A_383 = arith.constant 16 : index
        %get3A_384 = tpu.vector_load %arg13[%get3A_382, %get3A_383] {strides = array<i32>} : memref<25x80xi32, #tpu.memory_space<vmem>>, vector<16xi32>,
        %get3A_385 = arith.index_cast %add3A_226 : i32 to index
        %get3A_386 = arith.constant 16 : index
        %get3A_387 = tpu.vector_load %arg14[%get3A_385, %get3A_386] {strides = array<i32>} : memref<25x80xi32, #tpu.memory_space<vmem>>, vector<16xi32>,
        %gather3A_388 = tpu.vector_load_idx %arg11[%get3A_384] : memref<10000xf32, #tpu.memory_space<vmem>>[vector<16xi32>], vector<16xf32>,
        %gather3A_389 = tpu.vector_load_idx %arg12[%get3A_387] : memref<10000xf32, #tpu.memory_space<vmem>>[vector<16xi32>], vector<16xf32>,
        %add3A_390 = arith.addf %gather3A_388, %gather3A_389 : vector<16xf32>
        %gt3A_391 = arith.constant 0.000000e+00 : f32
        %gt3A_392 = vector.broadcast %gt3A_391 : f32 to vector<16xf32>
        %gt3A_393 = arith.cmpf ogt, %add3A_390, %gt3A_392 : vector<16xf32>
        %mul3A_394 = arith.constant 2.000000e-01 : f32
        %mul3A_395 = vector.broadcast %mul3A_394 : f32 to vector<16xf32>
        %mul3A_396 = arith.mulf %mul3A_395, %add3A_390 : vector<16xf32>
        %select_n3A_397 = arith.select %gt3A_393, %add3A_390, %mul3A_396 : vector<16xi1>, vector<16xf32>
        %exp3A_398 = math.exp %select_n3A_397 : vector<16xf32>
        %swap3A_399 = arith.constant 16 : index
        %swap3A_400 = tpu.vector_load %arg16[%swap3A_399] {strides = array<i32>} : memref<80xf32, #tpu.memory_space<vmem>>, vector<16xf32>,
        tpu.vector_store %arg16[%swap3A_399], %exp3A_398 {strides = array<i32>} : memref<80xf32, #tpu.memory_space<vmem>>, vector<16xf32>,
        %get3A_401 = arith.index_cast %add3A_226 : i32 to index
        %get3A_402 = arith.constant 32 : index
        %get3A_403 = tpu.vector_load %arg13[%get3A_401, %get3A_402] {strides = array<i32>} : memref<25x80xi32, #tpu.memory_space<vmem>>, vector<16xi32>,
        %get3A_404 = arith.index_cast %add3A_226 : i32 to index
        %get3A_405 = arith.constant 32 : index
        %get3A_406 = tpu.vector_load %arg14[%get3A_404, %get3A_405] {strides = array<i32>} : memref<25x80xi32, #tpu.memory_space<vmem>>, vector<16xi32>,
        %gather3A_407 = tpu.vector_load_idx %arg11[%get3A_403] : memref<10000xf32, #tpu.memory_space<vmem>>[vector<16xi32>], vector<16xf32>,
        %gather3A_408 = tpu.vector_load_idx %arg12[%get3A_406] : memref<10000xf32, #tpu.memory_space<vmem>>[vector<16xi32>], vector<16xf32>,
        %add3A_409 = arith.addf %gather3A_407, %gather3A_408 : vector<16xf32>
        %gt3A_410 = arith.constant 0.000000e+00 : f32
        %gt3A_411 = vector.broadcast %gt3A_410 : f32 to vector<16xf32>
        %gt3A_412 = arith.cmpf ogt, %add3A_409, %gt3A_411 : vector<16xf32>
        %mul3A_413 = arith.constant 2.000000e-01 : f32
        %mul3A_414 = vector.broadcast %mul3A_413 : f32 to vector<16xf32>
        %mul3A_415 = arith.mulf %mul3A_414, %add3A_409 : vector<16xf32>
        %select_n3A_416 = arith.select %gt3A_412, %add3A_409, %mul3A_415 : vector<16xi1>, vector<16xf32>
        %exp3A_417 = math.exp %select_n3A_416 : vector<16xf32>
        %swap3A_418 = arith.constant 32 : index
        %swap3A_419 = tpu.vector_load %arg16[%swap3A_418] {strides = array<i32>} : memref<80xf32, #tpu.memory_space<vmem>>, vector<16xf32>,
        tpu.vector_store %arg16[%swap3A_418], %exp3A_417 {strides = array<i32>} : memref<80xf32, #tpu.memory_space<vmem>>, vector<16xf32>,
        %get3A_420 = arith.index_cast %add3A_226 : i32 to index
        %get3A_421 = arith.constant 48 : index
        %get3A_422 = tpu.vector_load %arg13[%get3A_420, %get3A_421] {strides = array<i32>} : memref<25x80xi32, #tpu.memory_space<vmem>>, vector<16xi32>,
        %get3A_423 = arith.index_cast %add3A_226 : i32 to index
        %get3A_424 = arith.constant 48 : index
        %get3A_425 = tpu.vector_load %arg14[%get3A_423, %get3A_424] {strides = array<i32>} : memref<25x80xi32, #tpu.memory_space<vmem>>, vector<16xi32>,
        %gather3A_426 = tpu.vector_load_idx %arg11[%get3A_422] : memref<10000xf32, #tpu.memory_space<vmem>>[vector<16xi32>], vector<16xf32>,
        %gather3A_427 = tpu.vector_load_idx %arg12[%get3A_425] : memref<10000xf32, #tpu.memory_space<vmem>>[vector<16xi32>], vector<16xf32>,
        %add3A_428 = arith.addf %gather3A_426, %gather3A_427 : vector<16xf32>
        %gt3A_429 = arith.constant 0.000000e+00 : f32
        %gt3A_430 = vector.broadcast %gt3A_429 : f32 to vector<16xf32>
        %gt3A_431 = arith.cmpf ogt, %add3A_428, %gt3A_430 : vector<16xf32>
        %mul3A_432 = arith.constant 2.000000e-01 : f32
        %mul3A_433 = vector.broadcast %mul3A_432 : f32 to vector<16xf32>
        %mul3A_434 = arith.mulf %mul3A_433, %add3A_428 : vector<16xf32>
        %select_n3A_435 = arith.select %gt3A_431, %add3A_428, %mul3A_434 : vector<16xi1>, vector<16xf32>
        %exp3A_436 = math.exp %select_n3A_435 : vector<16xf32>
        %swap3A_437 = arith.constant 48 : index
        %swap3A_438 = tpu.vector_load %arg16[%swap3A_437] {strides = array<i32>} : memref<80xf32, #tpu.memory_space<vmem>>, vector<16xf32>,
        tpu.vector_store %arg16[%swap3A_437], %exp3A_436 {strides = array<i32>} : memref<80xf32, #tpu.memory_space<vmem>>, vector<16xf32>,
        %get3A_439 = arith.index_cast %add3A_226 : i32 to index
        %get3A_440 = arith.constant 64 : index
        %get3A_441 = tpu.vector_load %arg13[%get3A_439, %get3A_440] {strides = array<i32>} : memref<25x80xi32, #tpu.memory_space<vmem>>, vector<16xi32>,
        %get3A_442 = arith.index_cast %add3A_226 : i32 to index
        %get3A_443 = arith.constant 64 : index
        %get3A_444 = tpu.vector_load %arg14[%get3A_442, %get3A_443] {strides = array<i32>} : memref<25x80xi32, #tpu.memory_space<vmem>>, vector<16xi32>,
        %gather3A_445 = tpu.vector_load_idx %arg11[%get3A_441] : memref<10000xf32, #tpu.memory_space<vmem>>[vector<16xi32>], vector<16xf32>,
        %gather3A_446 = tpu.vector_load_idx %arg12[%get3A_444] : memref<10000xf32, #tpu.memory_space<vmem>>[vector<16xi32>], vector<16xf32>,
        %add3A_447 = arith.addf %gather3A_445, %gather3A_446 : vector<16xf32>
        %gt3A_448 = arith.constant 0.000000e+00 : f32
        %gt3A_449 = vector.broadcast %gt3A_448 : f32 to vector<16xf32>
        %gt3A_450 = arith.cmpf ogt, %add3A_447, %gt3A_449 : vector<16xf32>
        %mul3A_451 = arith.constant 2.000000e-01 : f32
        %mul3A_452 = vector.broadcast %mul3A_451 : f32 to vector<16xf32>
        %mul3A_453 = arith.mulf %mul3A_452, %add3A_447 : vector<16xf32>
        %select_n3A_454 = arith.select %gt3A_450, %add3A_447, %mul3A_453 : vector<16xi1>, vector<16xf32>
        %exp3A_455 = math.exp %select_n3A_454 : vector<16xf32>
        %swap3A_456 = arith.constant 64 : index
        %swap3A_457 = tpu.vector_load %arg16[%swap3A_456] {strides = array<i32>} : memref<80xf32, #tpu.memory_space<vmem>>, vector<16xf32>,
        tpu.vector_store %arg16[%swap3A_456], %exp3A_455 {strides = array<i32>} : memref<80xf32, #tpu.memory_space<vmem>>, vector<16xf32>,
        %dma_wait3A_458 = arith.constant 0 : i32
        %dma_wait3A_459 = tpu.memref_slice %arg13[%add3A_226, %dma_wait3A_458] : memref<25x80xi32, #tpu.memory_space<vmem>> -> memref<1x80xi32, #tpu.memory_space<vmem>>
        %dma_wait3A_460 = tpu.memref_squeeze %dma_wait3A_459 : memref<1x80xi32, #tpu.memory_space<vmem>> -> memref<80xi32, #tpu.memory_space<vmem>>
        %dma_wait3A_461 = arith.constant 0 : i32
        %dma_wait3A_462 = arith.constant 0 : i32
        %dma_wait3A_463 = tpu.memref_slice %arg2[%dma_wait3A_461, %dma_wait3A_462] : memref<10000x128xf32, #tpu.memory_space<hbm>> -> memref<10000x128xf32, #tpu.memory_space<hbm>>
        tpu.wait_indirect_dma semaphore(%arg20 : memref<!tpu.dma_semaphore, #tpu.memory_space<semaphore_mem>>) src(%dma_wait3A_463 : memref<10000x128xf32, #tpu.memory_space<hbm>>) dst(%arg18 : memref<80x128xf32, #tpu.memory_space<vmem>>)
        %dma_wait3A_464 = arith.constant 0 : i32
        %dma_wait3A_465 = tpu.memref_slice %arg14[%mul3A_224, %dma_wait3A_464] : memref<25x80xi32, #tpu.memory_space<vmem>> -> memref<1x80xi32, #tpu.memory_space<vmem>>
        %dma_wait3A_466 = tpu.memref_squeeze %dma_wait3A_465 : memref<1x80xi32, #tpu.memory_space<vmem>> -> memref<80xi32, #tpu.memory_space<vmem>>
        %dma_wait3A_467 = arith.constant 0 : i32
        %dma_wait3A_468 = arith.constant 0 : i32
        %dma_wait3A_469 = tpu.memref_slice %arg9[%dma_wait3A_467, %dma_wait3A_468] : memref<10000x128xf32, #tpu.memory_space<vmem_shared>> -> memref<10000x128xf32, #tpu.memory_space<vmem_shared>>
        tpu.wait_indirect_dma semaphore(%arg21 : memref<!tpu.dma_semaphore, #tpu.memory_space<semaphore_mem>>) src(%arg17 : memref<80x128xf32, #tpu.memory_space<vmem>>) dst(%dma_wait3A_469 : memref<10000x128xf32, #tpu.memory_space<vmem_shared>>)
        %add3A_470 = arith.constant 2 : i32
        %add3A_471 = arith.addi %mul3A_224, %add3A_470 : i32
        %dma_start3A_472 = arith.constant 0 : i32
        %dma_start3A_473 = tpu.memref_slice %arg13[%add3A_471, %dma_start3A_472] : memref<25x80xi32, #tpu.memory_space<vmem>> -> memref<1x80xi32, #tpu.memory_space<vmem>>
        %dma_start3A_474 = tpu.memref_squeeze %dma_start3A_473 : memref<1x80xi32, #tpu.memory_space<vmem>> -> memref<80xi32, #tpu.memory_space<vmem>>
        %dma_start3A_475 = arith.constant 0 : i32
        %dma_start3A_476 = arith.constant 0 : i32
        %dma_start3A_477 = tpu.memref_slice %arg2[%dma_start3A_475, %dma_start3A_476] : memref<10000x128xf32, #tpu.memory_space<hbm>> -> memref<10000x128xf32, #tpu.memory_space<hbm>>
        tpu.enqueue_indirect_dma source(%dma_start3A_477 : memref<10000x128xf32, #tpu.memory_space<hbm>>) target(%arg17 : memref<80x128xf32, #tpu.memory_space<vmem>>) offsets(%dma_start3A_474 : memref<80xi32, #tpu.memory_space<vmem>>) semaphore(%arg19 : memref<!tpu.dma_semaphore, #tpu.memory_space<semaphore_mem>>)
        %parallel_loop3A_478 = arith.constant 0 : i32
        %parallel_loop3A_479 = arith.constant 80 : i32
        %parallel_loop3A_480 = arith.constant 1 : i32
        scf.for %parallel_loop3A_492 = %parallel_loop3A_478 to %parallel_loop3A_479 step %parallel_loop3A_480  : i32 {
          %parallel_loop3A_493 = arith.constant 0 : i32
          %parallel_loop3A_494 = vector.broadcast %parallel_loop3A_493 : i32 to vector<16xi32>
          %parallel_loop3A_495 = vector.broadcast %parallel_loop3A_492 : i32 to vector<16xi32>
          %parallel_loop3A_496 = arith.addi %parallel_loop3A_494, %parallel_loop3A_495 : vector<16xi32>
          %parallel_loop3A_497 = tpu.vector_load_idx %arg16[%parallel_loop3A_496] : memref<80xf32, #tpu.memory_space<vmem>>[vector<16xi32>], vector<16xf32>,
          %parallel_loop3A_498 = arith.index_cast %parallel_loop3A_492 : i32 to index
          %parallel_loop3A_499 = arith.constant 0 : index
          %parallel_loop3A_500 = tpu.vector_load %arg18[%parallel_loop3A_498, %parallel_loop3A_499] {strides = array<i32>} : memref<80x128xf32, #tpu.memory_space<vmem>>, vector<16xf32>,
          %parallel_loop3A_501 = arith.mulf %parallel_loop3A_500, %parallel_loop3A_497 : vector<16xf32>
          %parallel_loop3A_502 = arith.index_cast %parallel_loop3A_492 : i32 to index
          %parallel_loop3A_503 = arith.constant 0 : index
          %parallel_loop3A_504 = tpu.vector_load %arg18[%parallel_loop3A_502, %parallel_loop3A_503] {strides = array<i32>} : memref<80x128xf32, #tpu.memory_space<vmem>>, vector<16xf32>,
          tpu.vector_store %arg18[%parallel_loop3A_502, %parallel_loop3A_503], %parallel_loop3A_501 {strides = array<i32>} : memref<80x128xf32, #tpu.memory_space<vmem>>, vector<16xf32>,
          %parallel_loop3A_505 = arith.index_cast %parallel_loop3A_492 : i32 to index
          %parallel_loop3A_506 = arith.constant 16 : index
          %parallel_loop3A_507 = tpu.vector_load %arg18[%parallel_loop3A_505, %parallel_loop3A_506] {strides = array<i32>} : memref<80x128xf32, #tpu.memory_space<vmem>>, vector<16xf32>,
          %parallel_loop3A_508 = arith.mulf %parallel_loop3A_507, %parallel_loop3A_497 : vector<16xf32>
          %parallel_loop3A_509 = arith.index_cast %parallel_loop3A_492 : i32 to index
          %parallel_loop3A_510 = arith.constant 16 : index
          %parallel_loop3A_511 = tpu.vector_load %arg18[%parallel_loop3A_509, %parallel_loop3A_510] {strides = array<i32>} : memref<80x128xf32, #tpu.memory_space<vmem>>, vector<16xf32>,
          tpu.vector_store %arg18[%parallel_loop3A_509, %parallel_loop3A_510], %parallel_loop3A_508 {strides = array<i32>} : memref<80x128xf32, #tpu.memory_space<vmem>>, vector<16xf32>,
          %parallel_loop3A_512 = arith.index_cast %parallel_loop3A_492 : i32 to index
          %parallel_loop3A_513 = arith.constant 32 : index
          %parallel_loop3A_514 = tpu.vector_load %arg18[%parallel_loop3A_512, %parallel_loop3A_513] {strides = array<i32>} : memref<80x128xf32, #tpu.memory_space<vmem>>, vector<16xf32>,
          %parallel_loop3A_515 = arith.mulf %parallel_loop3A_514, %parallel_loop3A_497 : vector<16xf32>
          %parallel_loop3A_516 = arith.index_cast %parallel_loop3A_492 : i32 to index
          %parallel_loop3A_517 = arith.constant 32 : index
          %parallel_loop3A_518 = tpu.vector_load %arg18[%parallel_loop3A_516, %parallel_loop3A_517] {strides = array<i32>} : memref<80x128xf32, #tpu.memory_space<vmem>>, vector<16xf32>,
          tpu.vector_store %arg18[%parallel_loop3A_516, %parallel_loop3A_517], %parallel_loop3A_515 {strides = array<i32>} : memref<80x128xf32, #tpu.memory_space<vmem>>, vector<16xf32>,
          %parallel_loop3A_519 = arith.index_cast %parallel_loop3A_492 : i32 to index
          %parallel_loop3A_520 = arith.constant 48 : index
          %parallel_loop3A_521 = tpu.vector_load %arg18[%parallel_loop3A_519, %parallel_loop3A_520] {strides = array<i32>} : memref<80x128xf32, #tpu.memory_space<vmem>>, vector<16xf32>,
          %parallel_loop3A_522 = arith.mulf %parallel_loop3A_521, %parallel_loop3A_497 : vector<16xf32>
          %parallel_loop3A_523 = arith.index_cast %parallel_loop3A_492 : i32 to index
          %parallel_loop3A_524 = arith.constant 48 : index
          %parallel_loop3A_525 = tpu.vector_load %arg18[%parallel_loop3A_523, %parallel_loop3A_524] {strides = array<i32>} : memref<80x128xf32, #tpu.memory_space<vmem>>, vector<16xf32>,
          tpu.vector_store %arg18[%parallel_loop3A_523, %parallel_loop3A_524], %parallel_loop3A_522 {strides = array<i32>} : memref<80x128xf32, #tpu.memory_space<vmem>>, vector<16xf32>,
          %parallel_loop3A_526 = arith.index_cast %parallel_loop3A_492 : i32 to index
          %parallel_loop3A_527 = arith.constant 64 : index
          %parallel_loop3A_528 = tpu.vector_load %arg18[%parallel_loop3A_526, %parallel_loop3A_527] {strides = array<i32>} : memref<80x128xf32, #tpu.memory_space<vmem>>, vector<16xf32>,
          %parallel_loop3A_529 = arith.mulf %parallel_loop3A_528, %parallel_loop3A_497 : vector<16xf32>
          %parallel_loop3A_530 = arith.index_cast %parallel_loop3A_492 : i32 to index
          %parallel_loop3A_531 = arith.constant 64 : index
          %parallel_loop3A_532 = tpu.vector_load %arg18[%parallel_loop3A_530, %parallel_loop3A_531] {strides = array<i32>} : memref<80x128xf32, #tpu.memory_space<vmem>>, vector<16xf32>,
          tpu.vector_store %arg18[%parallel_loop3A_530, %parallel_loop3A_531], %parallel_loop3A_529 {strides = array<i32>} : memref<80x128xf32, #tpu.memory_space<vmem>>, vector<16xf32>,
          %parallel_loop3A_533 = arith.index_cast %parallel_loop3A_492 : i32 to index
          %parallel_loop3A_534 = arith.constant 80 : index
          %parallel_loop3A_535 = tpu.vector_load %arg18[%parallel_loop3A_533, %parallel_loop3A_534] {strides = array<i32>} : memref<80x128xf32, #tpu.memory_space<vmem>>, vector<16xf32>,
          %parallel_loop3A_536 = arith.mulf %parallel_loop3A_535, %parallel_loop3A_497 : vector<16xf32>
          %parallel_loop3A_537 = arith.index_cast %parallel_loop3A_492 : i32 to index
          %parallel_loop3A_538 = arith.constant 80 : index
          %parallel_loop3A_539 = tpu.vector_load %arg18[%parallel_loop3A_537, %parallel_loop3A_538] {strides = array<i32>} : memref<80x128xf32, #tpu.memory_space<vmem>>, vector<16xf32>,
          tpu.vector_store %arg18[%parallel_loop3A_537, %parallel_loop3A_538], %parallel_loop3A_536 {strides = array<i32>} : memref<80x128xf32, #tpu.memory_space<vmem>>, vector<16xf32>,
          %parallel_loop3A_540 = arith.index_cast %parallel_loop3A_492 : i32 to index
          %parallel_loop3A_541 = arith.constant 96 : index
          %parallel_loop3A_542 = tpu.vector_load %arg18[%parallel_loop3A_540, %parallel_loop3A_541] {strides = array<i32>} : memref<80x128xf32, #tpu.memory_space<vmem>>, vector<16xf32>,
          %parallel_loop3A_543 = arith.mulf %parallel_loop3A_542, %parallel_loop3A_497 : vector<16xf32>
          %parallel_loop3A_544 = arith.index_cast %parallel_loop3A_492 : i32 to index
          %parallel_loop3A_545 = arith.constant 96 : index
          %parallel_loop3A_546 = tpu.vector_load %arg18[%parallel_loop3A_544, %parallel_loop3A_545] {strides = array<i32>} : memref<80x128xf32, #tpu.memory_space<vmem>>, vector<16xf32>,
          tpu.vector_store %arg18[%parallel_loop3A_544, %parallel_loop3A_545], %parallel_loop3A_543 {strides = array<i32>} : memref<80x128xf32, #tpu.memory_space<vmem>>, vector<16xf32>,
          %parallel_loop3A_547 = arith.index_cast %parallel_loop3A_492 : i32 to index
          %parallel_loop3A_548 = arith.constant 112 : index
          %parallel_loop3A_549 = tpu.vector_load %arg18[%parallel_loop3A_547, %parallel_loop3A_548] {strides = array<i32>} : memref<80x128xf32, #tpu.memory_space<vmem>>, vector<16xf32>,
          %parallel_loop3A_550 = arith.mulf %parallel_loop3A_549, %parallel_loop3A_497 : vector<16xf32>
          %parallel_loop3A_551 = arith.index_cast %parallel_loop3A_492 : i32 to index
          %parallel_loop3A_552 = arith.constant 112 : index
          %parallel_loop3A_553 = tpu.vector_load %arg18[%parallel_loop3A_551, %parallel_loop3A_552] {strides = array<i32>} : memref<80x128xf32, #tpu.memory_space<vmem>>, vector<16xf32>,
          tpu.vector_store %arg18[%parallel_loop3A_551, %parallel_loop3A_552], %parallel_loop3A_550 {strides = array<i32>} : memref<80x128xf32, #tpu.memory_space<vmem>>, vector<16xf32>,
        } {sc.loop_unroll_factor = 4 : i64, sc.parallel_access}
        %dma_start3A_481 = arith.constant 0 : i32
        %dma_start3A_482 = tpu.memref_slice %arg14[%add3A_226, %dma_start3A_481] : memref<25x80xi32, #tpu.memory_space<vmem>> -> memref<1x80xi32, #tpu.memory_space<vmem>>
        %dma_start3A_483 = tpu.memref_squeeze %dma_start3A_482 : memref<1x80xi32, #tpu.memory_space<vmem>> -> memref<80xi32, #tpu.memory_space<vmem>>
        %dma_start3A_484 = arith.constant 0 : i32
        %dma_start3A_485 = arith.constant 0 : i32
        %dma_start3A_486 = tpu.memref_slice %arg9[%dma_start3A_484, %dma_start3A_485] : memref<10000x128xf32, #tpu.memory_space<vmem_shared>> -> memref<10000x128xf32, #tpu.memory_space<vmem_shared>>
        tpu.enqueue_indirect_dma source(%arg18 : memref<80x128xf32, #tpu.memory_space<vmem>>) target(%dma_start3A_486 : memref<10000x128xf32, #tpu.memory_space<vmem_shared>>) offsets(%dma_start3A_483 : memref<80xi32, #tpu.memory_space<vmem>>) semaphore(%arg22 : memref<!tpu.dma_semaphore, #tpu.memory_space<semaphore_mem>>) {add = true}
        %dma_start3A_487 = arith.constant 0 : i32
        %dma_start3A_488 = tpu.memref_slice %arg14[%add3A_226, %dma_start3A_487] : memref<25x80xi32, #tpu.memory_space<vmem>> -> memref<1x80xi32, #tpu.memory_space<vmem>>
        %dma_start3A_489 = tpu.memref_squeeze %dma_start3A_488 : memref<1x80xi32, #tpu.memory_space<vmem>> -> memref<80xi32, #tpu.memory_space<vmem>>
        %dma_start3A_490 = arith.constant 0 : i32
        %dma_start3A_491 = tpu.memref_slice %arg10[%dma_start3A_490] : memref<10000xf32, #tpu.memory_space<vmem_shared>> -> memref<10000xf32, #tpu.memory_space<vmem_shared>>
        tpu.enqueue_indirect_dma source(%arg16 : memref<80xf32, #tpu.memory_space<vmem>>) target(%dma_start3A_491 : memref<10000xf32, #tpu.memory_space<vmem_shared>>) offsets(%dma_start3A_489 : memref<80xi32, #tpu.memory_space<vmem>>) semaphore(%arg24 : memref<!tpu.dma_semaphore, #tpu.memory_space<semaphore_mem>>) {add = true}
      }
      %scan3A_93 = arith.constant 12 : i32
      %dma_wait3A_94 = arith.constant 24 : i32
      %dma_wait3A_95 = arith.constant 0 : i32
      %dma_wait3A_96 = tpu.memref_slice %arg14[%dma_wait3A_94, %dma_wait3A_95] : memref<25x80xi32, #tpu.memory_space<vmem>> -> memref<1x80xi32, #tpu.memory_space<vmem>>
      %dma_wait3A_97 = tpu.memref_squeeze %dma_wait3A_96 : memref<1x80xi32, #tpu.memory_space<vmem>> -> memref<80xi32, #tpu.memory_space<vmem>>
      %dma_wait3A_98 = arith.constant 0 : i32
      %dma_wait3A_99 = tpu.memref_slice %arg10[%dma_wait3A_98] : memref<10000xf32, #tpu.memory_space<vmem_shared>> -> memref<10000xf32, #tpu.memory_space<vmem_shared>>
      tpu.wait_indirect_dma semaphore(%arg23 : memref<!tpu.dma_semaphore, #tpu.memory_space<semaphore_mem>>) src(%arg15 : memref<80xf32, #tpu.memory_space<vmem>>) dst(%dma_wait3A_99 : memref<10000xf32, #tpu.memory_space<vmem_shared>>)
      %get3A = arith.constant 24 : i32
      %get3A_100 = arith.index_cast %get3A : i32 to index
      %get3A_101 = arith.constant 0 : index
      %get3A_102 = tpu.vector_load %arg13[%get3A_100, %get3A_101] {strides = array<i32>} : memref<25x80xi32, #tpu.memory_space<vmem>>, vector<16xi32>,
      %get3A_103 = arith.constant 24 : i32
      %get3A_104 = arith.index_cast %get3A_103 : i32 to index
      %get3A_105 = arith.constant 0 : index
      %get3A_106 = tpu.vector_load %arg14[%get3A_104, %get3A_105] {strides = array<i32>} : memref<25x80xi32, #tpu.memory_space<vmem>>, vector<16xi32>,
      %gather3A = tpu.vector_load_idx %arg11[%get3A_102] : memref<10000xf32, #tpu.memory_space<vmem>>[vector<16xi32>], vector<16xf32>,
      %gather3A_107 = tpu.vector_load_idx %arg12[%get3A_106] : memref<10000xf32, #tpu.memory_space<vmem>>[vector<16xi32>], vector<16xf32>,
      %add3A_108 = arith.addf %gather3A, %gather3A_107 : vector<16xf32>
      %gt3A_109 = arith.constant 0.000000e+00 : f32
      %gt3A_110 = vector.broadcast %gt3A_109 : f32 to vector<16xf32>
      %gt3A_111 = arith.cmpf ogt, %add3A_108, %gt3A_110 : vector<16xf32>
      %mul3A_112 = arith.constant 2.000000e-01 : f32
      %mul3A_113 = vector.broadcast %mul3A_112 : f32 to vector<16xf32>
      %mul3A_114 = arith.mulf %mul3A_113, %add3A_108 : vector<16xf32>
      %select_n3A = arith.select %gt3A_111, %add3A_108, %mul3A_114 : vector<16xi1>, vector<16xf32>
      %exp3A = math.exp %select_n3A : vector<16xf32>
      %swap3A_115 = arith.constant 0 : index
      %swap3A_116 = tpu.vector_load %arg15[%swap3A_115] {strides = array<i32>} : memref<80xf32, #tpu.memory_space<vmem>>, vector<16xf32>,
      tpu.vector_store %arg15[%swap3A_115], %exp3A {strides = array<i32>} : memref<80xf32, #tpu.memory_space<vmem>>, vector<16xf32>,
      %get3A_117 = arith.constant 24 : i32
      %get3A_118 = arith.index_cast %get3A_117 : i32 to index
      %get3A_119 = arith.constant 16 : index
      %get3A_120 = tpu.vector_load %arg13[%get3A_118, %get3A_119] {strides = array<i32>} : memref<25x80xi32, #tpu.memory_space<vmem>>, vector<16xi32>,
      %get3A_121 = arith.constant 24 : i32
      %get3A_122 = arith.index_cast %get3A_121 : i32 to index
      %get3A_123 = arith.constant 16 : index
      %get3A_124 = tpu.vector_load %arg14[%get3A_122, %get3A_123] {strides = array<i32>} : memref<25x80xi32, #tpu.memory_space<vmem>>, vector<16xi32>,
      %gather3A_125 = tpu.vector_load_idx %arg11[%get3A_120] : memref<10000xf32, #tpu.memory_space<vmem>>[vector<16xi32>], vector<16xf32>,
      %gather3A_126 = tpu.vector_load_idx %arg12[%get3A_124] : memref<10000xf32, #tpu.memory_space<vmem>>[vector<16xi32>], vector<16xf32>,
      %add3A_127 = arith.addf %gather3A_125, %gather3A_126 : vector<16xf32>
      %gt3A_128 = arith.constant 0.000000e+00 : f32
      %gt3A_129 = vector.broadcast %gt3A_128 : f32 to vector<16xf32>
      %gt3A_130 = arith.cmpf ogt, %add3A_127, %gt3A_129 : vector<16xf32>
      %mul3A_131 = arith.constant 2.000000e-01 : f32
      %mul3A_132 = vector.broadcast %mul3A_131 : f32 to vector<16xf32>
      %mul3A_133 = arith.mulf %mul3A_132, %add3A_127 : vector<16xf32>
      %select_n3A_134 = arith.select %gt3A_130, %add3A_127, %mul3A_133 : vector<16xi1>, vector<16xf32>
      %exp3A_135 = math.exp %select_n3A_134 : vector<16xf32>
      %swap3A_136 = arith.constant 16 : index
      %swap3A_137 = tpu.vector_load %arg15[%swap3A_136] {strides = array<i32>} : memref<80xf32, #tpu.memory_space<vmem>>, vector<16xf32>,
      tpu.vector_store %arg15[%swap3A_136], %exp3A_135 {strides = array<i32>} : memref<80xf32, #tpu.memory_space<vmem>>, vector<16xf32>,
      %get3A_138 = arith.constant 24 : i32
      %get3A_139 = arith.index_cast %get3A_138 : i32 to index
      %get3A_140 = arith.constant 32 : index
      %get3A_141 = tpu.vector_load %arg13[%get3A_139, %get3A_140] {strides = array<i32>} : memref<25x80xi32, #tpu.memory_space<vmem>>, vector<16xi32>,
      %get3A_142 = arith.constant 24 : i32
      %get3A_143 = arith.index_cast %get3A_142 : i32 to index
      %get3A_144 = arith.constant 32 : index
      %get3A_145 = tpu.vector_load %arg14[%get3A_143, %get3A_144] {strides = array<i32>} : memref<25x80xi32, #tpu.memory_space<vmem>>, vector<16xi32>,
      %gather3A_146 = tpu.vector_load_idx %arg11[%get3A_141] : memref<10000xf32, #tpu.memory_space<vmem>>[vector<16xi32>], vector<16xf32>,
      %gather3A_147 = tpu.vector_load_idx %arg12[%get3A_145] : memref<10000xf32, #tpu.memory_space<vmem>>[vector<16xi32>], vector<16xf32>,
      %add3A_148 = arith.addf %gather3A_146, %gather3A_147 : vector<16xf32>
      %gt3A_149 = arith.constant 0.000000e+00 : f32
      %gt3A_150 = vector.broadcast %gt3A_149 : f32 to vector<16xf32>
      %gt3A_151 = arith.cmpf ogt, %add3A_148, %gt3A_150 : vector<16xf32>
      %mul3A_152 = arith.constant 2.000000e-01 : f32
      %mul3A_153 = vector.broadcast %mul3A_152 : f32 to vector<16xf32>
      %mul3A_154 = arith.mulf %mul3A_153, %add3A_148 : vector<16xf32>
      %select_n3A_155 = arith.select %gt3A_151, %add3A_148, %mul3A_154 : vector<16xi1>, vector<16xf32>
      %exp3A_156 = math.exp %select_n3A_155 : vector<16xf32>
      %swap3A_157 = arith.constant 32 : index
      %swap3A_158 = tpu.vector_load %arg15[%swap3A_157] {strides = array<i32>} : memref<80xf32, #tpu.memory_space<vmem>>, vector<16xf32>,
      tpu.vector_store %arg15[%swap3A_157], %exp3A_156 {strides = array<i32>} : memref<80xf32, #tpu.memory_space<vmem>>, vector<16xf32>,
      %get3A_159 = arith.constant 24 : i32
      %get3A_160 = arith.index_cast %get3A_159 : i32 to index
      %get3A_161 = arith.constant 48 : index
      %get3A_162 = tpu.vector_load %arg13[%get3A_160, %get3A_161] {strides = array<i32>} : memref<25x80xi32, #tpu.memory_space<vmem>>, vector<16xi32>,
      %get3A_163 = arith.constant 24 : i32
      %get3A_164 = arith.index_cast %get3A_163 : i32 to index
      %get3A_165 = arith.constant 48 : index
      %get3A_166 = tpu.vector_load %arg14[%get3A_164, %get3A_165] {strides = array<i32>} : memref<25x80xi32, #tpu.memory_space<vmem>>, vector<16xi32>,
      %gather3A_167 = tpu.vector_load_idx %arg11[%get3A_162] : memref<10000xf32, #tpu.memory_space<vmem>>[vector<16xi32>], vector<16xf32>,
      %gather3A_168 = tpu.vector_load_idx %arg12[%get3A_166] : memref<10000xf32, #tpu.memory_space<vmem>>[vector<16xi32>], vector<16xf32>,
      %add3A_169 = arith.addf %gather3A_167, %gather3A_168 : vector<16xf32>
      %gt3A_170 = arith.constant 0.000000e+00 : f32
      %gt3A_171 = vector.broadcast %gt3A_170 : f32 to vector<16xf32>
      %gt3A_172 = arith.cmpf ogt, %add3A_169, %gt3A_171 : vector<16xf32>
      %mul3A_173 = arith.constant 2.000000e-01 : f32
      %mul3A_174 = vector.broadcast %mul3A_173 : f32 to vector<16xf32>
      %mul3A_175 = arith.mulf %mul3A_174, %add3A_169 : vector<16xf32>
      %select_n3A_176 = arith.select %gt3A_172, %add3A_169, %mul3A_175 : vector<16xi1>, vector<16xf32>
      %exp3A_177 = math.exp %select_n3A_176 : vector<16xf32>
      %swap3A_178 = arith.constant 48 : index
      %swap3A_179 = tpu.vector_load %arg15[%swap3A_178] {strides = array<i32>} : memref<80xf32, #tpu.memory_space<vmem>>, vector<16xf32>,
      tpu.vector_store %arg15[%swap3A_178], %exp3A_177 {strides = array<i32>} : memref<80xf32, #tpu.memory_space<vmem>>, vector<16xf32>,
      %get3A_180 = arith.constant 24 : i32
      %get3A_181 = arith.index_cast %get3A_180 : i32 to index
      %get3A_182 = arith.constant 64 : index
      %get3A_183 = tpu.vector_load %arg13[%get3A_181, %get3A_182] {strides = array<i32>} : memref<25x80xi32, #tpu.memory_space<vmem>>, vector<16xi32>,
      %get3A_184 = arith.constant 24 : i32
      %get3A_185 = arith.index_cast %get3A_184 : i32 to index
      %get3A_186 = arith.constant 64 : index
      %get3A_187 = tpu.vector_load %arg14[%get3A_185, %get3A_186] {strides = array<i32>} : memref<25x80xi32, #tpu.memory_space<vmem>>, vector<16xi32>,
      %gather3A_188 = tpu.vector_load_idx %arg11[%get3A_183] : memref<10000xf32, #tpu.memory_space<vmem>>[vector<16xi32>], vector<16xf32>,
      %gather3A_189 = tpu.vector_load_idx %arg12[%get3A_187] : memref<10000xf32, #tpu.memory_space<vmem>>[vector<16xi32>], vector<16xf32>,
      %add3A_190 = arith.addf %gather3A_188, %gather3A_189 : vector<16xf32>
      %gt3A_191 = arith.constant 0.000000e+00 : f32
      %gt3A_192 = vector.broadcast %gt3A_191 : f32 to vector<16xf32>
      %gt3A_193 = arith.cmpf ogt, %add3A_190, %gt3A_192 : vector<16xf32>
      %mul3A_194 = arith.constant 2.000000e-01 : f32
      %mul3A_195 = vector.broadcast %mul3A_194 : f32 to vector<16xf32>
      %mul3A_196 = arith.mulf %mul3A_195, %add3A_190 : vector<16xf32>
      %select_n3A_197 = arith.select %gt3A_193, %add3A_190, %mul3A_196 : vector<16xi1>, vector<16xf32>
      %exp3A_198 = math.exp %select_n3A_197 : vector<16xf32>
      %swap3A_199 = arith.constant 64 : index
      %swap3A_200 = tpu.vector_load %arg15[%swap3A_199] {strides = array<i32>} : memref<80xf32, #tpu.memory_space<vmem>>, vector<16xf32>,
      tpu.vector_store %arg15[%swap3A_199], %exp3A_198 {strides = array<i32>} : memref<80xf32, #tpu.memory_space<vmem>>, vector<16xf32>,
      %dma_wait3A_201 = arith.constant 24 : i32
      %dma_wait3A_202 = arith.constant 0 : i32
      %dma_wait3A_203 = tpu.memref_slice %arg13[%dma_wait3A_201, %dma_wait3A_202] : memref<25x80xi32, #tpu.memory_space<vmem>> -> memref<1x80xi32, #tpu.memory_space<vmem>>
      %dma_wait3A_204 = tpu.memref_squeeze %dma_wait3A_203 : memref<1x80xi32, #tpu.memory_space<vmem>> -> memref<80xi32, #tpu.memory_space<vmem>>
      %dma_wait3A_205 = arith.constant 0 : i32
      %dma_wait3A_206 = arith.constant 0 : i32
      %dma_wait3A_207 = tpu.memref_slice %arg2[%dma_wait3A_205, %dma_wait3A_206] : memref<10000x128xf32, #tpu.memory_space<hbm>> -> memref<10000x128xf32, #tpu.memory_space<hbm>>
      tpu.wait_indirect_dma semaphore(%arg19 : memref<!tpu.dma_semaphore, #tpu.memory_space<semaphore_mem>>) src(%dma_wait3A_207 : memref<10000x128xf32, #tpu.memory_space<hbm>>) dst(%arg17 : memref<80x128xf32, #tpu.memory_space<vmem>>)
      %dma_wait3A_208 = arith.constant 24 : i32
      %dma_wait3A_209 = arith.constant 0 : i32
      %dma_wait3A_210 = tpu.memref_slice %arg14[%dma_wait3A_208, %dma_wait3A_209] : memref<25x80xi32, #tpu.memory_space<vmem>> -> memref<1x80xi32, #tpu.memory_space<vmem>>
      %dma_wait3A_211 = tpu.memref_squeeze %dma_wait3A_210 : memref<1x80xi32, #tpu.memory_space<vmem>> -> memref<80xi32, #tpu.memory_space<vmem>>
      %dma_wait3A_212 = arith.constant 0 : i32
      %dma_wait3A_213 = arith.constant 0 : i32
      %dma_wait3A_214 = tpu.memref_slice %arg9[%dma_wait3A_212, %dma_wait3A_213] : memref<10000x128xf32, #tpu.memory_space<vmem_shared>> -> memref<10000x128xf32, #tpu.memory_space<vmem_shared>>
      tpu.wait_indirect_dma semaphore(%arg22 : memref<!tpu.dma_semaphore, #tpu.memory_space<semaphore_mem>>) src(%arg18 : memref<80x128xf32, #tpu.memory_space<vmem>>) dst(%dma_wait3A_214 : memref<10000x128xf32, #tpu.memory_space<vmem_shared>>)
      %parallel_loop3A = arith.constant 0 : i32
      %parallel_loop3A_215 = arith.constant 80 : i32
      %parallel_loop3A_216 = arith.constant 1 : i32
      scf.for %parallel_loop3A_218 = %parallel_loop3A to %parallel_loop3A_215 step %parallel_loop3A_216  : i32 {
        %parallel_loop3A_219 = arith.constant 0 : i32
        %parallel_loop3A_220 = vector.broadcast %parallel_loop3A_219 : i32 to vector<16xi32>
        %parallel_loop3A_221 = vector.broadcast %parallel_loop3A_218 : i32 to vector<16xi32>
        %parallel_loop3A_222 = arith.addi %parallel_loop3A_220, %parallel_loop3A_221 : vector<16xi32>
        %parallel_loop3A_223 = tpu.vector_load_idx %arg15[%parallel_loop3A_222] : memref<80xf32, #tpu.memory_space<vmem>>[vector<16xi32>], vector<16xf32>,
        %parallel_loop3A_224 = arith.index_cast %parallel_loop3A_218 : i32 to index
        %parallel_loop3A_225 = arith.constant 0 : index
        %parallel_loop3A_226 = tpu.vector_load %arg17[%parallel_loop3A_224, %parallel_loop3A_225] {strides = array<i32>} : memref<80x128xf32, #tpu.memory_space<vmem>>, vector<16xf32>,
        %parallel_loop3A_227 = arith.mulf %parallel_loop3A_226, %parallel_loop3A_223 : vector<16xf32>
        %parallel_loop3A_228 = arith.index_cast %parallel_loop3A_218 : i32 to index
        %parallel_loop3A_229 = arith.constant 0 : index
        %parallel_loop3A_230 = tpu.vector_load %arg17[%parallel_loop3A_228, %parallel_loop3A_229] {strides = array<i32>} : memref<80x128xf32, #tpu.memory_space<vmem>>, vector<16xf32>,
        tpu.vector_store %arg17[%parallel_loop3A_228, %parallel_loop3A_229], %parallel_loop3A_227 {strides = array<i32>} : memref<80x128xf32, #tpu.memory_space<vmem>>, vector<16xf32>,
        %parallel_loop3A_231 = arith.index_cast %parallel_loop3A_218 : i32 to index
        %parallel_loop3A_232 = arith.constant 16 : index
        %parallel_loop3A_233 = tpu.vector_load %arg17[%parallel_loop3A_231, %parallel_loop3A_232] {strides = array<i32>} : memref<80x128xf32, #tpu.memory_space<vmem>>, vector<16xf32>,
        %parallel_loop3A_234 = arith.mulf %parallel_loop3A_233, %parallel_loop3A_223 : vector<16xf32>
        %parallel_loop3A_235 = arith.index_cast %parallel_loop3A_218 : i32 to index
        %parallel_loop3A_236 = arith.constant 16 : index
        %parallel_loop3A_237 = tpu.vector_load %arg17[%parallel_loop3A_235, %parallel_loop3A_236] {strides = array<i32>} : memref<80x128xf32, #tpu.memory_space<vmem>>, vector<16xf32>,
        tpu.vector_store %arg17[%parallel_loop3A_235, %parallel_loop3A_236], %parallel_loop3A_234 {strides = array<i32>} : memref<80x128xf32, #tpu.memory_space<vmem>>, vector<16xf32>,
        %parallel_loop3A_238 = arith.index_cast %parallel_loop3A_218 : i32 to index
        %parallel_loop3A_239 = arith.constant 32 : index
        %parallel_loop3A_240 = tpu.vector_load %arg17[%parallel_loop3A_238, %parallel_loop3A_239] {strides = array<i32>} : memref<80x128xf32, #tpu.memory_space<vmem>>, vector<16xf32>,
        %parallel_loop3A_241 = arith.mulf %parallel_loop3A_240, %parallel_loop3A_223 : vector<16xf32>
        %parallel_loop3A_242 = arith.index_cast %parallel_loop3A_218 : i32 to index
        %parallel_loop3A_243 = arith.constant 32 : index
        %parallel_loop3A_244 = tpu.vector_load %arg17[%parallel_loop3A_242, %parallel_loop3A_243] {strides = array<i32>} : memref<80x128xf32, #tpu.memory_space<vmem>>, vector<16xf32>,
        tpu.vector_store %arg17[%parallel_loop3A_242, %parallel_loop3A_243], %parallel_loop3A_241 {strides = array<i32>} : memref<80x128xf32, #tpu.memory_space<vmem>>, vector<16xf32>,
        %parallel_loop3A_245 = arith.index_cast %parallel_loop3A_218 : i32 to index
        %parallel_loop3A_246 = arith.constant 48 : index
        %parallel_loop3A_247 = tpu.vector_load %arg17[%parallel_loop3A_245, %parallel_loop3A_246] {strides = array<i32>} : memref<80x128xf32, #tpu.memory_space<vmem>>, vector<16xf32>,
        %parallel_loop3A_248 = arith.mulf %parallel_loop3A_247, %parallel_loop3A_223 : vector<16xf32>
        %parallel_loop3A_249 = arith.index_cast %parallel_loop3A_218 : i32 to index
        %parallel_loop3A_250 = arith.constant 48 : index
        %parallel_loop3A_251 = tpu.vector_load %arg17[%parallel_loop3A_249, %parallel_loop3A_250] {strides = array<i32>} : memref<80x128xf32, #tpu.memory_space<vmem>>, vector<16xf32>,
        tpu.vector_store %arg17[%parallel_loop3A_249, %parallel_loop3A_250], %parallel_loop3A_248 {strides = array<i32>} : memref<80x128xf32, #tpu.memory_space<vmem>>, vector<16xf32>,
        %parallel_loop3A_252 = arith.index_cast %parallel_loop3A_218 : i32 to index
        %parallel_loop3A_253 = arith.constant 64 : index
        %parallel_loop3A_254 = tpu.vector_load %arg17[%parallel_loop3A_252, %parallel_loop3A_253] {strides = array<i32>} : memref<80x128xf32, #tpu.memory_space<vmem>>, vector<16xf32>,
        %parallel_loop3A_255 = arith.mulf %parallel_loop3A_254, %parallel_loop3A_223 : vector<16xf32>
        %parallel_loop3A_256 = arith.index_cast %parallel_loop3A_218 : i32 to index
        %parallel_loop3A_257 = arith.constant 64 : index
        %parallel_loop3A_258 = tpu.vector_load %arg17[%parallel_loop3A_256, %parallel_loop3A_257] {strides = array<i32>} : memref<80x128xf32, #tpu.memory_space<vmem>>, vector<16xf32>,
        tpu.vector_store %arg17[%parallel_loop3A_256, %parallel_loop3A_257], %parallel_loop3A_255 {strides = array<i32>} : memref<80x128xf32, #tpu.memory_space<vmem>>, vector<16xf32>,
        %parallel_loop3A_259 = arith.index_cast %parallel_loop3A_218 : i32 to index
        %parallel_loop3A_260 = arith.constant 80 : index
        %parallel_loop3A_261 = tpu.vector_load %arg17[%parallel_loop3A_259, %parallel_loop3A_260] {strides = array<i32>} : memref<80x128xf32, #tpu.memory_space<vmem>>, vector<16xf32>,
        %parallel_loop3A_262 = arith.mulf %parallel_loop3A_261, %parallel_loop3A_223 : vector<16xf32>
        %parallel_loop3A_263 = arith.index_cast %parallel_loop3A_218 : i32 to index
        %parallel_loop3A_264 = arith.constant 80 : index
        %parallel_loop3A_265 = tpu.vector_load %arg17[%parallel_loop3A_263, %parallel_loop3A_264] {strides = array<i32>} : memref<80x128xf32, #tpu.memory_space<vmem>>, vector<16xf32>,
        tpu.vector_store %arg17[%parallel_loop3A_263, %parallel_loop3A_264], %parallel_loop3A_262 {strides = array<i32>} : memref<80x128xf32, #tpu.memory_space<vmem>>, vector<16xf32>,
        %parallel_loop3A_266 = arith.index_cast %parallel_loop3A_218 : i32 to index
        %parallel_loop3A_267 = arith.constant 96 : index
        %parallel_loop3A_268 = tpu.vector_load %arg17[%parallel_loop3A_266, %parallel_loop3A_267] {strides = array<i32>} : memref<80x128xf32, #tpu.memory_space<vmem>>, vector<16xf32>,
        %parallel_loop3A_269 = arith.mulf %parallel_loop3A_268, %parallel_loop3A_223 : vector<16xf32>
        %parallel_loop3A_270 = arith.index_cast %parallel_loop3A_218 : i32 to index
        %parallel_loop3A_271 = arith.constant 96 : index
        %parallel_loop3A_272 = tpu.vector_load %arg17[%parallel_loop3A_270, %parallel_loop3A_271] {strides = array<i32>} : memref<80x128xf32, #tpu.memory_space<vmem>>, vector<16xf32>,
        tpu.vector_store %arg17[%parallel_loop3A_270, %parallel_loop3A_271], %parallel_loop3A_269 {strides = array<i32>} : memref<80x128xf32, #tpu.memory_space<vmem>>, vector<16xf32>,
        %parallel_loop3A_273 = arith.index_cast %parallel_loop3A_218 : i32 to index
        %parallel_loop3A_274 = arith.constant 112 : index
        %parallel_loop3A_275 = tpu.vector_load %arg17[%parallel_loop3A_273, %parallel_loop3A_274] {strides = array<i32>} : memref<80x128xf32, #tpu.memory_space<vmem>>, vector<16xf32>,
        %parallel_loop3A_276 = arith.mulf %parallel_loop3A_275, %parallel_loop3A_223 : vector<16xf32>
        %parallel_loop3A_277 = arith.index_cast %parallel_loop3A_218 : i32 to index
        %parallel_loop3A_278 = arith.constant 112 : index
        %parallel_loop3A_279 = tpu.vector_load %arg17[%parallel_loop3A_277, %parallel_loop3A_278] {strides = array<i32>} : memref<80x128xf32, #tpu.memory_space<vmem>>, vector<16xf32>,
        tpu.vector_store %arg17[%parallel_loop3A_277, %parallel_loop3A_278], %parallel_loop3A_276 {strides = array<i32>} : memref<80x128xf32, #tpu.memory_space<vmem>>, vector<16xf32>,
      } {sc.loop_unroll_factor = 4 : i64, sc.parallel_access}
      %run_scoped3A = arith.constant 24 : i32
      "tpu.region"() ({
        %run_scoped3A_218 = tpu.sem_alloc : memref<!tpu.dma_semaphore, #tpu.memory_space<semaphore_mem>>
        %dma_start3A_219 = arith.constant 0 : i32
        %dma_start3A_220 = tpu.memref_slice %arg14[%run_scoped3A, %dma_start3A_219] : memref<25x80xi32, #tpu.memory_space<vmem>> -> memref<1x80xi32, #tpu.memory_space<vmem>>
        %dma_start3A_221 = tpu.memref_squeeze %dma_start3A_220 : memref<1x80xi32, #tpu.memory_space<vmem>> -> memref<80xi32, #tpu.memory_space<vmem>>
        %dma_start3A_222 = arith.constant 0 : i32
        %dma_start3A_223 = arith.constant 0 : i32
        %dma_start3A_224 = tpu.memref_slice %arg9[%dma_start3A_222, %dma_start3A_223] : memref<10000x128xf32, #tpu.memory_space<vmem_shared>> -> memref<10000x128xf32, #tpu.memory_space<vmem_shared>>
        tpu.enqueue_indirect_dma source(%arg17 : memref<80x128xf32, #tpu.memory_space<vmem>>) target(%dma_start3A_224 : memref<10000x128xf32, #tpu.memory_space<vmem_shared>>) offsets(%dma_start3A_221 : memref<80xi32, #tpu.memory_space<vmem>>) semaphore(%run_scoped3A_218 : memref<!tpu.dma_semaphore, #tpu.memory_space<semaphore_mem>>) {add = true}
        %dma_wait3A_225 = arith.constant 0 : i32
        %dma_wait3A_226 = tpu.memref_slice %arg14[%run_scoped3A, %dma_wait3A_225] : memref<25x80xi32, #tpu.memory_space<vmem>> -> memref<1x80xi32, #tpu.memory_space<vmem>>
        %dma_wait3A_227 = tpu.memref_squeeze %dma_wait3A_226 : memref<1x80xi32, #tpu.memory_space<vmem>> -> memref<80xi32, #tpu.memory_space<vmem>>
        %dma_wait3A_228 = arith.constant 0 : i32
        %dma_wait3A_229 = arith.constant 0 : i32
        %dma_wait3A_230 = tpu.memref_slice %arg9[%dma_wait3A_228, %dma_wait3A_229] : memref<10000x128xf32, #tpu.memory_space<vmem_shared>> -> memref<10000x128xf32, #tpu.memory_space<vmem_shared>>
        tpu.wait_indirect_dma semaphore(%run_scoped3A_218 : memref<!tpu.dma_semaphore, #tpu.memory_space<semaphore_mem>>) src(%arg17 : memref<80x128xf32, #tpu.memory_space<vmem>>) dst(%dma_wait3A_230 : memref<10000x128xf32, #tpu.memory_space<vmem_shared>>)
        tpu.yield
      }) : () -> ()
      %run_scoped3A_217 = arith.constant 24 : i32
      "tpu.region"() ({
        %run_scoped3A_218 = tpu.sem_alloc : memref<!tpu.dma_semaphore, #tpu.memory_space<semaphore_mem>>
        %dma_start3A_219 = arith.constant 0 : i32
        %dma_start3A_220 = tpu.memref_slice %arg14[%run_scoped3A_217, %dma_start3A_219] : memref<25x80xi32, #tpu.memory_space<vmem>> -> memref<1x80xi32, #tpu.memory_space<vmem>>
        %dma_start3A_221 = tpu.memref_squeeze %dma_start3A_220 : memref<1x80xi32, #tpu.memory_space<vmem>> -> memref<80xi32, #tpu.memory_space<vmem>>
        %dma_start3A_222 = arith.constant 0 : i32
        %dma_start3A_223 = tpu.memref_slice %arg10[%dma_start3A_222] : memref<10000xf32, #tpu.memory_space<vmem_shared>> -> memref<10000xf32, #tpu.memory_space<vmem_shared>>
        tpu.enqueue_indirect_dma source(%arg15 : memref<80xf32, #tpu.memory_space<vmem>>) target(%dma_start3A_223 : memref<10000xf32, #tpu.memory_space<vmem_shared>>) offsets(%dma_start3A_221 : memref<80xi32, #tpu.memory_space<vmem>>) semaphore(%run_scoped3A_218 : memref<!tpu.dma_semaphore, #tpu.memory_space<semaphore_mem>>) {add = true}
        %dma_wait3A_224 = arith.constant 0 : i32
        %dma_wait3A_225 = tpu.memref_slice %arg14[%run_scoped3A_217, %dma_wait3A_224] : memref<25x80xi32, #tpu.memory_space<vmem>> -> memref<1x80xi32, #tpu.memory_space<vmem>>
        %dma_wait3A_226 = tpu.memref_squeeze %dma_wait3A_225 : memref<1x80xi32, #tpu.memory_space<vmem>> -> memref<80xi32, #tpu.memory_space<vmem>>
        %dma_wait3A_227 = arith.constant 0 : i32
        %dma_wait3A_228 = tpu.memref_slice %arg10[%dma_wait3A_227] : memref<10000xf32, #tpu.memory_space<vmem_shared>> -> memref<10000xf32, #tpu.memory_space<vmem_shared>>
        tpu.wait_indirect_dma semaphore(%run_scoped3A_218 : memref<!tpu.dma_semaphore, #tpu.memory_space<semaphore_mem>>) src(%arg15 : memref<80xf32, #tpu.memory_space<vmem>>) dst(%dma_wait3A_228 : memref<10000xf32, #tpu.memory_space<vmem_shared>>)
        tpu.yield
      }) : () -> ()
    }
    %scan3A_57 = arith.constant 5 : i32
    %dma_wait3A = arith.constant 0 : i32
    %dma_wait3A_58 = arith.constant 0 : i32
    %dma_wait3A_59 = tpu.memref_slice %arg14[%dma_wait3A, %dma_wait3A_58] : memref<25x80xi32, #tpu.memory_space<vmem>> -> memref<1x80xi32, #tpu.memory_space<vmem>>
    %dma_wait3A_60 = tpu.memref_squeeze %dma_wait3A_59 : memref<1x80xi32, #tpu.memory_space<vmem>> -> memref<80xi32, #tpu.memory_space<vmem>>
    %dma_wait3A_61 = arith.constant 0 : i32
    %dma_wait3A_62 = tpu.memref_slice %arg10[%dma_wait3A_61] : memref<10000xf32, #tpu.memory_space<vmem_shared>> -> memref<10000xf32, #tpu.memory_space<vmem_shared>>
    tpu.wait_indirect_dma semaphore(%arg24 : memref<!tpu.dma_semaphore, #tpu.memory_space<semaphore_mem>>) src(%arg16 : memref<80xf32, #tpu.memory_space<vmem>>) dst(%dma_wait3A_62 : memref<10000xf32, #tpu.memory_space<vmem_shared>>)
    %barrier3A_63 = arith.constant 0 : index
    tpu.barrier barrier_id(%barrier3A_63)
    "tpu.region"() ({
      %run_scoped3A = tpu.sem_alloc : memref<!tpu.dma_semaphore, #tpu.memory_space<semaphore_mem>>
      %dma_start3A = arith.constant 0 : i32
      %dma_start3A_69 = tpu.memref_slice %arg7[%arg0, %mul3A_7, %dma_start3A] : memref<2x10000x128xf32, #tpu.memory_space<hbm>> -> memref<1x625x128xf32, #tpu.memory_space<hbm>>
      %dma_start3A_70 = tpu.memref_squeeze %dma_start3A_69 : memref<1x625x128xf32, #tpu.memory_space<hbm>> -> memref<625x128xf32, #tpu.memory_space<hbm>>
      %dma_start3A_71 = arith.constant 0 : i32
      %dma_start3A_72 = tpu.memref_slice %arg9[%mul3A_7, %dma_start3A_71] : memref<10000x128xf32, #tpu.memory_space<vmem_shared>> -> memref<625x128xf32, #tpu.memory_space<vmem_shared>>
      tpu.enqueue_dma source(%dma_start3A_72 : memref<625x128xf32, #tpu.memory_space<vmem_shared>>) target(%dma_start3A_70 : memref<625x128xf32, #tpu.memory_space<hbm>>) target_semaphore(%run_scoped3A : memref<!tpu.dma_semaphore, #tpu.memory_space<semaphore_mem>>)
      %dma_wait3A_73 = arith.constant 0 : i32
      %dma_wait3A_74 = tpu.memref_slice %arg7[%arg0, %mul3A_7, %dma_wait3A_73] : memref<2x10000x128xf32, #tpu.memory_space<hbm>> -> memref<1x625x128xf32, #tpu.memory_space<hbm>>
      %dma_wait3A_75 = tpu.memref_squeeze %dma_wait3A_74 : memref<1x625x128xf32, #tpu.memory_space<hbm>> -> memref<625x128xf32, #tpu.memory_space<hbm>>
      %dma_wait3A_76 = arith.constant 0 : i32
      %dma_wait3A_77 = tpu.memref_slice %arg9[%mul3A_7, %dma_wait3A_76] : memref<10000x128xf32, #tpu.memory_space<vmem_shared>> -> memref<625x128xf32, #tpu.memory_space<vmem_shared>>
      tpu.wait_dma2 semaphore(%run_scoped3A : memref<!tpu.dma_semaphore, #tpu.memory_space<semaphore_mem>>) src(%dma_wait3A_77 : memref<625x128xf32, #tpu.memory_space<vmem_shared>>) dst(%dma_wait3A_75 : memref<625x128xf32, #tpu.memory_space<hbm>>)
      tpu.yield
    }) : () -> ()
    "tpu.region"() ({
      %run_scoped3A = tpu.sem_alloc : memref<!tpu.dma_semaphore, #tpu.memory_space<semaphore_mem>>
      %dma_start3A = tpu.memref_slice %arg8[%arg0, %mul3A_34] : memref<2x10000xf32, #tpu.memory_space<hbm>> -> memref<1x624xf32, #tpu.memory_space<hbm>>
      %dma_start3A_69 = tpu.memref_squeeze %dma_start3A : memref<1x624xf32, #tpu.memory_space<hbm>> -> memref<624xf32, #tpu.memory_space<hbm>>
      %dma_start3A_70 = tpu.memref_slice %arg10[%mul3A_34] : memref<10000xf32, #tpu.memory_space<vmem_shared>> -> memref<624xf32, #tpu.memory_space<vmem_shared>>
      tpu.enqueue_dma source(%dma_start3A_70 : memref<624xf32, #tpu.memory_space<vmem_shared>>) target(%dma_start3A_69 : memref<624xf32, #tpu.memory_space<hbm>>) target_semaphore(%run_scoped3A : memref<!tpu.dma_semaphore, #tpu.memory_space<semaphore_mem>>)
      %dma_wait3A_71 = tpu.memref_slice %arg8[%arg0, %mul3A_34] : memref<2x10000xf32, #tpu.memory_space<hbm>> -> memref<1x624xf32, #tpu.memory_space<hbm>>
      %dma_wait3A_72 = tpu.memref_squeeze %dma_wait3A_71 : memref<1x624xf32, #tpu.memory_space<hbm>> -> memref<624xf32, #tpu.memory_space<hbm>>
      %dma_wait3A_73 = tpu.memref_slice %arg10[%mul3A_34] : memref<10000xf32, #tpu.memory_space<vmem_shared>> -> memref<624xf32, #tpu.memory_space<vmem_shared>>
      tpu.wait_dma2 semaphore(%run_scoped3A : memref<!tpu.dma_semaphore, #tpu.memory_space<semaphore_mem>>) src(%dma_wait3A_73 : memref<624xf32, #tpu.memory_space<vmem_shared>>) dst(%dma_wait3A_72 : memref<624xf32, #tpu.memory_space<hbm>>)
      tpu.yield
    }) : () -> ()
    %eq3A_64 = arith.constant 15 : i32
    %eq3A_65 = arith.cmpi eq, %arg1, %eq3A_64 : i32
    %convert_element_type3A_66 = arith.extui %eq3A_65 : i1 to i32
    %cond3A_67 = arith.constant 0 : i32
    %cond3A_68 = arith.cmpi ne, %convert_element_type3A_66, %cond3A_67 : i32
    scf.if %cond3A_68 {
      "tpu.region"() ({
        %run_scoped3A = tpu.sem_alloc : memref<!tpu.dma_semaphore, #tpu.memory_space<semaphore_mem>>
        %dma_start3A = arith.constant 9984 : i32
        %dma_start3A_69 = tpu.memref_slice %arg8[%arg0, %dma_start3A] : memref<2x10000xf32, #tpu.memory_space<hbm>> -> memref<1x16xf32, #tpu.memory_space<hbm>>
        %dma_start3A_70 = tpu.memref_squeeze %dma_start3A_69 : memref<1x16xf32, #tpu.memory_space<hbm>> -> memref<16xf32, #tpu.memory_space<hbm>>
        %dma_start3A_71 = arith.constant 9984 : i32
        %dma_start3A_72 = tpu.memref_slice %arg10[%dma_start3A_71] : memref<10000xf32, #tpu.memory_space<vmem_shared>> -> memref<16xf32, #tpu.memory_space<vmem_shared>>
        tpu.enqueue_dma source(%dma_start3A_72 : memref<16xf32, #tpu.memory_space<vmem_shared>>) target(%dma_start3A_70 : memref<16xf32, #tpu.memory_space<hbm>>) target_semaphore(%run_scoped3A : memref<!tpu.dma_semaphore, #tpu.memory_space<semaphore_mem>>)
        %dma_wait3A_73 = arith.constant 9984 : i32
        %dma_wait3A_74 = tpu.memref_slice %arg8[%arg0, %dma_wait3A_73] : memref<2x10000xf32, #tpu.memory_space<hbm>> -> memref<1x16xf32, #tpu.memory_space<hbm>>
        %dma_wait3A_75 = tpu.memref_squeeze %dma_wait3A_74 : memref<1x16xf32, #tpu.memory_space<hbm>> -> memref<16xf32, #tpu.memory_space<hbm>>
        %dma_wait3A_76 = arith.constant 9984 : i32
        %dma_wait3A_77 = tpu.memref_slice %arg10[%dma_wait3A_76] : memref<10000xf32, #tpu.memory_space<vmem_shared>> -> memref<16xf32, #tpu.memory_space<vmem_shared>>
        tpu.wait_dma2 semaphore(%run_scoped3A : memref<!tpu.dma_semaphore, #tpu.memory_space<semaphore_mem>>) src(%dma_wait3A_77 : memref<16xf32, #tpu.memory_space<vmem_shared>>) dst(%dma_wait3A_75 : memref<16xf32, #tpu.memory_space<hbm>>)
        tpu.yield
      }) : () -> ()
    } else {
    }
    return
  }
}

#map = affine_map<(d0, d1) -> (0, 0)>
#map1 = affine_map<(d0, d1) -> (0)>
#map2 = affine_map<(d0, d1) -> (0, 0, 0)>
module attributes {stable_mosaic.version = 14 : i64} {
  func.func @_sc_body(%arg0: i32, %arg1: i32, %arg2: memref<10000x128xf32, #tpu.memory_space<hbm>>, %arg3: memref<10000xf32, #tpu.memory_space<hbm>>, %arg4: memref<10000xf32, #tpu.memory_space<hbm>>, %arg5: memref<4000x80xi32, #tpu.memory_space<hbm>>, %arg6: memref<4000x80xi32, #tpu.memory_space<hbm>>, %arg7: memref<2x10000x128xf32, #tpu.memory_space<hbm>>, %arg8: memref<2x10000xf32, #tpu.memory_space<hbm>>, %arg9: memref<10000x128xf32, #tpu.memory_space<vmem_shared>>, %arg10: memref<10000xf32, #tpu.memory_space<vmem_shared>>, %arg11: memref<10000xf32, #tpu.memory_space<vmem>>, %arg12: memref<10000xf32, #tpu.memory_space<vmem>>, %arg13: memref<25x80xi32, #tpu.memory_space<vmem>>, %arg14: memref<25x80xi32, #tpu.memory_space<vmem>>, %arg15: memref<80xf32, #tpu.memory_space<vmem>>, %arg16: memref<80xf32, #tpu.memory_space<vmem>>, %arg17: memref<80x128xf32, #tpu.memory_space<vmem>>, %arg18: memref<80x128xf32, #tpu.memory_space<vmem>>, %arg19: memref<!tpu.dma_semaphore, #tpu.memory_space<semaphore_mem>>, %arg20: memref<!tpu.dma_semaphore, #tpu.memory_space<semaphore_mem>>, %arg21: memref<!tpu.dma_semaphore, #tpu.memory_space<semaphore_mem>>, %arg22: memref<!tpu.dma_semaphore, #tpu.memory_space<semaphore_mem>>, %arg23: memref<!tpu.dma_semaphore, #tpu.memory_space<semaphore_mem>>, %arg24: memref<!tpu.dma_semaphore, #tpu.memory_space<semaphore_mem>>) attributes {dimension_semantics = [#tpu.dimension_semantics<core_parallel>, #tpu.dimension_semantics<subcore_parallel>], iteration_bounds = array<i64: 2, 16>, scalar_prefetch = 0 : i64, scratch_operands = 16 : i64, tpu.core_type = #tpu.core_type<sc_vector_subcore>, window_params = [{transform_indices = #map}, {transform_indices = #map1}, {transform_indices = #map1}, {transform_indices = #map}, {transform_indices = #map}, {transform_indices = #map2}, {transform_indices = #map}]} {
    %mul3A = arith.constant 2 : i32
    %mul3A_0 = arith.muli %arg1, %mul3A : i32
    %add3A = arith.addi %mul3A_0, %arg0 : i32
    %broadcast_in_dim3A = arith.constant 0.000000e+00 : f32
    %broadcast_in_dim3A_1 = vector.broadcast %broadcast_in_dim3A : f32 to vector<16xf32>
    %scan3A = arith.constant 0 : i32
    %scan3A_2 = arith.constant 80 : i32
    %scan3A_3 = arith.addi %scan3A, %scan3A_2 : i32
    %scan3A_4 = arith.constant 1 : i32
    scf.for %scan3A_69 = %scan3A to %scan3A_3 step %scan3A_4  : i32 {
      %mul3A_70 = arith.constant 1 : i32
      %mul3A_71 = arith.muli %scan3A_69, %mul3A_70 : i32
      %add3A_72 = arith.constant 0 : i32
      %add3A_73 = arith.addi %add3A_72, %mul3A_71 : i32
      %swap3A_74 = arith.index_cast %add3A_73 : i32 to index
      %swap3A_75 = arith.constant 0 : index
      %swap3A_76 = tpu.vector_load %arg17[%swap3A_74, %swap3A_75] {strides = array<i32>} : memref<80x128xf32, #tpu.memory_space<vmem>>, vector<16xf32>,
      tpu.vector_store %arg17[%swap3A_74, %swap3A_75], %broadcast_in_dim3A_1 {strides = array<i32>} : memref<80x128xf32, #tpu.memory_space<vmem>>, vector<16xf32>,
      %swap3A_77 = arith.index_cast %add3A_73 : i32 to index
      %swap3A_78 = arith.constant 16 : index
      %swap3A_79 = tpu.vector_load %arg17[%swap3A_77, %swap3A_78] {strides = array<i32>} : memref<80x128xf32, #tpu.memory_space<vmem>>, vector<16xf32>,
      tpu.vector_store %arg17[%swap3A_77, %swap3A_78], %broadcast_in_dim3A_1 {strides = array<i32>} : memref<80x128xf32, #tpu.memory_space<vmem>>, vector<16xf32>,
      %swap3A_80 = arith.index_cast %add3A_73 : i32 to index
      %swap3A_81 = arith.constant 32 : index
      %swap3A_82 = tpu.vector_load %arg17[%swap3A_80, %swap3A_81] {strides = array<i32>} : memref<80x128xf32, #tpu.memory_space<vmem>>, vector<16xf32>,
      tpu.vector_store %arg17[%swap3A_80, %swap3A_81], %broadcast_in_dim3A_1 {strides = array<i32>} : memref<80x128xf32, #tpu.memory_space<vmem>>, vector<16xf32>,
      %swap3A_83 = arith.index_cast %add3A_73 : i32 to index
      %swap3A_84 = arith.constant 48 : index
      %swap3A_85 = tpu.vector_load %arg17[%swap3A_83, %swap3A_84] {strides = array<i32>} : memref<80x128xf32, #tpu.memory_space<vmem>>, vector<16xf32>,
      tpu.vector_store %arg17[%swap3A_83, %swap3A_84], %broadcast_in_dim3A_1 {strides = array<i32>} : memref<80x128xf32, #tpu.memory_space<vmem>>, vector<16xf32>,
      %swap3A_86 = arith.index_cast %add3A_73 : i32 to index
      %swap3A_87 = arith.constant 64 : index
      %swap3A_88 = tpu.vector_load %arg17[%swap3A_86, %swap3A_87] {strides = array<i32>} : memref<80x128xf32, #tpu.memory_space<vmem>>, vector<16xf32>,
      tpu.vector_store %arg17[%swap3A_86, %swap3A_87], %broadcast_in_dim3A_1 {strides = array<i32>} : memref<80x128xf32, #tpu.memory_space<vmem>>, vector<16xf32>,
      %swap3A_89 = arith.index_cast %add3A_73 : i32 to index
      %swap3A_90 = arith.constant 80 : index
      %swap3A_91 = tpu.vector_load %arg17[%swap3A_89, %swap3A_90] {strides = array<i32>} : memref<80x128xf32, #tpu.memory_space<vmem>>, vector<16xf32>,
      tpu.vector_store %arg17[%swap3A_89, %swap3A_90], %broadcast_in_dim3A_1 {strides = array<i32>} : memref<80x128xf32, #tpu.memory_space<vmem>>, vector<16xf32>,
      %swap3A_92 = arith.index_cast %add3A_73 : i32 to index
      %swap3A_93 = arith.constant 96 : index
      %swap3A_94 = tpu.vector_load %arg17[%swap3A_92, %swap3A_93] {strides = array<i32>} : memref<80x128xf32, #tpu.memory_space<vmem>>, vector<16xf32>,
      tpu.vector_store %arg17[%swap3A_92, %swap3A_93], %broadcast_in_dim3A_1 {strides = array<i32>} : memref<80x128xf32, #tpu.memory_space<vmem>>, vector<16xf32>,
      %swap3A_95 = arith.index_cast %add3A_73 : i32 to index
      %swap3A_96 = arith.constant 112 : index
      %swap3A_97 = tpu.vector_load %arg17[%swap3A_95, %swap3A_96] {strides = array<i32>} : memref<80x128xf32, #tpu.memory_space<vmem>>, vector<16xf32>,
      tpu.vector_store %arg17[%swap3A_95, %swap3A_96], %broadcast_in_dim3A_1 {strides = array<i32>} : memref<80x128xf32, #tpu.memory_space<vmem>>, vector<16xf32>,
    }
    %scan3A_5 = arith.constant 80 : i32
    %mul3A_6 = arith.constant 625 : i32
    %mul3A_7 = arith.muli %arg1, %mul3A_6 : i32
    %add3A_8 = arith.constant 0 : i32
    %add3A_9 = arith.addi %mul3A_7, %add3A_8 : i32
    "tpu.region"() ({
      %run_scoped3A = tpu.sem_alloc : memref<!tpu.dma_semaphore, #tpu.memory_space<semaphore_mem>>
      %dma_start3A = arith.constant 0 : i32
      %dma_start3A_69 = tpu.memref_slice %arg9[%add3A_9, %dma_start3A] : memref<10000x128xf32, #tpu.memory_space<vmem_shared>> -> memref<80x128xf32, #tpu.memory_space<vmem_shared>>
      %dma_start3A_70 = arith.constant 0 : i32
      %dma_start3A_71 = tpu.memref_slice %arg9[%add3A_9, %dma_start3A_70] : memref<10000x128xf32, #tpu.memory_space<vmem_shared>> -> memref<80x128xf32, #tpu.memory_space<vmem_shared>>
      tpu.enqueue_dma source(%arg17 : memref<80x128xf32, #tpu.memory_space<vmem>>) target(%dma_start3A_71 : memref<80x128xf32, #tpu.memory_space<vmem_shared>>) target_semaphore(%run_scoped3A : memref<!tpu.dma_semaphore, #tpu.memory_space<semaphore_mem>>)
      %dma_wait3A_72 = arith.constant 0 : i32
      %dma_wait3A_73 = tpu.memref_slice %arg9[%add3A_9, %dma_wait3A_72] : memref<10000x128xf32, #tpu.memory_space<vmem_shared>> -> memref<80x128xf32, #tpu.memory_space<vmem_shared>>
      %dma_wait3A_74 = arith.constant 0 : i32
      %dma_wait3A_75 = tpu.memref_slice %arg9[%add3A_9, %dma_wait3A_74] : memref<10000x128xf32, #tpu.memory_space<vmem_shared>> -> memref<80x128xf32, #tpu.memory_space<vmem_shared>>
      tpu.wait_dma2 semaphore(%run_scoped3A : memref<!tpu.dma_semaphore, #tpu.memory_space<semaphore_mem>>) src(%arg17 : memref<80x128xf32, #tpu.memory_space<vmem>>) dst(%dma_wait3A_75 : memref<80x128xf32, #tpu.memory_space<vmem_shared>>)
      tpu.yield
    }) : () -> ()
    %add3A_10 = arith.constant 80 : i32
    %add3A_11 = arith.addi %mul3A_7, %add3A_10 : i32
    "tpu.region"() ({
      %run_scoped3A = tpu.sem_alloc : memref<!tpu.dma_semaphore, #tpu.memory_space<semaphore_mem>>
      %dma_start3A = arith.constant 0 : i32
      %dma_start3A_69 = tpu.memref_slice %arg9[%add3A_11, %dma_start3A] : memref<10000x128xf32, #tpu.memory_space<vmem_shared>> -> memref<80x128xf32, #tpu.memory_space<vmem_shared>>
      %dma_start3A_70 = arith.constant 0 : i32
      %dma_start3A_71 = tpu.memref_slice %arg9[%add3A_11, %dma_start3A_70] : memref<10000x128xf32, #tpu.memory_space<vmem_shared>> -> memref<80x128xf32, #tpu.memory_space<vmem_shared>>
      tpu.enqueue_dma source(%arg17 : memref<80x128xf32, #tpu.memory_space<vmem>>) target(%dma_start3A_71 : memref<80x128xf32, #tpu.memory_space<vmem_shared>>) target_semaphore(%run_scoped3A : memref<!tpu.dma_semaphore, #tpu.memory_space<semaphore_mem>>)
      %dma_wait3A_72 = arith.constant 0 : i32
      %dma_wait3A_73 = tpu.memref_slice %arg9[%add3A_11, %dma_wait3A_72] : memref<10000x128xf32, #tpu.memory_space<vmem_shared>> -> memref<80x128xf32, #tpu.memory_space<vmem_shared>>
      %dma_wait3A_74 = arith.constant 0 : i32
      %dma_wait3A_75 = tpu.memref_slice %arg9[%add3A_11, %dma_wait3A_74] : memref<10000x128xf32, #tpu.memory_space<vmem_shared>> -> memref<80x128xf32, #tpu.memory_space<vmem_shared>>
      tpu.wait_dma2 semaphore(%run_scoped3A : memref<!tpu.dma_semaphore, #tpu.memory_space<semaphore_mem>>) src(%arg17 : memref<80x128xf32, #tpu.memory_space<vmem>>) dst(%dma_wait3A_75 : memref<80x128xf32, #tpu.memory_space<vmem_shared>>)
      tpu.yield
    }) : () -> ()
    %add3A_12 = arith.constant 160 : i32
    %add3A_13 = arith.addi %mul3A_7, %add3A_12 : i32
    "tpu.region"() ({
      %run_scoped3A = tpu.sem_alloc : memref<!tpu.dma_semaphore, #tpu.memory_space<semaphore_mem>>
      %dma_start3A = arith.constant 0 : i32
      %dma_start3A_69 = tpu.memref_slice %arg9[%add3A_13, %dma_start3A] : memref<10000x128xf32, #tpu.memory_space<vmem_shared>> -> memref<80x128xf32, #tpu.memory_space<vmem_shared>>
      %dma_start3A_70 = arith.constant 0 : i32
      %dma_start3A_71 = tpu.memref_slice %arg9[%add3A_13, %dma_start3A_70] : memref<10000x128xf32, #tpu.memory_space<vmem_shared>> -> memref<80x128xf32, #tpu.memory_space<vmem_shared>>
      tpu.enqueue_dma source(%arg17 : memref<80x128xf32, #tpu.memory_space<vmem>>) target(%dma_start3A_71 : memref<80x128xf32, #tpu.memory_space<vmem_shared>>) target_semaphore(%run_scoped3A : memref<!tpu.dma_semaphore, #tpu.memory_space<semaphore_mem>>)
      %dma_wait3A_72 = arith.constant 0 : i32
      %dma_wait3A_73 = tpu.memref_slice %arg9[%add3A_13, %dma_wait3A_72] : memref<10000x128xf32, #tpu.memory_space<vmem_shared>> -> memref<80x128xf32, #tpu.memory_space<vmem_shared>>
      %dma_wait3A_74 = arith.constant 0 : i32
      %dma_wait3A_75 = tpu.memref_slice %arg9[%add3A_13, %dma_wait3A_74] : memref<10000x128xf32, #tpu.memory_space<vmem_shared>> -> memref<80x128xf32, #tpu.memory_space<vmem_shared>>
      tpu.wait_dma2 semaphore(%run_scoped3A : memref<!tpu.dma_semaphore, #tpu.memory_space<semaphore_mem>>) src(%arg17 : memref<80x128xf32, #tpu.memory_space<vmem>>) dst(%dma_wait3A_75 : memref<80x128xf32, #tpu.memory_space<vmem_shared>>)
      tpu.yield
    }) : () -> ()
    %add3A_14 = arith.constant 240 : i32
    %add3A_15 = arith.addi %mul3A_7, %add3A_14 : i32
    "tpu.region"() ({
      %run_scoped3A = tpu.sem_alloc : memref<!tpu.dma_semaphore, #tpu.memory_space<semaphore_mem>>
      %dma_start3A = arith.constant 0 : i32
      %dma_start3A_69 = tpu.memref_slice %arg9[%add3A_15, %dma_start3A] : memref<10000x128xf32, #tpu.memory_space<vmem_shared>> -> memref<80x128xf32, #tpu.memory_space<vmem_shared>>
      %dma_start3A_70 = arith.constant 0 : i32
      %dma_start3A_71 = tpu.memref_slice %arg9[%add3A_15, %dma_start3A_70] : memref<10000x128xf32, #tpu.memory_space<vmem_shared>> -> memref<80x128xf32, #tpu.memory_space<vmem_shared>>
      tpu.enqueue_dma source(%arg17 : memref<80x128xf32, #tpu.memory_space<vmem>>) target(%dma_start3A_71 : memref<80x128xf32, #tpu.memory_space<vmem_shared>>) target_semaphore(%run_scoped3A : memref<!tpu.dma_semaphore, #tpu.memory_space<semaphore_mem>>)
      %dma_wait3A_72 = arith.constant 0 : i32
      %dma_wait3A_73 = tpu.memref_slice %arg9[%add3A_15, %dma_wait3A_72] : memref<10000x128xf32, #tpu.memory_space<vmem_shared>> -> memref<80x128xf32, #tpu.memory_space<vmem_shared>>
      %dma_wait3A_74 = arith.constant 0 : i32
      %dma_wait3A_75 = tpu.memref_slice %arg9[%add3A_15, %dma_wait3A_74] : memref<10000x128xf32, #tpu.memory_space<vmem_shared>> -> memref<80x128xf32, #tpu.memory_space<vmem_shared>>
      tpu.wait_dma2 semaphore(%run_scoped3A : memref<!tpu.dma_semaphore, #tpu.memory_space<semaphore_mem>>) src(%arg17 : memref<80x128xf32, #tpu.memory_space<vmem>>) dst(%dma_wait3A_75 : memref<80x128xf32, #tpu.memory_space<vmem_shared>>)
      tpu.yield
    }) : () -> ()
    %add3A_16 = arith.constant 320 : i32
    %add3A_17 = arith.addi %mul3A_7, %add3A_16 : i32
    "tpu.region"() ({
      %run_scoped3A = tpu.sem_alloc : memref<!tpu.dma_semaphore, #tpu.memory_space<semaphore_mem>>
      %dma_start3A = arith.constant 0 : i32
      %dma_start3A_69 = tpu.memref_slice %arg9[%add3A_17, %dma_start3A] : memref<10000x128xf32, #tpu.memory_space<vmem_shared>> -> memref<80x128xf32, #tpu.memory_space<vmem_shared>>
      %dma_start3A_70 = arith.constant 0 : i32
      %dma_start3A_71 = tpu.memref_slice %arg9[%add3A_17, %dma_start3A_70] : memref<10000x128xf32, #tpu.memory_space<vmem_shared>> -> memref<80x128xf32, #tpu.memory_space<vmem_shared>>
      tpu.enqueue_dma source(%arg17 : memref<80x128xf32, #tpu.memory_space<vmem>>) target(%dma_start3A_71 : memref<80x128xf32, #tpu.memory_space<vmem_shared>>) target_semaphore(%run_scoped3A : memref<!tpu.dma_semaphore, #tpu.memory_space<semaphore_mem>>)
      %dma_wait3A_72 = arith.constant 0 : i32
      %dma_wait3A_73 = tpu.memref_slice %arg9[%add3A_17, %dma_wait3A_72] : memref<10000x128xf32, #tpu.memory_space<vmem_shared>> -> memref<80x128xf32, #tpu.memory_space<vmem_shared>>
      %dma_wait3A_74 = arith.constant 0 : i32
      %dma_wait3A_75 = tpu.memref_slice %arg9[%add3A_17, %dma_wait3A_74] : memref<10000x128xf32, #tpu.memory_space<vmem_shared>> -> memref<80x128xf32, #tpu.memory_space<vmem_shared>>
      tpu.wait_dma2 semaphore(%run_scoped3A : memref<!tpu.dma_semaphore, #tpu.memory_space<semaphore_mem>>) src(%arg17 : memref<80x128xf32, #tpu.memory_space<vmem>>) dst(%dma_wait3A_75 : memref<80x128xf32, #tpu.memory_space<vmem_shared>>)
      tpu.yield
    }) : () -> ()
    %add3A_18 = arith.constant 400 : i32
    %add3A_19 = arith.addi %mul3A_7, %add3A_18 : i32
    "tpu.region"() ({
      %run_scoped3A = tpu.sem_alloc : memref<!tpu.dma_semaphore, #tpu.memory_space<semaphore_mem>>
      %dma_start3A = arith.constant 0 : i32
      %dma_start3A_69 = tpu.memref_slice %arg9[%add3A_19, %dma_start3A] : memref<10000x128xf32, #tpu.memory_space<vmem_shared>> -> memref<80x128xf32, #tpu.memory_space<vmem_shared>>
      %dma_start3A_70 = arith.constant 0 : i32
      %dma_start3A_71 = tpu.memref_slice %arg9[%add3A_19, %dma_start3A_70] : memref<10000x128xf32, #tpu.memory_space<vmem_shared>> -> memref<80x128xf32, #tpu.memory_space<vmem_shared>>
      tpu.enqueue_dma source(%arg17 : memref<80x128xf32, #tpu.memory_space<vmem>>) target(%dma_start3A_71 : memref<80x128xf32, #tpu.memory_space<vmem_shared>>) target_semaphore(%run_scoped3A : memref<!tpu.dma_semaphore, #tpu.memory_space<semaphore_mem>>)
      %dma_wait3A_72 = arith.constant 0 : i32
      %dma_wait3A_73 = tpu.memref_slice %arg9[%add3A_19, %dma_wait3A_72] : memref<10000x128xf32, #tpu.memory_space<vmem_shared>> -> memref<80x128xf32, #tpu.memory_space<vmem_shared>>
      %dma_wait3A_74 = arith.constant 0 : i32
      %dma_wait3A_75 = tpu.memref_slice %arg9[%add3A_19, %dma_wait3A_74] : memref<10000x128xf32, #tpu.memory_space<vmem_shared>> -> memref<80x128xf32, #tpu.memory_space<vmem_shared>>
      tpu.wait_dma2 semaphore(%run_scoped3A : memref<!tpu.dma_semaphore, #tpu.memory_space<semaphore_mem>>) src(%arg17 : memref<80x128xf32, #tpu.memory_space<vmem>>) dst(%dma_wait3A_75 : memref<80x128xf32, #tpu.memory_space<vmem_shared>>)
      tpu.yield
    }) : () -> ()
    %add3A_20 = arith.constant 480 : i32
    %add3A_21 = arith.addi %mul3A_7, %add3A_20 : i32
    "tpu.region"() ({
      %run_scoped3A = tpu.sem_alloc : memref<!tpu.dma_semaphore, #tpu.memory_space<semaphore_mem>>
      %dma_start3A = arith.constant 0 : i32
      %dma_start3A_69 = tpu.memref_slice %arg9[%add3A_21, %dma_start3A] : memref<10000x128xf32, #tpu.memory_space<vmem_shared>> -> memref<80x128xf32, #tpu.memory_space<vmem_shared>>
      %dma_start3A_70 = arith.constant 0 : i32
      %dma_start3A_71 = tpu.memref_slice %arg9[%add3A_21, %dma_start3A_70] : memref<10000x128xf32, #tpu.memory_space<vmem_shared>> -> memref<80x128xf32, #tpu.memory_space<vmem_shared>>
      tpu.enqueue_dma source(%arg17 : memref<80x128xf32, #tpu.memory_space<vmem>>) target(%dma_start3A_71 : memref<80x128xf32, #tpu.memory_space<vmem_shared>>) target_semaphore(%run_scoped3A : memref<!tpu.dma_semaphore, #tpu.memory_space<semaphore_mem>>)
      %dma_wait3A_72 = arith.constant 0 : i32
      %dma_wait3A_73 = tpu.memref_slice %arg9[%add3A_21, %dma_wait3A_72] : memref<10000x128xf32, #tpu.memory_space<vmem_shared>> -> memref<80x128xf32, #tpu.memory_space<vmem_shared>>
      %dma_wait3A_74 = arith.constant 0 : i32
      %dma_wait3A_75 = tpu.memref_slice %arg9[%add3A_21, %dma_wait3A_74] : memref<10000x128xf32, #tpu.memory_space<vmem_shared>> -> memref<80x128xf32, #tpu.memory_space<vmem_shared>>
      tpu.wait_dma2 semaphore(%run_scoped3A : memref<!tpu.dma_semaphore, #tpu.memory_space<semaphore_mem>>) src(%arg17 : memref<80x128xf32, #tpu.memory_space<vmem>>) dst(%dma_wait3A_75 : memref<80x128xf32, #tpu.memory_space<vmem_shared>>)
      tpu.yield
    }) : () -> ()
    %add3A_22 = arith.constant 560 : i32
    %add3A_23 = arith.addi %mul3A_7, %add3A_22 : i32
    "tpu.region"() ({
      %run_scoped3A = tpu.sem_alloc : memref<!tpu.dma_semaphore, #tpu.memory_space<semaphore_mem>>
      %dma_start3A = arith.constant 0 : i32
      %dma_start3A_69 = arith.constant 0 : i32
      %dma_start3A_70 = tpu.memref_slice %arg17[%dma_start3A, %dma_start3A_69] : memref<80x128xf32, #tpu.memory_space<vmem>> -> memref<65x128xf32, #tpu.memory_space<vmem>>
      %dma_start3A_71 = arith.constant 0 : i32
      %dma_start3A_72 = tpu.memref_slice %arg9[%add3A_23, %dma_start3A_71] : memref<10000x128xf32, #tpu.memory_space<vmem_shared>> -> memref<65x128xf32, #tpu.memory_space<vmem_shared>>
      %dma_start3A_73 = arith.constant 0 : i32
      %dma_start3A_74 = tpu.memref_slice %arg9[%add3A_23, %dma_start3A_73] : memref<10000x128xf32, #tpu.memory_space<vmem_shared>> -> memref<65x128xf32, #tpu.memory_space<vmem_shared>>
      %dma_start3A_75 = arith.constant 0 : i32
      %dma_start3A_76 = arith.constant 0 : i32
      %dma_start3A_77 = tpu.memref_slice %arg17[%dma_start3A_75, %dma_start3A_76] : memref<80x128xf32, #tpu.memory_space<vmem>> -> memref<65x128xf32, #tpu.memory_space<vmem>>
      tpu.enqueue_dma source(%dma_start3A_77 : memref<65x128xf32, #tpu.memory_space<vmem>>) target(%dma_start3A_74 : memref<65x128xf32, #tpu.memory_space<vmem_shared>>) target_semaphore(%run_scoped3A : memref<!tpu.dma_semaphore, #tpu.memory_space<semaphore_mem>>)
      %dma_wait3A_78 = arith.constant 0 : i32
      %dma_wait3A_79 = arith.constant 0 : i32
      %dma_wait3A_80 = tpu.memref_slice %arg17[%dma_wait3A_78, %dma_wait3A_79] : memref<80x128xf32, #tpu.memory_space<vmem>> -> memref<65x128xf32, #tpu.memory_space<vmem>>
      %dma_wait3A_81 = arith.constant 0 : i32
      %dma_wait3A_82 = tpu.memref_slice %arg9[%add3A_23, %dma_wait3A_81] : memref<10000x128xf32, #tpu.memory_space<vmem_shared>> -> memref<65x128xf32, #tpu.memory_space<vmem_shared>>
      %dma_wait3A_83 = arith.constant 0 : i32
      %dma_wait3A_84 = tpu.memref_slice %arg9[%add3A_23, %dma_wait3A_83] : memref<10000x128xf32, #tpu.memory_space<vmem_shared>> -> memref<65x128xf32, #tpu.memory_space<vmem_shared>>
      %dma_wait3A_85 = arith.constant 0 : i32
      %dma_wait3A_86 = arith.constant 0 : i32
      %dma_wait3A_87 = tpu.memref_slice %arg17[%dma_wait3A_85, %dma_wait3A_86] : memref<80x128xf32, #tpu.memory_space<vmem>> -> memref<65x128xf32, #tpu.memory_space<vmem>>
      tpu.wait_dma2 semaphore(%run_scoped3A : memref<!tpu.dma_semaphore, #tpu.memory_space<semaphore_mem>>) src(%dma_wait3A_87 : memref<65x128xf32, #tpu.memory_space<vmem>>) dst(%dma_wait3A_84 : memref<65x128xf32, #tpu.memory_space<vmem_shared>>)
      tpu.yield
    }) : () -> ()
    %swap3A = arith.constant 0 : index
    %swap3A_24 = tpu.vector_load %arg15[%swap3A] {strides = array<i32>} : memref<80xf32, #tpu.memory_space<vmem>>, vector<16xf32>,
    tpu.vector_store %arg15[%swap3A], %broadcast_in_dim3A_1 {strides = array<i32>} : memref<80xf32, #tpu.memory_space<vmem>>, vector<16xf32>,
    %swap3A_25 = arith.constant 16 : index
    %swap3A_26 = tpu.vector_load %arg15[%swap3A_25] {strides = array<i32>} : memref<80xf32, #tpu.memory_space<vmem>>, vector<16xf32>,
    tpu.vector_store %arg15[%swap3A_25], %broadcast_in_dim3A_1 {strides = array<i32>} : memref<80xf32, #tpu.memory_space<vmem>>, vector<16xf32>,
    %swap3A_27 = arith.constant 32 : index
    %swap3A_28 = tpu.vector_load %arg15[%swap3A_27] {strides = array<i32>} : memref<80xf32, #tpu.memory_space<vmem>>, vector<16xf32>,
    tpu.vector_store %arg15[%swap3A_27], %broadcast_in_dim3A_1 {strides = array<i32>} : memref<80xf32, #tpu.memory_space<vmem>>, vector<16xf32>,
    %swap3A_29 = arith.constant 48 : index
    %swap3A_30 = tpu.vector_load %arg15[%swap3A_29] {strides = array<i32>} : memref<80xf32, #tpu.memory_space<vmem>>, vector<16xf32>,
    tpu.vector_store %arg15[%swap3A_29], %broadcast_in_dim3A_1 {strides = array<i32>} : memref<80xf32, #tpu.memory_space<vmem>>, vector<16xf32>,
    %swap3A_31 = arith.constant 64 : index
    %swap3A_32 = tpu.vector_load %arg15[%swap3A_31] {strides = array<i32>} : memref<80xf32, #tpu.memory_space<vmem>>, vector<16xf32>,
    tpu.vector_store %arg15[%swap3A_31], %broadcast_in_dim3A_1 {strides = array<i32>} : memref<80xf32, #tpu.memory_space<vmem>>, vector<16xf32>,
    %mul3A_33 = arith.constant 624 : i32
    %mul3A_34 = arith.muli %arg1, %mul3A_33 : i32
    %add3A_35 = arith.constant 0 : i32
    %add3A_36 = arith.addi %mul3A_34, %add3A_35 : i32
    "tpu.region"() ({
      %run_scoped3A = tpu.sem_alloc : memref<!tpu.dma_semaphore, #tpu.memory_space<semaphore_mem>>
      %dma_start3A = tpu.memref_slice %arg10[%add3A_36] : memref<10000xf32, #tpu.memory_space<vmem_shared>> -> memref<80xf32, #tpu.memory_space<vmem_shared>>
      %dma_start3A_69 = tpu.memref_slice %arg10[%add3A_36] : memref<10000xf32, #tpu.memory_space<vmem_shared>> -> memref<80xf32, #tpu.memory_space<vmem_shared>>
      tpu.enqueue_dma source(%arg15 : memref<80xf32, #tpu.memory_space<vmem>>) target(%dma_start3A_69 : memref<80xf32, #tpu.memory_space<vmem_shared>>) target_semaphore(%run_scoped3A : memref<!tpu.dma_semaphore, #tpu.memory_space<semaphore_mem>>)
      %dma_wait3A_70 = tpu.memref_slice %arg10[%add3A_36] : memref<10000xf32, #tpu.memory_space<vmem_shared>> -> memref<80xf32, #tpu.memory_space<vmem_shared>>
      %dma_wait3A_71 = tpu.memref_slice %arg10[%add3A_36] : memref<10000xf32, #tpu.memory_space<vmem_shared>> -> memref<80xf32, #tpu.memory_space<vmem_shared>>
      tpu.wait_dma2 semaphore(%run_scoped3A : memref<!tpu.dma_semaphore, #tpu.memory_space<semaphore_mem>>) src(%arg15 : memref<80xf32, #tpu.memory_space<vmem>>) dst(%dma_wait3A_71 : memref<80xf32, #tpu.memory_space<vmem_shared>>)
      tpu.yield
    }) : () -> ()
    %add3A_37 = arith.constant 80 : i32
    %add3A_38 = arith.addi %mul3A_34, %add3A_37 : i32
    "tpu.region"() ({
      %run_scoped3A = tpu.sem_alloc : memref<!tpu.dma_semaphore, #tpu.memory_space<semaphore_mem>>
      %dma_start3A = tpu.memref_slice %arg10[%add3A_38] : memref<10000xf32, #tpu.memory_space<vmem_shared>> -> memref<80xf32, #tpu.memory_space<vmem_shared>>
      %dma_start3A_69 = tpu.memref_slice %arg10[%add3A_38] : memref<10000xf32, #tpu.memory_space<vmem_shared>> -> memref<80xf32, #tpu.memory_space<vmem_shared>>
      tpu.enqueue_dma source(%arg15 : memref<80xf32, #tpu.memory_space<vmem>>) target(%dma_start3A_69 : memref<80xf32, #tpu.memory_space<vmem_shared>>) target_semaphore(%run_scoped3A : memref<!tpu.dma_semaphore, #tpu.memory_space<semaphore_mem>>)
      %dma_wait3A_70 = tpu.memref_slice %arg10[%add3A_38] : memref<10000xf32, #tpu.memory_space<vmem_shared>> -> memref<80xf32, #tpu.memory_space<vmem_shared>>
      %dma_wait3A_71 = tpu.memref_slice %arg10[%add3A_38] : memref<10000xf32, #tpu.memory_space<vmem_shared>> -> memref<80xf32, #tpu.memory_space<vmem_shared>>
      tpu.wait_dma2 semaphore(%run_scoped3A : memref<!tpu.dma_semaphore, #tpu.memory_space<semaphore_mem>>) src(%arg15 : memref<80xf32, #tpu.memory_space<vmem>>) dst(%dma_wait3A_71 : memref<80xf32, #tpu.memory_space<vmem_shared>>)
      tpu.yield
    }) : () -> ()
    %add3A_39 = arith.constant 160 : i32
    %add3A_40 = arith.addi %mul3A_34, %add3A_39 : i32
    "tpu.region"() ({
      %run_scoped3A = tpu.sem_alloc : memref<!tpu.dma_semaphore, #tpu.memory_space<semaphore_mem>>
      %dma_start3A = tpu.memref_slice %arg10[%add3A_40] : memref<10000xf32, #tpu.memory_space<vmem_shared>> -> memref<80xf32, #tpu.memory_space<vmem_shared>>
      %dma_start3A_69 = tpu.memref_slice %arg10[%add3A_40] : memref<10000xf32, #tpu.memory_space<vmem_shared>> -> memref<80xf32, #tpu.memory_space<vmem_shared>>
      tpu.enqueue_dma source(%arg15 : memref<80xf32, #tpu.memory_space<vmem>>) target(%dma_start3A_69 : memref<80xf32, #tpu.memory_space<vmem_shared>>) target_semaphore(%run_scoped3A : memref<!tpu.dma_semaphore, #tpu.memory_space<semaphore_mem>>)
      %dma_wait3A_70 = tpu.memref_slice %arg10[%add3A_40] : memref<10000xf32, #tpu.memory_space<vmem_shared>> -> memref<80xf32, #tpu.memory_space<vmem_shared>>
      %dma_wait3A_71 = tpu.memref_slice %arg10[%add3A_40] : memref<10000xf32, #tpu.memory_space<vmem_shared>> -> memref<80xf32, #tpu.memory_space<vmem_shared>>
      tpu.wait_dma2 semaphore(%run_scoped3A : memref<!tpu.dma_semaphore, #tpu.memory_space<semaphore_mem>>) src(%arg15 : memref<80xf32, #tpu.memory_space<vmem>>) dst(%dma_wait3A_71 : memref<80xf32, #tpu.memory_space<vmem_shared>>)
      tpu.yield
    }) : () -> ()
    %add3A_41 = arith.constant 240 : i32
    %add3A_42 = arith.addi %mul3A_34, %add3A_41 : i32
    "tpu.region"() ({
      %run_scoped3A = tpu.sem_alloc : memref<!tpu.dma_semaphore, #tpu.memory_space<semaphore_mem>>
      %dma_start3A = tpu.memref_slice %arg10[%add3A_42] : memref<10000xf32, #tpu.memory_space<vmem_shared>> -> memref<80xf32, #tpu.memory_space<vmem_shared>>
      %dma_start3A_69 = tpu.memref_slice %arg10[%add3A_42] : memref<10000xf32, #tpu.memory_space<vmem_shared>> -> memref<80xf32, #tpu.memory_space<vmem_shared>>
      tpu.enqueue_dma source(%arg15 : memref<80xf32, #tpu.memory_space<vmem>>) target(%dma_start3A_69 : memref<80xf32, #tpu.memory_space<vmem_shared>>) target_semaphore(%run_scoped3A : memref<!tpu.dma_semaphore, #tpu.memory_space<semaphore_mem>>)
      %dma_wait3A_70 = tpu.memref_slice %arg10[%add3A_42] : memref<10000xf32, #tpu.memory_space<vmem_shared>> -> memref<80xf32, #tpu.memory_space<vmem_shared>>
      %dma_wait3A_71 = tpu.memref_slice %arg10[%add3A_42] : memref<10000xf32, #tpu.memory_space<vmem_shared>> -> memref<80xf32, #tpu.memory_space<vmem_shared>>
      tpu.wait_dma2 semaphore(%run_scoped3A : memref<!tpu.dma_semaphore, #tpu.memory_space<semaphore_mem>>) src(%arg15 : memref<80xf32, #tpu.memory_space<vmem>>) dst(%dma_wait3A_71 : memref<80xf32, #tpu.memory_space<vmem_shared>>)
      tpu.yield
    }) : () -> ()
    %add3A_43 = arith.constant 320 : i32
    %add3A_44 = arith.addi %mul3A_34, %add3A_43 : i32
    "tpu.region"() ({
      %run_scoped3A = tpu.sem_alloc : memref<!tpu.dma_semaphore, #tpu.memory_space<semaphore_mem>>
      %dma_start3A = tpu.memref_slice %arg10[%add3A_44] : memref<10000xf32, #tpu.memory_space<vmem_shared>> -> memref<80xf32, #tpu.memory_space<vmem_shared>>
      %dma_start3A_69 = tpu.memref_slice %arg10[%add3A_44] : memref<10000xf32, #tpu.memory_space<vmem_shared>> -> memref<80xf32, #tpu.memory_space<vmem_shared>>
      tpu.enqueue_dma source(%arg15 : memref<80xf32, #tpu.memory_space<vmem>>) target(%dma_start3A_69 : memref<80xf32, #tpu.memory_space<vmem_shared>>) target_semaphore(%run_scoped3A : memref<!tpu.dma_semaphore, #tpu.memory_space<semaphore_mem>>)
      %dma_wait3A_70 = tpu.memref_slice %arg10[%add3A_44] : memref<10000xf32, #tpu.memory_space<vmem_shared>> -> memref<80xf32, #tpu.memory_space<vmem_shared>>
      %dma_wait3A_71 = tpu.memref_slice %arg10[%add3A_44] : memref<10000xf32, #tpu.memory_space<vmem_shared>> -> memref<80xf32, #tpu.memory_space<vmem_shared>>
      tpu.wait_dma2 semaphore(%run_scoped3A : memref<!tpu.dma_semaphore, #tpu.memory_space<semaphore_mem>>) src(%arg15 : memref<80xf32, #tpu.memory_space<vmem>>) dst(%dma_wait3A_71 : memref<80xf32, #tpu.memory_space<vmem_shared>>)
      tpu.yield
    }) : () -> ()
    %add3A_45 = arith.constant 400 : i32
    %add3A_46 = arith.addi %mul3A_34, %add3A_45 : i32
    "tpu.region"() ({
      %run_scoped3A = tpu.sem_alloc : memref<!tpu.dma_semaphore, #tpu.memory_space<semaphore_mem>>
      %dma_start3A = tpu.memref_slice %arg10[%add3A_46] : memref<10000xf32, #tpu.memory_space<vmem_shared>> -> memref<80xf32, #tpu.memory_space<vmem_shared>>
      %dma_start3A_69 = tpu.memref_slice %arg10[%add3A_46] : memref<10000xf32, #tpu.memory_space<vmem_shared>> -> memref<80xf32, #tpu.memory_space<vmem_shared>>
      tpu.enqueue_dma source(%arg15 : memref<80xf32, #tpu.memory_space<vmem>>) target(%dma_start3A_69 : memref<80xf32, #tpu.memory_space<vmem_shared>>) target_semaphore(%run_scoped3A : memref<!tpu.dma_semaphore, #tpu.memory_space<semaphore_mem>>)
      %dma_wait3A_70 = tpu.memref_slice %arg10[%add3A_46] : memref<10000xf32, #tpu.memory_space<vmem_shared>> -> memref<80xf32, #tpu.memory_space<vmem_shared>>
      %dma_wait3A_71 = tpu.memref_slice %arg10[%add3A_46] : memref<10000xf32, #tpu.memory_space<vmem_shared>> -> memref<80xf32, #tpu.memory_space<vmem_shared>>
      tpu.wait_dma2 semaphore(%run_scoped3A : memref<!tpu.dma_semaphore, #tpu.memory_space<semaphore_mem>>) src(%arg15 : memref<80xf32, #tpu.memory_space<vmem>>) dst(%dma_wait3A_71 : memref<80xf32, #tpu.memory_space<vmem_shared>>)
      tpu.yield
    }) : () -> ()
    %add3A_47 = arith.constant 480 : i32
    %add3A_48 = arith.addi %mul3A_34, %add3A_47 : i32
    "tpu.region"() ({
      %run_scoped3A = tpu.sem_alloc : memref<!tpu.dma_semaphore, #tpu.memory_space<semaphore_mem>>
      %dma_start3A = tpu.memref_slice %arg10[%add3A_48] : memref<10000xf32, #tpu.memory_space<vmem_shared>> -> memref<80xf32, #tpu.memory_space<vmem_shared>>
      %dma_start3A_69 = tpu.memref_slice %arg10[%add3A_48] : memref<10000xf32, #tpu.memory_space<vmem_shared>> -> memref<80xf32, #tpu.memory_space<vmem_shared>>
      tpu.enqueue_dma source(%arg15 : memref<80xf32, #tpu.memory_space<vmem>>) target(%dma_start3A_69 : memref<80xf32, #tpu.memory_space<vmem_shared>>) target_semaphore(%run_scoped3A : memref<!tpu.dma_semaphore, #tpu.memory_space<semaphore_mem>>)
      %dma_wait3A_70 = tpu.memref_slice %arg10[%add3A_48] : memref<10000xf32, #tpu.memory_space<vmem_shared>> -> memref<80xf32, #tpu.memory_space<vmem_shared>>
      %dma_wait3A_71 = tpu.memref_slice %arg10[%add3A_48] : memref<10000xf32, #tpu.memory_space<vmem_shared>> -> memref<80xf32, #tpu.memory_space<vmem_shared>>
      tpu.wait_dma2 semaphore(%run_scoped3A : memref<!tpu.dma_semaphore, #tpu.memory_space<semaphore_mem>>) src(%arg15 : memref<80xf32, #tpu.memory_space<vmem>>) dst(%dma_wait3A_71 : memref<80xf32, #tpu.memory_space<vmem_shared>>)
      tpu.yield
    }) : () -> ()
    %add3A_49 = arith.constant 560 : i32
    %add3A_50 = arith.addi %mul3A_34, %add3A_49 : i32
    "tpu.region"() ({
      %run_scoped3A = tpu.sem_alloc : memref<!tpu.dma_semaphore, #tpu.memory_space<semaphore_mem>>
      %dma_start3A = arith.constant 0 : i32
      %dma_start3A_69 = tpu.memref_slice %arg15[%dma_start3A] : memref<80xf32, #tpu.memory_space<vmem>> -> memref<64xf32, #tpu.memory_space<vmem>>
      %dma_start3A_70 = tpu.memref_slice %arg10[%add3A_50] : memref<10000xf32, #tpu.memory_space<vmem_shared>> -> memref<64xf32, #tpu.memory_space<vmem_shared>>
      %dma_start3A_71 = tpu.memref_slice %arg10[%add3A_50] : memref<10000xf32, #tpu.memory_space<vmem_shared>> -> memref<64xf32, #tpu.memory_space<vmem_shared>>
      %dma_start3A_72 = arith.constant 0 : i32
      %dma_start3A_73 = tpu.memref_slice %arg15[%dma_start3A_72] : memref<80xf32, #tpu.memory_space<vmem>> -> memref<64xf32, #tpu.memory_space<vmem>>
      tpu.enqueue_dma source(%dma_start3A_73 : memref<64xf32, #tpu.memory_space<vmem>>) target(%dma_start3A_71 : memref<64xf32, #tpu.memory_space<vmem_shared>>) target_semaphore(%run_scoped3A : memref<!tpu.dma_semaphore, #tpu.memory_space<semaphore_mem>>)
      %dma_wait3A_74 = arith.constant 0 : i32
      %dma_wait3A_75 = tpu.memref_slice %arg15[%dma_wait3A_74] : memref<80xf32, #tpu.memory_space<vmem>> -> memref<64xf32, #tpu.memory_space<vmem>>
      %dma_wait3A_76 = tpu.memref_slice %arg10[%add3A_50] : memref<10000xf32, #tpu.memory_space<vmem_shared>> -> memref<64xf32, #tpu.memory_space<vmem_shared>>
      %dma_wait3A_77 = tpu.memref_slice %arg10[%add3A_50] : memref<10000xf32, #tpu.memory_space<vmem_shared>> -> memref<64xf32, #tpu.memory_space<vmem_shared>>
      %dma_wait3A_78 = arith.constant 0 : i32
      %dma_wait3A_79 = tpu.memref_slice %arg15[%dma_wait3A_78] : memref<80xf32, #tpu.memory_space<vmem>> -> memref<64xf32, #tpu.memory_space<vmem>>
      tpu.wait_dma2 semaphore(%run_scoped3A : memref<!tpu.dma_semaphore, #tpu.memory_space<semaphore_mem>>) src(%dma_wait3A_79 : memref<64xf32, #tpu.memory_space<vmem>>) dst(%dma_wait3A_77 : memref<64xf32, #tpu.memory_space<vmem_shared>>)
      tpu.yield
    }) : () -> ()
    %eq3A = arith.constant 15 : i32
    %eq3A_51 = arith.cmpi eq, %arg1, %eq3A : i32
    %convert_element_type3A = arith.extui %eq3A_51 : i1 to i32
    %cond3A = arith.constant 0 : i32
    %cond3A_52 = arith.cmpi ne, %convert_element_type3A, %cond3A : i32
    scf.if %cond3A_52 {
      "tpu.region"() ({
        %run_scoped3A = tpu.sem_alloc : memref<!tpu.dma_semaphore, #tpu.memory_space<semaphore_mem>>
        %dma_start3A = arith.constant 0 : i32
        %dma_start3A_69 = tpu.memref_slice %arg15[%dma_start3A] : memref<80xf32, #tpu.memory_space<vmem>> -> memref<16xf32, #tpu.memory_space<vmem>>
        %dma_start3A_70 = arith.constant 9984 : i32
        %dma_start3A_71 = tpu.memref_slice %arg10[%dma_start3A_70] : memref<10000xf32, #tpu.memory_space<vmem_shared>> -> memref<16xf32, #tpu.memory_space<vmem_shared>>
        %dma_start3A_72 = arith.constant 9984 : i32
        %dma_start3A_73 = tpu.memref_slice %arg10[%dma_start3A_72] : memref<10000xf32, #tpu.memory_space<vmem_shared>> -> memref<16xf32, #tpu.memory_space<vmem_shared>>
        %dma_start3A_74 = arith.constant 0 : i32
        %dma_start3A_75 = tpu.memref_slice %arg15[%dma_start3A_74] : memref<80xf32, #tpu.memory_space<vmem>> -> memref<16xf32, #tpu.memory_space<vmem>>
        tpu.enqueue_dma source(%dma_start3A_75 : memref<16xf32, #tpu.memory_space<vmem>>) target(%dma_start3A_73 : memref<16xf32, #tpu.memory_space<vmem_shared>>) target_semaphore(%run_scoped3A : memref<!tpu.dma_semaphore, #tpu.memory_space<semaphore_mem>>)
        %dma_wait3A_76 = arith.constant 0 : i32
        %dma_wait3A_77 = tpu.memref_slice %arg15[%dma_wait3A_76] : memref<80xf32, #tpu.memory_space<vmem>> -> memref<16xf32, #tpu.memory_space<vmem>>
        %dma_wait3A_78 = arith.constant 9984 : i32
        %dma_wait3A_79 = tpu.memref_slice %arg10[%dma_wait3A_78] : memref<10000xf32, #tpu.memory_space<vmem_shared>> -> memref<16xf32, #tpu.memory_space<vmem_shared>>
        %dma_wait3A_80 = arith.constant 9984 : i32
        %dma_wait3A_81 = tpu.memref_slice %arg10[%dma_wait3A_80] : memref<10000xf32, #tpu.memory_space<vmem_shared>> -> memref<16xf32, #tpu.memory_space<vmem_shared>>
        %dma_wait3A_82 = arith.constant 0 : i32
        %dma_wait3A_83 = tpu.memref_slice %arg15[%dma_wait3A_82] : memref<80xf32, #tpu.memory_space<vmem>> -> memref<16xf32, #tpu.memory_space<vmem>>
        tpu.wait_dma2 semaphore(%run_scoped3A : memref<!tpu.dma_semaphore, #tpu.memory_space<semaphore_mem>>) src(%dma_wait3A_83 : memref<16xf32, #tpu.memory_space<vmem>>) dst(%dma_wait3A_81 : memref<16xf32, #tpu.memory_space<vmem_shared>>)
        tpu.yield
      }) : () -> ()
    } else {
    }
    %barrier3A = arith.constant 0 : index
    tpu.barrier barrier_id(%barrier3A)
    "tpu.region"() ({
      %run_scoped3A = tpu.sem_alloc : memref<!tpu.dma_semaphore, #tpu.memory_space<semaphore_mem>>
      tpu.enqueue_dma source(%arg3 : memref<10000xf32, #tpu.memory_space<hbm>>) target(%arg11 : memref<10000xf32, #tpu.memory_space<vmem>>) target_semaphore(%run_scoped3A : memref<!tpu.dma_semaphore, #tpu.memory_space<semaphore_mem>>)
      tpu.wait_dma2 semaphore(%run_scoped3A : memref<!tpu.dma_semaphore, #tpu.memory_space<semaphore_mem>>) src(%arg3 : memref<10000xf32, #tpu.memory_space<hbm>>) dst(%arg11 : memref<10000xf32, #tpu.memory_space<vmem>>)
      tpu.yield
    }) : () -> ()
    "tpu.region"() ({
      %run_scoped3A = tpu.sem_alloc : memref<!tpu.dma_semaphore, #tpu.memory_space<semaphore_mem>>
      tpu.enqueue_dma source(%arg4 : memref<10000xf32, #tpu.memory_space<hbm>>) target(%arg12 : memref<10000xf32, #tpu.memory_space<vmem>>) target_semaphore(%run_scoped3A : memref<!tpu.dma_semaphore, #tpu.memory_space<semaphore_mem>>)
      tpu.wait_dma2 semaphore(%run_scoped3A : memref<!tpu.dma_semaphore, #tpu.memory_space<semaphore_mem>>) src(%arg4 : memref<10000xf32, #tpu.memory_space<hbm>>) dst(%arg12 : memref<10000xf32, #tpu.memory_space<vmem>>)
      tpu.yield
    }) : () -> ()
    %scan3A_53 = arith.constant 0 : i32
    %scan3A_54 = arith.constant 5 : i32
    %scan3A_55 = arith.addi %scan3A_53, %scan3A_54 : i32
    %scan3A_56 = arith.constant 1 : i32
    scf.for %scan3A_69 = %scan3A_53 to %scan3A_55 step %scan3A_56  : i32 {
      %mul3A_70 = arith.constant 1 : i32
      %mul3A_71 = arith.muli %scan3A_69, %mul3A_70 : i32
      %add3A_72 = arith.constant 0 : i32
      %add3A_73 = arith.addi %add3A_72, %mul3A_71 : i32
      %mul3A_74 = arith.constant 125 : i32
      %mul3A_75 = arith.muli %add3A, %mul3A_74 : i32
      %mul3A_76 = arith.constant 25 : i32
      %mul3A_77 = arith.muli %add3A_73, %mul3A_76 : i32
      %add3A_78 = arith.addi %mul3A_75, %mul3A_77 : i32
      %gt3A = arith.constant 0 : i32
      %gt3A_79 = arith.cmpi sgt, %add3A_73, %gt3A : i32
      %convert_element_type3A_80 = arith.extui %gt3A_79 : i1 to i32
      %cond3A_81 = arith.constant 0 : i32
      %cond3A_82 = arith.cmpi ne, %convert_element_type3A_80, %cond3A_81 : i32
      scf.if %cond3A_82 {
        %dma_wait3A_218 = arith.constant 0 : i32
        %dma_wait3A_219 = arith.constant 0 : i32
        %dma_wait3A_220 = tpu.memref_slice %arg14[%dma_wait3A_218, %dma_wait3A_219] : memref<25x80xi32, #tpu.memory_space<vmem>> -> memref<1x80xi32, #tpu.memory_space<vmem>>
        %dma_wait3A_221 = tpu.memref_squeeze %dma_wait3A_220 : memref<1x80xi32, #tpu.memory_space<vmem>> -> memref<80xi32, #tpu.memory_space<vmem>>
        %dma_wait3A_222 = arith.constant 0 : i32
        %dma_wait3A_223 = tpu.memref_slice %arg10[%dma_wait3A_222] : memref<10000xf32, #tpu.memory_space<vmem_shared>> -> memref<10000xf32, #tpu.memory_space<vmem_shared>>
        tpu.wait_indirect_dma semaphore(%arg24 : memref<!tpu.dma_semaphore, #tpu.memory_space<semaphore_mem>>) src(%arg16 : memref<80xf32, #tpu.memory_space<vmem>>) dst(%dma_wait3A_223 : memref<10000xf32, #tpu.memory_space<vmem_shared>>)
      } else {
      }
      "tpu.region"() ({
        %run_scoped3A_218 = tpu.sem_alloc : memref<!tpu.dma_semaphore, #tpu.memory_space<semaphore_mem>>
        %dma_start3A_219 = arith.constant 0 : i32
        %dma_start3A_220 = tpu.memref_slice %arg5[%add3A_78, %dma_start3A_219] : memref<4000x80xi32, #tpu.memory_space<hbm>> -> memref<25x80xi32, #tpu.memory_space<hbm>>
        %dma_start3A_221 = arith.constant 0 : i32
        %dma_start3A_222 = tpu.memref_slice %arg5[%add3A_78, %dma_start3A_221] : memref<4000x80xi32, #tpu.memory_space<hbm>> -> memref<25x80xi32, #tpu.memory_space<hbm>>
        tpu.enqueue_dma source(%dma_start3A_222 : memref<25x80xi32, #tpu.memory_space<hbm>>) target(%arg13 : memref<25x80xi32, #tpu.memory_space<vmem>>) target_semaphore(%run_scoped3A_218 : memref<!tpu.dma_semaphore, #tpu.memory_space<semaphore_mem>>)
        %dma_wait3A_223 = arith.constant 0 : i32
        %dma_wait3A_224 = tpu.memref_slice %arg5[%add3A_78, %dma_wait3A_223] : memref<4000x80xi32, #tpu.memory_space<hbm>> -> memref<25x80xi32, #tpu.memory_space<hbm>>
        %dma_wait3A_225 = arith.constant 0 : i32
        %dma_wait3A_226 = tpu.memref_slice %arg5[%add3A_78, %dma_wait3A_225] : memref<4000x80xi32, #tpu.memory_space<hbm>> -> memref<25x80xi32, #tpu.memory_space<hbm>>
        tpu.wait_dma2 semaphore(%run_scoped3A_218 : memref<!tpu.dma_semaphore, #tpu.memory_space<semaphore_mem>>) src(%dma_wait3A_226 : memref<25x80xi32, #tpu.memory_space<hbm>>) dst(%arg13 : memref<25x80xi32, #tpu.memory_space<vmem>>)
        tpu.yield
      }) : () -> ()
      "tpu.region"() ({
        %run_scoped3A_218 = tpu.sem_alloc : memref<!tpu.dma_semaphore, #tpu.memory_space<semaphore_mem>>
        %dma_start3A_219 = arith.constant 0 : i32
        %dma_start3A_220 = tpu.memref_slice %arg6[%add3A_78, %dma_start3A_219] : memref<4000x80xi32, #tpu.memory_space<hbm>> -> memref<25x80xi32, #tpu.memory_space<hbm>>
        %dma_start3A_221 = arith.constant 0 : i32
        %dma_start3A_222 = tpu.memref_slice %arg6[%add3A_78, %dma_start3A_221] : memref<4000x80xi32, #tpu.memory_space<hbm>> -> memref<25x80xi32, #tpu.memory_space<hbm>>
        tpu.enqueue_dma source(%dma_start3A_222 : memref<25x80xi32, #tpu.memory_space<hbm>>) target(%arg14 : memref<25x80xi32, #tpu.memory_space<vmem>>) target_semaphore(%run_scoped3A_218 : memref<!tpu.dma_semaphore, #tpu.memory_space<semaphore_mem>>)
        %dma_wait3A_223 = arith.constant 0 : i32
        %dma_wait3A_224 = tpu.memref_slice %arg6[%add3A_78, %dma_wait3A_223] : memref<4000x80xi32, #tpu.memory_space<hbm>> -> memref<25x80xi32, #tpu.memory_space<hbm>>
        %dma_wait3A_225 = arith.constant 0 : i32
        %dma_wait3A_226 = tpu.memref_slice %arg6[%add3A_78, %dma_wait3A_225] : memref<4000x80xi32, #tpu.memory_space<hbm>> -> memref<25x80xi32, #tpu.memory_space<hbm>>
        tpu.wait_dma2 semaphore(%run_scoped3A_218 : memref<!tpu.dma_semaphore, #tpu.memory_space<semaphore_mem>>) src(%dma_wait3A_226 : memref<25x80xi32, #tpu.memory_space<hbm>>) dst(%arg14 : memref<25x80xi32, #tpu.memory_space<vmem>>)
        tpu.yield
      }) : () -> ()
      %dma_start3A = arith.constant 0 : i32
      %dma_start3A_83 = arith.constant 0 : i32
      %dma_start3A_84 = tpu.memref_slice %arg13[%dma_start3A, %dma_start3A_83] : memref<25x80xi32, #tpu.memory_space<vmem>> -> memref<1x80xi32, #tpu.memory_space<vmem>>
      %dma_start3A_85 = tpu.memref_squeeze %dma_start3A_84 : memref<1x80xi32, #tpu.memory_space<vmem>> -> memref<80xi32, #tpu.memory_space<vmem>>
      %dma_start3A_86 = arith.constant 0 : i32
      %dma_start3A_87 = arith.constant 0 : i32
      %dma_start3A_88 = tpu.memref_slice %arg2[%dma_start3A_86, %dma_start3A_87] : memref<10000x128xf32, #tpu.memory_space<hbm>> -> memref<10000x128xf32, #tpu.memory_space<hbm>>
      tpu.enqueue_indirect_dma source(%dma_start3A_88 : memref<10000x128xf32, #tpu.memory_space<hbm>>) target(%arg17 : memref<80x128xf32, #tpu.memory_space<vmem>>) offsets(%dma_start3A_85 : memref<80xi32, #tpu.memory_space<vmem>>) semaphore(%arg19 : memref<!tpu.dma_semaphore, #tpu.memory_space<semaphore_mem>>)
      %scan3A_89 = arith.constant 0 : i32
      %scan3A_90 = arith.constant 12 : i32
      %scan3A_91 = arith.addi %scan3A_89, %scan3A_90 : i32
      %scan3A_92 = arith.constant 1 : i32
      scf.for %scan3A_218 = %scan3A_89 to %scan3A_91 step %scan3A_92  : i32 {
        %mul3A_219 = arith.constant 1 : i32
        %mul3A_220 = arith.muli %scan3A_218, %mul3A_219 : i32
        %add3A_221 = arith.constant 0 : i32
        %add3A_222 = arith.addi %add3A_221, %mul3A_220 : i32
        %mul3A_223 = arith.constant 2 : i32
        %mul3A_224 = arith.muli %mul3A_223, %add3A_222 : i32
        %add3A_225 = arith.constant 1 : i32
        %add3A_226 = arith.addi %mul3A_224, %add3A_225 : i32
        %gt3A_227 = arith.constant 0 : i32
        %gt3A_228 = arith.cmpi sgt, %add3A_222, %gt3A_227 : i32
        %convert_element_type3A_229 = arith.extui %gt3A_228 : i1 to i32
        %cond3A_230 = arith.constant 0 : i32
        %cond3A_231 = arith.cmpi ne, %convert_element_type3A_229, %cond3A_230 : i32
        scf.if %cond3A_231 {
          %dma_wait3A_492 = arith.constant 0 : i32
          %dma_wait3A_493 = tpu.memref_slice %arg14[%mul3A_224, %dma_wait3A_492] : memref<25x80xi32, #tpu.memory_space<vmem>> -> memref<1x80xi32, #tpu.memory_space<vmem>>
          %dma_wait3A_494 = tpu.memref_squeeze %dma_wait3A_493 : memref<1x80xi32, #tpu.memory_space<vmem>> -> memref<80xi32, #tpu.memory_space<vmem>>
          %dma_wait3A_495 = arith.constant 0 : i32
          %dma_wait3A_496 = tpu.memref_slice %arg10[%dma_wait3A_495] : memref<10000xf32, #tpu.memory_space<vmem_shared>> -> memref<10000xf32, #tpu.memory_space<vmem_shared>>
          tpu.wait_indirect_dma semaphore(%arg23 : memref<!tpu.dma_semaphore, #tpu.memory_space<semaphore_mem>>) src(%arg15 : memref<80xf32, #tpu.memory_space<vmem>>) dst(%dma_wait3A_496 : memref<10000xf32, #tpu.memory_space<vmem_shared>>)
        } else {
        }
        %get3A_232 = arith.index_cast %mul3A_224 : i32 to index
        %get3A_233 = arith.constant 0 : index
        %get3A_234 = tpu.vector_load %arg13[%get3A_232, %get3A_233] {strides = array<i32>} : memref<25x80xi32, #tpu.memory_space<vmem>>, vector<16xi32>,
        %get3A_235 = arith.index_cast %mul3A_224 : i32 to index
        %get3A_236 = arith.constant 0 : index
        %get3A_237 = tpu.vector_load %arg14[%get3A_235, %get3A_236] {strides = array<i32>} : memref<25x80xi32, #tpu.memory_space<vmem>>, vector<16xi32>,
        %gather3A_238 = tpu.vector_load_idx %arg11[%get3A_234] : memref<10000xf32, #tpu.memory_space<vmem>>[vector<16xi32>], vector<16xf32>,
        %gather3A_239 = tpu.vector_load_idx %arg12[%get3A_237] : memref<10000xf32, #tpu.memory_space<vmem>>[vector<16xi32>], vector<16xf32>,
        %add3A_240 = arith.addf %gather3A_238, %gather3A_239 : vector<16xf32>
        %gt3A_241 = arith.constant 0.000000e+00 : f32
        %gt3A_242 = vector.broadcast %gt3A_241 : f32 to vector<16xf32>
        %gt3A_243 = arith.cmpf ogt, %add3A_240, %gt3A_242 : vector<16xf32>
        %mul3A_244 = arith.constant 2.000000e-01 : f32
        %mul3A_245 = vector.broadcast %mul3A_244 : f32 to vector<16xf32>
        %mul3A_246 = arith.mulf %mul3A_245, %add3A_240 : vector<16xf32>
        %select_n3A_247 = arith.select %gt3A_243, %add3A_240, %mul3A_246 : vector<16xi1>, vector<16xf32>
        %exp3A_248 = math.exp %select_n3A_247 : vector<16xf32>
        %swap3A_249 = arith.constant 0 : index
        %swap3A_250 = tpu.vector_load %arg15[%swap3A_249] {strides = array<i32>} : memref<80xf32, #tpu.memory_space<vmem>>, vector<16xf32>,
        tpu.vector_store %arg15[%swap3A_249], %exp3A_248 {strides = array<i32>} : memref<80xf32, #tpu.memory_space<vmem>>, vector<16xf32>,
        %get3A_251 = arith.index_cast %mul3A_224 : i32 to index
        %get3A_252 = arith.constant 16 : index
        %get3A_253 = tpu.vector_load %arg13[%get3A_251, %get3A_252] {strides = array<i32>} : memref<25x80xi32, #tpu.memory_space<vmem>>, vector<16xi32>,
        %get3A_254 = arith.index_cast %mul3A_224 : i32 to index
        %get3A_255 = arith.constant 16 : index
        %get3A_256 = tpu.vector_load %arg14[%get3A_254, %get3A_255] {strides = array<i32>} : memref<25x80xi32, #tpu.memory_space<vmem>>, vector<16xi32>,
        %gather3A_257 = tpu.vector_load_idx %arg11[%get3A_253] : memref<10000xf32, #tpu.memory_space<vmem>>[vector<16xi32>], vector<16xf32>,
        %gather3A_258 = tpu.vector_load_idx %arg12[%get3A_256] : memref<10000xf32, #tpu.memory_space<vmem>>[vector<16xi32>], vector<16xf32>,
        %add3A_259 = arith.addf %gather3A_257, %gather3A_258 : vector<16xf32>
        %gt3A_260 = arith.constant 0.000000e+00 : f32
        %gt3A_261 = vector.broadcast %gt3A_260 : f32 to vector<16xf32>
        %gt3A_262 = arith.cmpf ogt, %add3A_259, %gt3A_261 : vector<16xf32>
        %mul3A_263 = arith.constant 2.000000e-01 : f32
        %mul3A_264 = vector.broadcast %mul3A_263 : f32 to vector<16xf32>
        %mul3A_265 = arith.mulf %mul3A_264, %add3A_259 : vector<16xf32>
        %select_n3A_266 = arith.select %gt3A_262, %add3A_259, %mul3A_265 : vector<16xi1>, vector<16xf32>
        %exp3A_267 = math.exp %select_n3A_266 : vector<16xf32>
        %swap3A_268 = arith.constant 16 : index
        %swap3A_269 = tpu.vector_load %arg15[%swap3A_268] {strides = array<i32>} : memref<80xf32, #tpu.memory_space<vmem>>, vector<16xf32>,
        tpu.vector_store %arg15[%swap3A_268], %exp3A_267 {strides = array<i32>} : memref<80xf32, #tpu.memory_space<vmem>>, vector<16xf32>,
        %get3A_270 = arith.index_cast %mul3A_224 : i32 to index
        %get3A_271 = arith.constant 32 : index
        %get3A_272 = tpu.vector_load %arg13[%get3A_270, %get3A_271] {strides = array<i32>} : memref<25x80xi32, #tpu.memory_space<vmem>>, vector<16xi32>,
        %get3A_273 = arith.index_cast %mul3A_224 : i32 to index
        %get3A_274 = arith.constant 32 : index
        %get3A_275 = tpu.vector_load %arg14[%get3A_273, %get3A_274] {strides = array<i32>} : memref<25x80xi32, #tpu.memory_space<vmem>>, vector<16xi32>,
        %gather3A_276 = tpu.vector_load_idx %arg11[%get3A_272] : memref<10000xf32, #tpu.memory_space<vmem>>[vector<16xi32>], vector<16xf32>,
        %gather3A_277 = tpu.vector_load_idx %arg12[%get3A_275] : memref<10000xf32, #tpu.memory_space<vmem>>[vector<16xi32>], vector<16xf32>,
        %add3A_278 = arith.addf %gather3A_276, %gather3A_277 : vector<16xf32>
        %gt3A_279 = arith.constant 0.000000e+00 : f32
        %gt3A_280 = vector.broadcast %gt3A_279 : f32 to vector<16xf32>
        %gt3A_281 = arith.cmpf ogt, %add3A_278, %gt3A_280 : vector<16xf32>
        %mul3A_282 = arith.constant 2.000000e-01 : f32
        %mul3A_283 = vector.broadcast %mul3A_282 : f32 to vector<16xf32>
        %mul3A_284 = arith.mulf %mul3A_283, %add3A_278 : vector<16xf32>
        %select_n3A_285 = arith.select %gt3A_281, %add3A_278, %mul3A_284 : vector<16xi1>, vector<16xf32>
        %exp3A_286 = math.exp %select_n3A_285 : vector<16xf32>
        %swap3A_287 = arith.constant 32 : index
        %swap3A_288 = tpu.vector_load %arg15[%swap3A_287] {strides = array<i32>} : memref<80xf32, #tpu.memory_space<vmem>>, vector<16xf32>,
        tpu.vector_store %arg15[%swap3A_287], %exp3A_286 {strides = array<i32>} : memref<80xf32, #tpu.memory_space<vmem>>, vector<16xf32>,
        %get3A_289 = arith.index_cast %mul3A_224 : i32 to index
        %get3A_290 = arith.constant 48 : index
        %get3A_291 = tpu.vector_load %arg13[%get3A_289, %get3A_290] {strides = array<i32>} : memref<25x80xi32, #tpu.memory_space<vmem>>, vector<16xi32>,
        %get3A_292 = arith.index_cast %mul3A_224 : i32 to index
        %get3A_293 = arith.constant 48 : index
        %get3A_294 = tpu.vector_load %arg14[%get3A_292, %get3A_293] {strides = array<i32>} : memref<25x80xi32, #tpu.memory_space<vmem>>, vector<16xi32>,
        %gather3A_295 = tpu.vector_load_idx %arg11[%get3A_291] : memref<10000xf32, #tpu.memory_space<vmem>>[vector<16xi32>], vector<16xf32>,
        %gather3A_296 = tpu.vector_load_idx %arg12[%get3A_294] : memref<10000xf32, #tpu.memory_space<vmem>>[vector<16xi32>], vector<16xf32>,
        %add3A_297 = arith.addf %gather3A_295, %gather3A_296 : vector<16xf32>
        %gt3A_298 = arith.constant 0.000000e+00 : f32
        %gt3A_299 = vector.broadcast %gt3A_298 : f32 to vector<16xf32>
        %gt3A_300 = arith.cmpf ogt, %add3A_297, %gt3A_299 : vector<16xf32>
        %mul3A_301 = arith.constant 2.000000e-01 : f32
        %mul3A_302 = vector.broadcast %mul3A_301 : f32 to vector<16xf32>
        %mul3A_303 = arith.mulf %mul3A_302, %add3A_297 : vector<16xf32>
        %select_n3A_304 = arith.select %gt3A_300, %add3A_297, %mul3A_303 : vector<16xi1>, vector<16xf32>
        %exp3A_305 = math.exp %select_n3A_304 : vector<16xf32>
        %swap3A_306 = arith.constant 48 : index
        %swap3A_307 = tpu.vector_load %arg15[%swap3A_306] {strides = array<i32>} : memref<80xf32, #tpu.memory_space<vmem>>, vector<16xf32>,
        tpu.vector_store %arg15[%swap3A_306], %exp3A_305 {strides = array<i32>} : memref<80xf32, #tpu.memory_space<vmem>>, vector<16xf32>,
        %get3A_308 = arith.index_cast %mul3A_224 : i32 to index
        %get3A_309 = arith.constant 64 : index
        %get3A_310 = tpu.vector_load %arg13[%get3A_308, %get3A_309] {strides = array<i32>} : memref<25x80xi32, #tpu.memory_space<vmem>>, vector<16xi32>,
        %get3A_311 = arith.index_cast %mul3A_224 : i32 to index
        %get3A_312 = arith.constant 64 : index
        %get3A_313 = tpu.vector_load %arg14[%get3A_311, %get3A_312] {strides = array<i32>} : memref<25x80xi32, #tpu.memory_space<vmem>>, vector<16xi32>,
        %gather3A_314 = tpu.vector_load_idx %arg11[%get3A_310] : memref<10000xf32, #tpu.memory_space<vmem>>[vector<16xi32>], vector<16xf32>,
        %gather3A_315 = tpu.vector_load_idx %arg12[%get3A_313] : memref<10000xf32, #tpu.memory_space<vmem>>[vector<16xi32>], vector<16xf32>,
        %add3A_316 = arith.addf %gather3A_314, %gather3A_315 : vector<16xf32>
        %gt3A_317 = arith.constant 0.000000e+00 : f32
        %gt3A_318 = vector.broadcast %gt3A_317 : f32 to vector<16xf32>
        %gt3A_319 = arith.cmpf ogt, %add3A_316, %gt3A_318 : vector<16xf32>
        %mul3A_320 = arith.constant 2.000000e-01 : f32
        %mul3A_321 = vector.broadcast %mul3A_320 : f32 to vector<16xf32>
        %mul3A_322 = arith.mulf %mul3A_321, %add3A_316 : vector<16xf32>
        %select_n3A_323 = arith.select %gt3A_319, %add3A_316, %mul3A_322 : vector<16xi1>, vector<16xf32>
        %exp3A_324 = math.exp %select_n3A_323 : vector<16xf32>
        %swap3A_325 = arith.constant 64 : index
        %swap3A_326 = tpu.vector_load %arg15[%swap3A_325] {strides = array<i32>} : memref<80xf32, #tpu.memory_space<vmem>>, vector<16xf32>,
        tpu.vector_store %arg15[%swap3A_325], %exp3A_324 {strides = array<i32>} : memref<80xf32, #tpu.memory_space<vmem>>, vector<16xf32>,
        %dma_wait3A_327 = arith.constant 0 : i32
        %dma_wait3A_328 = tpu.memref_slice %arg13[%mul3A_224, %dma_wait3A_327] : memref<25x80xi32, #tpu.memory_space<vmem>> -> memref<1x80xi32, #tpu.memory_space<vmem>>
        %dma_wait3A_329 = tpu.memref_squeeze %dma_wait3A_328 : memref<1x80xi32, #tpu.memory_space<vmem>> -> memref<80xi32, #tpu.memory_space<vmem>>
        %dma_wait3A_330 = arith.constant 0 : i32
        %dma_wait3A_331 = arith.constant 0 : i32
        %dma_wait3A_332 = tpu.memref_slice %arg2[%dma_wait3A_330, %dma_wait3A_331] : memref<10000x128xf32, #tpu.memory_space<hbm>> -> memref<10000x128xf32, #tpu.memory_space<hbm>>
        tpu.wait_indirect_dma semaphore(%arg19 : memref<!tpu.dma_semaphore, #tpu.memory_space<semaphore_mem>>) src(%dma_wait3A_332 : memref<10000x128xf32, #tpu.memory_space<hbm>>) dst(%arg17 : memref<80x128xf32, #tpu.memory_space<vmem>>)
        %gt3A_333 = arith.constant 0 : i32
        %gt3A_334 = arith.cmpi sgt, %add3A_222, %gt3A_333 : i32
        %convert_element_type3A_335 = arith.extui %gt3A_334 : i1 to i32
        %cond3A_336 = arith.constant 0 : i32
        %cond3A_337 = arith.cmpi ne, %convert_element_type3A_335, %cond3A_336 : i32
        scf.if %cond3A_337 {
          %dma_wait3A_492 = arith.constant 0 : i32
          %dma_wait3A_493 = tpu.memref_slice %arg14[%add3A_226, %dma_wait3A_492] : memref<25x80xi32, #tpu.memory_space<vmem>> -> memref<1x80xi32, #tpu.memory_space<vmem>>
          %dma_wait3A_494 = tpu.memref_squeeze %dma_wait3A_493 : memref<1x80xi32, #tpu.memory_space<vmem>> -> memref<80xi32, #tpu.memory_space<vmem>>
          %dma_wait3A_495 = arith.constant 0 : i32
          %dma_wait3A_496 = arith.constant 0 : i32
          %dma_wait3A_497 = tpu.memref_slice %arg9[%dma_wait3A_495, %dma_wait3A_496] : memref<10000x128xf32, #tpu.memory_space<vmem_shared>> -> memref<10000x128xf32, #tpu.memory_space<vmem_shared>>
          tpu.wait_indirect_dma semaphore(%arg22 : memref<!tpu.dma_semaphore, #tpu.memory_space<semaphore_mem>>) src(%arg18 : memref<80x128xf32, #tpu.memory_space<vmem>>) dst(%dma_wait3A_497 : memref<10000x128xf32, #tpu.memory_space<vmem_shared>>)
        } else {
        }
        %dma_start3A_338 = arith.constant 0 : i32
        %dma_start3A_339 = tpu.memref_slice %arg13[%add3A_226, %dma_start3A_338] : memref<25x80xi32, #tpu.memory_space<vmem>> -> memref<1x80xi32, #tpu.memory_space<vmem>>
        %dma_start3A_340 = tpu.memref_squeeze %dma_start3A_339 : memref<1x80xi32, #tpu.memory_space<vmem>> -> memref<80xi32, #tpu.memory_space<vmem>>
        %dma_start3A_341 = arith.constant 0 : i32
        %dma_start3A_342 = arith.constant 0 : i32
        %dma_start3A_343 = tpu.memref_slice %arg2[%dma_start3A_341, %dma_start3A_342] : memref<10000x128xf32, #tpu.memory_space<hbm>> -> memref<10000x128xf32, #tpu.memory_space<hbm>>
        tpu.enqueue_indirect_dma source(%dma_start3A_343 : memref<10000x128xf32, #tpu.memory_space<hbm>>) target(%arg18 : memref<80x128xf32, #tpu.memory_space<vmem>>) offsets(%dma_start3A_340 : memref<80xi32, #tpu.memory_space<vmem>>) semaphore(%arg20 : memref<!tpu.dma_semaphore, #tpu.memory_space<semaphore_mem>>)
        %parallel_loop3A_344 = arith.constant 0 : i32
        %parallel_loop3A_345 = arith.constant 80 : i32
        %parallel_loop3A_346 = arith.constant 1 : i32
        scf.for %parallel_loop3A_492 = %parallel_loop3A_344 to %parallel_loop3A_345 step %parallel_loop3A_346  : i32 {
          %parallel_loop3A_493 = arith.constant 0 : i32
          %parallel_loop3A_494 = vector.broadcast %parallel_loop3A_493 : i32 to vector<16xi32>
          %parallel_loop3A_495 = vector.broadcast %parallel_loop3A_492 : i32 to vector<16xi32>
          %parallel_loop3A_496 = arith.addi %parallel_loop3A_494, %parallel_loop3A_495 : vector<16xi32>
          %parallel_loop3A_497 = tpu.vector_load_idx %arg15[%parallel_loop3A_496] : memref<80xf32, #tpu.memory_space<vmem>>[vector<16xi32>], vector<16xf32>,
          %parallel_loop3A_498 = arith.index_cast %parallel_loop3A_492 : i32 to index
          %parallel_loop3A_499 = arith.constant 0 : index
          %parallel_loop3A_500 = tpu.vector_load %arg17[%parallel_loop3A_498, %parallel_loop3A_499] {strides = array<i32>} : memref<80x128xf32, #tpu.memory_space<vmem>>, vector<16xf32>,
          %parallel_loop3A_501 = arith.mulf %parallel_loop3A_500, %parallel_loop3A_497 : vector<16xf32>
          %parallel_loop3A_502 = arith.index_cast %parallel_loop3A_492 : i32 to index
          %parallel_loop3A_503 = arith.constant 0 : index
          %parallel_loop3A_504 = tpu.vector_load %arg17[%parallel_loop3A_502, %parallel_loop3A_503] {strides = array<i32>} : memref<80x128xf32, #tpu.memory_space<vmem>>, vector<16xf32>,
          tpu.vector_store %arg17[%parallel_loop3A_502, %parallel_loop3A_503], %parallel_loop3A_501 {strides = array<i32>} : memref<80x128xf32, #tpu.memory_space<vmem>>, vector<16xf32>,
          %parallel_loop3A_505 = arith.index_cast %parallel_loop3A_492 : i32 to index
          %parallel_loop3A_506 = arith.constant 16 : index
          %parallel_loop3A_507 = tpu.vector_load %arg17[%parallel_loop3A_505, %parallel_loop3A_506] {strides = array<i32>} : memref<80x128xf32, #tpu.memory_space<vmem>>, vector<16xf32>,
          %parallel_loop3A_508 = arith.mulf %parallel_loop3A_507, %parallel_loop3A_497 : vector<16xf32>
          %parallel_loop3A_509 = arith.index_cast %parallel_loop3A_492 : i32 to index
          %parallel_loop3A_510 = arith.constant 16 : index
          %parallel_loop3A_511 = tpu.vector_load %arg17[%parallel_loop3A_509, %parallel_loop3A_510] {strides = array<i32>} : memref<80x128xf32, #tpu.memory_space<vmem>>, vector<16xf32>,
          tpu.vector_store %arg17[%parallel_loop3A_509, %parallel_loop3A_510], %parallel_loop3A_508 {strides = array<i32>} : memref<80x128xf32, #tpu.memory_space<vmem>>, vector<16xf32>,
          %parallel_loop3A_512 = arith.index_cast %parallel_loop3A_492 : i32 to index
          %parallel_loop3A_513 = arith.constant 32 : index
          %parallel_loop3A_514 = tpu.vector_load %arg17[%parallel_loop3A_512, %parallel_loop3A_513] {strides = array<i32>} : memref<80x128xf32, #tpu.memory_space<vmem>>, vector<16xf32>,
          %parallel_loop3A_515 = arith.mulf %parallel_loop3A_514, %parallel_loop3A_497 : vector<16xf32>
          %parallel_loop3A_516 = arith.index_cast %parallel_loop3A_492 : i32 to index
          %parallel_loop3A_517 = arith.constant 32 : index
          %parallel_loop3A_518 = tpu.vector_load %arg17[%parallel_loop3A_516, %parallel_loop3A_517] {strides = array<i32>} : memref<80x128xf32, #tpu.memory_space<vmem>>, vector<16xf32>,
          tpu.vector_store %arg17[%parallel_loop3A_516, %parallel_loop3A_517], %parallel_loop3A_515 {strides = array<i32>} : memref<80x128xf32, #tpu.memory_space<vmem>>, vector<16xf32>,
          %parallel_loop3A_519 = arith.index_cast %parallel_loop3A_492 : i32 to index
          %parallel_loop3A_520 = arith.constant 48 : index
          %parallel_loop3A_521 = tpu.vector_load %arg17[%parallel_loop3A_519, %parallel_loop3A_520] {strides = array<i32>} : memref<80x128xf32, #tpu.memory_space<vmem>>, vector<16xf32>,
          %parallel_loop3A_522 = arith.mulf %parallel_loop3A_521, %parallel_loop3A_497 : vector<16xf32>
          %parallel_loop3A_523 = arith.index_cast %parallel_loop3A_492 : i32 to index
          %parallel_loop3A_524 = arith.constant 48 : index
          %parallel_loop3A_525 = tpu.vector_load %arg17[%parallel_loop3A_523, %parallel_loop3A_524] {strides = array<i32>} : memref<80x128xf32, #tpu.memory_space<vmem>>, vector<16xf32>,
          tpu.vector_store %arg17[%parallel_loop3A_523, %parallel_loop3A_524], %parallel_loop3A_522 {strides = array<i32>} : memref<80x128xf32, #tpu.memory_space<vmem>>, vector<16xf32>,
          %parallel_loop3A_526 = arith.index_cast %parallel_loop3A_492 : i32 to index
          %parallel_loop3A_527 = arith.constant 64 : index
          %parallel_loop3A_528 = tpu.vector_load %arg17[%parallel_loop3A_526, %parallel_loop3A_527] {strides = array<i32>} : memref<80x128xf32, #tpu.memory_space<vmem>>, vector<16xf32>,
          %parallel_loop3A_529 = arith.mulf %parallel_loop3A_528, %parallel_loop3A_497 : vector<16xf32>
          %parallel_loop3A_530 = arith.index_cast %parallel_loop3A_492 : i32 to index
          %parallel_loop3A_531 = arith.constant 64 : index
          %parallel_loop3A_532 = tpu.vector_load %arg17[%parallel_loop3A_530, %parallel_loop3A_531] {strides = array<i32>} : memref<80x128xf32, #tpu.memory_space<vmem>>, vector<16xf32>,
          tpu.vector_store %arg17[%parallel_loop3A_530, %parallel_loop3A_531], %parallel_loop3A_529 {strides = array<i32>} : memref<80x128xf32, #tpu.memory_space<vmem>>, vector<16xf32>,
          %parallel_loop3A_533 = arith.index_cast %parallel_loop3A_492 : i32 to index
          %parallel_loop3A_534 = arith.constant 80 : index
          %parallel_loop3A_535 = tpu.vector_load %arg17[%parallel_loop3A_533, %parallel_loop3A_534] {strides = array<i32>} : memref<80x128xf32, #tpu.memory_space<vmem>>, vector<16xf32>,
          %parallel_loop3A_536 = arith.mulf %parallel_loop3A_535, %parallel_loop3A_497 : vector<16xf32>
          %parallel_loop3A_537 = arith.index_cast %parallel_loop3A_492 : i32 to index
          %parallel_loop3A_538 = arith.constant 80 : index
          %parallel_loop3A_539 = tpu.vector_load %arg17[%parallel_loop3A_537, %parallel_loop3A_538] {strides = array<i32>} : memref<80x128xf32, #tpu.memory_space<vmem>>, vector<16xf32>,
          tpu.vector_store %arg17[%parallel_loop3A_537, %parallel_loop3A_538], %parallel_loop3A_536 {strides = array<i32>} : memref<80x128xf32, #tpu.memory_space<vmem>>, vector<16xf32>,
          %parallel_loop3A_540 = arith.index_cast %parallel_loop3A_492 : i32 to index
          %parallel_loop3A_541 = arith.constant 96 : index
          %parallel_loop3A_542 = tpu.vector_load %arg17[%parallel_loop3A_540, %parallel_loop3A_541] {strides = array<i32>} : memref<80x128xf32, #tpu.memory_space<vmem>>, vector<16xf32>,
          %parallel_loop3A_543 = arith.mulf %parallel_loop3A_542, %parallel_loop3A_497 : vector<16xf32>
          %parallel_loop3A_544 = arith.index_cast %parallel_loop3A_492 : i32 to index
          %parallel_loop3A_545 = arith.constant 96 : index
          %parallel_loop3A_546 = tpu.vector_load %arg17[%parallel_loop3A_544, %parallel_loop3A_545] {strides = array<i32>} : memref<80x128xf32, #tpu.memory_space<vmem>>, vector<16xf32>,
          tpu.vector_store %arg17[%parallel_loop3A_544, %parallel_loop3A_545], %parallel_loop3A_543 {strides = array<i32>} : memref<80x128xf32, #tpu.memory_space<vmem>>, vector<16xf32>,
          %parallel_loop3A_547 = arith.index_cast %parallel_loop3A_492 : i32 to index
          %parallel_loop3A_548 = arith.constant 112 : index
          %parallel_loop3A_549 = tpu.vector_load %arg17[%parallel_loop3A_547, %parallel_loop3A_548] {strides = array<i32>} : memref<80x128xf32, #tpu.memory_space<vmem>>, vector<16xf32>,
          %parallel_loop3A_550 = arith.mulf %parallel_loop3A_549, %parallel_loop3A_497 : vector<16xf32>
          %parallel_loop3A_551 = arith.index_cast %parallel_loop3A_492 : i32 to index
          %parallel_loop3A_552 = arith.constant 112 : index
          %parallel_loop3A_553 = tpu.vector_load %arg17[%parallel_loop3A_551, %parallel_loop3A_552] {strides = array<i32>} : memref<80x128xf32, #tpu.memory_space<vmem>>, vector<16xf32>,
          tpu.vector_store %arg17[%parallel_loop3A_551, %parallel_loop3A_552], %parallel_loop3A_550 {strides = array<i32>} : memref<80x128xf32, #tpu.memory_space<vmem>>, vector<16xf32>,
        } {sc.loop_unroll_factor = 4 : i64, sc.parallel_access}
        %dma_start3A_347 = arith.constant 0 : i32
        %dma_start3A_348 = tpu.memref_slice %arg14[%mul3A_224, %dma_start3A_347] : memref<25x80xi32, #tpu.memory_space<vmem>> -> memref<1x80xi32, #tpu.memory_space<vmem>>
        %dma_start3A_349 = tpu.memref_squeeze %dma_start3A_348 : memref<1x80xi32, #tpu.memory_space<vmem>> -> memref<80xi32, #tpu.memory_space<vmem>>
        %dma_start3A_350 = arith.constant 0 : i32
        %dma_start3A_351 = arith.constant 0 : i32
        %dma_start3A_352 = tpu.memref_slice %arg9[%dma_start3A_350, %dma_start3A_351] : memref<10000x128xf32, #tpu.memory_space<vmem_shared>> -> memref<10000x128xf32, #tpu.memory_space<vmem_shared>>
        tpu.enqueue_indirect_dma source(%arg17 : memref<80x128xf32, #tpu.memory_space<vmem>>) target(%dma_start3A_352 : memref<10000x128xf32, #tpu.memory_space<vmem_shared>>) offsets(%dma_start3A_349 : memref<80xi32, #tpu.memory_space<vmem>>) semaphore(%arg21 : memref<!tpu.dma_semaphore, #tpu.memory_space<semaphore_mem>>) {add = true}
        %dma_start3A_353 = arith.constant 0 : i32
        %dma_start3A_354 = tpu.memref_slice %arg14[%mul3A_224, %dma_start3A_353] : memref<25x80xi32, #tpu.memory_space<vmem>> -> memref<1x80xi32, #tpu.memory_space<vmem>>
        %dma_start3A_355 = tpu.memref_squeeze %dma_start3A_354 : memref<1x80xi32, #tpu.memory_space<vmem>> -> memref<80xi32, #tpu.memory_space<vmem>>
        %dma_start3A_356 = arith.constant 0 : i32
        %dma_start3A_357 = tpu.memref_slice %arg10[%dma_start3A_356] : memref<10000xf32, #tpu.memory_space<vmem_shared>> -> memref<10000xf32, #tpu.memory_space<vmem_shared>>
        tpu.enqueue_indirect_dma source(%arg15 : memref<80xf32, #tpu.memory_space<vmem>>) target(%dma_start3A_357 : memref<10000xf32, #tpu.memory_space<vmem_shared>>) offsets(%dma_start3A_355 : memref<80xi32, #tpu.memory_space<vmem>>) semaphore(%arg23 : memref<!tpu.dma_semaphore, #tpu.memory_space<semaphore_mem>>) {add = true}
        %gt3A_358 = arith.constant 0 : i32
        %gt3A_359 = arith.cmpi sgt, %add3A_222, %gt3A_358 : i32
        %convert_element_type3A_360 = arith.extui %gt3A_359 : i1 to i32
        %cond3A_361 = arith.constant 0 : i32
        %cond3A_362 = arith.cmpi ne, %convert_element_type3A_360, %cond3A_361 : i32
        scf.if %cond3A_362 {
          %dma_wait3A_492 = arith.constant 0 : i32
          %dma_wait3A_493 = tpu.memref_slice %arg14[%add3A_226, %dma_wait3A_492] : memref<25x80xi32, #tpu.memory_space<vmem>> -> memref<1x80xi32, #tpu.memory_space<vmem>>
          %dma_wait3A_494 = tpu.memref_squeeze %dma_wait3A_493 : memref<1x80xi32, #tpu.memory_space<vmem>> -> memref<80xi32, #tpu.memory_space<vmem>>
          %dma_wait3A_495 = arith.constant 0 : i32
          %dma_wait3A_496 = tpu.memref_slice %arg10[%dma_wait3A_495] : memref<10000xf32, #tpu.memory_space<vmem_shared>> -> memref<10000xf32, #tpu.memory_space<vmem_shared>>
          tpu.wait_indirect_dma semaphore(%arg24 : memref<!tpu.dma_semaphore, #tpu.memory_space<semaphore_mem>>) src(%arg16 : memref<80xf32, #tpu.memory_space<vmem>>) dst(%dma_wait3A_496 : memref<10000xf32, #tpu.memory_space<vmem_shared>>)
        } else {
        }
        %get3A_363 = arith.index_cast %add3A_226 : i32 to index
        %get3A_364 = arith.constant 0 : index
        %get3A_365 = tpu.vector_load %arg13[%get3A_363, %get3A_364] {strides = array<i32>} : memref<25x80xi32, #tpu.memory_space<vmem>>, vector<16xi32>,
        %get3A_366 = arith.index_cast %add3A_226 : i32 to index
        %get3A_367 = arith.constant 0 : index
        %get3A_368 = tpu.vector_load %arg14[%get3A_366, %get3A_367] {strides = array<i32>} : memref<25x80xi32, #tpu.memory_space<vmem>>, vector<16xi32>,
        %gather3A_369 = tpu.vector_load_idx %arg11[%get3A_365] : memref<10000xf32, #tpu.memory_space<vmem>>[vector<16xi32>], vector<16xf32>,
        %gather3A_370 = tpu.vector_load_idx %arg12[%get3A_368] : memref<10000xf32, #tpu.memory_space<vmem>>[vector<16xi32>], vector<16xf32>,
        %add3A_371 = arith.addf %gather3A_369, %gather3A_370 : vector<16xf32>
        %gt3A_372 = arith.constant 0.000000e+00 : f32
        %gt3A_373 = vector.broadcast %gt3A_372 : f32 to vector<16xf32>
        %gt3A_374 = arith.cmpf ogt, %add3A_371, %gt3A_373 : vector<16xf32>
        %mul3A_375 = arith.constant 2.000000e-01 : f32
        %mul3A_376 = vector.broadcast %mul3A_375 : f32 to vector<16xf32>
        %mul3A_377 = arith.mulf %mul3A_376, %add3A_371 : vector<16xf32>
        %select_n3A_378 = arith.select %gt3A_374, %add3A_371, %mul3A_377 : vector<16xi1>, vector<16xf32>
        %exp3A_379 = math.exp %select_n3A_378 : vector<16xf32>
        %swap3A_380 = arith.constant 0 : index
        %swap3A_381 = tpu.vector_load %arg16[%swap3A_380] {strides = array<i32>} : memref<80xf32, #tpu.memory_space<vmem>>, vector<16xf32>,
        tpu.vector_store %arg16[%swap3A_380], %exp3A_379 {strides = array<i32>} : memref<80xf32, #tpu.memory_space<vmem>>, vector<16xf32>,
        %get3A_382 = arith.index_cast %add3A_226 : i32 to index
        %get3A_383 = arith.constant 16 : index
        %get3A_384 = tpu.vector_load %arg13[%get3A_382, %get3A_383] {strides = array<i32>} : memref<25x80xi32, #tpu.memory_space<vmem>>, vector<16xi32>,
        %get3A_385 = arith.index_cast %add3A_226 : i32 to index
        %get3A_386 = arith.constant 16 : index
        %get3A_387 = tpu.vector_load %arg14[%get3A_385, %get3A_386] {strides = array<i32>} : memref<25x80xi32, #tpu.memory_space<vmem>>, vector<16xi32>,
        %gather3A_388 = tpu.vector_load_idx %arg11[%get3A_384] : memref<10000xf32, #tpu.memory_space<vmem>>[vector<16xi32>], vector<16xf32>,
        %gather3A_389 = tpu.vector_load_idx %arg12[%get3A_387] : memref<10000xf32, #tpu.memory_space<vmem>>[vector<16xi32>], vector<16xf32>,
        %add3A_390 = arith.addf %gather3A_388, %gather3A_389 : vector<16xf32>
        %gt3A_391 = arith.constant 0.000000e+00 : f32
        %gt3A_392 = vector.broadcast %gt3A_391 : f32 to vector<16xf32>
        %gt3A_393 = arith.cmpf ogt, %add3A_390, %gt3A_392 : vector<16xf32>
        %mul3A_394 = arith.constant 2.000000e-01 : f32
        %mul3A_395 = vector.broadcast %mul3A_394 : f32 to vector<16xf32>
        %mul3A_396 = arith.mulf %mul3A_395, %add3A_390 : vector<16xf32>
        %select_n3A_397 = arith.select %gt3A_393, %add3A_390, %mul3A_396 : vector<16xi1>, vector<16xf32>
        %exp3A_398 = math.exp %select_n3A_397 : vector<16xf32>
        %swap3A_399 = arith.constant 16 : index
        %swap3A_400 = tpu.vector_load %arg16[%swap3A_399] {strides = array<i32>} : memref<80xf32, #tpu.memory_space<vmem>>, vector<16xf32>,
        tpu.vector_store %arg16[%swap3A_399], %exp3A_398 {strides = array<i32>} : memref<80xf32, #tpu.memory_space<vmem>>, vector<16xf32>,
        %get3A_401 = arith.index_cast %add3A_226 : i32 to index
        %get3A_402 = arith.constant 32 : index
        %get3A_403 = tpu.vector_load %arg13[%get3A_401, %get3A_402] {strides = array<i32>} : memref<25x80xi32, #tpu.memory_space<vmem>>, vector<16xi32>,
        %get3A_404 = arith.index_cast %add3A_226 : i32 to index
        %get3A_405 = arith.constant 32 : index
        %get3A_406 = tpu.vector_load %arg14[%get3A_404, %get3A_405] {strides = array<i32>} : memref<25x80xi32, #tpu.memory_space<vmem>>, vector<16xi32>,
        %gather3A_407 = tpu.vector_load_idx %arg11[%get3A_403] : memref<10000xf32, #tpu.memory_space<vmem>>[vector<16xi32>], vector<16xf32>,
        %gather3A_408 = tpu.vector_load_idx %arg12[%get3A_406] : memref<10000xf32, #tpu.memory_space<vmem>>[vector<16xi32>], vector<16xf32>,
        %add3A_409 = arith.addf %gather3A_407, %gather3A_408 : vector<16xf32>
        %gt3A_410 = arith.constant 0.000000e+00 : f32
        %gt3A_411 = vector.broadcast %gt3A_410 : f32 to vector<16xf32>
        %gt3A_412 = arith.cmpf ogt, %add3A_409, %gt3A_411 : vector<16xf32>
        %mul3A_413 = arith.constant 2.000000e-01 : f32
        %mul3A_414 = vector.broadcast %mul3A_413 : f32 to vector<16xf32>
        %mul3A_415 = arith.mulf %mul3A_414, %add3A_409 : vector<16xf32>
        %select_n3A_416 = arith.select %gt3A_412, %add3A_409, %mul3A_415 : vector<16xi1>, vector<16xf32>
        %exp3A_417 = math.exp %select_n3A_416 : vector<16xf32>
        %swap3A_418 = arith.constant 32 : index
        %swap3A_419 = tpu.vector_load %arg16[%swap3A_418] {strides = array<i32>} : memref<80xf32, #tpu.memory_space<vmem>>, vector<16xf32>,
        tpu.vector_store %arg16[%swap3A_418], %exp3A_417 {strides = array<i32>} : memref<80xf32, #tpu.memory_space<vmem>>, vector<16xf32>,
        %get3A_420 = arith.index_cast %add3A_226 : i32 to index
        %get3A_421 = arith.constant 48 : index
        %get3A_422 = tpu.vector_load %arg13[%get3A_420, %get3A_421] {strides = array<i32>} : memref<25x80xi32, #tpu.memory_space<vmem>>, vector<16xi32>,
        %get3A_423 = arith.index_cast %add3A_226 : i32 to index
        %get3A_424 = arith.constant 48 : index
        %get3A_425 = tpu.vector_load %arg14[%get3A_423, %get3A_424] {strides = array<i32>} : memref<25x80xi32, #tpu.memory_space<vmem>>, vector<16xi32>,
        %gather3A_426 = tpu.vector_load_idx %arg11[%get3A_422] : memref<10000xf32, #tpu.memory_space<vmem>>[vector<16xi32>], vector<16xf32>,
        %gather3A_427 = tpu.vector_load_idx %arg12[%get3A_425] : memref<10000xf32, #tpu.memory_space<vmem>>[vector<16xi32>], vector<16xf32>,
        %add3A_428 = arith.addf %gather3A_426, %gather3A_427 : vector<16xf32>
        %gt3A_429 = arith.constant 0.000000e+00 : f32
        %gt3A_430 = vector.broadcast %gt3A_429 : f32 to vector<16xf32>
        %gt3A_431 = arith.cmpf ogt, %add3A_428, %gt3A_430 : vector<16xf32>
        %mul3A_432 = arith.constant 2.000000e-01 : f32
        %mul3A_433 = vector.broadcast %mul3A_432 : f32 to vector<16xf32>
        %mul3A_434 = arith.mulf %mul3A_433, %add3A_428 : vector<16xf32>
        %select_n3A_435 = arith.select %gt3A_431, %add3A_428, %mul3A_434 : vector<16xi1>, vector<16xf32>
        %exp3A_436 = math.exp %select_n3A_435 : vector<16xf32>
        %swap3A_437 = arith.constant 48 : index
        %swap3A_438 = tpu.vector_load %arg16[%swap3A_437] {strides = array<i32>} : memref<80xf32, #tpu.memory_space<vmem>>, vector<16xf32>,
        tpu.vector_store %arg16[%swap3A_437], %exp3A_436 {strides = array<i32>} : memref<80xf32, #tpu.memory_space<vmem>>, vector<16xf32>,
        %get3A_439 = arith.index_cast %add3A_226 : i32 to index
        %get3A_440 = arith.constant 64 : index
        %get3A_441 = tpu.vector_load %arg13[%get3A_439, %get3A_440] {strides = array<i32>} : memref<25x80xi32, #tpu.memory_space<vmem>>, vector<16xi32>,
        %get3A_442 = arith.index_cast %add3A_226 : i32 to index
        %get3A_443 = arith.constant 64 : index
        %get3A_444 = tpu.vector_load %arg14[%get3A_442, %get3A_443] {strides = array<i32>} : memref<25x80xi32, #tpu.memory_space<vmem>>, vector<16xi32>,
        %gather3A_445 = tpu.vector_load_idx %arg11[%get3A_441] : memref<10000xf32, #tpu.memory_space<vmem>>[vector<16xi32>], vector<16xf32>,
        %gather3A_446 = tpu.vector_load_idx %arg12[%get3A_444] : memref<10000xf32, #tpu.memory_space<vmem>>[vector<16xi32>], vector<16xf32>,
        %add3A_447 = arith.addf %gather3A_445, %gather3A_446 : vector<16xf32>
        %gt3A_448 = arith.constant 0.000000e+00 : f32
        %gt3A_449 = vector.broadcast %gt3A_448 : f32 to vector<16xf32>
        %gt3A_450 = arith.cmpf ogt, %add3A_447, %gt3A_449 : vector<16xf32>
        %mul3A_451 = arith.constant 2.000000e-01 : f32
        %mul3A_452 = vector.broadcast %mul3A_451 : f32 to vector<16xf32>
        %mul3A_453 = arith.mulf %mul3A_452, %add3A_447 : vector<16xf32>
        %select_n3A_454 = arith.select %gt3A_450, %add3A_447, %mul3A_453 : vector<16xi1>, vector<16xf32>
        %exp3A_455 = math.exp %select_n3A_454 : vector<16xf32>
        %swap3A_456 = arith.constant 64 : index
        %swap3A_457 = tpu.vector_load %arg16[%swap3A_456] {strides = array<i32>} : memref<80xf32, #tpu.memory_space<vmem>>, vector<16xf32>,
        tpu.vector_store %arg16[%swap3A_456], %exp3A_455 {strides = array<i32>} : memref<80xf32, #tpu.memory_space<vmem>>, vector<16xf32>,
        %dma_wait3A_458 = arith.constant 0 : i32
        %dma_wait3A_459 = tpu.memref_slice %arg13[%add3A_226, %dma_wait3A_458] : memref<25x80xi32, #tpu.memory_space<vmem>> -> memref<1x80xi32, #tpu.memory_space<vmem>>
        %dma_wait3A_460 = tpu.memref_squeeze %dma_wait3A_459 : memref<1x80xi32, #tpu.memory_space<vmem>> -> memref<80xi32, #tpu.memory_space<vmem>>
        %dma_wait3A_461 = arith.constant 0 : i32
        %dma_wait3A_462 = arith.constant 0 : i32
        %dma_wait3A_463 = tpu.memref_slice %arg2[%dma_wait3A_461, %dma_wait3A_462] : memref<10000x128xf32, #tpu.memory_space<hbm>> -> memref<10000x128xf32, #tpu.memory_space<hbm>>
        tpu.wait_indirect_dma semaphore(%arg20 : memref<!tpu.dma_semaphore, #tpu.memory_space<semaphore_mem>>) src(%dma_wait3A_463 : memref<10000x128xf32, #tpu.memory_space<hbm>>) dst(%arg18 : memref<80x128xf32, #tpu.memory_space<vmem>>)
        %dma_wait3A_464 = arith.constant 0 : i32
        %dma_wait3A_465 = tpu.memref_slice %arg14[%mul3A_224, %dma_wait3A_464] : memref<25x80xi32, #tpu.memory_space<vmem>> -> memref<1x80xi32, #tpu.memory_space<vmem>>
        %dma_wait3A_466 = tpu.memref_squeeze %dma_wait3A_465 : memref<1x80xi32, #tpu.memory_space<vmem>> -> memref<80xi32, #tpu.memory_space<vmem>>
        %dma_wait3A_467 = arith.constant 0 : i32
        %dma_wait3A_468 = arith.constant 0 : i32
        %dma_wait3A_469 = tpu.memref_slice %arg9[%dma_wait3A_467, %dma_wait3A_468] : memref<10000x128xf32, #tpu.memory_space<vmem_shared>> -> memref<10000x128xf32, #tpu.memory_space<vmem_shared>>
        tpu.wait_indirect_dma semaphore(%arg21 : memref<!tpu.dma_semaphore, #tpu.memory_space<semaphore_mem>>) src(%arg17 : memref<80x128xf32, #tpu.memory_space<vmem>>) dst(%dma_wait3A_469 : memref<10000x128xf32, #tpu.memory_space<vmem_shared>>)
        %add3A_470 = arith.constant 2 : i32
        %add3A_471 = arith.addi %mul3A_224, %add3A_470 : i32
        %dma_start3A_472 = arith.constant 0 : i32
        %dma_start3A_473 = tpu.memref_slice %arg13[%add3A_471, %dma_start3A_472] : memref<25x80xi32, #tpu.memory_space<vmem>> -> memref<1x80xi32, #tpu.memory_space<vmem>>
        %dma_start3A_474 = tpu.memref_squeeze %dma_start3A_473 : memref<1x80xi32, #tpu.memory_space<vmem>> -> memref<80xi32, #tpu.memory_space<vmem>>
        %dma_start3A_475 = arith.constant 0 : i32
        %dma_start3A_476 = arith.constant 0 : i32
        %dma_start3A_477 = tpu.memref_slice %arg2[%dma_start3A_475, %dma_start3A_476] : memref<10000x128xf32, #tpu.memory_space<hbm>> -> memref<10000x128xf32, #tpu.memory_space<hbm>>
        tpu.enqueue_indirect_dma source(%dma_start3A_477 : memref<10000x128xf32, #tpu.memory_space<hbm>>) target(%arg17 : memref<80x128xf32, #tpu.memory_space<vmem>>) offsets(%dma_start3A_474 : memref<80xi32, #tpu.memory_space<vmem>>) semaphore(%arg19 : memref<!tpu.dma_semaphore, #tpu.memory_space<semaphore_mem>>)
        %parallel_loop3A_478 = arith.constant 0 : i32
        %parallel_loop3A_479 = arith.constant 80 : i32
        %parallel_loop3A_480 = arith.constant 1 : i32
        scf.for %parallel_loop3A_492 = %parallel_loop3A_478 to %parallel_loop3A_479 step %parallel_loop3A_480  : i32 {
          %parallel_loop3A_493 = arith.constant 0 : i32
          %parallel_loop3A_494 = vector.broadcast %parallel_loop3A_493 : i32 to vector<16xi32>
          %parallel_loop3A_495 = vector.broadcast %parallel_loop3A_492 : i32 to vector<16xi32>
          %parallel_loop3A_496 = arith.addi %parallel_loop3A_494, %parallel_loop3A_495 : vector<16xi32>
          %parallel_loop3A_497 = tpu.vector_load_idx %arg16[%parallel_loop3A_496] : memref<80xf32, #tpu.memory_space<vmem>>[vector<16xi32>], vector<16xf32>,
          %parallel_loop3A_498 = arith.index_cast %parallel_loop3A_492 : i32 to index
          %parallel_loop3A_499 = arith.constant 0 : index
          %parallel_loop3A_500 = tpu.vector_load %arg18[%parallel_loop3A_498, %parallel_loop3A_499] {strides = array<i32>} : memref<80x128xf32, #tpu.memory_space<vmem>>, vector<16xf32>,
          %parallel_loop3A_501 = arith.mulf %parallel_loop3A_500, %parallel_loop3A_497 : vector<16xf32>
          %parallel_loop3A_502 = arith.index_cast %parallel_loop3A_492 : i32 to index
          %parallel_loop3A_503 = arith.constant 0 : index
          %parallel_loop3A_504 = tpu.vector_load %arg18[%parallel_loop3A_502, %parallel_loop3A_503] {strides = array<i32>} : memref<80x128xf32, #tpu.memory_space<vmem>>, vector<16xf32>,
          tpu.vector_store %arg18[%parallel_loop3A_502, %parallel_loop3A_503], %parallel_loop3A_501 {strides = array<i32>} : memref<80x128xf32, #tpu.memory_space<vmem>>, vector<16xf32>,
          %parallel_loop3A_505 = arith.index_cast %parallel_loop3A_492 : i32 to index
          %parallel_loop3A_506 = arith.constant 16 : index
          %parallel_loop3A_507 = tpu.vector_load %arg18[%parallel_loop3A_505, %parallel_loop3A_506] {strides = array<i32>} : memref<80x128xf32, #tpu.memory_space<vmem>>, vector<16xf32>,
          %parallel_loop3A_508 = arith.mulf %parallel_loop3A_507, %parallel_loop3A_497 : vector<16xf32>
          %parallel_loop3A_509 = arith.index_cast %parallel_loop3A_492 : i32 to index
          %parallel_loop3A_510 = arith.constant 16 : index
          %parallel_loop3A_511 = tpu.vector_load %arg18[%parallel_loop3A_509, %parallel_loop3A_510] {strides = array<i32>} : memref<80x128xf32, #tpu.memory_space<vmem>>, vector<16xf32>,
          tpu.vector_store %arg18[%parallel_loop3A_509, %parallel_loop3A_510], %parallel_loop3A_508 {strides = array<i32>} : memref<80x128xf32, #tpu.memory_space<vmem>>, vector<16xf32>,
          %parallel_loop3A_512 = arith.index_cast %parallel_loop3A_492 : i32 to index
          %parallel_loop3A_513 = arith.constant 32 : index
          %parallel_loop3A_514 = tpu.vector_load %arg18[%parallel_loop3A_512, %parallel_loop3A_513] {strides = array<i32>} : memref<80x128xf32, #tpu.memory_space<vmem>>, vector<16xf32>,
          %parallel_loop3A_515 = arith.mulf %parallel_loop3A_514, %parallel_loop3A_497 : vector<16xf32>
          %parallel_loop3A_516 = arith.index_cast %parallel_loop3A_492 : i32 to index
          %parallel_loop3A_517 = arith.constant 32 : index
          %parallel_loop3A_518 = tpu.vector_load %arg18[%parallel_loop3A_516, %parallel_loop3A_517] {strides = array<i32>} : memref<80x128xf32, #tpu.memory_space<vmem>>, vector<16xf32>,
          tpu.vector_store %arg18[%parallel_loop3A_516, %parallel_loop3A_517], %parallel_loop3A_515 {strides = array<i32>} : memref<80x128xf32, #tpu.memory_space<vmem>>, vector<16xf32>,
          %parallel_loop3A_519 = arith.index_cast %parallel_loop3A_492 : i32 to index
          %parallel_loop3A_520 = arith.constant 48 : index
          %parallel_loop3A_521 = tpu.vector_load %arg18[%parallel_loop3A_519, %parallel_loop3A_520] {strides = array<i32>} : memref<80x128xf32, #tpu.memory_space<vmem>>, vector<16xf32>,
          %parallel_loop3A_522 = arith.mulf %parallel_loop3A_521, %parallel_loop3A_497 : vector<16xf32>
          %parallel_loop3A_523 = arith.index_cast %parallel_loop3A_492 : i32 to index
          %parallel_loop3A_524 = arith.constant 48 : index
          %parallel_loop3A_525 = tpu.vector_load %arg18[%parallel_loop3A_523, %parallel_loop3A_524] {strides = array<i32>} : memref<80x128xf32, #tpu.memory_space<vmem>>, vector<16xf32>,
          tpu.vector_store %arg18[%parallel_loop3A_523, %parallel_loop3A_524], %parallel_loop3A_522 {strides = array<i32>} : memref<80x128xf32, #tpu.memory_space<vmem>>, vector<16xf32>,
          %parallel_loop3A_526 = arith.index_cast %parallel_loop3A_492 : i32 to index
          %parallel_loop3A_527 = arith.constant 64 : index
          %parallel_loop3A_528 = tpu.vector_load %arg18[%parallel_loop3A_526, %parallel_loop3A_527] {strides = array<i32>} : memref<80x128xf32, #tpu.memory_space<vmem>>, vector<16xf32>,
          %parallel_loop3A_529 = arith.mulf %parallel_loop3A_528, %parallel_loop3A_497 : vector<16xf32>
          %parallel_loop3A_530 = arith.index_cast %parallel_loop3A_492 : i32 to index
          %parallel_loop3A_531 = arith.constant 64 : index
          %parallel_loop3A_532 = tpu.vector_load %arg18[%parallel_loop3A_530, %parallel_loop3A_531] {strides = array<i32>} : memref<80x128xf32, #tpu.memory_space<vmem>>, vector<16xf32>,
          tpu.vector_store %arg18[%parallel_loop3A_530, %parallel_loop3A_531], %parallel_loop3A_529 {strides = array<i32>} : memref<80x128xf32, #tpu.memory_space<vmem>>, vector<16xf32>,
          %parallel_loop3A_533 = arith.index_cast %parallel_loop3A_492 : i32 to index
          %parallel_loop3A_534 = arith.constant 80 : index
          %parallel_loop3A_535 = tpu.vector_load %arg18[%parallel_loop3A_533, %parallel_loop3A_534] {strides = array<i32>} : memref<80x128xf32, #tpu.memory_space<vmem>>, vector<16xf32>,
          %parallel_loop3A_536 = arith.mulf %parallel_loop3A_535, %parallel_loop3A_497 : vector<16xf32>
          %parallel_loop3A_537 = arith.index_cast %parallel_loop3A_492 : i32 to index
          %parallel_loop3A_538 = arith.constant 80 : index
          %parallel_loop3A_539 = tpu.vector_load %arg18[%parallel_loop3A_537, %parallel_loop3A_538] {strides = array<i32>} : memref<80x128xf32, #tpu.memory_space<vmem>>, vector<16xf32>,
          tpu.vector_store %arg18[%parallel_loop3A_537, %parallel_loop3A_538], %parallel_loop3A_536 {strides = array<i32>} : memref<80x128xf32, #tpu.memory_space<vmem>>, vector<16xf32>,
          %parallel_loop3A_540 = arith.index_cast %parallel_loop3A_492 : i32 to index
          %parallel_loop3A_541 = arith.constant 96 : index
          %parallel_loop3A_542 = tpu.vector_load %arg18[%parallel_loop3A_540, %parallel_loop3A_541] {strides = array<i32>} : memref<80x128xf32, #tpu.memory_space<vmem>>, vector<16xf32>,
          %parallel_loop3A_543 = arith.mulf %parallel_loop3A_542, %parallel_loop3A_497 : vector<16xf32>
          %parallel_loop3A_544 = arith.index_cast %parallel_loop3A_492 : i32 to index
          %parallel_loop3A_545 = arith.constant 96 : index
          %parallel_loop3A_546 = tpu.vector_load %arg18[%parallel_loop3A_544, %parallel_loop3A_545] {strides = array<i32>} : memref<80x128xf32, #tpu.memory_space<vmem>>, vector<16xf32>,
          tpu.vector_store %arg18[%parallel_loop3A_544, %parallel_loop3A_545], %parallel_loop3A_543 {strides = array<i32>} : memref<80x128xf32, #tpu.memory_space<vmem>>, vector<16xf32>,
          %parallel_loop3A_547 = arith.index_cast %parallel_loop3A_492 : i32 to index
          %parallel_loop3A_548 = arith.constant 112 : index
          %parallel_loop3A_549 = tpu.vector_load %arg18[%parallel_loop3A_547, %parallel_loop3A_548] {strides = array<i32>} : memref<80x128xf32, #tpu.memory_space<vmem>>, vector<16xf32>,
          %parallel_loop3A_550 = arith.mulf %parallel_loop3A_549, %parallel_loop3A_497 : vector<16xf32>
          %parallel_loop3A_551 = arith.index_cast %parallel_loop3A_492 : i32 to index
          %parallel_loop3A_552 = arith.constant 112 : index
          %parallel_loop3A_553 = tpu.vector_load %arg18[%parallel_loop3A_551, %parallel_loop3A_552] {strides = array<i32>} : memref<80x128xf32, #tpu.memory_space<vmem>>, vector<16xf32>,
          tpu.vector_store %arg18[%parallel_loop3A_551, %parallel_loop3A_552], %parallel_loop3A_550 {strides = array<i32>} : memref<80x128xf32, #tpu.memory_space<vmem>>, vector<16xf32>,
        } {sc.loop_unroll_factor = 4 : i64, sc.parallel_access}
        %dma_start3A_481 = arith.constant 0 : i32
        %dma_start3A_482 = tpu.memref_slice %arg14[%add3A_226, %dma_start3A_481] : memref<25x80xi32, #tpu.memory_space<vmem>> -> memref<1x80xi32, #tpu.memory_space<vmem>>
        %dma_start3A_483 = tpu.memref_squeeze %dma_start3A_482 : memref<1x80xi32, #tpu.memory_space<vmem>> -> memref<80xi32, #tpu.memory_space<vmem>>
        %dma_start3A_484 = arith.constant 0 : i32
        %dma_start3A_485 = arith.constant 0 : i32
        %dma_start3A_486 = tpu.memref_slice %arg9[%dma_start3A_484, %dma_start3A_485] : memref<10000x128xf32, #tpu.memory_space<vmem_shared>> -> memref<10000x128xf32, #tpu.memory_space<vmem_shared>>
        tpu.enqueue_indirect_dma source(%arg18 : memref<80x128xf32, #tpu.memory_space<vmem>>) target(%dma_start3A_486 : memref<10000x128xf32, #tpu.memory_space<vmem_shared>>) offsets(%dma_start3A_483 : memref<80xi32, #tpu.memory_space<vmem>>) semaphore(%arg22 : memref<!tpu.dma_semaphore, #tpu.memory_space<semaphore_mem>>) {add = true}
        %dma_start3A_487 = arith.constant 0 : i32
        %dma_start3A_488 = tpu.memref_slice %arg14[%add3A_226, %dma_start3A_487] : memref<25x80xi32, #tpu.memory_space<vmem>> -> memref<1x80xi32, #tpu.memory_space<vmem>>
        %dma_start3A_489 = tpu.memref_squeeze %dma_start3A_488 : memref<1x80xi32, #tpu.memory_space<vmem>> -> memref<80xi32, #tpu.memory_space<vmem>>
        %dma_start3A_490 = arith.constant 0 : i32
        %dma_start3A_491 = tpu.memref_slice %arg10[%dma_start3A_490] : memref<10000xf32, #tpu.memory_space<vmem_shared>> -> memref<10000xf32, #tpu.memory_space<vmem_shared>>
        tpu.enqueue_indirect_dma source(%arg16 : memref<80xf32, #tpu.memory_space<vmem>>) target(%dma_start3A_491 : memref<10000xf32, #tpu.memory_space<vmem_shared>>) offsets(%dma_start3A_489 : memref<80xi32, #tpu.memory_space<vmem>>) semaphore(%arg24 : memref<!tpu.dma_semaphore, #tpu.memory_space<semaphore_mem>>) {add = true}
      }
      %scan3A_93 = arith.constant 12 : i32
      %dma_wait3A_94 = arith.constant 24 : i32
      %dma_wait3A_95 = arith.constant 0 : i32
      %dma_wait3A_96 = tpu.memref_slice %arg14[%dma_wait3A_94, %dma_wait3A_95] : memref<25x80xi32, #tpu.memory_space<vmem>> -> memref<1x80xi32, #tpu.memory_space<vmem>>
      %dma_wait3A_97 = tpu.memref_squeeze %dma_wait3A_96 : memref<1x80xi32, #tpu.memory_space<vmem>> -> memref<80xi32, #tpu.memory_space<vmem>>
      %dma_wait3A_98 = arith.constant 0 : i32
      %dma_wait3A_99 = tpu.memref_slice %arg10[%dma_wait3A_98] : memref<10000xf32, #tpu.memory_space<vmem_shared>> -> memref<10000xf32, #tpu.memory_space<vmem_shared>>
      tpu.wait_indirect_dma semaphore(%arg23 : memref<!tpu.dma_semaphore, #tpu.memory_space<semaphore_mem>>) src(%arg15 : memref<80xf32, #tpu.memory_space<vmem>>) dst(%dma_wait3A_99 : memref<10000xf32, #tpu.memory_space<vmem_shared>>)
      %get3A = arith.constant 24 : i32
      %get3A_100 = arith.index_cast %get3A : i32 to index
      %get3A_101 = arith.constant 0 : index
      %get3A_102 = tpu.vector_load %arg13[%get3A_100, %get3A_101] {strides = array<i32>} : memref<25x80xi32, #tpu.memory_space<vmem>>, vector<16xi32>,
      %get3A_103 = arith.constant 24 : i32
      %get3A_104 = arith.index_cast %get3A_103 : i32 to index
      %get3A_105 = arith.constant 0 : index
      %get3A_106 = tpu.vector_load %arg14[%get3A_104, %get3A_105] {strides = array<i32>} : memref<25x80xi32, #tpu.memory_space<vmem>>, vector<16xi32>,
      %gather3A = tpu.vector_load_idx %arg11[%get3A_102] : memref<10000xf32, #tpu.memory_space<vmem>>[vector<16xi32>], vector<16xf32>,
      %gather3A_107 = tpu.vector_load_idx %arg12[%get3A_106] : memref<10000xf32, #tpu.memory_space<vmem>>[vector<16xi32>], vector<16xf32>,
      %add3A_108 = arith.addf %gather3A, %gather3A_107 : vector<16xf32>
      %gt3A_109 = arith.constant 0.000000e+00 : f32
      %gt3A_110 = vector.broadcast %gt3A_109 : f32 to vector<16xf32>
      %gt3A_111 = arith.cmpf ogt, %add3A_108, %gt3A_110 : vector<16xf32>
      %mul3A_112 = arith.constant 2.000000e-01 : f32
      %mul3A_113 = vector.broadcast %mul3A_112 : f32 to vector<16xf32>
      %mul3A_114 = arith.mulf %mul3A_113, %add3A_108 : vector<16xf32>
      %select_n3A = arith.select %gt3A_111, %add3A_108, %mul3A_114 : vector<16xi1>, vector<16xf32>
      %exp3A = math.exp %select_n3A : vector<16xf32>
      %swap3A_115 = arith.constant 0 : index
      %swap3A_116 = tpu.vector_load %arg15[%swap3A_115] {strides = array<i32>} : memref<80xf32, #tpu.memory_space<vmem>>, vector<16xf32>,
      tpu.vector_store %arg15[%swap3A_115], %exp3A {strides = array<i32>} : memref<80xf32, #tpu.memory_space<vmem>>, vector<16xf32>,
      %get3A_117 = arith.constant 24 : i32
      %get3A_118 = arith.index_cast %get3A_117 : i32 to index
      %get3A_119 = arith.constant 16 : index
      %get3A_120 = tpu.vector_load %arg13[%get3A_118, %get3A_119] {strides = array<i32>} : memref<25x80xi32, #tpu.memory_space<vmem>>, vector<16xi32>,
      %get3A_121 = arith.constant 24 : i32
      %get3A_122 = arith.index_cast %get3A_121 : i32 to index
      %get3A_123 = arith.constant 16 : index
      %get3A_124 = tpu.vector_load %arg14[%get3A_122, %get3A_123] {strides = array<i32>} : memref<25x80xi32, #tpu.memory_space<vmem>>, vector<16xi32>,
      %gather3A_125 = tpu.vector_load_idx %arg11[%get3A_120] : memref<10000xf32, #tpu.memory_space<vmem>>[vector<16xi32>], vector<16xf32>,
      %gather3A_126 = tpu.vector_load_idx %arg12[%get3A_124] : memref<10000xf32, #tpu.memory_space<vmem>>[vector<16xi32>], vector<16xf32>,
      %add3A_127 = arith.addf %gather3A_125, %gather3A_126 : vector<16xf32>
      %gt3A_128 = arith.constant 0.000000e+00 : f32
      %gt3A_129 = vector.broadcast %gt3A_128 : f32 to vector<16xf32>
      %gt3A_130 = arith.cmpf ogt, %add3A_127, %gt3A_129 : vector<16xf32>
      %mul3A_131 = arith.constant 2.000000e-01 : f32
      %mul3A_132 = vector.broadcast %mul3A_131 : f32 to vector<16xf32>
      %mul3A_133 = arith.mulf %mul3A_132, %add3A_127 : vector<16xf32>
      %select_n3A_134 = arith.select %gt3A_130, %add3A_127, %mul3A_133 : vector<16xi1>, vector<16xf32>
      %exp3A_135 = math.exp %select_n3A_134 : vector<16xf32>
      %swap3A_136 = arith.constant 16 : index
      %swap3A_137 = tpu.vector_load %arg15[%swap3A_136] {strides = array<i32>} : memref<80xf32, #tpu.memory_space<vmem>>, vector<16xf32>,
      tpu.vector_store %arg15[%swap3A_136], %exp3A_135 {strides = array<i32>} : memref<80xf32, #tpu.memory_space<vmem>>, vector<16xf32>,
      %get3A_138 = arith.constant 24 : i32
      %get3A_139 = arith.index_cast %get3A_138 : i32 to index
      %get3A_140 = arith.constant 32 : index
      %get3A_141 = tpu.vector_load %arg13[%get3A_139, %get3A_140] {strides = array<i32>} : memref<25x80xi32, #tpu.memory_space<vmem>>, vector<16xi32>,
      %get3A_142 = arith.constant 24 : i32
      %get3A_143 = arith.index_cast %get3A_142 : i32 to index
      %get3A_144 = arith.constant 32 : index
      %get3A_145 = tpu.vector_load %arg14[%get3A_143, %get3A_144] {strides = array<i32>} : memref<25x80xi32, #tpu.memory_space<vmem>>, vector<16xi32>,
      %gather3A_146 = tpu.vector_load_idx %arg11[%get3A_141] : memref<10000xf32, #tpu.memory_space<vmem>>[vector<16xi32>], vector<16xf32>,
      %gather3A_147 = tpu.vector_load_idx %arg12[%get3A_145] : memref<10000xf32, #tpu.memory_space<vmem>>[vector<16xi32>], vector<16xf32>,
      %add3A_148 = arith.addf %gather3A_146, %gather3A_147 : vector<16xf32>
      %gt3A_149 = arith.constant 0.000000e+00 : f32
      %gt3A_150 = vector.broadcast %gt3A_149 : f32 to vector<16xf32>
      %gt3A_151 = arith.cmpf ogt, %add3A_148, %gt3A_150 : vector<16xf32>
      %mul3A_152 = arith.constant 2.000000e-01 : f32
      %mul3A_153 = vector.broadcast %mul3A_152 : f32 to vector<16xf32>
      %mul3A_154 = arith.mulf %mul3A_153, %add3A_148 : vector<16xf32>
      %select_n3A_155 = arith.select %gt3A_151, %add3A_148, %mul3A_154 : vector<16xi1>, vector<16xf32>
      %exp3A_156 = math.exp %select_n3A_155 : vector<16xf32>
      %swap3A_157 = arith.constant 32 : index
      %swap3A_158 = tpu.vector_load %arg15[%swap3A_157] {strides = array<i32>} : memref<80xf32, #tpu.memory_space<vmem>>, vector<16xf32>,
      tpu.vector_store %arg15[%swap3A_157], %exp3A_156 {strides = array<i32>} : memref<80xf32, #tpu.memory_space<vmem>>, vector<16xf32>,
      %get3A_159 = arith.constant 24 : i32
      %get3A_160 = arith.index_cast %get3A_159 : i32 to index
      %get3A_161 = arith.constant 48 : index
      %get3A_162 = tpu.vector_load %arg13[%get3A_160, %get3A_161] {strides = array<i32>} : memref<25x80xi32, #tpu.memory_space<vmem>>, vector<16xi32>,
      %get3A_163 = arith.constant 24 : i32
      %get3A_164 = arith.index_cast %get3A_163 : i32 to index
      %get3A_165 = arith.constant 48 : index
      %get3A_166 = tpu.vector_load %arg14[%get3A_164, %get3A_165] {strides = array<i32>} : memref<25x80xi32, #tpu.memory_space<vmem>>, vector<16xi32>,
      %gather3A_167 = tpu.vector_load_idx %arg11[%get3A_162] : memref<10000xf32, #tpu.memory_space<vmem>>[vector<16xi32>], vector<16xf32>,
      %gather3A_168 = tpu.vector_load_idx %arg12[%get3A_166] : memref<10000xf32, #tpu.memory_space<vmem>>[vector<16xi32>], vector<16xf32>,
      %add3A_169 = arith.addf %gather3A_167, %gather3A_168 : vector<16xf32>
      %gt3A_170 = arith.constant 0.000000e+00 : f32
      %gt3A_171 = vector.broadcast %gt3A_170 : f32 to vector<16xf32>
      %gt3A_172 = arith.cmpf ogt, %add3A_169, %gt3A_171 : vector<16xf32>
      %mul3A_173 = arith.constant 2.000000e-01 : f32
      %mul3A_174 = vector.broadcast %mul3A_173 : f32 to vector<16xf32>
      %mul3A_175 = arith.mulf %mul3A_174, %add3A_169 : vector<16xf32>
      %select_n3A_176 = arith.select %gt3A_172, %add3A_169, %mul3A_175 : vector<16xi1>, vector<16xf32>
      %exp3A_177 = math.exp %select_n3A_176 : vector<16xf32>
      %swap3A_178 = arith.constant 48 : index
      %swap3A_179 = tpu.vector_load %arg15[%swap3A_178] {strides = array<i32>} : memref<80xf32, #tpu.memory_space<vmem>>, vector<16xf32>,
      tpu.vector_store %arg15[%swap3A_178], %exp3A_177 {strides = array<i32>} : memref<80xf32, #tpu.memory_space<vmem>>, vector<16xf32>,
      %get3A_180 = arith.constant 24 : i32
      %get3A_181 = arith.index_cast %get3A_180 : i32 to index
      %get3A_182 = arith.constant 64 : index
      %get3A_183 = tpu.vector_load %arg13[%get3A_181, %get3A_182] {strides = array<i32>} : memref<25x80xi32, #tpu.memory_space<vmem>>, vector<16xi32>,
      %get3A_184 = arith.constant 24 : i32
      %get3A_185 = arith.index_cast %get3A_184 : i32 to index
      %get3A_186 = arith.constant 64 : index
      %get3A_187 = tpu.vector_load %arg14[%get3A_185, %get3A_186] {strides = array<i32>} : memref<25x80xi32, #tpu.memory_space<vmem>>, vector<16xi32>,
      %gather3A_188 = tpu.vector_load_idx %arg11[%get3A_183] : memref<10000xf32, #tpu.memory_space<vmem>>[vector<16xi32>], vector<16xf32>,
      %gather3A_189 = tpu.vector_load_idx %arg12[%get3A_187] : memref<10000xf32, #tpu.memory_space<vmem>>[vector<16xi32>], vector<16xf32>,
      %add3A_190 = arith.addf %gather3A_188, %gather3A_189 : vector<16xf32>
      %gt3A_191 = arith.constant 0.000000e+00 : f32
      %gt3A_192 = vector.broadcast %gt3A_191 : f32 to vector<16xf32>
      %gt3A_193 = arith.cmpf ogt, %add3A_190, %gt3A_192 : vector<16xf32>
      %mul3A_194 = arith.constant 2.000000e-01 : f32
      %mul3A_195 = vector.broadcast %mul3A_194 : f32 to vector<16xf32>
      %mul3A_196 = arith.mulf %mul3A_195, %add3A_190 : vector<16xf32>
      %select_n3A_197 = arith.select %gt3A_193, %add3A_190, %mul3A_196 : vector<16xi1>, vector<16xf32>
      %exp3A_198 = math.exp %select_n3A_197 : vector<16xf32>
      %swap3A_199 = arith.constant 64 : index
      %swap3A_200 = tpu.vector_load %arg15[%swap3A_199] {strides = array<i32>} : memref<80xf32, #tpu.memory_space<vmem>>, vector<16xf32>,
      tpu.vector_store %arg15[%swap3A_199], %exp3A_198 {strides = array<i32>} : memref<80xf32, #tpu.memory_space<vmem>>, vector<16xf32>,
      %dma_wait3A_201 = arith.constant 24 : i32
      %dma_wait3A_202 = arith.constant 0 : i32
      %dma_wait3A_203 = tpu.memref_slice %arg13[%dma_wait3A_201, %dma_wait3A_202] : memref<25x80xi32, #tpu.memory_space<vmem>> -> memref<1x80xi32, #tpu.memory_space<vmem>>
      %dma_wait3A_204 = tpu.memref_squeeze %dma_wait3A_203 : memref<1x80xi32, #tpu.memory_space<vmem>> -> memref<80xi32, #tpu.memory_space<vmem>>
      %dma_wait3A_205 = arith.constant 0 : i32
      %dma_wait3A_206 = arith.constant 0 : i32
      %dma_wait3A_207 = tpu.memref_slice %arg2[%dma_wait3A_205, %dma_wait3A_206] : memref<10000x128xf32, #tpu.memory_space<hbm>> -> memref<10000x128xf32, #tpu.memory_space<hbm>>
      tpu.wait_indirect_dma semaphore(%arg19 : memref<!tpu.dma_semaphore, #tpu.memory_space<semaphore_mem>>) src(%dma_wait3A_207 : memref<10000x128xf32, #tpu.memory_space<hbm>>) dst(%arg17 : memref<80x128xf32, #tpu.memory_space<vmem>>)
      %dma_wait3A_208 = arith.constant 24 : i32
      %dma_wait3A_209 = arith.constant 0 : i32
      %dma_wait3A_210 = tpu.memref_slice %arg14[%dma_wait3A_208, %dma_wait3A_209] : memref<25x80xi32, #tpu.memory_space<vmem>> -> memref<1x80xi32, #tpu.memory_space<vmem>>
      %dma_wait3A_211 = tpu.memref_squeeze %dma_wait3A_210 : memref<1x80xi32, #tpu.memory_space<vmem>> -> memref<80xi32, #tpu.memory_space<vmem>>
      %dma_wait3A_212 = arith.constant 0 : i32
      %dma_wait3A_213 = arith.constant 0 : i32
      %dma_wait3A_214 = tpu.memref_slice %arg9[%dma_wait3A_212, %dma_wait3A_213] : memref<10000x128xf32, #tpu.memory_space<vmem_shared>> -> memref<10000x128xf32, #tpu.memory_space<vmem_shared>>
      tpu.wait_indirect_dma semaphore(%arg22 : memref<!tpu.dma_semaphore, #tpu.memory_space<semaphore_mem>>) src(%arg18 : memref<80x128xf32, #tpu.memory_space<vmem>>) dst(%dma_wait3A_214 : memref<10000x128xf32, #tpu.memory_space<vmem_shared>>)
      %parallel_loop3A = arith.constant 0 : i32
      %parallel_loop3A_215 = arith.constant 80 : i32
      %parallel_loop3A_216 = arith.constant 1 : i32
      scf.for %parallel_loop3A_218 = %parallel_loop3A to %parallel_loop3A_215 step %parallel_loop3A_216  : i32 {
        %parallel_loop3A_219 = arith.constant 0 : i32
        %parallel_loop3A_220 = vector.broadcast %parallel_loop3A_219 : i32 to vector<16xi32>
        %parallel_loop3A_221 = vector.broadcast %parallel_loop3A_218 : i32 to vector<16xi32>
        %parallel_loop3A_222 = arith.addi %parallel_loop3A_220, %parallel_loop3A_221 : vector<16xi32>
        %parallel_loop3A_223 = tpu.vector_load_idx %arg15[%parallel_loop3A_222] : memref<80xf32, #tpu.memory_space<vmem>>[vector<16xi32>], vector<16xf32>,
        %parallel_loop3A_224 = arith.index_cast %parallel_loop3A_218 : i32 to index
        %parallel_loop3A_225 = arith.constant 0 : index
        %parallel_loop3A_226 = tpu.vector_load %arg17[%parallel_loop3A_224, %parallel_loop3A_225] {strides = array<i32>} : memref<80x128xf32, #tpu.memory_space<vmem>>, vector<16xf32>,
        %parallel_loop3A_227 = arith.mulf %parallel_loop3A_226, %parallel_loop3A_223 : vector<16xf32>
        %parallel_loop3A_228 = arith.index_cast %parallel_loop3A_218 : i32 to index
        %parallel_loop3A_229 = arith.constant 0 : index
        %parallel_loop3A_230 = tpu.vector_load %arg17[%parallel_loop3A_228, %parallel_loop3A_229] {strides = array<i32>} : memref<80x128xf32, #tpu.memory_space<vmem>>, vector<16xf32>,
        tpu.vector_store %arg17[%parallel_loop3A_228, %parallel_loop3A_229], %parallel_loop3A_227 {strides = array<i32>} : memref<80x128xf32, #tpu.memory_space<vmem>>, vector<16xf32>,
        %parallel_loop3A_231 = arith.index_cast %parallel_loop3A_218 : i32 to index
        %parallel_loop3A_232 = arith.constant 16 : index
        %parallel_loop3A_233 = tpu.vector_load %arg17[%parallel_loop3A_231, %parallel_loop3A_232] {strides = array<i32>} : memref<80x128xf32, #tpu.memory_space<vmem>>, vector<16xf32>,
        %parallel_loop3A_234 = arith.mulf %parallel_loop3A_233, %parallel_loop3A_223 : vector<16xf32>
        %parallel_loop3A_235 = arith.index_cast %parallel_loop3A_218 : i32 to index
        %parallel_loop3A_236 = arith.constant 16 : index
        %parallel_loop3A_237 = tpu.vector_load %arg17[%parallel_loop3A_235, %parallel_loop3A_236] {strides = array<i32>} : memref<80x128xf32, #tpu.memory_space<vmem>>, vector<16xf32>,
        tpu.vector_store %arg17[%parallel_loop3A_235, %parallel_loop3A_236], %parallel_loop3A_234 {strides = array<i32>} : memref<80x128xf32, #tpu.memory_space<vmem>>, vector<16xf32>,
        %parallel_loop3A_238 = arith.index_cast %parallel_loop3A_218 : i32 to index
        %parallel_loop3A_239 = arith.constant 32 : index
        %parallel_loop3A_240 = tpu.vector_load %arg17[%parallel_loop3A_238, %parallel_loop3A_239] {strides = array<i32>} : memref<80x128xf32, #tpu.memory_space<vmem>>, vector<16xf32>,
        %parallel_loop3A_241 = arith.mulf %parallel_loop3A_240, %parallel_loop3A_223 : vector<16xf32>
        %parallel_loop3A_242 = arith.index_cast %parallel_loop3A_218 : i32 to index
        %parallel_loop3A_243 = arith.constant 32 : index
        %parallel_loop3A_244 = tpu.vector_load %arg17[%parallel_loop3A_242, %parallel_loop3A_243] {strides = array<i32>} : memref<80x128xf32, #tpu.memory_space<vmem>>, vector<16xf32>,
        tpu.vector_store %arg17[%parallel_loop3A_242, %parallel_loop3A_243], %parallel_loop3A_241 {strides = array<i32>} : memref<80x128xf32, #tpu.memory_space<vmem>>, vector<16xf32>,
        %parallel_loop3A_245 = arith.index_cast %parallel_loop3A_218 : i32 to index
        %parallel_loop3A_246 = arith.constant 48 : index
        %parallel_loop3A_247 = tpu.vector_load %arg17[%parallel_loop3A_245, %parallel_loop3A_246] {strides = array<i32>} : memref<80x128xf32, #tpu.memory_space<vmem>>, vector<16xf32>,
        %parallel_loop3A_248 = arith.mulf %parallel_loop3A_247, %parallel_loop3A_223 : vector<16xf32>
        %parallel_loop3A_249 = arith.index_cast %parallel_loop3A_218 : i32 to index
        %parallel_loop3A_250 = arith.constant 48 : index
        %parallel_loop3A_251 = tpu.vector_load %arg17[%parallel_loop3A_249, %parallel_loop3A_250] {strides = array<i32>} : memref<80x128xf32, #tpu.memory_space<vmem>>, vector<16xf32>,
        tpu.vector_store %arg17[%parallel_loop3A_249, %parallel_loop3A_250], %parallel_loop3A_248 {strides = array<i32>} : memref<80x128xf32, #tpu.memory_space<vmem>>, vector<16xf32>,
        %parallel_loop3A_252 = arith.index_cast %parallel_loop3A_218 : i32 to index
        %parallel_loop3A_253 = arith.constant 64 : index
        %parallel_loop3A_254 = tpu.vector_load %arg17[%parallel_loop3A_252, %parallel_loop3A_253] {strides = array<i32>} : memref<80x128xf32, #tpu.memory_space<vmem>>, vector<16xf32>,
        %parallel_loop3A_255 = arith.mulf %parallel_loop3A_254, %parallel_loop3A_223 : vector<16xf32>
        %parallel_loop3A_256 = arith.index_cast %parallel_loop3A_218 : i32 to index
        %parallel_loop3A_257 = arith.constant 64 : index
        %parallel_loop3A_258 = tpu.vector_load %arg17[%parallel_loop3A_256, %parallel_loop3A_257] {strides = array<i32>} : memref<80x128xf32, #tpu.memory_space<vmem>>, vector<16xf32>,
        tpu.vector_store %arg17[%parallel_loop3A_256, %parallel_loop3A_257], %parallel_loop3A_255 {strides = array<i32>} : memref<80x128xf32, #tpu.memory_space<vmem>>, vector<16xf32>,
        %parallel_loop3A_259 = arith.index_cast %parallel_loop3A_218 : i32 to index
        %parallel_loop3A_260 = arith.constant 80 : index
        %parallel_loop3A_261 = tpu.vector_load %arg17[%parallel_loop3A_259, %parallel_loop3A_260] {strides = array<i32>} : memref<80x128xf32, #tpu.memory_space<vmem>>, vector<16xf32>,
        %parallel_loop3A_262 = arith.mulf %parallel_loop3A_261, %parallel_loop3A_223 : vector<16xf32>
        %parallel_loop3A_263 = arith.index_cast %parallel_loop3A_218 : i32 to index
        %parallel_loop3A_264 = arith.constant 80 : index
        %parallel_loop3A_265 = tpu.vector_load %arg17[%parallel_loop3A_263, %parallel_loop3A_264] {strides = array<i32>} : memref<80x128xf32, #tpu.memory_space<vmem>>, vector<16xf32>,
        tpu.vector_store %arg17[%parallel_loop3A_263, %parallel_loop3A_264], %parallel_loop3A_262 {strides = array<i32>} : memref<80x128xf32, #tpu.memory_space<vmem>>, vector<16xf32>,
        %parallel_loop3A_266 = arith.index_cast %parallel_loop3A_218 : i32 to index
        %parallel_loop3A_267 = arith.constant 96 : index
        %parallel_loop3A_268 = tpu.vector_load %arg17[%parallel_loop3A_266, %parallel_loop3A_267] {strides = array<i32>} : memref<80x128xf32, #tpu.memory_space<vmem>>, vector<16xf32>,
        %parallel_loop3A_269 = arith.mulf %parallel_loop3A_268, %parallel_loop3A_223 : vector<16xf32>
        %parallel_loop3A_270 = arith.index_cast %parallel_loop3A_218 : i32 to index
        %parallel_loop3A_271 = arith.constant 96 : index
        %parallel_loop3A_272 = tpu.vector_load %arg17[%parallel_loop3A_270, %parallel_loop3A_271] {strides = array<i32>} : memref<80x128xf32, #tpu.memory_space<vmem>>, vector<16xf32>,
        tpu.vector_store %arg17[%parallel_loop3A_270, %parallel_loop3A_271], %parallel_loop3A_269 {strides = array<i32>} : memref<80x128xf32, #tpu.memory_space<vmem>>, vector<16xf32>,
        %parallel_loop3A_273 = arith.index_cast %parallel_loop3A_218 : i32 to index
        %parallel_loop3A_274 = arith.constant 112 : index
        %parallel_loop3A_275 = tpu.vector_load %arg17[%parallel_loop3A_273, %parallel_loop3A_274] {strides = array<i32>} : memref<80x128xf32, #tpu.memory_space<vmem>>, vector<16xf32>,
        %parallel_loop3A_276 = arith.mulf %parallel_loop3A_275, %parallel_loop3A_223 : vector<16xf32>
        %parallel_loop3A_277 = arith.index_cast %parallel_loop3A_218 : i32 to index
        %parallel_loop3A_278 = arith.constant 112 : index
        %parallel_loop3A_279 = tpu.vector_load %arg17[%parallel_loop3A_277, %parallel_loop3A_278] {strides = array<i32>} : memref<80x128xf32, #tpu.memory_space<vmem>>, vector<16xf32>,
        tpu.vector_store %arg17[%parallel_loop3A_277, %parallel_loop3A_278], %parallel_loop3A_276 {strides = array<i32>} : memref<80x128xf32, #tpu.memory_space<vmem>>, vector<16xf32>,
      } {sc.loop_unroll_factor = 4 : i64, sc.parallel_access}
      %run_scoped3A = arith.constant 24 : i32
      "tpu.region"() ({
        %run_scoped3A_218 = tpu.sem_alloc : memref<!tpu.dma_semaphore, #tpu.memory_space<semaphore_mem>>
        %dma_start3A_219 = arith.constant 0 : i32
        %dma_start3A_220 = tpu.memref_slice %arg14[%run_scoped3A, %dma_start3A_219] : memref<25x80xi32, #tpu.memory_space<vmem>> -> memref<1x80xi32, #tpu.memory_space<vmem>>
        %dma_start3A_221 = tpu.memref_squeeze %dma_start3A_220 : memref<1x80xi32, #tpu.memory_space<vmem>> -> memref<80xi32, #tpu.memory_space<vmem>>
        %dma_start3A_222 = arith.constant 0 : i32
        %dma_start3A_223 = arith.constant 0 : i32
        %dma_start3A_224 = tpu.memref_slice %arg9[%dma_start3A_222, %dma_start3A_223] : memref<10000x128xf32, #tpu.memory_space<vmem_shared>> -> memref<10000x128xf32, #tpu.memory_space<vmem_shared>>
        tpu.enqueue_indirect_dma source(%arg17 : memref<80x128xf32, #tpu.memory_space<vmem>>) target(%dma_start3A_224 : memref<10000x128xf32, #tpu.memory_space<vmem_shared>>) offsets(%dma_start3A_221 : memref<80xi32, #tpu.memory_space<vmem>>) semaphore(%run_scoped3A_218 : memref<!tpu.dma_semaphore, #tpu.memory_space<semaphore_mem>>) {add = true}
        %dma_wait3A_225 = arith.constant 0 : i32
        %dma_wait3A_226 = tpu.memref_slice %arg14[%run_scoped3A, %dma_wait3A_225] : memref<25x80xi32, #tpu.memory_space<vmem>> -> memref<1x80xi32, #tpu.memory_space<vmem>>
        %dma_wait3A_227 = tpu.memref_squeeze %dma_wait3A_226 : memref<1x80xi32, #tpu.memory_space<vmem>> -> memref<80xi32, #tpu.memory_space<vmem>>
        %dma_wait3A_228 = arith.constant 0 : i32
        %dma_wait3A_229 = arith.constant 0 : i32
        %dma_wait3A_230 = tpu.memref_slice %arg9[%dma_wait3A_228, %dma_wait3A_229] : memref<10000x128xf32, #tpu.memory_space<vmem_shared>> -> memref<10000x128xf32, #tpu.memory_space<vmem_shared>>
        tpu.wait_indirect_dma semaphore(%run_scoped3A_218 : memref<!tpu.dma_semaphore, #tpu.memory_space<semaphore_mem>>) src(%arg17 : memref<80x128xf32, #tpu.memory_space<vmem>>) dst(%dma_wait3A_230 : memref<10000x128xf32, #tpu.memory_space<vmem_shared>>)
        tpu.yield
      }) : () -> ()
      %run_scoped3A_217 = arith.constant 24 : i32
      "tpu.region"() ({
        %run_scoped3A_218 = tpu.sem_alloc : memref<!tpu.dma_semaphore, #tpu.memory_space<semaphore_mem>>
        %dma_start3A_219 = arith.constant 0 : i32
        %dma_start3A_220 = tpu.memref_slice %arg14[%run_scoped3A_217, %dma_start3A_219] : memref<25x80xi32, #tpu.memory_space<vmem>> -> memref<1x80xi32, #tpu.memory_space<vmem>>
        %dma_start3A_221 = tpu.memref_squeeze %dma_start3A_220 : memref<1x80xi32, #tpu.memory_space<vmem>> -> memref<80xi32, #tpu.memory_space<vmem>>
        %dma_start3A_222 = arith.constant 0 : i32
        %dma_start3A_223 = tpu.memref_slice %arg10[%dma_start3A_222] : memref<10000xf32, #tpu.memory_space<vmem_shared>> -> memref<10000xf32, #tpu.memory_space<vmem_shared>>
        tpu.enqueue_indirect_dma source(%arg15 : memref<80xf32, #tpu.memory_space<vmem>>) target(%dma_start3A_223 : memref<10000xf32, #tpu.memory_space<vmem_shared>>) offsets(%dma_start3A_221 : memref<80xi32, #tpu.memory_space<vmem>>) semaphore(%run_scoped3A_218 : memref<!tpu.dma_semaphore, #tpu.memory_space<semaphore_mem>>) {add = true}
        %dma_wait3A_224 = arith.constant 0 : i32
        %dma_wait3A_225 = tpu.memref_slice %arg14[%run_scoped3A_217, %dma_wait3A_224] : memref<25x80xi32, #tpu.memory_space<vmem>> -> memref<1x80xi32, #tpu.memory_space<vmem>>
        %dma_wait3A_226 = tpu.memref_squeeze %dma_wait3A_225 : memref<1x80xi32, #tpu.memory_space<vmem>> -> memref<80xi32, #tpu.memory_space<vmem>>
        %dma_wait3A_227 = arith.constant 0 : i32
        %dma_wait3A_228 = tpu.memref_slice %arg10[%dma_wait3A_227] : memref<10000xf32, #tpu.memory_space<vmem_shared>> -> memref<10000xf32, #tpu.memory_space<vmem_shared>>
        tpu.wait_indirect_dma semaphore(%run_scoped3A_218 : memref<!tpu.dma_semaphore, #tpu.memory_space<semaphore_mem>>) src(%arg15 : memref<80xf32, #tpu.memory_space<vmem>>) dst(%dma_wait3A_228 : memref<10000xf32, #tpu.memory_space<vmem_shared>>)
        tpu.yield
      }) : () -> ()
    }
    %scan3A_57 = arith.constant 5 : i32
    %dma_wait3A = arith.constant 0 : i32
    %dma_wait3A_58 = arith.constant 0 : i32
    %dma_wait3A_59 = tpu.memref_slice %arg14[%dma_wait3A, %dma_wait3A_58] : memref<25x80xi32, #tpu.memory_space<vmem>> -> memref<1x80xi32, #tpu.memory_space<vmem>>
    %dma_wait3A_60 = tpu.memref_squeeze %dma_wait3A_59 : memref<1x80xi32, #tpu.memory_space<vmem>> -> memref<80xi32, #tpu.memory_space<vmem>>
    %dma_wait3A_61 = arith.constant 0 : i32
    %dma_wait3A_62 = tpu.memref_slice %arg10[%dma_wait3A_61] : memref<10000xf32, #tpu.memory_space<vmem_shared>> -> memref<10000xf32, #tpu.memory_space<vmem_shared>>
    tpu.wait_indirect_dma semaphore(%arg24 : memref<!tpu.dma_semaphore, #tpu.memory_space<semaphore_mem>>) src(%arg16 : memref<80xf32, #tpu.memory_space<vmem>>) dst(%dma_wait3A_62 : memref<10000xf32, #tpu.memory_space<vmem_shared>>)
    %barrier3A_63 = arith.constant 0 : index
    tpu.barrier barrier_id(%barrier3A_63)
    "tpu.region"() ({
      %run_scoped3A = tpu.sem_alloc : memref<!tpu.dma_semaphore, #tpu.memory_space<semaphore_mem>>
      %dma_start3A = arith.constant 0 : i32
      %dma_start3A_69 = tpu.memref_slice %arg7[%arg0, %mul3A_7, %dma_start3A] : memref<2x10000x128xf32, #tpu.memory_space<hbm>> -> memref<1x625x128xf32, #tpu.memory_space<hbm>>
      %dma_start3A_70 = tpu.memref_squeeze %dma_start3A_69 : memref<1x625x128xf32, #tpu.memory_space<hbm>> -> memref<625x128xf32, #tpu.memory_space<hbm>>
      %dma_start3A_71 = arith.constant 0 : i32
      %dma_start3A_72 = tpu.memref_slice %arg9[%mul3A_7, %dma_start3A_71] : memref<10000x128xf32, #tpu.memory_space<vmem_shared>> -> memref<625x128xf32, #tpu.memory_space<vmem_shared>>
      tpu.enqueue_dma source(%dma_start3A_72 : memref<625x128xf32, #tpu.memory_space<vmem_shared>>) target(%dma_start3A_70 : memref<625x128xf32, #tpu.memory_space<hbm>>) target_semaphore(%run_scoped3A : memref<!tpu.dma_semaphore, #tpu.memory_space<semaphore_mem>>)
      %dma_wait3A_73 = arith.constant 0 : i32
      %dma_wait3A_74 = tpu.memref_slice %arg7[%arg0, %mul3A_7, %dma_wait3A_73] : memref<2x10000x128xf32, #tpu.memory_space<hbm>> -> memref<1x625x128xf32, #tpu.memory_space<hbm>>
      %dma_wait3A_75 = tpu.memref_squeeze %dma_wait3A_74 : memref<1x625x128xf32, #tpu.memory_space<hbm>> -> memref<625x128xf32, #tpu.memory_space<hbm>>
      %dma_wait3A_76 = arith.constant 0 : i32
      %dma_wait3A_77 = tpu.memref_slice %arg9[%mul3A_7, %dma_wait3A_76] : memref<10000x128xf32, #tpu.memory_space<vmem_shared>> -> memref<625x128xf32, #tpu.memory_space<vmem_shared>>
      tpu.wait_dma2 semaphore(%run_scoped3A : memref<!tpu.dma_semaphore, #tpu.memory_space<semaphore_mem>>) src(%dma_wait3A_77 : memref<625x128xf32, #tpu.memory_space<vmem_shared>>) dst(%dma_wait3A_75 : memref<625x128xf32, #tpu.memory_space<hbm>>)
      tpu.yield
    }) : () -> ()
    "tpu.region"() ({
      %run_scoped3A = tpu.sem_alloc : memref<!tpu.dma_semaphore, #tpu.memory_space<semaphore_mem>>
      %dma_start3A = tpu.memref_slice %arg8[%arg0, %mul3A_34] : memref<2x10000xf32, #tpu.memory_space<hbm>> -> memref<1x624xf32, #tpu.memory_space<hbm>>
      %dma_start3A_69 = tpu.memref_squeeze %dma_start3A : memref<1x624xf32, #tpu.memory_space<hbm>> -> memref<624xf32, #tpu.memory_space<hbm>>
      %dma_start3A_70 = tpu.memref_slice %arg10[%mul3A_34] : memref<10000xf32, #tpu.memory_space<vmem_shared>> -> memref<624xf32, #tpu.memory_space<vmem_shared>>
      tpu.enqueue_dma source(%dma_start3A_70 : memref<624xf32, #tpu.memory_space<vmem_shared>>) target(%dma_start3A_69 : memref<624xf32, #tpu.memory_space<hbm>>) target_semaphore(%run_scoped3A : memref<!tpu.dma_semaphore, #tpu.memory_space<semaphore_mem>>)
      %dma_wait3A_71 = tpu.memref_slice %arg8[%arg0, %mul3A_34] : memref<2x10000xf32, #tpu.memory_space<hbm>> -> memref<1x624xf32, #tpu.memory_space<hbm>>
      %dma_wait3A_72 = tpu.memref_squeeze %dma_wait3A_71 : memref<1x624xf32, #tpu.memory_space<hbm>> -> memref<624xf32, #tpu.memory_space<hbm>>
      %dma_wait3A_73 = tpu.memref_slice %arg10[%mul3A_34] : memref<10000xf32, #tpu.memory_space<vmem_shared>> -> memref<624xf32, #tpu.memory_space<vmem_shared>>
      tpu.wait_dma2 semaphore(%run_scoped3A : memref<!tpu.dma_semaphore, #tpu.memory_space<semaphore_mem>>) src(%dma_wait3A_73 : memref<624xf32, #tpu.memory_space<vmem_shared>>) dst(%dma_wait3A_72 : memref<624xf32, #tpu.memory_space<hbm>>)
      tpu.yield
    }) : () -> ()
    %eq3A_64 = arith.constant 15 : i32
    %eq3A_65 = arith.cmpi eq, %arg1, %eq3A_64 : i32
    %convert_element_type3A_66 = arith.extui %eq3A_65 : i1 to i32
    %cond3A_67 = arith.constant 0 : i32
    %cond3A_68 = arith.cmpi ne, %convert_element_type3A_66, %cond3A_67 : i32
    scf.if %cond3A_68 {
      "tpu.region"() ({
        %run_scoped3A = tpu.sem_alloc : memref<!tpu.dma_semaphore, #tpu.memory_space<semaphore_mem>>
        %dma_start3A = arith.constant 9984 : i32
        %dma_start3A_69 = tpu.memref_slice %arg8[%arg0, %dma_start3A] : memref<2x10000xf32, #tpu.memory_space<hbm>> -> memref<1x16xf32, #tpu.memory_space<hbm>>
        %dma_start3A_70 = tpu.memref_squeeze %dma_start3A_69 : memref<1x16xf32, #tpu.memory_space<hbm>> -> memref<16xf32, #tpu.memory_space<hbm>>
        %dma_start3A_71 = arith.constant 9984 : i32
        %dma_start3A_72 = tpu.memref_slice %arg10[%dma_start3A_71] : memref<10000xf32, #tpu.memory_space<vmem_shared>> -> memref<16xf32, #tpu.memory_space<vmem_shared>>
        tpu.enqueue_dma source(%dma_start3A_72 : memref<16xf32, #tpu.memory_space<vmem_shared>>) target(%dma_start3A_70 : memref<16xf32, #tpu.memory_space<hbm>>) target_semaphore(%run_scoped3A : memref<!tpu.dma_semaphore, #tpu.memory_space<semaphore_mem>>)
        %dma_wait3A_73 = arith.constant 9984 : i32
        %dma_wait3A_74 = tpu.memref_slice %arg8[%arg0, %dma_wait3A_73] : memref<2x10000xf32, #tpu.memory_space<hbm>> -> memref<1x16xf32, #tpu.memory_space<hbm>>
        %dma_wait3A_75 = tpu.memref_squeeze %dma_wait3A_74 : memref<1x16xf32, #tpu.memory_space<hbm>> -> memref<16xf32, #tpu.memory_space<hbm>>
        %dma_wait3A_76 = arith.constant 9984 : i32
        %dma_wait3A_77 = tpu.memref_slice %arg10[%dma_wait3A_76] : memref<10000xf32, #tpu.memory_space<vmem_shared>> -> memref<16xf32, #tpu.memory_space<vmem_shared>>
        tpu.wait_dma2 semaphore(%run_scoped3A : memref<!tpu.dma_semaphore, #tpu.memory_space<semaphore_mem>>) src(%dma_wait3A_77 : memref<16xf32, #tpu.memory_space<vmem_shared>>) dst(%dma_wait3A_75 : memref<16xf32, #tpu.memory_space<hbm>>)
        tpu.yield
      }) : () -> ()
    } else {
    }
    return
  }
}

module attributes {stable_mosaic.version = 14 : i64} {
  func.func @_proj_body(%arg0: i32, %arg1: memref<1000x128xf32, #tpu.memory_space<vmem>>, %arg2: memref<128x128xf32, #tpu.memory_space<vmem>>, %arg3: memref<128x2xf32, #tpu.memory_space<vmem>>, %arg4: memref<1000x128xf32, #tpu.memory_space<vmem>>, %arg5: memref<1000x2xf32, #tpu.memory_space<vmem>>) attributes {dimension_semantics = [#tpu.dimension_semantics<arbitrary>], iteration_bounds = array<i64: 10>, scalar_prefetch = 0 : i64, scratch_operands = 0 : i64, tpu.core_type = #tpu.core_type<tc>, window_params = [{transform_indices = @transform_0, window_bounds = array<i64: 1000, 128>}, {pipeline_mode = #tpu.pipeline_mode<synchronous>, transform_indices = @transform_1, window_bounds = array<i64: 128, 128>}, {pipeline_mode = #tpu.pipeline_mode<synchronous>, transform_indices = @transform_2, window_bounds = array<i64: 128, 2>}, {transform_indices = @transform_3, window_bounds = array<i64: 1000, 128>}, {transform_indices = @transform_4, window_bounds = array<i64: 1000, 2>}]} {
    %get3A = arith.constant 0 : index
    %get3A_0 = arith.constant 0 : index
    %get3A_1 = vector.load %arg1[%get3A, %get3A_0] : memref<1000x128xf32, #tpu.memory_space<vmem>>, vector<1000x128xf32>
    %get3A_2 = arith.constant 0 : index
    %get3A_3 = arith.constant 0 : index
    %get3A_4 = vector.load %arg2[%get3A_2, %get3A_3] : memref<128x128xf32, #tpu.memory_space<vmem>>, vector<128x128xf32>
    %dot_general3A = arith.constant dense<0.000000e+00> : vector<1000x128xf32>
    %dot_general3A_5 = tpu.matmul %get3A_1, %get3A_4, %dot_general3A {dimension_numbers = #tpu.dot_dimension_numbers<[1], [0], [0], [1], [0, 0, 1, 1], [], []>, precision = #tpu.contract_precision<fp32>, transpose_lhs_hint = false} : vector<1000x128xf32>, vector<128x128xf32>, vector<1000x128xf32> -> vector<1000x128xf32>
    %swap3A = arith.constant 0 : index
    %swap3A_6 = arith.constant 0 : index
    %swap3A_7 = vector.load %arg4[%swap3A, %swap3A_6] : memref<1000x128xf32, #tpu.memory_space<vmem>>, vector<1000x128xf32>
    tpu.vector_store %arg4[%swap3A, %swap3A_6], %dot_general3A_5 {strides = array<i32>} : memref<1000x128xf32, #tpu.memory_space<vmem>>, vector<1000x128xf32>,
    %get3A_8 = arith.constant 0 : index
    %get3A_9 = arith.constant 0 : index
    %get3A_10 = vector.load %arg3[%get3A_8, %get3A_9] : memref<128x2xf32, #tpu.memory_space<vmem>>, vector<128x2xf32>
    %dot_general3A_11 = arith.constant dense<0.000000e+00> : vector<1000x2xf32>
    %dot_general3A_12 = tpu.matmul %dot_general3A_5, %get3A_10, %dot_general3A_11 {dimension_numbers = #tpu.dot_dimension_numbers<[1], [0], [0], [1], [0, 0, 1, 1], [], []>, precision = #tpu.contract_precision<fp32>, transpose_lhs_hint = false} : vector<1000x128xf32>, vector<128x2xf32>, vector<1000x2xf32> -> vector<1000x2xf32>
    %swap3A_13 = arith.constant 0 : index
    %swap3A_14 = arith.constant 0 : index
    %swap3A_15 = vector.load %arg5[%swap3A_13, %swap3A_14] : memref<1000x2xf32, #tpu.memory_space<vmem>>, vector<1000x2xf32>
    tpu.vector_store %arg5[%swap3A_13, %swap3A_14], %dot_general3A_12 {strides = array<i32>} : memref<1000x2xf32, #tpu.memory_space<vmem>>, vector<1000x2xf32>,
    return
  }
  func.func @transform_0(%arg0: i32) -> (i32, i32) {
    %c0_i32 = arith.constant 0 : i32
    %c0_i32_0 = arith.constant 0 : i32
    return %arg0, %c0_i32 : i32, i32
  }
  func.func @transform_1(%arg0: i32) -> (i32, i32) {
    %c0_i32 = arith.constant 0 : i32
    %c0_i32_0 = arith.constant 0 : i32
    %c0_i32_1 = arith.constant 0 : i32
    return %c0_i32, %c0_i32_0 : i32, i32
  }
  func.func @transform_2(%arg0: i32) -> (i32, i32) {
    %c0_i32 = arith.constant 0 : i32
    %c0_i32_0 = arith.constant 0 : i32
    %c0_i32_1 = arith.constant 0 : i32
    return %c0_i32, %c0_i32_0 : i32, i32
  }
  func.func @transform_3(%arg0: i32) -> (i32, i32) {
    %c0_i32 = arith.constant 0 : i32
    %c0_i32_0 = arith.constant 0 : i32
    return %arg0, %c0_i32 : i32, i32
  }
  func.func @transform_4(%arg0: i32) -> (i32, i32) {
    %c0_i32 = arith.constant 0 : i32
    %c0_i32_0 = arith.constant 0 : i32
    return %arg0, %c0_i32 : i32, i32
  }
}

module attributes {stable_mosaic.version = 14 : i64} {
  func.func @_mid_body(%arg0: i32, %arg1: memref<1000x128xf32, #tpu.memory_space<vmem>>, %arg2: memref<1000x128xf32, #tpu.memory_space<vmem>>, %arg3: memref<1000x1xf32, #tpu.memory_space<vmem>>, %arg4: memref<1000x1xf32, #tpu.memory_space<vmem>>, %arg5: memref<1x128xf32, #tpu.memory_space<vmem>>, %arg6: memref<1x128xf32, #tpu.memory_space<vmem>>, %arg7: memref<128x128xf32, #tpu.memory_space<vmem>>, %arg8: memref<128x2xf32, #tpu.memory_space<vmem>>, %arg9: memref<1000x128xf32, #tpu.memory_space<vmem>>, %arg10: memref<1000x2xf32, #tpu.memory_space<vmem>>) attributes {dimension_semantics = [#tpu.dimension_semantics<arbitrary>], iteration_bounds = array<i64: 10>, scalar_prefetch = 0 : i64, scratch_operands = 0 : i64, tpu.core_type = #tpu.core_type<tc>, window_params = [{transform_indices = @transform_0, window_bounds = array<i64: 1000, 128>}, {transform_indices = @transform_1, window_bounds = array<i64: 1000, 128>}, {transform_indices = @transform_2, window_bounds = array<i64: 1000, 1>}, {transform_indices = @transform_3, window_bounds = array<i64: 1000, 1>}, {pipeline_mode = #tpu.pipeline_mode<synchronous>, transform_indices = @transform_4, window_bounds = array<i64: 1, 128>}, {pipeline_mode = #tpu.pipeline_mode<synchronous>, transform_indices = @transform_5, window_bounds = array<i64: 1, 128>}, {pipeline_mode = #tpu.pipeline_mode<synchronous>, transform_indices = @transform_6, window_bounds = array<i64: 128, 128>}, {pipeline_mode = #tpu.pipeline_mode<synchronous>, transform_indices = @transform_7, window_bounds = array<i64: 128, 2>}, {transform_indices = @transform_8, window_bounds = array<i64: 1000, 128>}, {transform_indices = @transform_9, window_bounds = array<i64: 1000, 2>}]} {
    %get3A = arith.constant 0 : index
    %get3A_0 = arith.constant 0 : index
    %get3A_1 = vector.load %arg1[%get3A, %get3A_0] : memref<1000x128xf32, #tpu.memory_space<vmem>>, vector<1000x128xf32>
    %get3A_2 = arith.constant 0 : index
    %get3A_3 = arith.constant 0 : index
    %get3A_4 = vector.load %arg2[%get3A_2, %get3A_3] : memref<1000x128xf32, #tpu.memory_space<vmem>>, vector<1000x128xf32>
    %add3A = arith.addf %get3A_1, %get3A_4 : vector<1000x128xf32>
    %get3A_5 = arith.constant 0 : index
    %get3A_6 = arith.constant 0 : index
    %get3A_7 = vector.load %arg3[%get3A_5, %get3A_6] : memref<1000x1xf32, #tpu.memory_space<vmem>>, vector<1000x1xf32>
    %get3A_8 = arith.constant 0 : index
    %get3A_9 = arith.constant 0 : index
    %get3A_10 = vector.load %arg4[%get3A_8, %get3A_9] : memref<1000x1xf32, #tpu.memory_space<vmem>>, vector<1000x1xf32>
    %add3A_11 = arith.addf %get3A_7, %get3A_10 : vector<1000x1xf32>
    %add3A_12 = arith.constant 9.99999971E-10 : f32
    %add3A_13 = vector.broadcast %add3A_12 : f32 to vector<1000x1xf32>
    %add3A_14 = arith.addf %add3A_11, %add3A_13 : vector<1000x1xf32>
    %div3A = vector.broadcast %add3A_14 : vector<1000x1xf32> to vector<1000x128xf32>
    %div3A_15 = arith.divf %add3A, %div3A : vector<1000x128xf32>
    %get3A_16 = arith.constant 0 : index
    %get3A_17 = arith.constant 0 : index
    %get3A_18 = vector.load %arg5[%get3A_16, %get3A_17] : memref<1x128xf32, #tpu.memory_space<vmem>>, vector<1x128xf32>
    %add3A_19 = vector.broadcast %get3A_18 : vector<1x128xf32> to vector<1000x128xf32>
    %add3A_20 = arith.addf %div3A_15, %add3A_19 : vector<1000x128xf32>
    %gt3A = arith.constant 0.000000e+00 : f32
    %gt3A_21 = vector.broadcast %gt3A : f32 to vector<1000x128xf32>
    %gt3A_22 = arith.cmpf ogt, %add3A_20, %gt3A_21 : vector<1000x128xf32>
    %exp3A = math.exp %add3A_20 : vector<1000x128xf32>
    %sub3A = arith.constant 1.000000e+00 : f32
    %sub3A_23 = vector.broadcast %sub3A : f32 to vector<1000x128xf32>
    %sub3A_24 = arith.subf %exp3A, %sub3A_23 : vector<1000x128xf32>
    %select_n3A = arith.select %gt3A_22, %add3A_20, %sub3A_24 : vector<1000x128xi1>, vector<1000x128xf32>
    %get3A_25 = arith.constant 0 : index
    %get3A_26 = arith.constant 0 : index
    %get3A_27 = vector.load %arg6[%get3A_25, %get3A_26] : memref<1x128xf32, #tpu.memory_space<vmem>>, vector<1x128xf32>
    %mul3A = vector.broadcast %get3A_27 : vector<1x128xf32> to vector<1000x128xf32>
    %mul3A_28 = arith.mulf %select_n3A, %mul3A : vector<1000x128xf32>
    %get3A_29 = arith.constant 0 : index
    %get3A_30 = arith.constant 0 : index
    %get3A_31 = vector.load %arg7[%get3A_29, %get3A_30] : memref<128x128xf32, #tpu.memory_space<vmem>>, vector<128x128xf32>
    %dot_general3A = arith.constant dense<0.000000e+00> : vector<1000x128xf32>
    %dot_general3A_32 = tpu.matmul %mul3A_28, %get3A_31, %dot_general3A {dimension_numbers = #tpu.dot_dimension_numbers<[1], [0], [0], [1], [0, 0, 1, 1], [], []>, precision = #tpu.contract_precision<fp32>, transpose_lhs_hint = false} : vector<1000x128xf32>, vector<128x128xf32>, vector<1000x128xf32> -> vector<1000x128xf32>
    %swap3A = arith.constant 0 : index
    %swap3A_33 = arith.constant 0 : index
    %swap3A_34 = vector.load %arg9[%swap3A, %swap3A_33] : memref<1000x128xf32, #tpu.memory_space<vmem>>, vector<1000x128xf32>
    tpu.vector_store %arg9[%swap3A, %swap3A_33], %dot_general3A_32 {strides = array<i32>} : memref<1000x128xf32, #tpu.memory_space<vmem>>, vector<1000x128xf32>,
    %get3A_35 = arith.constant 0 : index
    %get3A_36 = arith.constant 0 : index
    %get3A_37 = vector.load %arg8[%get3A_35, %get3A_36] : memref<128x2xf32, #tpu.memory_space<vmem>>, vector<128x2xf32>
    %dot_general3A_38 = arith.constant dense<0.000000e+00> : vector<1000x2xf32>
    %dot_general3A_39 = tpu.matmul %dot_general3A_32, %get3A_37, %dot_general3A_38 {dimension_numbers = #tpu.dot_dimension_numbers<[1], [0], [0], [1], [0, 0, 1, 1], [], []>, precision = #tpu.contract_precision<fp32>, transpose_lhs_hint = false} : vector<1000x128xf32>, vector<128x2xf32>, vector<1000x2xf32> -> vector<1000x2xf32>
    %swap3A_40 = arith.constant 0 : index
    %swap3A_41 = arith.constant 0 : index
    %swap3A_42 = vector.load %arg10[%swap3A_40, %swap3A_41] : memref<1000x2xf32, #tpu.memory_space<vmem>>, vector<1000x2xf32>
    tpu.vector_store %arg10[%swap3A_40, %swap3A_41], %dot_general3A_39 {strides = array<i32>} : memref<1000x2xf32, #tpu.memory_space<vmem>>, vector<1000x2xf32>,
    return
  }
  func.func @transform_0(%arg0: i32) -> (i32, i32) {
    %c0_i32 = arith.constant 0 : i32
    %c0_i32_0 = arith.constant 0 : i32
    return %arg0, %c0_i32 : i32, i32
  }
  func.func @transform_1(%arg0: i32) -> (i32, i32) {
    %c0_i32 = arith.constant 0 : i32
    %c0_i32_0 = arith.constant 0 : i32
    return %arg0, %c0_i32 : i32, i32
  }
  func.func @transform_2(%arg0: i32) -> (i32, i32) {
    %c0_i32 = arith.constant 0 : i32
    %c0_i32_0 = arith.constant 0 : i32
    return %arg0, %c0_i32 : i32, i32
  }
  func.func @transform_3(%arg0: i32) -> (i32, i32) {
    %c0_i32 = arith.constant 0 : i32
    %c0_i32_0 = arith.constant 0 : i32
    return %arg0, %c0_i32 : i32, i32
  }
  func.func @transform_4(%arg0: i32) -> (i32, i32) {
    %c0_i32 = arith.constant 0 : i32
    %c0_i32_0 = arith.constant 0 : i32
    %c0_i32_1 = arith.constant 0 : i32
    return %c0_i32, %c0_i32_0 : i32, i32
  }
  func.func @transform_5(%arg0: i32) -> (i32, i32) {
    %c0_i32 = arith.constant 0 : i32
    %c0_i32_0 = arith.constant 0 : i32
    %c0_i32_1 = arith.constant 0 : i32
    return %c0_i32, %c0_i32_0 : i32, i32
  }
  func.func @transform_6(%arg0: i32) -> (i32, i32) {
    %c0_i32 = arith.constant 0 : i32
    %c0_i32_0 = arith.constant 0 : i32
    %c0_i32_1 = arith.constant 0 : i32
    return %c0_i32, %c0_i32_0 : i32, i32
  }
  func.func @transform_7(%arg0: i32) -> (i32, i32) {
    %c0_i32 = arith.constant 0 : i32
    %c0_i32_0 = arith.constant 0 : i32
    %c0_i32_1 = arith.constant 0 : i32
    return %c0_i32, %c0_i32_0 : i32, i32
  }
  func.func @transform_8(%arg0: i32) -> (i32, i32) {
    %c0_i32 = arith.constant 0 : i32
    %c0_i32_0 = arith.constant 0 : i32
    return %arg0, %c0_i32 : i32, i32
  }
  func.func @transform_9(%arg0: i32) -> (i32, i32) {
    %c0_i32 = arith.constant 0 : i32
    %c0_i32_0 = arith.constant 0 : i32
    return %arg0, %c0_i32 : i32, i32
  }
}

module attributes {stable_mosaic.version = 14 : i64} {
  func.func @_final_body(%arg0: i32, %arg1: memref<1000x128xf32, #tpu.memory_space<vmem>>, %arg2: memref<1000x128xf32, #tpu.memory_space<vmem>>, %arg3: memref<1000x1xf32, #tpu.memory_space<vmem>>, %arg4: memref<1000x1xf32, #tpu.memory_space<vmem>>, %arg5: memref<1x128xf32, #tpu.memory_space<vmem>>, %arg6: memref<128x40xf32, #tpu.memory_space<vmem>>, %arg7: memref<1x40xf32, #tpu.memory_space<vmem>>, %arg8: memref<1x40xf32, #tpu.memory_space<vmem>>, %arg9: memref<1x128xf32, #tpu.memory_space<vmem>>) attributes {dimension_semantics = [#tpu.dimension_semantics<arbitrary>], iteration_bounds = array<i64: 10>, scalar_prefetch = 0 : i64, scratch_operands = 1 : i64, tpu.core_type = #tpu.core_type<tc>, window_params = [{transform_indices = @transform_0, window_bounds = array<i64: 1000, 128>}, {transform_indices = @transform_1, window_bounds = array<i64: 1000, 128>}, {transform_indices = @transform_2, window_bounds = array<i64: 1000, 1>}, {transform_indices = @transform_3, window_bounds = array<i64: 1000, 1>}, {pipeline_mode = #tpu.pipeline_mode<synchronous>, transform_indices = @transform_4, window_bounds = array<i64: 1, 128>}, {pipeline_mode = #tpu.pipeline_mode<synchronous>, transform_indices = @transform_5, window_bounds = array<i64: 128, 40>}, {pipeline_mode = #tpu.pipeline_mode<synchronous>, transform_indices = @transform_6, window_bounds = array<i64: 1, 40>}, {pipeline_mode = #tpu.pipeline_mode<synchronous>, transform_indices = @transform_7, window_bounds = array<i64: 1, 40>}]} {
    %get3A = arith.constant 0 : index
    %get3A_0 = arith.constant 0 : index
    %get3A_1 = vector.load %arg1[%get3A, %get3A_0] : memref<1000x128xf32, #tpu.memory_space<vmem>>, vector<1000x128xf32>
    %get3A_2 = arith.constant 0 : index
    %get3A_3 = arith.constant 0 : index
    %get3A_4 = vector.load %arg2[%get3A_2, %get3A_3] : memref<1000x128xf32, #tpu.memory_space<vmem>>, vector<1000x128xf32>
    %add3A = arith.addf %get3A_1, %get3A_4 : vector<1000x128xf32>
    %get3A_5 = arith.constant 0 : index
    %get3A_6 = arith.constant 0 : index
    %get3A_7 = vector.load %arg3[%get3A_5, %get3A_6] : memref<1000x1xf32, #tpu.memory_space<vmem>>, vector<1000x1xf32>
    %get3A_8 = arith.constant 0 : index
    %get3A_9 = arith.constant 0 : index
    %get3A_10 = vector.load %arg4[%get3A_8, %get3A_9] : memref<1000x1xf32, #tpu.memory_space<vmem>>, vector<1000x1xf32>
    %add3A_11 = arith.addf %get3A_7, %get3A_10 : vector<1000x1xf32>
    %add3A_12 = arith.constant 9.99999971E-10 : f32
    %add3A_13 = vector.broadcast %add3A_12 : f32 to vector<1000x1xf32>
    %add3A_14 = arith.addf %add3A_11, %add3A_13 : vector<1000x1xf32>
    %div3A = vector.broadcast %add3A_14 : vector<1000x1xf32> to vector<1000x128xf32>
    %div3A_15 = arith.divf %add3A, %div3A : vector<1000x128xf32>
    %get3A_16 = arith.constant 0 : index
    %get3A_17 = arith.constant 0 : index
    %get3A_18 = vector.load %arg5[%get3A_16, %get3A_17] : memref<1x128xf32, #tpu.memory_space<vmem>>, vector<1x128xf32>
    %add3A_19 = vector.broadcast %get3A_18 : vector<1x128xf32> to vector<1000x128xf32>
    %add3A_20 = arith.addf %div3A_15, %add3A_19 : vector<1000x128xf32>
    %reduce_sum3A = arith.constant dense<0.000000e+00> : vector<128xf32>
    %reduce_sum3A_21 = vector.multi_reduction <add>, %add3A_20, %reduce_sum3A [0] : vector<1000x128xf32> to vector<128xf32>
    %broadcast_in_dim3A = vector.shape_cast %reduce_sum3A_21 : vector<128xf32> to vector<1x128xf32>
    %eq3A = arith.constant 0 : i32
    %eq3A_22 = arith.cmpi eq, %arg0, %eq3A : i32
    %convert_element_type3A = arith.extui %eq3A_22 : i1 to i32
    %cond3A = arith.constant 0 : i32
    %cond3A_23 = arith.cmpi ne, %convert_element_type3A, %cond3A : i32
    scf.if %cond3A_23 {
      %broadcast_in_dim3A_35 = arith.constant 0.000000e+00 : f32
      %broadcast_in_dim3A_36 = vector.broadcast %broadcast_in_dim3A_35 : f32 to vector<1x128xf32>
      %swap3A_37 = arith.constant 0 : index
      %swap3A_38 = arith.constant 0 : index
      %swap3A_39 = vector.load %arg9[%swap3A_37, %swap3A_38] : memref<1x128xf32, #tpu.memory_space<vmem>>, vector<1x128xf32>
      tpu.vector_store %arg9[%swap3A_37, %swap3A_38], %broadcast_in_dim3A_36 {strides = array<i32>} : memref<1x128xf32, #tpu.memory_space<vmem>>, vector<1x128xf32>,
    } else {
    }
    %get3A_24 = arith.constant 0 : index
    %get3A_25 = arith.constant 0 : index
    %get3A_26 = vector.load %arg9[%get3A_24, %get3A_25] : memref<1x128xf32, #tpu.memory_space<vmem>>, vector<1x128xf32>
    %add3A_27 = arith.addf %get3A_26, %broadcast_in_dim3A : vector<1x128xf32>
    %swap3A = arith.constant 0 : index
    %swap3A_28 = arith.constant 0 : index
    %swap3A_29 = vector.load %arg9[%swap3A, %swap3A_28] : memref<1x128xf32, #tpu.memory_space<vmem>>, vector<1x128xf32>
    tpu.vector_store %arg9[%swap3A, %swap3A_28], %add3A_27 {strides = array<i32>} : memref<1x128xf32, #tpu.memory_space<vmem>>, vector<1x128xf32>,
    %eq3A_30 = arith.constant 9 : i32
    %eq3A_31 = arith.cmpi eq, %arg0, %eq3A_30 : i32
    %convert_element_type3A_32 = arith.extui %eq3A_31 : i1 to i32
    %cond3A_33 = arith.constant 0 : i32
    %cond3A_34 = arith.cmpi ne, %convert_element_type3A_32, %cond3A_33 : i32
    scf.if %cond3A_34 {
      %get3A_35 = arith.constant 0 : index
      %get3A_36 = arith.constant 0 : index
      %get3A_37 = vector.load %arg9[%get3A_35, %get3A_36] : memref<1x128xf32, #tpu.memory_space<vmem>>, vector<1x128xf32>
      %mul3A = arith.constant 9.99999974E-5 : f32
      %mul3A_38 = vector.broadcast %mul3A : f32 to vector<1x128xf32>
      %mul3A_39 = arith.mulf %get3A_37, %mul3A_38 : vector<1x128xf32>
      %get3A_40 = arith.constant 0 : index
      %get3A_41 = arith.constant 0 : index
      %get3A_42 = vector.load %arg6[%get3A_40, %get3A_41] : memref<128x40xf32, #tpu.memory_space<vmem>>, vector<128x40xf32>
      %dot_general3A = arith.constant dense<0.000000e+00> : vector<1x40xf32>
      %dot_general3A_43 = tpu.matmul %mul3A_39, %get3A_42, %dot_general3A {dimension_numbers = #tpu.dot_dimension_numbers<[1], [0], [0], [1], [0, 0, 1, 1], [], []>, precision = #tpu.contract_precision<fp32>, transpose_lhs_hint = false} : vector<1x128xf32>, vector<128x40xf32>, vector<1x40xf32> -> vector<1x40xf32>
      %get3A_44 = arith.constant 0 : index
      %get3A_45 = arith.constant 0 : index
      %get3A_46 = vector.load %arg7[%get3A_44, %get3A_45] : memref<1x40xf32, #tpu.memory_space<vmem>>, vector<1x40xf32>
      %add3A_47 = arith.addf %dot_general3A_43, %get3A_46 : vector<1x40xf32>
      %swap3A_48 = arith.constant 0 : index
      %swap3A_49 = arith.constant 0 : index
      %swap3A_50 = vector.load %arg8[%swap3A_48, %swap3A_49] : memref<1x40xf32, #tpu.memory_space<vmem>>, vector<1x40xf32>
      tpu.vector_store %arg8[%swap3A_48, %swap3A_49], %add3A_47 {strides = array<i32>} : memref<1x40xf32, #tpu.memory_space<vmem>>, vector<1x40xf32>,
    } else {
    }
    return
  }
  func.func @transform_0(%arg0: i32) -> (i32, i32) {
    %c0_i32 = arith.constant 0 : i32
    %c0_i32_0 = arith.constant 0 : i32
    return %arg0, %c0_i32 : i32, i32
  }
  func.func @transform_1(%arg0: i32) -> (i32, i32) {
    %c0_i32 = arith.constant 0 : i32
    %c0_i32_0 = arith.constant 0 : i32
    return %arg0, %c0_i32 : i32, i32
  }
  func.func @transform_2(%arg0: i32) -> (i32, i32) {
    %c0_i32 = arith.constant 0 : i32
    %c0_i32_0 = arith.constant 0 : i32
    return %arg0, %c0_i32 : i32, i32
  }
  func.func @transform_3(%arg0: i32) -> (i32, i32) {
    %c0_i32 = arith.constant 0 : i32
    %c0_i32_0 = arith.constant 0 : i32
    return %arg0, %c0_i32 : i32, i32
  }
  func.func @transform_4(%arg0: i32) -> (i32, i32) {
    %c0_i32 = arith.constant 0 : i32
    %c0_i32_0 = arith.constant 0 : i32
    %c0_i32_1 = arith.constant 0 : i32
    return %c0_i32, %c0_i32_0 : i32, i32
  }
  func.func @transform_5(%arg0: i32) -> (i32, i32) {
    %c0_i32 = arith.constant 0 : i32
    %c0_i32_0 = arith.constant 0 : i32
    %c0_i32_1 = arith.constant 0 : i32
    return %c0_i32, %c0_i32_0 : i32, i32
  }
  func.func @transform_6(%arg0: i32) -> (i32, i32) {
    %c0_i32 = arith.constant 0 : i32
    %c0_i32_0 = arith.constant 0 : i32
    %c0_i32_1 = arith.constant 0 : i32
    return %c0_i32, %c0_i32_0 : i32, i32
  }
  func.func @transform_7(%arg0: i32) -> (i32, i32) {
    %c0_i32 = arith.constant 0 : i32
    %c0_i32_0 = arith.constant 0 : i32
    %c0_i32_1 = arith.constant 0 : i32
    return %c0_i32, %c0_i32_0 : i32, i32
  }
}

</mosaic_0001>

<sc_bundles>
// kernel: kernel.10.cloned.1.call-start
scs
__scs_entry_jumppad:
0x0: {  	(pc) =	sbr.rel $0x88, $3  }
0x1: {  	(tag) =	ssettag $0x0;
	lr =	simm.s32 $0x1  }
0x2: {  	[smem:$0x3F94] =	sst lr;
	_ =	strace $0xD0000000  }
0x3: {  	_ = 	snop  }
0x4: {  	_ = 	snop  }
0x5: {  	_ = 	snop  }
0x6: {  	_ = 	snop  }
0x7: {  	_ = 	snop  }
__scs_overlays_trampoline_lowered:
0x8: {  	[smem:$0x3FA3] =	sst s0  }
0x9: {  	[smem:$0x3FA4] =	sst s1  }
0xa: {  	[smem:$0x3FA5] =	sst s2  }
0xb: {  	[smem:$0x3FA6] =	sst s3  }
0xc: {  	[smem:$0x3FA7] =	sst s4  }
0xd: {  	[smem:$0x3FA8] =	sst s5  }
0xe: {  	[smem:$0x3FA9] =	sst s6  }
0xf: {  	[smem:$0x3FAA] =	sst s7  }
0x10: {  	[smem:$0x3FAB] =	sst s8  }
0x11: {  	[smem:$0x3FAC] =	sst s9;
	s0 =	simm.s32 @!p0 $0x0  }
0x12: {  	s1 =	sld [smem:$0x3F92];
	s0 =	simm.s32 @p0 $0x1  }
0x13: {  	[smem:$0x3FAD] =	sst s0;
	s0 =	simm.s32 @!p1 $0x0  }
0x14: {  	s2 =	sld [smem:$0x3F91];
	s0 =	simm.s32 @p1 $0x1  }
0x15: {  	[smem:$0x3FAE] =	sst s0;
	s0 =	simm.s32 @!p2 $0x0  }
0x16: {  	s3 =	sld [smem:$0x3FDB];
	s0 =	simm.s32 @p2 $0x1  }
0x17: {  	s4 =	simm.s32 $0x1BF5;
	[smem:$0x3FB0] =	sst s0  }
0x18: {  	s0 =	sld [smem:$0x3F93];
	_ =	swait.ge [sflag:s4], $0x0  }
0x19: {  	s7 =	sld [smem:$0x3F94]  }
0x1a: {  	s8 =	sadd.s32 $0xFFFFE003, lr  }
0x1b: {  	s9 =	sadd.s32 $0xFFFFFEF7, lr;
	s5 =	simm.s32 $0xFFFFFFFF;
	p2 =	slt.u32 s8, $0xFFFFF086  }
0x1c: {  	p1 =	slt.u32 s9, $0xF7A;
	s5 =	simm.s32 @!p2 $0x0  }
0x1d: {  	s5 =	simm.s32 @p1 $0x1;
	p0 =	seq.s32 s7, s2  }
0x1e: {  	s7 =	smul.u32 @!p0 $0xF7A, s2;
	p2 =	seq.s32 @!p0 s5, $0x0  }
0x1f: {  	s9 =	smul.u32 $0xF7A, s1;
	s8 =	simm.s32 @!p0 $0x1BF5;
	p2 =	por !p2, p0  }
0x20: {  	[sflag:s8] =	ssyncset.s32 @!p0 $0xFFFFF086;
	s6 =	sadd.s32 @!p0 s3, s7;
	s7 =	simm.s32 @!p0 $0x108  }
0x21: {  	s3 =	sadd.s32 s3, s9;
	s6 =	sadd.s32 @!p0 $0x88, s6;
	s7 =	simm.s32 @p2 $0x1082  }
0x22: {  	[simem:s7], [sflag:s8] =	dma.local @!p0 [hbm:s6], $0xF7A  }
0x23: {  	s9 =	sor.u32 $0xD0000000, s2;
	s6 =	simm.s32 $0x108;
	_ =	swait.ge @!p0 [sflag:s8], $0x0  }
0x24: {  	s3 =	sadd.s32 $0x88, s3;
	s6 =	simm.s32 @!p1 $0x1082;
	[sflag:s4] =	ssyncset.s32 $0xFFFFF086  }
0x25: {  	[simem:s6], [sflag:s4] =	dma.local [hbm:s3], $0xF7A  }
0x26: {  	[smem:$0x3F94] =	sst s1;
	(tag) =	ssettag s2;
	_ =	strace s9  }
0x27: {  	s1 =	sld [smem:$0x3FA4]  }
0x28: {  	s2 =	sld [smem:$0x3FA5]  }
0x29: {  	s4 =	sld [smem:$0x3FA7]  }
0x2a: {  	p0 =	seq.s32 s5, $0x0;
	s5 =	sld [smem:$0x3FA8]  }
0x2b: {  	s6 =	sld [smem:$0x3FA9]  }
0x2c: {  	s7 =	sld [smem:$0x3FAA]  }
0x2d: {  	s3 =	simm.s32 $0x108;
	s8 =	sld [smem:$0x3FAB]  }
0x2e: {  	s3 =	simm.s32 @!p0 $0x1082;
	s9 =	sld [smem:$0x3FAC]  }
0x2f: {  	lr =	sadd.s32 s0, s3;
	s0 =	sld [smem:$0x3FA3]  }
0x30: {  	s3 =	sld [smem:$0x3FA6]  }
0x31: {  	[smem:$0x3FAF] =	sst s10  }
0x32: {  	s10 =	sld [smem:$0x3FAD];
	_ =	sdelay $0x3  }
0x33: {  	p0 =	seq.s32 s10, $0x1;
	s10 =	sld [smem:$0x3FAF];
	_ =	sdelay $0x3  }
0x34: {  	[smem:$0x3FAF] =	sst s10  }
0x35: {  	s10 =	sld [smem:$0x3FAE];
	_ =	sdelay $0x3  }
0x36: {  	p1 =	seq.s32 s10, $0x1;
	s10 =	sld [smem:$0x3FAF];
	_ =	sdelay $0x3  }
0x37: {  	[smem:$0x3FAF] =	sst s10  }
0x38: {  	s10 =	sld [smem:$0x3FB0]  }
0x39: {  	_ = 	snop;
	(pc) =	sbr.ind lr, $3  }
0x3a: {  	_ = 	snop  }
0x3b: {  	_ = 	snop  }
0x3c: {  	p2 =	seq.s32 s10, $0x1;
	s10 =	sld [smem:$0x3FAF]  }
0x3d: {  	_ =	shalt  }
0x3e: {  	_ =	shalt  }
0x3f: {  	_ =	shalt  }
0x40: {  	_ =	shalt  }
0x41: {  	_ =	shalt  }
0x42: {  	_ =	shalt  }
0x43: {  	_ =	shalt  }
0x44: {  	_ =	shalt  }
0x45: {  	_ =	shalt  }
0x46: {  	_ =	shalt  }
0x47: {  	_ =	shalt  }
0x48: {  	_ =	shalt  }
0x49: {  	_ =	shalt  }
0x4a: {  	_ =	shalt  }
0x4b: {  	_ =	shalt  }
0x4c: {  	_ =	shalt  }
0x4d: {  	_ =	shalt  }
0x4e: {  	_ =	shalt  }
0x4f: {  	_ =	shalt  }
0x50: {  	_ =	shalt  }
0x51: {  	_ =	shalt  }
0x52: {  	_ =	shalt  }
0x53: {  	_ =	shalt  }
0x54: {  	_ =	shalt  }
0x55: {  	_ =	shalt  }
0x56: {  	_ =	shalt  }
0x57: {  	_ =	shalt  }
0x58: {  	_ =	shalt  }
0x59: {  	_ =	shalt  }
0x5a: {  	_ =	shalt  }
0x5b: {  	_ =	shalt  }
0x5c: {  	_ =	shalt  }
0x5d: {  	_ =	shalt  }
0x5e: {  	_ =	shalt  }
0x5f: {  	_ =	shalt  }
0x60: {  	_ =	shalt  }
0x61: {  	_ =	shalt  }
0x62: {  	_ =	shalt  }
0x63: {  	_ =	shalt  }
0x64: {  	_ =	shalt  }
0x65: {  	_ =	shalt  }
0x66: {  	_ =	shalt  }
0x67: {  	_ =	shalt  }
0x68: {  	_ =	shalt  }
0x69: {  	_ =	shalt  }
0x6a: {  	_ =	shalt  }
0x6b: {  	_ =	shalt  }
0x6c: {  	_ =	shalt  }
0x6d: {  	_ =	shalt  }
0x6e: {  	_ =	shalt  }
0x6f: {  	_ =	shalt  }
0x70: {  	_ =	shalt  }
0x71: {  	_ =	shalt  }
0x72: {  	_ =	shalt  }
0x73: {  	_ =	shalt  }
0x74: {  	_ =	shalt  }
0x75: {  	_ =	shalt  }
0x76: {  	_ =	shalt  }
0x77: {  	_ =	shalt  }
0x78: {  	_ =	shalt  }
0x79: {  	_ =	shalt  }
0x7a: {  	_ =	shalt  }
0x7b: {  	_ =	shalt  }
0x7c: {  	_ =	shalt  }
0x7d: {  	_ =	shalt  }
0x7e: {  	_ =	shalt  }
0x7f: {  	_ =	shalt  }
0x80: {  	_ =	shalt  }
0x81: {  	_ =	shalt  }
0x82: {  	_ =	shalt  }
0x83: {  	_ =	shalt  }
0x84: {  	_ =	shalt  }
0x85: {  	_ =	shalt  }
0x86: {  	_ =	shalt  }
0x87: {  	_ =	shalt  }
.Lfunc_end0:
.L_simem_size_0:
called_computation.1_lowered:
.L_overlay_start_0:
0x88: {  	s2 =	sld [smem:$0x3FD9]  }
0x89: {  	s3 =	sld [smem:$0x3FFE];
	_ =	sdelay $0x1  }
0x8a: {  	s1 =	srdreg.scid  }
0x8b: {  	s0 =	sand.u32 $0x1, s1  }
0x8c: {  	s16 =	sshll.u32 s0, $0xA;
	s2 =	sadd.s32 s3, s2  }
0x8d: {  	s2 =	sadd.s32 s2, s16  }
0x8e: {  	[smem:$0x3FBB] =	sst s2  }
0x8f: {  	_ = 	snop  }
0x90: {  	(tm) =	ssettm $0x1  }
0x91: {  	s17 =	sld [smem:$0x3FFB];
	_ =	sdelay $0x3  }
0x92: {  	_ =	strace s17  }
0x93: {  	s2 =	sld [smem:$0x3FFC];
	_ =	sdelay $0x3  }
0x94: {  	_ =	strace s2  }
0x95: {  	s2 =	sld [smem:$0x3FFD];
	_ =	sdelay $0x3  }
0x96: {  	_ =	strace s2  }
0x97: {  	_ =	strace $0x8FFFFFFF  }
0x98: {  	s18 =	sld [smem:$0x3FDB];
	_ =	sdelay $0x1  }
0x99: {  	s19 =	simm.s32 $_scs_section_size  }
0x9a: {  	s4 =	simm.s32 $_size__tile_overlayer_lowered;
	s5 =	simm.s32 $_tile_overlayer_lowered  }
0x9b: {  	s22 =	simm.s32 $0x1BFF;
	s21 =	sshll.u32 s5, $0x1;
	s2 =	sadd.s32 s19, s18  }
0x9c: {  	s6 =	simm.s32 $0x0;
	s20 =	sshll.u32 s4, $0x1;
	s4 =	sadd.s32 s21, s2  }
0x9d: {  	[timem:s6], [sflag:s22] =	dma.local [hbm:s4], s20  }
0x9e: {  	_ =	swait.ge [sflag:s22], s20  }
0x9f: {  	s3 =	ssub.s32 $0x0, s20;
	[sflag:s22] =	ssyncset.done $0x0  }
0xa0: {  	[sflag:s22] =	ssyncadd.s32 s3;
	_ =	sdelay $0x1  }
0xa1: {  	s23 =	simm.s32 $0x1B8B  }
0xa2: {  	_ =	swait.ge [sflag:s23], $0x1  }
0xa3: {  	[sflag:s23] =	ssyncset.done $0x0  }
0xa4: {  	s25 =	simm.s32 $0x1B8E;
	s24 =	sld [smem:$0x3FFE];
	[sflag:s23] =	ssyncadd.s32 $0xFFFFFFFF  }
0xa5: {  	s26 =	simm.s32 $execute0_lowered;
	[smem:$0x3FD2] =	sst s25  }
0xa6: {  	s4 =	sshll.u32 s26, $0x1;
	_ =	strace $0x80000049;
	[dreg:$0x1] =	wrdreg $0xFFFFFFFF  }
0xa7: {  	s28 =	simm.s32 $_size_execute0_lowered;
	s2 =	sadd.s32 s2, s4;
	[dreg:$0x0] =	wrdreg $0x0  }
0xa8: {  	s4 =	sshll.u32 s28, $0x1;
	[dreg:$0x2] =	wrdreg s2  }
0xa9: {  	[dreg:$0x3] =	wrdreg s4  }
0xaa: {  	[dreg:$0x4] =	wrdreg $0xC0  }
0xab: {  	_ =	task [dreg:s6], $0x5FFFF  }
0xac: {  	[dreg:$0x1] =	wrdreg $0xFFFFFFFF  }
0xad: {  	[dreg:$0x0] =	wrdreg $0x60  }
0xae: {  	[dreg:$0x2] =	wrdreg s24  }
0xaf: {  	[dreg:$0x3] =	wrdreg $0x0  }
0xb0: {  	[dreg:$0x4] =	wrdreg $0x138800  }
0xb1: {  	[dreg:$0x5] =	wrdreg $0x9  }
0xb2: {  	_ =	task.clear_ibuf [dreg:s6], $0x6FFFF;
	_ =	strace $0x90000049  }
0xb3: {  	s29 =	simm.s32 $0x9;
	_ =	strace $0x8000004B  }
0xb4: {  	_ =	swait.ge [sflag:s29], $0x1  }
0xb5: {  	[sflag:s29] =	ssyncadd.s32 $0xFFFFFFFF  }
0xb6: {  	_ =	strace $0x9000004B  }
0xb7: {  	_ =	sfence  }
0xb8: {  	s30 =	sld [smem:$0x0];
	_ =	sdelay $0x2  }
0xb9: {  	s31 =	sshll.u32 s1, $0xD;
	s1 =	sshrl.u32 s1, $0x2  }
0xba: {  	s3 =	sand.u32 $0x4000, s31;
	s1 =	sadd.s32 s1, s30  }
0xbb: {  	s0 =	sor.u32 s3, s0;
	s1 =	sshll.u32 s1, $0x11  }
0xbc: {  	s0 =	sor.u32 s1, s0  }
0xbd: {  	s0 =	sadd.s32 $0x8F2B, s0  }
0xbe: {  	[sflag:s0] =	ssyncadd.remote.s32 $0x1  }
0xbf: {  	_ =	sfence.sel $0xFFFF  }
0xc0: {  	[dreg:$0x0] =	wrdreg $0xFFFFFFFF;
	(pc) =	sbr.abs _section_cstart, $3  }
0xc1: {  	[dreg:$0x1] =	wrdreg $0xFFFFFFFF  }
0xc2: {  	_ =	task.clear_ibuf [dreg:s6], $0x2FFFF;
	_ =	strace $0x9FFFFFFF  }
0xc3: {  	(tm) =	ssettm $0x7FFFFFFF  }
tec
execute0_lowered:
.L_overlay_start_1:
0x0: {  	(tag) =	ssettag $0x1  }
0x1: {  	s0 =	rddreg [dreg:$0x0]  }
0x2: {  	s1 =	rddreg [dreg:$0x1]  }
0x3: {  	s3 =	rddreg [dreg:$0x2];
	s14 =	simm.s32 $0x0  }
0x4: {  	s2 =	srdreg.scid;
	s8 =	stileid.u32;
	s28 =	simm.s32 $0x0  }
0x5: {  	[smem:$0x7FF] =	sst s14;
	s2 =	sand.u32 $0x1, s2;
	s4 =	smul.u32 $0x13880, s8  }
0x6: {  	s5 =	sadd.s32 $0x1E00, s0;
	s7 =	sadd.s32 $0x29600, s0;
	s29 =	sadd.s32 $0x29000, s0  }
0x7: {  	s30 =	sadd.s32 $0x33A00, s0;
	s9 =	sadd.s32 $0x29C00, s0;
	s10 =	smul.u32 $0x4E200, s8  }
0x8: {  	s12 =	sshll.u32 s8, $0x1;
	_ =	strace $0x8000004A;
	[dreg:$0x5] =	wrdreg s7  }
0x9: {  	s6 =	smul.u32 $0x138800, s2;
	[dreg:$0x6] =	wrdreg s29;
	s31 =	ssub.s32 $0x2, s2  }
0xa: {  	p0 =	sne.s32 s8, $0xF;
	[dreg:$0x7] =	wrdreg s30;
	s11 =	sshrl.u32 s31, $0x1  }
0xb: {  	s10 =	sshrl.u32 s10, $0x2;
	s18 =	sadd.s32 s4, s1;
	s6 =	sadd.s32 s4, s6  }
0xc: {  	s7 =	ssub.s32 s31, s11;
	s11 =	sor.u32 s2, s12;
	s10 =	sadd.s32 s10, s1  }
0xd: {  	s12 =	smul.u32 $0x270, s8;
	[dreg:$0x8] =	wrdreg s18;
	s13 =	sadd.s32 $0x2800, s10  }
0xe: {  	s2 =	smul.u32 $0x2710, s2;
	s15 =	sadd.s32 $0x5000, s10;
	[dreg:$0x9] =	wrdreg s13  }
0xf: {  	s6 =	sshrl.u32 s6, $0x3;
	s16 =	sadd.s32 $0x7800, s10;
	[dreg:$0xa] =	wrdreg s15  }
0x10: {  	s17 =	sadd.s32 $0xA000, s10;
	s19 =	sadd.s32 $0xC800, s10;
	[dreg:$0xb] =	wrdreg s16  }
0x11: {  	s20 =	sadd.s32 $0xF000, s10;
	s10 =	sadd.s32 $0x11800, s10;
	[dreg:$0xc] =	wrdreg s17  }
0x12: {  	s24 =	smax.u32 s7, $0x1;
	s7 =	simm.s32 $0x198B8;
	[dreg:$0xd] =	wrdreg s19  }
0x13: {  	s6 =	sadd.s32 s6, s0;
	s0 =	sadd.s32 $0x8BA00, s0;
	[dreg:$0xe] =	wrdreg s20  }
0x14: {  	s21 =	sadd.s32 s12, s2;
	[dreg:$0xf] =	wrdreg s10;
	s10 =	sadd.s32 s12, s3  }
0x15: {  	s2 =	sshrl.u32 s2, $0x3;
	[dreg:$0x16] =	wrdreg s24;
	s13 =	simm.s32 $0x18918  }
0x16: {  	s15 =	simm.s32 $0x50;
	s16 =	simm.s32 $0x1;
	s17 =	simm.s32 $0x1C158  }
0x17: {  	s19 =	simm.s32 $0x2;
	s12 =	sadd.s32 $0x50, s10;
	[dreg:$0x10] =	wrdreg s10  }
0x18: {  	s20 =	simm.s32 $0x3;
	s22 =	sadd.s32 $0xA0, s10;
	[dreg:$0x11] =	wrdreg s12  }
0x19: {  	s24 =	simm.s32 $0x4;
	s23 =	sadd.s32 $0x3D800, s6;
	[dreg:$0x13] =	wrdreg s22  }
0x1a: {  	s4 =	sshrl.u32 s21, $0x3;
	s25 =	sadd.s32 $0xF0, s10;
	[dreg:$0x14] =	wrdreg s23  }
0x1b: {  	s26 =	sadd.s32 $0x140, s10;
	s29 =	sadd.s32 $0x190, s10;
	[dreg:$0x17] =	wrdreg s25  }
0x1c: {  	s30 =	sadd.s32 $0x1E0, s10;
	s31 =	sadd.s32 $0x230, s10;
	[dreg:$0x18] =	wrdreg s26  }
0x1d: {  	s6 =	simm.s32 $0x7;
	s21 =	simm.s32 $0x19908;
	[dreg:$0x19] =	wrdreg s29  }
0x1e: {  	s4 =	sadd.s32 s0, s4;
	s0 =	sadd.s32 s0, s2;
	[dreg:$0x1a] =	wrdreg s30  }
0x1f: {  	s22 =	smul.u32 $0x7D, s11;
	[dreg:$0x1b] =	wrdreg s31;
	s26 =	sadd.s32 $0x2700, s3  }
0x20: {  	s2 =	simm.s32 $0x19958;
	s11 =	simm.s32 $0x13AF8;
	[dreg:$0x12] =	wrdreg s4  }
0x21: {  	s12 =	simm.s32 $0x16208;
	s0 =	sadd.s32 $0x4E0, s0;
	[dreg:$0x1c] =	wrdreg s26  }
0x22: {  	v0 =	vimm.f32 $0.0e+00;
	s23 =	simm.s32 $0x5;
	s25 =	simm.s32 $0x19868;
	[dreg:$0x15] =	wrdreg s0  }
.LBB2_1:
0x23: {  	[dreg:$0x4] =	wrdreg s14;
	s0 =	simm.s32 $0x0;
	s4 =	simm.s32 $0x200  }
.LBB2_2:
0x24: {  	p1 =	sne.s32 s4, $0x9E00;
	[tilespmem:s0+$0x199C8] =	vst v0  }
0x25: {  	[tilespmem:s0+$0x19958] =	vst v0  }
0x26: {  	[tilespmem:s0+$0x19968] =	vst v0  }
.Ltmp0:
0x27: {  	[tilespmem:s0+$0x19978] =	vst v0;
	(pc) =	sbr.rel @p1 .LBB2_2-.Ltmp0, $4  }
0x28: {  	[tilespmem:s0+$0x19988] =	vst v0  }
0x29: {  	[tilespmem:s0+$0x19998] =	vst v0  }
0x2a: {  	[tilespmem:s0+$0x199A8] =	vst v0  }
0x2b: {  	[tilespmem:s0+$0x199B8] =	vst v0;
	s0 =	sshra.s32 s4, $0x2;
	s4 =	sadd.s32 $0x200, s4  }
0x2c: {  	[tilespmem:s0+$0x199C8] =	vst v0  }
0x2d: {  	[tilespmem:s0+$0x19958] =	vst v0  }
0x2e: {  	[tilespmem:s0+$0x19968] =	vst v0  }
0x2f: {  	[tilespmem:s0+$0x19978] =	vst v0  }
0x30: {  	[tilespmem:s0+$0x19988] =	vst v0  }
0x31: {  	[tilespmem:s0+$0x19998] =	vst v0  }
0x32: {  	[tilespmem:s0+$0x199A8] =	vst v0  }
0x33: {  	[tilespmem:s0+$0x199B8] =	vst v0  }
0x34: {  	[spmem:s18] =	stream.linear.scatter [tilespmem:s2], [sflag:$0x7], $0x2800, $0x38;
	[tilespmem:$0x1E958] =	vst v63  }
0x35: {  	_ =	swait.ge [sflag:s6], $0x2800  }
0x36: {  	[sflag:s6] =	ssyncset.done $0x0  }
0x37: {  	s18 =	rddreg [dreg:$0x9];
	[sflag:s6] =	ssyncadd.s32 $0xFFFFD800  }
0x38: {  	[spmem:s18] =	stream.linear.scatter [tilespmem:s2], [sflag:$0x7], $0x2800, $0x38;
	[tilespmem:$0x1E958] =	vst v63  }
0x39: {  	_ =	swait.ge [sflag:s6], $0x2800  }
0x3a: {  	[sflag:s6] =	ssyncset.done $0x0  }
0x3b: {  	s30 =	rddreg [dreg:$0xa];
	[sflag:s6] =	ssyncadd.s32 $0xFFFFD800  }
0x3c: {  	[spmem:s30] =	stream.linear.scatter [tilespmem:s2], [sflag:$0x7], $0x2800, $0x38;
	[tilespmem:$0x1E958] =	vst v63  }
0x3d: {  	_ =	swait.ge [sflag:s6], $0x2800  }
0x3e: {  	[sflag:s6] =	ssyncset.done $0x0  }
0x3f: {  	s31 =	rddreg [dreg:$0xb];
	[sflag:s6] =	ssyncadd.s32 $0xFFFFD800  }
0x40: {  	[spmem:s31] =	stream.linear.scatter [tilespmem:s2], [sflag:$0x7], $0x2800, $0x38;
	[tilespmem:$0x1E958] =	vst v63  }
0x41: {  	_ =	swait.ge [sflag:s6], $0x2800  }
0x42: {  	[sflag:s6] =	ssyncset.done $0x0  }
0x43: {  	s4 =	rddreg [dreg:$0xc];
	[sflag:s6] =	ssyncadd.s32 $0xFFFFD800  }
0x44: {  	[spmem:s4] =	stream.linear.scatter [tilespmem:s2], [sflag:$0x7], $0x2800, $0x38;
	[tilespmem:$0x1E958] =	vst v63  }
0x45: {  	_ =	swait.ge [sflag:s6], $0x2800  }
0x46: {  	[sflag:s6] =	ssyncset.done $0x0  }
0x47: {  	s8 =	rddreg [dreg:$0xd];
	[sflag:s6] =	ssyncadd.s32 $0xFFFFD800  }
0x48: {  	[spmem:s8] =	stream.linear.scatter [tilespmem:s2], [sflag:$0x7], $0x2800, $0x38;
	[tilespmem:$0x1E958] =	vst v63  }
0x49: {  	_ =	swait.ge [sflag:s6], $0x2800  }
0x4a: {  	[sflag:s6] =	ssyncset.done $0x0  }
0x4b: {  	s14 =	rddreg [dreg:$0xe];
	[sflag:s6] =	ssyncadd.s32 $0xFFFFD800  }
0x4c: {  	[spmem:s14] =	stream.linear.scatter [tilespmem:s2], [sflag:$0x7], $0x2800, $0x38;
	[tilespmem:$0x1E958] =	vst v63  }
0x4d: {  	_ =	swait.ge [sflag:s6], $0x2800  }
0x4e: {  	[sflag:s6] =	ssyncset.done $0x0  }
0x4f: {  	s18 =	rddreg [dreg:$0xf];
	[sflag:s6] =	ssyncadd.s32 $0xFFFFD800  }
0x50: {  	[spmem:s18] =	stream.linear.scatter [tilespmem:s2], [sflag:$0x7], $0x2080, $0x38;
	[tilespmem:$0x1E958] =	vst v63  }
0x51: {  	_ =	swait.ge [sflag:s6], $0x2080  }
0x52: {  	[sflag:s6] =	ssyncset.done $0x0  }
0x53: {  	[sflag:s6] =	ssyncadd.s32 $0xFFFFDF80  }
0x54: {  	[tilespmem:$0x198B8] =	vst v0  }
0x55: {  	[tilespmem:$0x198C8] =	vst v0  }
0x56: {  	[tilespmem:$0x198D8] =	vst v0  }
0x57: {  	[tilespmem:$0x198E8] =	vst v0  }
0x58: {  	[tilespmem:$0x198F8] =	vst v0  }
0x59: {  	[spmem:s10] =	stream.linear.scatter [tilespmem:s7], [sflag:$0x7], $0x50, $0x38;
	[tilespmem:$0x1E958] =	vst v63  }
0x5a: {  	_ =	swait.ge [sflag:s6], $0x50  }
0x5b: {  	[sflag:s6] =	ssyncset.done $0x0  }
0x5c: {  	s30 =	rddreg [dreg:$0x11];
	[sflag:s6] =	ssyncadd.s32 $0xFFFFFFB0  }
0x5d: {  	[spmem:s30] =	stream.linear.scatter [tilespmem:s7], [sflag:$0x7], $0x50, $0x38;
	[tilespmem:$0x1E958] =	vst v63  }
0x5e: {  	_ =	swait.ge [sflag:s6], $0x50  }
0x5f: {  	[sflag:s6] =	ssyncset.done $0x0  }
0x60: {  	s31 =	rddreg [dreg:$0x13];
	[sflag:s6] =	ssyncadd.s32 $0xFFFFFFB0  }
0x61: {  	[spmem:s31] =	stream.linear.scatter [tilespmem:s7], [sflag:$0x7], $0x50, $0x38;
	[tilespmem:$0x1E958] =	vst v63  }
0x62: {  	_ =	swait.ge [sflag:s6], $0x50  }
0x63: {  	[sflag:s6] =	ssyncset.done $0x0  }
0x64: {  	s4 =	rddreg [dreg:$0x17];
	[sflag:s6] =	ssyncadd.s32 $0xFFFFFFB0  }
0x65: {  	[spmem:s4] =	stream.linear.scatter [tilespmem:s7], [sflag:$0x7], $0x50, $0x38;
	[tilespmem:$0x1E958] =	vst v63  }
0x66: {  	_ =	swait.ge [sflag:s6], $0x50  }
0x67: {  	[sflag:s6] =	ssyncset.done $0x0  }
0x68: {  	s8 =	rddreg [dreg:$0x18];
	[sflag:s6] =	ssyncadd.s32 $0xFFFFFFB0  }
0x69: {  	[spmem:s8] =	stream.linear.scatter [tilespmem:s7], [sflag:$0x7], $0x50, $0x38;
	[tilespmem:$0x1E958] =	vst v63  }
0x6a: {  	_ =	swait.ge [sflag:s6], $0x50  }
0x6b: {  	[sflag:s6] =	ssyncset.done $0x0  }
0x6c: {  	s10 =	rddreg [dreg:$0x19];
	[sflag:s6] =	ssyncadd.s32 $0xFFFFFFB0  }
0x6d: {  	[spmem:s10] =	stream.linear.scatter [tilespmem:s7], [sflag:$0x7], $0x50, $0x38;
	[tilespmem:$0x1E958] =	vst v63  }
0x6e: {  	_ =	swait.ge [sflag:s6], $0x50  }
0x6f: {  	[sflag:s6] =	ssyncset.done $0x0  }
0x70: {  	s14 =	rddreg [dreg:$0x1a];
	[sflag:s6] =	ssyncadd.s32 $0xFFFFFFB0  }
0x71: {  	[spmem:s14] =	stream.linear.scatter [tilespmem:s7], [sflag:$0x7], $0x50, $0x38;
	[tilespmem:$0x1E958] =	vst v63  }
0x72: {  	_ =	swait.ge [sflag:s6], $0x50  }
0x73: {  	[sflag:s6] =	ssyncset.done $0x0  }
0x74: {  	s18 =	rddreg [dreg:$0x1b];
	[sflag:s6] =	ssyncadd.s32 $0xFFFFFFB0  }
0x75: {  	[spmem:s18] =	stream.linear.scatter [tilespmem:s7], [sflag:$0x7], $0x40, $0x38;
	[tilespmem:$0x1E958] =	vst v63  }
0x76: {  	_ =	swait.ge [sflag:s6], $0x40  }
0x77: {  	[sflag:s6] =	ssyncset.done $0x0  }
0x78: {  	s0 =	simm.s32 @!p0 $0x198B8;
	[sflag:s6] =	ssyncadd.s32 $0xFFFFFFC0  }
0x79: {  	[spmem:s26] =	stream.linear.scatter @!p0 [tilespmem:s0], [sflag:$0x7], $0x10, $0x38;
	[tilespmem:$0x1E958] =	vst v63  }
0x7a: {  	s0 =	simm.s32 @!p0 $0x7  }
0x7b: {  	_ =	swait.ge @!p0 [sflag:s0], $0x10  }
0x7c: {  	[sflag:s0] =	ssyncset.done @!p0 $0x0  }
0x7d: {  	[sflag:s0] =	ssyncadd.s32 @!p0 $0xFFFFFFF0  }
0x7e: {  	[bflag:$0x0] =	sbarrier.arrive $0xFFFF  }
0x7f: {  	s30 =	rddreg [dreg:$0x5]  }
0x80: {  	[tilespmem:s11], [sflag:$0x7] =	stream.linear.gather [hbm4b:s30+s28], $0x2710, $0x38;
	[tilespmem:$0x1E958] =	vst v63  }
0x81: {  	_ =	swait.ge [sflag:s6], $0x2710  }
0x82: {  	[sflag:s6] =	ssyncset.done $0x0  }
0x83: {  	s31 =	rddreg [dreg:$0x6];
	[sflag:s6] =	ssyncadd.s32 $0xFFFFD8F0  }
0x84: {  	[tilespmem:s12], [sflag:$0x7] =	stream.linear.gather [hbm4b:s31+s28], $0x2710, $0x38;
	[tilespmem:$0x1E958] =	vst v63  }
0x85: {  	_ =	swait.ge [sflag:s6], $0x2710  }
0x86: {  	[sflag:s6] =	ssyncset.done $0x0  }
0x87: {  	s29 =	simm.s32 $0x0;
	[sflag:s6] =	ssyncadd.s32 $0xFFFFD8F0  }
.LBB2_4:
0x88: {  	s0 =	smul.u32 $0x19, s29  }
0x89: {  	p1 =	seq.s32 s29, $0x0  }
0x8a: {  	s4 =	simm.s32 @!p1 $0x6;
	s0 =	sadd.s32 s22, s0  }
0x8b: {  	_ =	swait.ge @!p1 [sflag:s4], $0x50;
	s0 =	smul.u32 $0xA, s0  }
0x8c: {  	[sflag:s4] =	ssyncset.done @!p1 $0x0;
	s26 =	rddreg [dreg:$0x7]  }
0x8d: {  	[sflag:s4] =	ssyncadd.s32 @!p1 $0xFFFFFFB0;
	s4 =	sadd.s32 s26, s0  }
0x8e: {  	[tilespmem:s13], [sflag:$0x7] =	stream.linear.gather [hbm4b:s4+s28], $0x7D0, $0x38;
	[tilespmem:$0x1E958] =	vst v63  }
0x8f: {  	_ =	swait.ge [sflag:s6], $0x7D0  }
0x90: {  	[sflag:s6] =	ssyncset.done $0x0  }
0x91: {  	s31 =	simm.s32 $0x190E8;
	s0 =	sadd.s32 s9, s0;
	[sflag:s6] =	ssyncadd.s32 $0xFFFFF830  }
0x92: {  	[tilespmem:s31], [sflag:$0x7] =	stream.linear.gather [hbm4b:s0+s28], $0x7D0, $0x38;
	[tilespmem:$0x1E958] =	vst v63  }
0x93: {  	_ =	swait.ge [sflag:s6], $0x7D0  }
0x94: {  	[sflag:s6] =	ssyncset.done $0x0  }
0x95: {  	s30 =	simm.s32 $0x0;
	[sflag:s6] =	ssyncadd.s32 $0xFFFFF830  }
0x96: {  	[tilespmem:s2], [sflag:$0x1] =	stream.indirect.gather [hbm4b:s5+s15], $0x80, s13, s15, $0xb8;
	[tilespmem:$0x1E958] =	vst v63  }
.LBB2_5:
0x97: {  	p1 =	seq.s32 s30, $0x0  }
0x98: {  	s0 =	simm.s32 @!p1 $0x5  }
0x99: {  	_ =	swait.ge @!p1 [sflag:s0], $0x50  }
0x9a: {  	s31 =	smul.u32 $0xA0, s30;
	[sflag:s0] =	ssyncset.done @!p1 $0x0  }
0x9b: {  	[sflag:s0] =	ssyncadd.s32 @!p1 $0xFFFFFFB0  }
0x9c: {  	v1 =	vld [tilespmem:s31+$0x18918]  }
0x9d: {  	v2 =	vld [tilespmem:s31+$0x190E8];
	_ =	sdelay $0x6  }
0x9e: {  	v1 =	vld.idx.msk [tilespmem:v1+s11+$0x0], $0xffff  }
0x9f: {  	v2 =	vld.idx.msk [tilespmem:v2+s12+$0x0], $0xffff;
	_ =	sdelay $0x4  }
0xa0: {  	v1 =	vadd.f32 v2, v1;
	_ =	sdelay $0x1  }
0xa1: {  	v2 =	vmul.f32 $2.000000030e-01, v1  }
0xa2: {  	vm0 =	vgt.f32 v1, $0.0e+00  }
0xa3: {  	v1 =	vsel vm0, v1, v2  }
0xa4: {  	v1 =	vmul.f32 $1.442695020e+00, v1;
	_ =	sdelay $0x1  }
0xa5: {  	(erf) = vpow2.f32 v1;
	_ =	sdelay $0x8  }
0xa6: {  	v1 =	vpop (erf)  }
0xa7: {  	[tilespmem:$0x198B8] =	vst v1  }
0xa8: {  	v1 =	vld [tilespmem:s31+$0x18928]  }
0xa9: {  	v2 =	vld [tilespmem:s31+$0x190F8];
	_ =	sdelay $0x6  }
0xaa: {  	v1 =	vld.idx.msk [tilespmem:v1+s11+$0x0], $0xffff  }
0xab: {  	v2 =	vld.idx.msk [tilespmem:v2+s12+$0x0], $0xffff;
	_ =	sdelay $0x4  }
0xac: {  	v1 =	vadd.f32 v2, v1;
	_ =	sdelay $0x1  }
0xad: {  	v2 =	vmul.f32 $2.000000030e-01, v1  }
0xae: {  	vm12 =	vgt.f32 v1, $0.0e+00  }
0xaf: {  	v1 =	vsel vm12, v1, v2  }
0xb0: {  	v1 =	vmul.f32 $1.442695020e+00, v1;
	_ =	sdelay $0x1  }
0xb1: {  	(erf) = vpow2.f32 v1;
	_ =	sdelay $0x8  }
0xb2: {  	v1 =	vpop (erf)  }
0xb3: {  	[tilespmem:$0x198C8] =	vst v1  }
0xb4: {  	v1 =	vld [tilespmem:s31+$0x18938]  }
0xb5: {  	v2 =	vld [tilespmem:s31+$0x19108];
	_ =	sdelay $0x6  }
0xb6: {  	v1 =	vld.idx.msk [tilespmem:v1+s11+$0x0], $0xffff  }
0xb7: {  	v2 =	vld.idx.msk [tilespmem:v2+s12+$0x0], $0xffff;
	_ =	sdelay $0x4  }
0xb8: {  	v1 =	vadd.f32 v2, v1;
	_ =	sdelay $0x1  }
0xb9: {  	v2 =	vmul.f32 $2.000000030e-01, v1  }
0xba: {  	vm13 =	vgt.f32 v1, $0.0e+00  }
0xbb: {  	v1 =	vsel vm13, v1, v2  }
0xbc: {  	v1 =	vmul.f32 $1.442695020e+00, v1;
	_ =	sdelay $0x1  }
0xbd: {  	(erf) = vpow2.f32 v1;
	_ =	sdelay $0x8  }
0xbe: {  	v1 =	vpop (erf)  }
0xbf: {  	[tilespmem:$0x198D8] =	vst v1  }
0xc0: {  	v1 =	vld [tilespmem:s31+$0x18948]  }
0xc1: {  	v2 =	vld [tilespmem:s31+$0x19118];
	_ =	sdelay $0x6  }
0xc2: {  	v1 =	vld.idx.msk [tilespmem:v1+s11+$0x0], $0xffff  }
0xc3: {  	v2 =	vld.idx.msk [tilespmem:v2+s12+$0x0], $0xffff;
	_ =	sdelay $0x4  }
0xc4: {  	v1 =	vadd.f32 v2, v1;
	_ =	sdelay $0x1  }
0xc5: {  	v2 =	vmul.f32 $2.000000030e-01, v1  }
0xc6: {  	vm14 =	vgt.f32 v1, $0.0e+00  }
0xc7: {  	v1 =	vsel vm14, v1, v2  }
0xc8: {  	v1 =	vmul.f32 $1.442695020e+00, v1;
	_ =	sdelay $0x1  }
0xc9: {  	(erf) = vpow2.f32 v1;
	_ =	sdelay $0x8  }
0xca: {  	v1 =	vpop (erf)  }
0xcb: {  	[tilespmem:$0x198E8] =	vst v1  }
0xcc: {  	v1 =	vld [tilespmem:s31+$0x18958]  }
0xcd: {  	v2 =	vld [tilespmem:s31+$0x19128];
	_ =	sdelay $0x6  }
0xce: {  	v1 =	vld.idx.msk [tilespmem:v1+s11+$0x0], $0xffff  }
0xcf: {  	v2 =	vld.idx.msk [tilespmem:v2+s12+$0x0], $0xffff;
	_ =	sdelay $0x4  }
0xd0: {  	v1 =	vadd.f32 v2, v1;
	_ =	sdelay $0x1  }
0xd1: {  	v2 =	vmul.f32 $2.000000030e-01, v1  }
0xd2: {  	vm15 =	vgt.f32 v1, $0.0e+00  }
0xd3: {  	v1 =	vsel vm15, v1, v2  }
0xd4: {  	v1 =	vmul.f32 $1.442695020e+00, v1;
	_ =	sdelay $0x1  }
0xd5: {  	(erf) = vpow2.f32 v1;
	_ =	sdelay $0x8  }
0xd6: {  	s26 =	simm.s32 $0x0;
	v1 =	vpop (erf)  }
0xd7: {  	s4 =	simm.s32 $0x2;
	[tilespmem:$0x198F8] =	vst v1;
	v1 =	vmov s26  }
0xd8: {  	v2 =	vmov s4;
	_ =	swait.ge [sflag:s16], $0x2800;
	v1 =	vand.u32 $0xFFFFFFFC, v1  }
0xd9: {  	v2 =	vand.u32 $0xFFFFFFFE, v2;
	[sflag:s16] =	ssyncset.done $0x0;
	v1 =	vbroadcast v1, $0x0  }
0xda: {  	s0 =	simm.s32 @!p1 $0x4;
	v2 =	vbroadcast v2, $0x0;
	[sflag:s16] =	ssyncadd.s32 $0xFFFFD800  }
0xdb: {  	_ =	swait.ge @!p1 [sflag:s0], $0x2800  }
0xdc: {  	[sflag:s0] =	ssyncset.done @!p1 $0x0  }
0xdd: {  	s8 =	sadd.s32 $0x18968, s31;
	[sflag:s0] =	ssyncadd.s32 @!p1 $0xFFFFD800  }
0xde: {  	[tilespmem:s17], [sflag:$0x2] =	stream.indirect.gather [hbm4b:s5+s15], $0x80, s8, s15, $0xb8;
	[tilespmem:$0x1E958] =	vst v63  }
0xdf: {  	v1 =	vld.idx.msk [tilespmem:v1+s7+$0x0], $0xffff  }
0xe0: {  	s4 =	simm.s32 $0x1;
	s0 =	simm.s32 $0x19A58;
	v2 =	vld.idx.msk [tilespmem:v2+s7+$0x0], $0xffff  }
0xe1: {  	v3 =	vmov s4;
	v4 =	vld [tilespmem:s0+$0x70]  }
0xe2: {  	v3 =	vand.u32 $0xFFFFFFFD, v3;
	v5 =	vld [tilespmem:s0+$0xFFFFFF00]  }
0xe3: {  	v3 =	vbroadcast v3, $0x0;
	v6 =	vld [tilespmem:s0+$0xFFFFFF10]  }
0xe4: {  	v7 =	vld [tilespmem:s0+$0xFFFFFF20]  }
0xe5: {  	v8 =	vld [tilespmem:s0+$0xFFFFFF30]  }
0xe6: {  	v9 =	vld [tilespmem:s0+$0xFFFFFF40]  }
0xe7: {  	v10 =	vld [tilespmem:s0+$0xFFFFFF50]  }
0xe8: {  	v11 =	vld [tilespmem:s0+$0xFFFFFF60];
	v5 =	vmul.f32 v5, v1  }
0xe9: {  	v3 =	vld.idx.msk [tilespmem:v3+s7+$0x0], $0xffff;
	v4 =	vmul.f32 v4, v2  }
0xea: {  	v13 =	vld [tilespmem:s0+$0x40];
	[tilespmem:s0+$0xFFFFFF00] =	vst v5;
	v5 =	vmul.f32 v6, v1  }
0xeb: {  	v6 =	vld [tilespmem:s0+$0xFFFFFF70];
	[tilespmem:s0+$0x70] =	vst v4;
	v4 =	vmul.f32 v7, v1  }
0xec: {  	v7 =	vld [tilespmem:s0+$0xFFFFFF80];
	[tilespmem:s0+$0xFFFFFF10] =	vst v5;
	v5 =	vmul.f32 v8, v1  }
0xed: {  	v8 =	vld [tilespmem:s0+$0xFFFFFF90];
	[tilespmem:s0+$0xFFFFFF20] =	vst v4;
	v4 =	vmul.f32 v9, v1  }
0xee: {  	v9 =	vld [tilespmem:s0+$0xFFFFFFA0];
	[tilespmem:s0+$0xFFFFFF30] =	vst v5;
	v5 =	vmul.f32 v10, v1  }
0xef: {  	v10 =	vld [tilespmem:s0+$0xFFFFFFB0];
	[tilespmem:s0+$0xFFFFFF40] =	vst v4;
	v4 =	vmul.f32 v11, v1  }
0xf0: {  	v11 =	vld [tilespmem:s0+$0xFFFFFFC0];
	v6 =	vmul.f32 v6, v1;
	[tilespmem:s0+$0xFFFFFF50] =	vst v5  }
0xf1: {  	v5 =	vmul.f32 v7, v3;
	v7 =	vld [tilespmem:s0+$0xFFFFFFD0];
	[tilespmem:s0+$0xFFFFFF60] =	vst v4  }
0xf2: {  	s10 =	simm.s32 $0x3;
	v4 =	vld [tilespmem:s0+$0xFFFFFFE0];
	v8 =	vmul.f32 v8, v3;
	[tilespmem:s0+$0xFFFFFF70] =	vst v6  }
0xf3: {  	v12 =	vmov s10;
	v6 =	vld [tilespmem:s0+$0xFFFFFFF0];
	[tilespmem:s0+$0xFFFFFF80] =	vst v5;
	v5 =	vmul.f32 v9, v3  }
0xf4: {  	v9 =	vld [tilespmem:s0+$0x0];
	[tilespmem:s0+$0xFFFFFF90] =	vst v8;
	v8 =	vmul.f32 v10, v3  }
0xf5: {  	v10 =	vld [tilespmem:s0+$0x10];
	[tilespmem:s0+$0xFFFFFFA0] =	vst v5;
	v5 =	vmul.f32 v11, v3  }
0xf6: {  	[tilespmem:s0+$0xFFFFFFB0] =	vst v8;
	v7 =	vmul.f32 v7, v3;
	v8 =	vld [tilespmem:s0+$0x20]  }
0xf7: {  	v11 =	vld [tilespmem:s0+$0x30];
	v4 =	vmul.f32 v4, v3;
	[tilespmem:s0+$0xFFFFFFC0] =	vst v5  }
0xf8: {  	v1 =	vld.idx.msk [tilespmem:v12+s7+$0x0], $0xffff;
	v3 =	vmul.f32 v6, v3;
	[tilespmem:s0+$0xFFFFFFD0] =	vst v7  }
0xf9: {  	[tilespmem:s0+$0xFFFFFFE0] =	vst v4;
	v5 =	vmul.f32 v9, v2;
	v4 =	vld [tilespmem:s0+$0x50]  }
0xfa: {  	s14 =	simm.s32 $0x4;
	[tilespmem:s0+$0xFFFFFFF0] =	vst v3;
	v6 =	vmul.f32 v10, v2;
	v3 =	vld [tilespmem:s0+$0x60]  }
0xfb: {  	s18 =	simm.s32 $0x7;
	v7 =	vmov s14;
	[tilespmem:s0+$0x0] =	vst v5;
	v9 =	vmul.f32 v8, v2;
	v8 =	vld [tilespmem:s0+$0x80]  }
0xfc: {  	s10 =	sadd.s32 $0x190E8, s31;
	s4 =	simm.s32 $0x8;
	s14 =	simm.s32 $0x5;
	v12 =	vand.u32 $0xFFFFFFFC, v7;
	v7 =	vld [tilespmem:s0+$0x90];
	v5 =	vmov s18;
	v10 =	vmul.f32 v11, v2;
	[tilespmem:s0+$0x10] =	vst v6  }
0xfd: {  	s26 =	sadd.s32 $0x50, s31;
	v11 =	vmul.f32 v13, v2;
	s18 =	simm.s32 $0x19A58;
	v6 =	vbroadcast v12, $0x0;
	v12 =	vmov s14;
	s14 =	simm.s32 $0x6;
	[tilespmem:s0+$0x20] =	vst v9;
	v9 =	vld [tilespmem:s0+$0xA0]  }
.LBB2_6:
0xfe: {  	p2 =	slt.u32 s4, $0x4C;
	v12 =	vand.u32 $0xFFFFFFFD, v12;
	v13 =	vmov s14;
	[tilespmem:s0+$0x30] =	vst v10;
	v4 =	vmul.f32 v4, v2;
	v10 =	vld [tilespmem:s0+$0xB0]  }
0xff: {  	v12 =	vbroadcast v12, $0x0;
	v13 =	vand.u32 $0xFFFFFFFE, v13;
	[tilespmem:s0+$0x40] =	vst v11;
	v2 =	vmul.f32 v3, v2;
	v3 =	vld [tilespmem:s0+$0xC0]  }
0x100: {  	v11 =	vbroadcast v13, $0x0;
	[tilespmem:s0+$0x50] =	vst v4;
	v4 =	vmul.f32 v8, v1;
	v8 =	vld [tilespmem:s0+$0xD0]  }
0x101: {  	[tilespmem:s0+$0x60] =	vst v2;
	v2 =	vmul.f32 v7, v1;
	v7 =	vld [tilespmem:s0+$0xE0]  }
0x102: {  	[tilespmem:s0+$0x80] =	vst v4;
	v4 =	vmul.f32 v9, v1;
	v9 =	vld [tilespmem:s0+$0xF0]  }
0x103: {  	v5 =	vld.idx.msk [tilespmem:v5+s7+$0x0], $0xffff;
	[tilespmem:s0+$0x90] =	vst v2;
	v2 =	vmul.f32 v10, v1  }
0x104: {  	v6 =	vld.idx.msk [tilespmem:v6+s7+$0x0], $0xffff;
	[tilespmem:s0+$0xA0] =	vst v4;
	v3 =	vmul.f32 v3, v1  }
0x105: {  	v4 =	vld.idx.msk [tilespmem:v12+s7+$0x0], $0xffff;
	[tilespmem:s0+$0xB0] =	vst v2;
	v8 =	vmul.f32 v8, v1  }
0x106: {  	s0 =	sadd.s32 $0x200, s0;
	v2 =	vld.idx.msk [tilespmem:v11+s7+$0x0], $0xffff;
	[tilespmem:s18+$0xC0] =	vst v3;
	v3 =	vmul.f32 v7, v1  }
0x107: {  	v7 =	vld [tilespmem:s0+$0x70];
	[tilespmem:s18+$0xD0] =	vst v8;
	v9 =	vmul.f32 v9, v1  }
0x108: {  	v8 =	vld [tilespmem:s0+$0xFFFFFF00];
	[tilespmem:s18+$0xE0] =	vst v3  }
0x109: {  	v1 =	vmov v5;
	v3 =	vld [tilespmem:s0+$0xFFFFFF10];
	[tilespmem:s18+$0xF0] =	vst v9;
	s18 =	smov.u32 s0  }
0x10a: {  	v5 =	vld [tilespmem:s0+$0xFFFFFF20]  }
0x10b: {  	v9 =	vld [tilespmem:s0+$0xFFFFFF30]  }
0x10c: {  	v10 =	vld [tilespmem:s0+$0xFFFFFF40];
	v7 =	vmul.f32 v7, v2  }
0x10d: {  	v8 =	vmul.f32 v8, v6;
	v11 =	vld [tilespmem:s0+$0xFFFFFF50]  }
0x10e: {  	v3 =	vmul.f32 v3, v6;
	v12 =	vld [tilespmem:s0+$0xFFFFFF60];
	[tilespmem:s0+$0x70] =	vst v7  }
0x10f: {  	[tilespmem:s0+$0xFFFFFF00] =	vst v8;
	v5 =	vmul.f32 v5, v6;
	v7 =	vld [tilespmem:s0+$0xFFFFFF70]  }
0x110: {  	[tilespmem:s0+$0xFFFFFF10] =	vst v3;
	v3 =	vmul.f32 v9, v6;
	v8 =	vld [tilespmem:s0+$0xFFFFFF80]  }
0x111: {  	[tilespmem:s0+$0xFFFFFF20] =	vst v5;
	v5 =	vmul.f32 v10, v6;
	v9 =	vld [tilespmem:s0+$0xFFFFFF90]  }
0x112: {  	[tilespmem:s0+$0xFFFFFF30] =	vst v3;
	v3 =	vmul.f32 v11, v6;
	v10 =	vld [tilespmem:s0+$0xFFFFFFA0]  }
0x113: {  	[tilespmem:s0+$0xFFFFFF40] =	vst v5;
	v5 =	vmul.f32 v12, v6;
	v11 =	vld [tilespmem:s0+$0xFFFFFFB0]  }
0x114: {  	[tilespmem:s0+$0xFFFFFF50] =	vst v3;
	v3 =	vmul.f32 v7, v6;
	v6 =	vld [tilespmem:s0+$0xFFFFFFC0]  }
0x115: {  	[tilespmem:s0+$0xFFFFFF60] =	vst v5;
	v5 =	vmul.f32 v8, v4;
	v7 =	vld [tilespmem:s0+$0xFFFFFFD0]  }
0x116: {  	[tilespmem:s0+$0xFFFFFF70] =	vst v3;
	v3 =	vmul.f32 v9, v4;
	v8 =	vld [tilespmem:s0+$0xFFFFFFE0]  }
0x117: {  	[tilespmem:s0+$0xFFFFFF80] =	vst v5;
	v5 =	vmul.f32 v10, v4;
	v9 =	vld [tilespmem:s0+$0xFFFFFFF0]  }
0x118: {  	[tilespmem:s0+$0xFFFFFF90] =	vst v3;
	v3 =	vmul.f32 v11, v4;
	v10 =	vld [tilespmem:s0+$0x0]  }
0x119: {  	[tilespmem:s0+$0xFFFFFFA0] =	vst v5;
	v5 =	vmul.f32 v6, v4;
	v6 =	vld [tilespmem:s0+$0x10]  }
0x11a: {  	[tilespmem:s0+$0xFFFFFFB0] =	vst v3;
	v3 =	vmul.f32 v7, v4;
	v7 =	vld [tilespmem:s0+$0x20]  }
0x11b: {  	[tilespmem:s0+$0xFFFFFFC0] =	vst v5;
	v5 =	vmul.f32 v8, v4;
	v11 =	vld [tilespmem:s0+$0x30]  }
0x11c: {  	[tilespmem:s0+$0xFFFFFFD0] =	vst v3;
	v3 =	vmul.f32 v9, v4;
	v9 =	vld [tilespmem:s0+$0x40]  }
.Ltmp1:
0x11d: {  	[tilespmem:s0+$0xFFFFFFE0] =	vst v5;
	v5 =	vmul.f32 v10, v2;
	v4 =	vld [tilespmem:s0+$0x50];
	(pc) =	sbr.rel @p2 .LBB2_6-.Ltmp1, $4  }
0x11e: {  	[tilespmem:s0+$0xFFFFFFF0] =	vst v3;
	v6 =	vmul.f32 v6, v2;
	v3 =	vld [tilespmem:s0+$0x60]  }
0x11f: {  	s14 =	sadd.s32 $0x3, s4;
	v10 =	vmov s4;
	[tilespmem:s0+$0x0] =	vst v5;
	v13 =	vmul.f32 v7, v2;
	v8 =	vld [tilespmem:s0+$0x80]  }
0x120: {  	s8 =	sadd.s32 $0x1, s4;
	v12 =	vand.u32 $0xFFFFFFFC, v10;
	v5 =	vmov s14;
	[tilespmem:s0+$0x10] =	vst v6;
	v10 =	vmul.f32 v11, v2;
	v7 =	vld [tilespmem:s0+$0x90]  }
0x121: {  	s14 =	sadd.s32 $0x2, s4;
	s4 =	sadd.s32 $0x4, s4;
	v6 =	vbroadcast v12, $0x0;
	v12 =	vmov s8;
	[tilespmem:s0+$0x20] =	vst v13;
	v11 =	vmul.f32 v9, v2;
	v9 =	vld [tilespmem:s0+$0xA0]  }
0x122: {  	v13 =	vld [tilespmem:s0+$0xB0]  }
0x123: {  	v15 =	vld [tilespmem:s0+$0xC0]  }
0x124: {  	v14 =	vmov s14;
	v16 =	vld [tilespmem:s0+$0xD0]  }
0x125: {  	v17 =	vld [tilespmem:s0+$0xE0];
	[tilespmem:s0+$0x30] =	vst v10;
	v4 =	vmul.f32 v4, v2;
	v14 =	vand.u32 $0xFFFFFFFE, v14  }
0x126: {  	v12 =	vand.u32 $0xFFFFFFFD, v12;
	v5 =	vld.idx.msk [tilespmem:v5+s7+$0x0], $0xffff;
	[tilespmem:s0+$0x40] =	vst v11;
	v2 =	vmul.f32 v3, v2;
	v14 =	vbroadcast v14, $0x0  }
0x127: {  	s4 =	sadd.s32 $0x200, s0;
	v12 =	vbroadcast v12, $0x0;
	v3 =	vld.idx.msk [tilespmem:v6+s7+$0x0], $0xffff;
	v8 =	vmul.f32 v8, v1;
	[tilespmem:s0+$0x50] =	vst v4  }
0x128: {  	v10 =	vld [tilespmem:s4+$0xFFFFFF00];
	v4 =	vmul.f32 v7, v1;
	[tilespmem:s0+$0x60] =	vst v2  }
0x129: {  	[tilespmem:s0+$0x80] =	vst v8;
	v8 =	vld [tilespmem:s0+$0xF0];
	v2 =	vmul.f32 v9, v1  }
0x12a: {  	v11 =	vld [tilespmem:s4+$0xFFFFFF10];
	[tilespmem:s0+$0x90] =	vst v4;
	v4 =	vmul.f32 v13, v1  }
0x12b: {  	v9 =	vld [tilespmem:s4+$0x70];
	[tilespmem:s0+$0xA0] =	vst v2;
	v2 =	vmul.f32 v15, v1  }
0x12c: {  	[tilespmem:s0+$0xB0] =	vst v4;
	v4 =	vmul.f32 v16, v1;
	v7 =	vld.idx.msk [tilespmem:v14+s7+$0x0], $0xffff  }
0x12d: {  	v6 =	vld.idx.msk [tilespmem:v12+s7+$0x0], $0xffff;
	[tilespmem:s18+$0xC0] =	vst v2;
	v2 =	vmul.f32 v17, v1  }
0x12e: {  	v12 =	vld [tilespmem:s4+$0xFFFFFF20];
	[tilespmem:s18+$0xD0] =	vst v4;
	v1 =	vmul.f32 v8, v1  }
0x12f: {  	v4 =	vld [tilespmem:s4+$0xFFFFFF30];
	[tilespmem:s18+$0xE0] =	vst v2  }
0x130: {  	v2 =	vld [tilespmem:s4+$0xFFFFFF40];
	[tilespmem:s18+$0xF0] =	vst v1;
	v1 =	vmul.f32 v10, v3  }
0x131: {  	v8 =	vmul.f32 v9, v7;
	v9 =	vld [tilespmem:s4+$0xFFFFFF50]  }
0x132: {  	v10 =	vmul.f32 v11, v3;
	v11 =	vld [tilespmem:s4+$0xFFFFFF60];
	[tilespmem:s4+$0xFFFFFF00] =	vst v1  }
0x133: {  	v1 =	vmul.f32 v12, v3;
	[tilespmem:s4+$0x70] =	vst v8;
	v8 =	vld [tilespmem:s4+$0xFFFFFF70]  }
0x134: {  	[tilespmem:s4+$0xFFFFFF10] =	vst v10;
	v10 =	vld [tilespmem:s4+$0xFFFFFF80];
	v4 =	vmul.f32 v4, v3  }
0x135: {  	[tilespmem:s4+$0xFFFFFF20] =	vst v1;
	v1 =	vmul.f32 v2, v3;
	v2 =	vld [tilespmem:s4+$0xFFFFFF90]  }
0x136: {  	[tilespmem:s4+$0xFFFFFF30] =	vst v4;
	v4 =	vmul.f32 v9, v3;
	v9 =	vld [tilespmem:s4+$0xFFFFFFA0]  }
0x137: {  	[tilespmem:s4+$0xFFFFFF40] =	vst v1;
	v1 =	vmul.f32 v11, v3;
	v11 =	vld [tilespmem:s4+$0xFFFFFFB0]  }
0x138: {  	[tilespmem:s4+$0xFFFFFF50] =	vst v4;
	v3 =	vmul.f32 v8, v3;
	v4 =	vld [tilespmem:s4+$0xFFFFFFC0]  }
0x139: {  	[tilespmem:s4+$0xFFFFFF60] =	vst v1;
	v1 =	vmul.f32 v10, v6;
	v8 =	vld [tilespmem:s4+$0xFFFFFFD0]  }
0x13a: {  	v2 =	vmul.f32 v2, v6;
	[tilespmem:s4+$0xFFFFFF70] =	vst v3;
	v3 =	vld [tilespmem:s4+$0xFFFFFFE0]  }
0x13b: {  	[tilespmem:s4+$0xFFFFFF80] =	vst v1;
	v1 =	vmul.f32 v9, v6;
	v9 =	vld [tilespmem:s4+$0xFFFFFFF0]  }
0x13c: {  	v10 =	vld [tilespmem:s4+$0x0];
	[tilespmem:s4+$0xFFFFFF90] =	vst v2;
	v2 =	vmul.f32 v11, v6  }
0x13d: {  	[tilespmem:s4+$0xFFFFFFA0] =	vst v1;
	v1 =	vmul.f32 v4, v6;
	v4 =	vld [tilespmem:s4+$0x10]  }
0x13e: {  	[tilespmem:s4+$0xFFFFFFB0] =	vst v2;
	v2 =	vmul.f32 v8, v6;
	v8 =	vld [tilespmem:s4+$0x20]  }
0x13f: {  	[tilespmem:s4+$0xFFFFFFC0] =	vst v1;
	v1 =	vmul.f32 v3, v6;
	v3 =	vld [tilespmem:s4+$0x30]  }
0x140: {  	[tilespmem:s4+$0xFFFFFFD0] =	vst v2;
	v2 =	vmul.f32 v9, v6;
	v6 =	vld [tilespmem:s4+$0x40]  }
0x141: {  	v9 =	vld [tilespmem:s4+$0x50];
	[tilespmem:s4+$0xFFFFFFE0] =	vst v1;
	v1 =	vmul.f32 v10, v7  }
0x142: {  	[tilespmem:s4+$0xFFFFFFF0] =	vst v2;
	v2 =	vmul.f32 v4, v7;
	v4 =	vld [tilespmem:s4+$0x60]  }
0x143: {  	[tilespmem:s4+$0x0] =	vst v1;
	v1 =	vmul.f32 v8, v7;
	v8 =	vld [tilespmem:s4+$0x80]  }
0x144: {  	[tilespmem:s4+$0x10] =	vst v2;
	v2 =	vmul.f32 v3, v7;
	v3 =	vld [tilespmem:s4+$0x90]  }
0x145: {  	[tilespmem:s4+$0x20] =	vst v1;
	v1 =	vmul.f32 v6, v7;
	v6 =	vld [tilespmem:s4+$0xA0]  }
0x146: {  	[tilespmem:s4+$0x30] =	vst v2;
	v2 =	vmul.f32 v9, v7;
	v9 =	vld [tilespmem:s4+$0xB0]  }
0x147: {  	[tilespmem:s4+$0x40] =	vst v1;
	v1 =	vmul.f32 v4, v7;
	v4 =	vld [tilespmem:s4+$0xC0]  }
0x148: {  	v7 =	vld [tilespmem:s4+$0xD0];
	[tilespmem:s4+$0x50] =	vst v2;
	v2 =	vmul.f32 v8, v5  }
0x149: {  	[tilespmem:s4+$0x60] =	vst v1;
	v1 =	vmul.f32 v3, v5;
	v3 =	vld [tilespmem:s4+$0xE0]  }
0x14a: {  	[tilespmem:s4+$0x80] =	vst v2;
	v2 =	vmul.f32 v6, v5;
	v6 =	vld [tilespmem:s4+$0xF0]  }
0x14b: {  	[tilespmem:s4+$0x90] =	vst v1;
	v1 =	vmul.f32 v9, v5  }
0x14c: {  	[tilespmem:s4+$0xA0] =	vst v2;
	v2 =	vmul.f32 v4, v5  }
0x14d: {  	[tilespmem:s4+$0xB0] =	vst v1;
	v1 =	vmul.f32 v7, v5  }
0x14e: {  	[tilespmem:s4+$0xC0] =	vst v2;
	v2 =	vmul.f32 v3, v5  }
0x14f: {  	[tilespmem:s4+$0xD0] =	vst v1;
	v1 =	vmul.f32 v6, v5  }
0x150: {  	[tilespmem:s4+$0xE0] =	vst v2  }
0x151: {  	[tilespmem:s4+$0xF0] =	vst v1  }
0x152: {  	[spmem:s1] =	stream.indirect.scatter.add.f32 [tilespmem:s2], [sflag:$0x3], $0x80, s10, s15, $0xb8;
	[tilespmem:$0x1E958] =	vst v63  }
0x153: {  	s0 =	simm.s32 @!p1 $0x6  }
0x154: {  	[spmem:s3] =	stream.indirect.scatter.add.f32 [tilespmem:s7], [sflag:$0x5], $0x1, s10, s15, $0xb8;
	[tilespmem:$0x1E958] =	vst v63  }
0x155: {  	_ =	swait.ge @!p1 [sflag:s0], $0x50  }
0x156: {  	[sflag:s0] =	ssyncset.done @!p1 $0x0  }
0x157: {  	[sflag:s0] =	ssyncadd.s32 @!p1 $0xFFFFFFB0  }
0x158: {  	v1 =	vld [tilespmem:s26+$0x18918]  }
0x159: {  	v2 =	vld [tilespmem:s26+$0x190E8];
	_ =	sdelay $0x6  }
0x15a: {  	v1 =	vld.idx.msk [tilespmem:v1+s11+$0x0], $0xffff  }
0x15b: {  	v2 =	vld.idx.msk [tilespmem:v2+s12+$0x0], $0xffff;
	_ =	sdelay $0x4  }
0x15c: {  	v1 =	vadd.f32 v2, v1;
	_ =	sdelay $0x1  }
0x15d: {  	v2 =	vmul.f32 $2.000000030e-01, v1  }
0x15e: {  	vm0 =	vgt.f32 v1, $0.0e+00  }
0x15f: {  	v1 =	vsel vm0, v1, v2  }
0x160: {  	v1 =	vmul.f32 $1.442695020e+00, v1;
	_ =	sdelay $0x1  }
0x161: {  	(erf) = vpow2.f32 v1;
	_ =	sdelay $0x8  }
0x162: {  	v1 =	vpop (erf)  }
0x163: {  	[tilespmem:$0x19908] =	vst v1  }
0x164: {  	v1 =	vld [tilespmem:s31+$0x18978]  }
0x165: {  	v2 =	vld [tilespmem:s31+$0x19148];
	_ =	sdelay $0x6  }
0x166: {  	v1 =	vld.idx.msk [tilespmem:v1+s11+$0x0], $0xffff  }
0x167: {  	v2 =	vld.idx.msk [tilespmem:v2+s12+$0x0], $0xffff;
	_ =	sdelay $0x4  }
0x168: {  	v1 =	vadd.f32 v2, v1;
	_ =	sdelay $0x1  }
0x169: {  	v2 =	vmul.f32 $2.000000030e-01, v1  }
0x16a: {  	vm12 =	vgt.f32 v1, $0.0e+00  }
0x16b: {  	v1 =	vsel vm12, v1, v2  }
0x16c: {  	v1 =	vmul.f32 $1.442695020e+00, v1;
	_ =	sdelay $0x1  }
0x16d: {  	(erf) = vpow2.f32 v1;
	_ =	sdelay $0x8  }
0x16e: {  	v1 =	vpop (erf)  }
0x16f: {  	[tilespmem:$0x19918] =	vst v1  }
0x170: {  	v1 =	vld [tilespmem:s31+$0x18988]  }
0x171: {  	v2 =	vld [tilespmem:s31+$0x19158];
	_ =	sdelay $0x6  }
0x172: {  	v1 =	vld.idx.msk [tilespmem:v1+s11+$0x0], $0xffff  }
0x173: {  	v2 =	vld.idx.msk [tilespmem:v2+s12+$0x0], $0xffff;
	_ =	sdelay $0x4  }
0x174: {  	v1 =	vadd.f32 v2, v1;
	_ =	sdelay $0x1  }
0x175: {  	v2 =	vmul.f32 $2.000000030e-01, v1  }
0x176: {  	vm13 =	vgt.f32 v1, $0.0e+00  }
0x177: {  	v1 =	vsel vm13, v1, v2  }
0x178: {  	v1 =	vmul.f32 $1.442695020e+00, v1;
	_ =	sdelay $0x1  }
0x179: {  	(erf) = vpow2.f32 v1;
	_ =	sdelay $0x8  }
0x17a: {  	v1 =	vpop (erf)  }
0x17b: {  	[tilespmem:$0x19928] =	vst v1  }
0x17c: {  	v1 =	vld [tilespmem:s31+$0x18998]  }
0x17d: {  	v2 =	vld [tilespmem:s31+$0x19168];
	_ =	sdelay $0x6  }
0x17e: {  	v1 =	vld.idx.msk [tilespmem:v1+s11+$0x0], $0xffff  }
0x17f: {  	v2 =	vld.idx.msk [tilespmem:v2+s12+$0x0], $0xffff;
	_ =	sdelay $0x4  }
0x180: {  	v1 =	vadd.f32 v2, v1;
	_ =	sdelay $0x1  }
0x181: {  	v2 =	vmul.f32 $2.000000030e-01, v1  }
0x182: {  	vm14 =	vgt.f32 v1, $0.0e+00  }
0x183: {  	v1 =	vsel vm14, v1, v2  }
0x184: {  	v1 =	vmul.f32 $1.442695020e+00, v1;
	_ =	sdelay $0x1  }
0x185: {  	(erf) = vpow2.f32 v1;
	_ =	sdelay $0x8  }
0x186: {  	v1 =	vpop (erf)  }
0x187: {  	[tilespmem:$0x19938] =	vst v1  }
0x188: {  	v1 =	vld [tilespmem:s31+$0x189A8]  }
0x189: {  	v2 =	vld [tilespmem:s31+$0x19178];
	_ =	sdelay $0x6  }
0x18a: {  	v1 =	vld.idx.msk [tilespmem:v1+s11+$0x0], $0xffff  }
0x18b: {  	v2 =	vld.idx.msk [tilespmem:v2+s12+$0x0], $0xffff;
	_ =	sdelay $0x4  }
0x18c: {  	v1 =	vadd.f32 v2, v1;
	_ =	sdelay $0x1  }
0x18d: {  	v2 =	vmul.f32 $2.000000030e-01, v1  }
0x18e: {  	vm15 =	vgt.f32 v1, $0.0e+00  }
0x18f: {  	v1 =	vsel vm15, v1, v2  }
0x190: {  	v1 =	vmul.f32 $1.442695020e+00, v1;
	_ =	sdelay $0x1  }
0x191: {  	(erf) = vpow2.f32 v1;
	_ =	sdelay $0x8  }
0x192: {  	s31 =	simm.s32 $0x0;
	v1 =	vpop (erf)  }
0x193: {  	s4 =	simm.s32 $0x2;
	[tilespmem:$0x19948] =	vst v1;
	v1 =	vmov s31  }
0x194: {  	v2 =	vmov s4;
	_ =	swait.ge [sflag:s19], $0x2800;
	v1 =	vand.u32 $0xFFFFFFFC, v1  }
0x195: {  	v2 =	vand.u32 $0xFFFFFFFE, v2;
	[sflag:s19] =	ssyncset.done $0x0;
	v1 =	vbroadcast v1, $0x0  }
0x196: {  	s8 =	smul.u32 $0x280, s30;
	v2 =	vbroadcast v2, $0x0;
	[sflag:s19] =	ssyncadd.s32 $0xFFFFD800  }
0x197: {  	_ =	swait.ge [sflag:s20], $0x2800  }
0x198: {  	s0 =	sshra.s32 s8, $0x2;
	[sflag:s20] =	ssyncset.done $0x0  }
0x199: {  	s0 =	sadd.s32 $0x189B8, s0;
	[sflag:s20] =	ssyncadd.s32 $0xFFFFD800  }
0x19a: {  	[tilespmem:s2], [sflag:$0x1] =	stream.indirect.gather [hbm4b:s5+s15], $0x80, s0, s15, $0xb8;
	[tilespmem:$0x1E958] =	vst v63  }
0x19b: {  	v1 =	vld.idx.msk [tilespmem:v1+s21+$0x0], $0xffff  }
0x19c: {  	s10 =	simm.s32 $0x1;
	s0 =	simm.s32 $0x1C258;
	v2 =	vld.idx.msk [tilespmem:v2+s21+$0x0], $0xffff  }
0x19d: {  	v3 =	vmov s10;
	v4 =	vld [tilespmem:s0+$0x70]  }
0x19e: {  	v3 =	vand.u32 $0xFFFFFFFD, v3;
	v5 =	vld [tilespmem:s0+$0xFFFFFF00]  }
0x19f: {  	v3 =	vbroadcast v3, $0x0;
	v6 =	vld [tilespmem:s0+$0xFFFFFF10]  }
0x1a0: {  	v7 =	vld [tilespmem:s0+$0xFFFFFF20]  }
0x1a1: {  	v8 =	vld [tilespmem:s0+$0xFFFFFF30]  }
0x1a2: {  	v9 =	vld [tilespmem:s0+$0xFFFFFF40]  }
0x1a3: {  	v10 =	vld [tilespmem:s0+$0xFFFFFF50]  }
0x1a4: {  	v11 =	vld [tilespmem:s0+$0xFFFFFF60];
	v5 =	vmul.f32 v5, v1  }
0x1a5: {  	v3 =	vld.idx.msk [tilespmem:v3+s21+$0x0], $0xffff;
	v4 =	vmul.f32 v4, v2  }
0x1a6: {  	v13 =	vld [tilespmem:s0+$0x40];
	[tilespmem:s0+$0xFFFFFF00] =	vst v5;
	v5 =	vmul.f32 v6, v1  }
0x1a7: {  	v6 =	vld [tilespmem:s0+$0xFFFFFF70];
	[tilespmem:s0+$0x70] =	vst v4;
	v4 =	vmul.f32 v7, v1  }
0x1a8: {  	v7 =	vld [tilespmem:s0+$0xFFFFFF80];
	[tilespmem:s0+$0xFFFFFF10] =	vst v5;
	v5 =	vmul.f32 v8, v1  }
0x1a9: {  	v8 =	vld [tilespmem:s0+$0xFFFFFF90];
	[tilespmem:s0+$0xFFFFFF20] =	vst v4;
	v4 =	vmul.f32 v9, v1  }
0x1aa: {  	v9 =	vld [tilespmem:s0+$0xFFFFFFA0];
	[tilespmem:s0+$0xFFFFFF30] =	vst v5;
	v5 =	vmul.f32 v10, v1  }
0x1ab: {  	v10 =	vld [tilespmem:s0+$0xFFFFFFB0];
	[tilespmem:s0+$0xFFFFFF40] =	vst v4;
	v4 =	vmul.f32 v11, v1  }
0x1ac: {  	v11 =	vld [tilespmem:s0+$0xFFFFFFC0];
	v6 =	vmul.f32 v6, v1;
	[tilespmem:s0+$0xFFFFFF50] =	vst v5  }
0x1ad: {  	v5 =	vmul.f32 v7, v3;
	v7 =	vld [tilespmem:s0+$0xFFFFFFD0];
	[tilespmem:s0+$0xFFFFFF60] =	vst v4  }
0x1ae: {  	s14 =	simm.s32 $0x3;
	v4 =	vld [tilespmem:s0+$0xFFFFFFE0];
	v8 =	vmul.f32 v8, v3;
	[tilespmem:s0+$0xFFFFFF70] =	vst v6  }
0x1af: {  	v12 =	vmov s14;
	v6 =	vld [tilespmem:s0+$0xFFFFFFF0];
	[tilespmem:s0+$0xFFFFFF80] =	vst v5;
	v5 =	vmul.f32 v9, v3  }
0x1b0: {  	v9 =	vld [tilespmem:s0+$0x0];
	[tilespmem:s0+$0xFFFFFF90] =	vst v8;
	v8 =	vmul.f32 v10, v3  }
0x1b1: {  	v10 =	vld [tilespmem:s0+$0x10];
	[tilespmem:s0+$0xFFFFFFA0] =	vst v5;
	v5 =	vmul.f32 v11, v3  }
0x1b2: {  	[tilespmem:s0+$0xFFFFFFB0] =	vst v8;
	v7 =	vmul.f32 v7, v3;
	v8 =	vld [tilespmem:s0+$0x20]  }
0x1b3: {  	v11 =	vld [tilespmem:s0+$0x30];
	v4 =	vmul.f32 v4, v3;
	[tilespmem:s0+$0xFFFFFFC0] =	vst v5  }
0x1b4: {  	v1 =	vld.idx.msk [tilespmem:v12+s21+$0x0], $0xffff;
	v3 =	vmul.f32 v6, v3;
	[tilespmem:s0+$0xFFFFFFD0] =	vst v7  }
0x1b5: {  	[tilespmem:s0+$0xFFFFFFE0] =	vst v4;
	v5 =	vmul.f32 v9, v2;
	v4 =	vld [tilespmem:s0+$0x50]  }
0x1b6: {  	s18 =	simm.s32 $0x4;
	[tilespmem:s0+$0xFFFFFFF0] =	vst v3;
	v6 =	vmul.f32 v10, v2;
	v3 =	vld [tilespmem:s0+$0x60]  }
0x1b7: {  	s31 =	simm.s32 $0x7;
	v7 =	vmov s18;
	[tilespmem:s0+$0x0] =	vst v5;
	v9 =	vmul.f32 v8, v2;
	v8 =	vld [tilespmem:s0+$0x80]  }
0x1b8: {  	s14 =	simm.s32 $0x6;
	s8 =	simm.s32 $0x5;
	v12 =	vand.u32 $0xFFFFFFFC, v7;
	v7 =	vld [tilespmem:s0+$0x90];
	v5 =	vmov s31;
	v10 =	vmul.f32 v11, v2;
	[tilespmem:s0+$0x10] =	vst v6  }
0x1b9: {  	s10 =	sadd.s32 $0x190E8, s26;
	s4 =	simm.s32 $0x8;
	s18 =	simm.s32 $0x1C258;
	v11 =	vmul.f32 v13, v2;
	v6 =	vbroadcast v12, $0x0;
	v12 =	vmov s8;
	[tilespmem:s0+$0x20] =	vst v9;
	v9 =	vld [tilespmem:s0+$0xA0]  }
.LBB2_8:
0x1ba: {  	p1 =	slt.u32 s4, $0x4C;
	v12 =	vand.u32 $0xFFFFFFFD, v12;
	v13 =	vmov s14;
	[tilespmem:s0+$0x30] =	vst v10;
	v4 =	vmul.f32 v4, v2;
	v10 =	vld [tilespmem:s0+$0xB0]  }
0x1bb: {  	v12 =	vbroadcast v12, $0x0;
	v13 =	vand.u32 $0xFFFFFFFE, v13;
	[tilespmem:s0+$0x40] =	vst v11;
	v2 =	vmul.f32 v3, v2;
	v3 =	vld [tilespmem:s0+$0xC0]  }
0x1bc: {  	v11 =	vbroadcast v13, $0x0;
	[tilespmem:s0+$0x50] =	vst v4;
	v4 =	vmul.f32 v8, v1;
	v8 =	vld [tilespmem:s0+$0xD0]  }
0x1bd: {  	[tilespmem:s0+$0x60] =	vst v2;
	v2 =	vmul.f32 v7, v1;
	v7 =	vld [tilespmem:s0+$0xE0]  }
0x1be: {  	[tilespmem:s0+$0x80] =	vst v4;
	v4 =	vmul.f32 v9, v1;
	v9 =	vld [tilespmem:s0+$0xF0]  }
0x1bf: {  	v5 =	vld.idx.msk [tilespmem:v5+s21+$0x0], $0xffff;
	[tilespmem:s0+$0x90] =	vst v2;
	v2 =	vmul.f32 v10, v1  }
0x1c0: {  	v6 =	vld.idx.msk [tilespmem:v6+s21+$0x0], $0xffff;
	[tilespmem:s0+$0xA0] =	vst v4;
	v3 =	vmul.f32 v3, v1  }
0x1c1: {  	v4 =	vld.idx.msk [tilespmem:v12+s21+$0x0], $0xffff;
	[tilespmem:s0+$0xB0] =	vst v2;
	v8 =	vmul.f32 v8, v1  }
0x1c2: {  	s0 =	sadd.s32 $0x200, s0;
	v2 =	vld.idx.msk [tilespmem:v11+s21+$0x0], $0xffff;
	[tilespmem:s18+$0xC0] =	vst v3;
	v3 =	vmul.f32 v7, v1  }
0x1c3: {  	v7 =	vld [tilespmem:s0+$0x70];
	[tilespmem:s18+$0xD0] =	vst v8;
	v9 =	vmul.f32 v9, v1  }
0x1c4: {  	v8 =	vld [tilespmem:s0+$0xFFFFFF00];
	[tilespmem:s18+$0xE0] =	vst v3  }
0x1c5: {  	v1 =	vmov v5;
	v3 =	vld [tilespmem:s0+$0xFFFFFF10];
	[tilespmem:s18+$0xF0] =	vst v9;
	s18 =	smov.u32 s0  }
0x1c6: {  	v5 =	vld [tilespmem:s0+$0xFFFFFF20]  }
0x1c7: {  	v9 =	vld [tilespmem:s0+$0xFFFFFF30]  }
0x1c8: {  	v10 =	vld [tilespmem:s0+$0xFFFFFF40];
	v7 =	vmul.f32 v7, v2  }
0x1c9: {  	v8 =	vmul.f32 v8, v6;
	v11 =	vld [tilespmem:s0+$0xFFFFFF50]  }
0x1ca: {  	v3 =	vmul.f32 v3, v6;
	v12 =	vld [tilespmem:s0+$0xFFFFFF60];
	[tilespmem:s0+$0x70] =	vst v7  }
0x1cb: {  	[tilespmem:s0+$0xFFFFFF00] =	vst v8;
	v5 =	vmul.f32 v5, v6;
	v7 =	vld [tilespmem:s0+$0xFFFFFF70]  }
0x1cc: {  	[tilespmem:s0+$0xFFFFFF10] =	vst v3;
	v3 =	vmul.f32 v9, v6;
	v8 =	vld [tilespmem:s0+$0xFFFFFF80]  }
0x1cd: {  	[tilespmem:s0+$0xFFFFFF20] =	vst v5;
	v5 =	vmul.f32 v10, v6;
	v9 =	vld [tilespmem:s0+$0xFFFFFF90]  }
0x1ce: {  	[tilespmem:s0+$0xFFFFFF30] =	vst v3;
	v3 =	vmul.f32 v11, v6;
	v10 =	vld [tilespmem:s0+$0xFFFFFFA0]  }
0x1cf: {  	[tilespmem:s0+$0xFFFFFF40] =	vst v5;
	v5 =	vmul.f32 v12, v6;
	v11 =	vld [tilespmem:s0+$0xFFFFFFB0]  }
0x1d0: {  	[tilespmem:s0+$0xFFFFFF50] =	vst v3;
	v3 =	vmul.f32 v7, v6;
	v6 =	vld [tilespmem:s0+$0xFFFFFFC0]  }
0x1d1: {  	[tilespmem:s0+$0xFFFFFF60] =	vst v5;
	v5 =	vmul.f32 v8, v4;
	v7 =	vld [tilespmem:s0+$0xFFFFFFD0]  }
0x1d2: {  	[tilespmem:s0+$0xFFFFFF70] =	vst v3;
	v3 =	vmul.f32 v9, v4;
	v8 =	vld [tilespmem:s0+$0xFFFFFFE0]  }
0x1d3: {  	[tilespmem:s0+$0xFFFFFF80] =	vst v5;
	v5 =	vmul.f32 v10, v4;
	v9 =	vld [tilespmem:s0+$0xFFFFFFF0]  }
0x1d4: {  	[tilespmem:s0+$0xFFFFFF90] =	vst v3;
	v3 =	vmul.f32 v11, v4;
	v10 =	vld [tilespmem:s0+$0x0]  }
0x1d5: {  	[tilespmem:s0+$0xFFFFFFA0] =	vst v5;
	v5 =	vmul.f32 v6, v4;
	v6 =	vld [tilespmem:s0+$0x10]  }
0x1d6: {  	[tilespmem:s0+$0xFFFFFFB0] =	vst v3;
	v3 =	vmul.f32 v7, v4;
	v7 =	vld [tilespmem:s0+$0x20]  }
0x1d7: {  	[tilespmem:s0+$0xFFFFFFC0] =	vst v5;
	v5 =	vmul.f32 v8, v4;
	v11 =	vld [tilespmem:s0+$0x30]  }
0x1d8: {  	[tilespmem:s0+$0xFFFFFFD0] =	vst v3;
	v3 =	vmul.f32 v9, v4;
	v9 =	vld [tilespmem:s0+$0x40]  }
.Ltmp2:
0x1d9: {  	[tilespmem:s0+$0xFFFFFFE0] =	vst v5;
	v5 =	vmul.f32 v10, v2;
	v4 =	vld [tilespmem:s0+$0x50];
	(pc) =	sbr.rel @p1 .LBB2_8-.Ltmp2, $4  }
0x1da: {  	[tilespmem:s0+$0xFFFFFFF0] =	vst v3;
	v6 =	vmul.f32 v6, v2;
	v3 =	vld [tilespmem:s0+$0x60]  }
0x1db: {  	s8 =	sadd.s32 $0x3, s4;
	v10 =	vmov s4;
	[tilespmem:s0+$0x0] =	vst v5;
	v13 =	vmul.f32 v7, v2;
	v8 =	vld [tilespmem:s0+$0x80]  }
0x1dc: {  	s14 =	sadd.s32 $0x1, s4;
	v12 =	vand.u32 $0xFFFFFFFC, v10;
	v5 =	vmov s8;
	[tilespmem:s0+$0x10] =	vst v6;
	v10 =	vmul.f32 v11, v2;
	v7 =	vld [tilespmem:s0+$0x90]  }
0x1dd: {  	v6 =	vbroadcast v12, $0x0;
	v12 =	vmov s14;
	s14 =	sadd.s32 $0x2, s4;
	s4 =	sadd.s32 $0x4, s4;
	[tilespmem:s0+$0x20] =	vst v13;
	v11 =	vmul.f32 v9, v2;
	v9 =	vld [tilespmem:s0+$0xA0]  }
0x1de: {  	v13 =	vld [tilespmem:s0+$0xB0]  }
0x1df: {  	v15 =	vld [tilespmem:s0+$0xC0]  }
0x1e0: {  	v16 =	vld [tilespmem:s0+$0xD0]  }
0x1e1: {  	v17 =	vld [tilespmem:s0+$0xE0]  }
0x1e2: {  	v29 =	vld [tilespmem:s0+$0xF0];
	[tilespmem:s0+$0x30] =	vst v10;
	v4 =	vmul.f32 v4, v2  }
0x1e3: {  	v5 =	vld.idx.msk [tilespmem:v5+s21+$0x0], $0xffff;
	[tilespmem:s0+$0x40] =	vst v11;
	v2 =	vmul.f32 v3, v2  }
0x1e4: {  	s4 =	sadd.s32 $0x200, s0;
	v3 =	vld.idx.msk [tilespmem:v6+s21+$0x0], $0xffff;
	v8 =	vmul.f32 v8, v1;
	[tilespmem:s0+$0x50] =	vst v4  }
0x1e5: {  	v14 =	vmov s14;
	v34 =	vld [tilespmem:s4+$0x70];
	v30 =	vmul.f32 v7, v1;
	[tilespmem:s0+$0x60] =	vst v2  }
0x1e6: {  	v14 =	vand.u32 $0xFFFFFFFE, v14;
	v35 =	vld [tilespmem:s4+$0xFFFFFF00];
	[tilespmem:s0+$0x80] =	vst v8;
	v2 =	vmul.f32 v9, v1  }
0x1e7: {  	v37 =	vld [tilespmem:s4+$0xFFFFFF10];
	v14 =	vbroadcast v14, $0x0;
	[tilespmem:s0+$0x90] =	vst v30;
	v33 =	vmul.f32 v13, v1  }
0x1e8: {  	v38 =	vld [tilespmem:s4+$0xFFFFFF20];
	[tilespmem:s0+$0xA0] =	vst v2;
	v2 =	vmul.f32 v15, v1  }
0x1e9: {  	v12 =	vand.u32 $0xFFFFFFFD, v12;
	v39 =	vld [tilespmem:s4+$0xFFFFFF30];
	v36 =	vmul.f32 v16, v1;
	[tilespmem:s0+$0xB0] =	vst v33  }
0x1ea: {  	v12 =	vbroadcast v12, $0x0;
	v41 =	vld [tilespmem:s4+$0xFFFFFF50];
	[tilespmem:s18+$0xC0] =	vst v2;
	v2 =	vmul.f32 v17, v1  }
0x1eb: {  	v43 =	vld [tilespmem:s4+$0xFFFFFF60];
	[tilespmem:s18+$0xD0] =	vst v36;
	v1 =	vmul.f32 v29, v1  }
0x1ec: {  	v42 =	vmul.f32 v37, v3;
	[tilespmem:s18+$0xE0] =	vst v2;
	v2 =	vld [tilespmem:s4+$0xFFFFFF40]  }
0x1ed: {  	v32 =	vld.idx.msk [tilespmem:v14+s21+$0x0], $0xffff;
	[tilespmem:s18+$0xF0] =	vst v1;
	v1 =	vmul.f32 v35, v3  }
0x1ee: {  	v44 =	vld [tilespmem:s4+$0xFFFFFF70];
	v4 =	vmul.f32 v39, v3;
	[tilespmem:s4+$0xFFFFFF10] =	vst v42  }
0x1ef: {  	v45 =	vld [tilespmem:s4+$0xFFFFFF80];
	[tilespmem:s4+$0xFFFFFF00] =	vst v1;
	v1 =	vmul.f32 v38, v3  }
0x1f0: {  	v46 =	vmul.f32 v41, v3;
	v31 =	vld.idx.msk [tilespmem:v12+s21+$0x0], $0xffff;
	[tilespmem:s4+$0xFFFFFF30] =	vst v4  }
0x1f1: {  	[tilespmem:s4+$0xFFFFFF20] =	vst v1;
	v1 =	vmul.f32 v2, v3;
	v2 =	vld [tilespmem:s4+$0xFFFFFF90]  }
0x1f2: {  	v47 =	vld [tilespmem:s4+$0xFFFFFFA0];
	[tilespmem:s4+$0xFFFFFF50] =	vst v46;
	v40 =	vmul.f32 v34, v32  }
0x1f3: {  	v48 =	vld [tilespmem:s4+$0xFFFFFFB0];
	[tilespmem:s4+$0xFFFFFF40] =	vst v1;
	v1 =	vmul.f32 v43, v3  }
0x1f4: {  	v49 =	vld [tilespmem:s4+$0xFFFFFFC0];
	[tilespmem:s4+$0x70] =	vst v40;
	v3 =	vmul.f32 v44, v3  }
0x1f5: {  	v50 =	vld [tilespmem:s4+$0xFFFFFFD0];
	[tilespmem:s4+$0xFFFFFF60] =	vst v1;
	v1 =	vmul.f32 v45, v31  }
0x1f6: {  	[tilespmem:s4+$0xFFFFFF70] =	vst v3;
	v3 =	vld [tilespmem:s4+$0xFFFFFFE0];
	v2 =	vmul.f32 v2, v31  }
0x1f7: {  	v51 =	vld [tilespmem:s4+$0xFFFFFFF0];
	[tilespmem:s4+$0xFFFFFF80] =	vst v1;
	v1 =	vmul.f32 v47, v31  }
0x1f8: {  	v52 =	vld [tilespmem:s4+$0x0];
	[tilespmem:s4+$0xFFFFFF90] =	vst v2;
	v2 =	vmul.f32 v48, v31  }
0x1f9: {  	v53 =	vld [tilespmem:s4+$0x10];
	[tilespmem:s4+$0xFFFFFFA0] =	vst v1;
	v1 =	vmul.f32 v49, v31  }
0x1fa: {  	v54 =	vld [tilespmem:s4+$0x20];
	[tilespmem:s4+$0xFFFFFFB0] =	vst v2;
	v2 =	vmul.f32 v50, v31  }
0x1fb: {  	[tilespmem:s4+$0xFFFFFFC0] =	vst v1;
	v1 =	vmul.f32 v3, v31;
	v3 =	vld [tilespmem:s4+$0x30]  }
0x1fc: {  	v55 =	vld [tilespmem:s4+$0x40];
	[tilespmem:s4+$0xFFFFFFD0] =	vst v2;
	v2 =	vmul.f32 v51, v31  }
0x1fd: {  	v56 =	vld [tilespmem:s4+$0x50];
	[tilespmem:s4+$0xFFFFFFE0] =	vst v1;
	v1 =	vmul.f32 v52, v32  }
0x1fe: {  	v57 =	vld [tilespmem:s4+$0x60];
	[tilespmem:s4+$0xFFFFFFF0] =	vst v2;
	v2 =	vmul.f32 v53, v32  }
0x1ff: {  	v58 =	vld [tilespmem:s4+$0x80];
	[tilespmem:s4+$0x0] =	vst v1;
	v1 =	vmul.f32 v54, v32  }
0x200: {  	[tilespmem:s4+$0x10] =	vst v2;
	v2 =	vmul.f32 v3, v32;
	v3 =	vld [tilespmem:s4+$0x90]  }
0x201: {  	v59 =	vld [tilespmem:s4+$0xA0];
	[tilespmem:s4+$0x20] =	vst v1;
	v1 =	vmul.f32 v55, v32  }
0x202: {  	v60 =	vld [tilespmem:s4+$0xB0];
	[tilespmem:s4+$0x30] =	vst v2;
	v2 =	vmul.f32 v56, v32  }
0x203: {  	v61 =	vld [tilespmem:s4+$0xC0];
	[tilespmem:s4+$0x40] =	vst v1;
	v1 =	vmul.f32 v57, v32  }
0x204: {  	v62 =	vld [tilespmem:s4+$0xD0];
	[tilespmem:s4+$0x50] =	vst v2;
	v2 =	vmul.f32 v58, v5  }
0x205: {  	[tilespmem:s4+$0x60] =	vst v1;
	v1 =	vmul.f32 v3, v5;
	v3 =	vld [tilespmem:s4+$0xE0]  }
0x206: {  	v63 =	vld [tilespmem:s4+$0xF0];
	[tilespmem:s4+$0x80] =	vst v2;
	v2 =	vmul.f32 v59, v5  }
0x207: {  	[tilespmem:s4+$0x90] =	vst v1;
	v1 =	vmul.f32 v60, v5  }
0x208: {  	[tilespmem:s4+$0xA0] =	vst v2;
	v2 =	vmul.f32 v61, v5  }
0x209: {  	[tilespmem:s4+$0xB0] =	vst v1;
	v1 =	vmul.f32 v62, v5  }
0x20a: {  	s30 =	sadd.s32 $0x1, s30;
	[tilespmem:s4+$0xC0] =	vst v2;
	v2 =	vmul.f32 v3, v5  }
0x20b: {  	p1 =	sne.s32 s30, $0xC;
	[tilespmem:s4+$0xD0] =	vst v1;
	v1 =	vmul.f32 v63, v5  }
.Ltmp3:
0x20c: {  	[tilespmem:s4+$0xE0] =	vst v2;
	(pc) =	sbr.rel @p1 .LBB2_5-.Ltmp3, $4  }
0x20d: {  	[tilespmem:s4+$0xF0] =	vst v1  }
0x20e: {  	[spmem:s1] =	stream.indirect.scatter.add.f32 [tilespmem:s17], [sflag:$0x4], $0x80, s10, s15, $0xb8;
	[tilespmem:$0x1E958] =	vst v63  }
0x20f: {  	_ = 	snop  }
0x210: {  	[spmem:s3] =	stream.indirect.scatter.add.f32 [tilespmem:s21], [sflag:$0x6], $0x1, s10, s15, $0xb8;
	[tilespmem:$0x1E958] =	vst v63  }
0x211: {  	_ =	swait.ge [sflag:s23], $0x50  }
0x212: {  	[sflag:s23] =	ssyncset.done $0x0  }
0x213: {  	[sflag:s23] =	ssyncadd.s32 $0xFFFFFFB0  }
0x214: {  	v1 =	vld [tilespmem:$0x19098]  }
0x215: {  	v2 =	vld [tilespmem:$0x19868];
	_ =	sdelay $0x6  }
0x216: {  	v1 =	vld.idx.msk [tilespmem:v1+s11+$0x0], $0xffff  }
0x217: {  	v2 =	vld.idx.msk [tilespmem:v2+s12+$0x0], $0xffff;
	_ =	sdelay $0x4  }
0x218: {  	v1 =	vadd.f32 v2, v1;
	_ =	sdelay $0x1  }
0x219: {  	v2 =	vmul.f32 $2.000000030e-01, v1  }
0x21a: {  	vm0 =	vgt.f32 v1, $0.0e+00  }
0x21b: {  	v1 =	vsel vm0, v1, v2  }
0x21c: {  	v1 =	vmul.f32 $1.442695020e+00, v1;
	_ =	sdelay $0x1  }
0x21d: {  	(erf) = vpow2.f32 v1;
	_ =	sdelay $0x2  }
0x21e: {  	v1 =	vld [tilespmem:$0x190A8]  }
0x21f: {  	v2 =	vld [tilespmem:$0x19878];
	_ =	sdelay $0x4  }
0x220: {  	v3 =	vpop (erf)  }
0x221: {  	[tilespmem:$0x198B8] =	vst v3  }
0x222: {  	v1 =	vld.idx.msk [tilespmem:v1+s11+$0x0], $0xffff  }
0x223: {  	v2 =	vld.idx.msk [tilespmem:v2+s12+$0x0], $0xffff;
	_ =	sdelay $0x4  }
0x224: {  	v1 =	vadd.f32 v2, v1;
	_ =	sdelay $0x1  }
0x225: {  	v2 =	vmul.f32 $2.000000030e-01, v1  }
0x226: {  	vm12 =	vgt.f32 v1, $0.0e+00  }
0x227: {  	v1 =	vsel vm12, v1, v2  }
0x228: {  	v1 =	vmul.f32 $1.442695020e+00, v1;
	_ =	sdelay $0x1  }
0x229: {  	(erf) = vpow2.f32 v1;
	_ =	sdelay $0x2  }
0x22a: {  	v1 =	vld [tilespmem:$0x190B8]  }
0x22b: {  	v2 =	vld [tilespmem:$0x19888];
	_ =	sdelay $0x4  }
0x22c: {  	v3 =	vpop (erf)  }
0x22d: {  	[tilespmem:$0x198C8] =	vst v3  }
0x22e: {  	v1 =	vld.idx.msk [tilespmem:v1+s11+$0x0], $0xffff  }
0x22f: {  	v2 =	vld.idx.msk [tilespmem:v2+s12+$0x0], $0xffff;
	_ =	sdelay $0x4  }
0x230: {  	v1 =	vadd.f32 v2, v1;
	_ =	sdelay $0x1  }
0x231: {  	v2 =	vmul.f32 $2.000000030e-01, v1  }
0x232: {  	vm13 =	vgt.f32 v1, $0.0e+00  }
0x233: {  	v1 =	vsel vm13, v1, v2  }
0x234: {  	v1 =	vmul.f32 $1.442695020e+00, v1;
	_ =	sdelay $0x1  }
0x235: {  	(erf) = vpow2.f32 v1;
	_ =	sdelay $0x2  }
0x236: {  	v1 =	vld [tilespmem:$0x190C8]  }
0x237: {  	v2 =	vld [tilespmem:$0x19898];
	_ =	sdelay $0x4  }
0x238: {  	v3 =	vpop (erf)  }
0x239: {  	[tilespmem:$0x198D8] =	vst v3  }
0x23a: {  	v1 =	vld.idx.msk [tilespmem:v1+s11+$0x0], $0xffff  }
0x23b: {  	v2 =	vld.idx.msk [tilespmem:v2+s12+$0x0], $0xffff;
	_ =	sdelay $0x4  }
0x23c: {  	v1 =	vadd.f32 v2, v1;
	_ =	sdelay $0x1  }
0x23d: {  	v2 =	vmul.f32 $2.000000030e-01, v1  }
0x23e: {  	vm14 =	vgt.f32 v1, $0.0e+00  }
0x23f: {  	v1 =	vsel vm14, v1, v2  }
0x240: {  	v1 =	vmul.f32 $1.442695020e+00, v1;
	_ =	sdelay $0x1  }
0x241: {  	(erf) = vpow2.f32 v1;
	_ =	sdelay $0x2  }
0x242: {  	v1 =	vld [tilespmem:$0x190D8]  }
0x243: {  	v2 =	vld [tilespmem:$0x198A8];
	_ =	sdelay $0x4  }
0x244: {  	v3 =	vpop (erf)  }
0x245: {  	[tilespmem:$0x198E8] =	vst v3  }
0x246: {  	v1 =	vld.idx.msk [tilespmem:v1+s11+$0x0], $0xffff  }
0x247: {  	v2 =	vld.idx.msk [tilespmem:v2+s12+$0x0], $0xffff;
	_ =	sdelay $0x4  }
0x248: {  	v1 =	vadd.f32 v2, v1;
	_ =	sdelay $0x1  }
0x249: {  	v2 =	vmul.f32 $2.000000030e-01, v1  }
0x24a: {  	vm15 =	vgt.f32 v1, $0.0e+00  }
0x24b: {  	v1 =	vsel vm15, v1, v2  }
0x24c: {  	v1 =	vmul.f32 $1.442695020e+00, v1;
	_ =	sdelay $0x1  }
0x24d: {  	(erf) = vpow2.f32 v1;
	_ =	sdelay $0x7  }
0x24e: {  	s0 =	simm.s32 $0x0  }
0x24f: {  	v2 =	vmov s0;
	v1 =	vpop (erf)  }
0x250: {  	[tilespmem:$0x198F8] =	vst v1;
	v1 =	vand.u32 $0xFFFFFFFC, v2  }
0x251: {  	_ =	swait.ge [sflag:s16], $0x2800;
	v1 =	vbroadcast v1, $0x0  }
0x252: {  	[sflag:s16] =	ssyncset.done $0x0  }
0x253: {  	s18 =	simm.s32 $0x2;
	[sflag:s16] =	ssyncadd.s32 $0xFFFFD800  }
0x254: {  	v2 =	vmov s18;
	_ =	swait.ge [sflag:s24], $0x2800  }
0x255: {  	v2 =	vand.u32 $0xFFFFFFFE, v2;
	[sflag:s24] =	ssyncset.done $0x0  }
0x256: {  	v2 =	vbroadcast v2, $0x0;
	[sflag:s24] =	ssyncadd.s32 $0xFFFFD800  }
0x257: {  	s0 =	simm.s32 $0x19A58;
	v1 =	vld.idx.msk [tilespmem:v1+s7+$0x0], $0xffff  }
0x258: {  	s4 =	simm.s32 $0x1;
	v4 =	vld [tilespmem:s0+$0x70]  }
0x259: {  	v3 =	vmov s4;
	v5 =	vld [tilespmem:s0+$0xFFFFFF00]  }
0x25a: {  	v3 =	vand.u32 $0xFFFFFFFD, v3;
	v6 =	vld [tilespmem:s0+$0xFFFFFF10]  }
0x25b: {  	v3 =	vbroadcast v3, $0x0;
	v7 =	vld [tilespmem:s0+$0xFFFFFF20]  }
0x25c: {  	v2 =	vld.idx.msk [tilespmem:v2+s7+$0x0], $0xffff  }
0x25d: {  	v8 =	vld [tilespmem:s0+$0xFFFFFF30]  }
0x25e: {  	v9 =	vld [tilespmem:s0+$0xFFFFFF40]  }
0x25f: {  	v10 =	vld [tilespmem:s0+$0xFFFFFF50]  }
0x260: {  	v11 =	vld [tilespmem:s0+$0xFFFFFF60];
	v5 =	vmul.f32 v5, v1  }
0x261: {  	v3 =	vld.idx.msk [tilespmem:v3+s7+$0x0], $0xffff;
	v4 =	vmul.f32 v4, v2  }
0x262: {  	v13 =	vld [tilespmem:s0+$0x40];
	[tilespmem:s0+$0xFFFFFF00] =	vst v5;
	v5 =	vmul.f32 v6, v1  }
0x263: {  	v6 =	vld [tilespmem:s0+$0xFFFFFF70];
	[tilespmem:s0+$0x70] =	vst v4;
	v4 =	vmul.f32 v7, v1  }
0x264: {  	v7 =	vld [tilespmem:s0+$0xFFFFFF80];
	[tilespmem:s0+$0xFFFFFF10] =	vst v5;
	v5 =	vmul.f32 v8, v1  }
0x265: {  	v8 =	vld [tilespmem:s0+$0xFFFFFF90];
	[tilespmem:s0+$0xFFFFFF20] =	vst v4;
	v4 =	vmul.f32 v9, v1  }
0x266: {  	v9 =	vld [tilespmem:s0+$0xFFFFFFA0];
	[tilespmem:s0+$0xFFFFFF30] =	vst v5;
	v5 =	vmul.f32 v10, v1  }
0x267: {  	v10 =	vld [tilespmem:s0+$0xFFFFFFB0];
	[tilespmem:s0+$0xFFFFFF40] =	vst v4;
	v4 =	vmul.f32 v11, v1  }
0x268: {  	v11 =	vld [tilespmem:s0+$0xFFFFFFC0];
	v6 =	vmul.f32 v6, v1;
	[tilespmem:s0+$0xFFFFFF50] =	vst v5  }
0x269: {  	v5 =	vmul.f32 v7, v3;
	v7 =	vld [tilespmem:s0+$0xFFFFFFD0];
	[tilespmem:s0+$0xFFFFFF60] =	vst v4  }
0x26a: {  	s26 =	simm.s32 $0x3;
	v4 =	vld [tilespmem:s0+$0xFFFFFFE0];
	v8 =	vmul.f32 v8, v3;
	[tilespmem:s0+$0xFFFFFF70] =	vst v6  }
0x26b: {  	v12 =	vmov s26;
	v6 =	vld [tilespmem:s0+$0xFFFFFFF0];
	[tilespmem:s0+$0xFFFFFF80] =	vst v5;
	v5 =	vmul.f32 v9, v3  }
0x26c: {  	v9 =	vld [tilespmem:s0+$0x0];
	[tilespmem:s0+$0xFFFFFF90] =	vst v8;
	v8 =	vmul.f32 v10, v3  }
0x26d: {  	v10 =	vld [tilespmem:s0+$0x10];
	[tilespmem:s0+$0xFFFFFFA0] =	vst v5;
	v5 =	vmul.f32 v11, v3  }
0x26e: {  	[tilespmem:s0+$0xFFFFFFB0] =	vst v8;
	v7 =	vmul.f32 v7, v3;
	v8 =	vld [tilespmem:s0+$0x20]  }
0x26f: {  	v11 =	vld [tilespmem:s0+$0x30];
	[tilespmem:s0+$0xFFFFFFC0] =	vst v5;
	v4 =	vmul.f32 v4, v3  }
0x270: {  	v1 =	vld.idx.msk [tilespmem:v12+s7+$0x0], $0xffff;
	v3 =	vmul.f32 v6, v3;
	[tilespmem:s0+$0xFFFFFFD0] =	vst v7  }
0x271: {  	v5 =	vmul.f32 v9, v2;
	[tilespmem:s0+$0xFFFFFFE0] =	vst v4;
	v4 =	vld [tilespmem:s0+$0x50]  }
0x272: {  	s30 =	simm.s32 $0x4;
	[tilespmem:s0+$0xFFFFFFF0] =	vst v3;
	v6 =	vmul.f32 v10, v2;
	v3 =	vld [tilespmem:s0+$0x60]  }
0x273: {  	s31 =	simm.s32 $0x7;
	v7 =	vmov s30;
	[tilespmem:s0+$0x0] =	vst v5;
	v9 =	vmul.f32 v8, v2;
	v8 =	vld [tilespmem:s0+$0x80]  }
0x274: {  	s8 =	simm.s32 $0x5;
	v12 =	vand.u32 $0xFFFFFFFC, v7;
	v7 =	vld [tilespmem:s0+$0x90];
	v5 =	vmov s31;
	v10 =	vmul.f32 v11, v2;
	[tilespmem:s0+$0x10] =	vst v6  }
0x275: {  	s14 =	simm.s32 $0x6;
	s10 =	simm.s32 $0x19A58;
	s4 =	simm.s32 $0x8;
	v11 =	vmul.f32 v13, v2;
	v6 =	vbroadcast v12, $0x0;
	v12 =	vmov s8;
	[tilespmem:s0+$0x20] =	vst v9;
	v9 =	vld [tilespmem:s0+$0xA0]  }
.LBB2_11:
0x276: {  	p1 =	slt.u32 s4, $0x4C;
	v12 =	vand.u32 $0xFFFFFFFD, v12;
	v13 =	vmov s14;
	[tilespmem:s0+$0x30] =	vst v10;
	v4 =	vmul.f32 v4, v2;
	v10 =	vld [tilespmem:s0+$0xB0]  }
0x277: {  	v12 =	vbroadcast v12, $0x0;
	v13 =	vand.u32 $0xFFFFFFFE, v13;
	[tilespmem:s0+$0x40] =	vst v11;
	v2 =	vmul.f32 v3, v2;
	v3 =	vld [tilespmem:s0+$0xC0]  }
0x278: {  	v11 =	vbroadcast v13, $0x0;
	[tilespmem:s0+$0x50] =	vst v4;
	v4 =	vmul.f32 v8, v1;
	v8 =	vld [tilespmem:s0+$0xD0]  }
0x279: {  	[tilespmem:s0+$0x60] =	vst v2;
	v2 =	vmul.f32 v7, v1;
	v7 =	vld [tilespmem:s0+$0xE0]  }
0x27a: {  	[tilespmem:s0+$0x80] =	vst v4;
	v4 =	vmul.f32 v9, v1;
	v9 =	vld [tilespmem:s0+$0xF0]  }
0x27b: {  	v5 =	vld.idx.msk [tilespmem:v5+s7+$0x0], $0xffff;
	[tilespmem:s0+$0x90] =	vst v2;
	v2 =	vmul.f32 v10, v1  }
0x27c: {  	v6 =	vld.idx.msk [tilespmem:v6+s7+$0x0], $0xffff;
	[tilespmem:s0+$0xA0] =	vst v4;
	v3 =	vmul.f32 v3, v1  }
0x27d: {  	v4 =	vld.idx.msk [tilespmem:v12+s7+$0x0], $0xffff;
	[tilespmem:s0+$0xB0] =	vst v2;
	v8 =	vmul.f32 v8, v1  }
0x27e: {  	s0 =	sadd.s32 $0x200, s0;
	v2 =	vld.idx.msk [tilespmem:v11+s7+$0x0], $0xffff;
	[tilespmem:s10+$0xC0] =	vst v3;
	v3 =	vmul.f32 v7, v1  }
0x27f: {  	v7 =	vld [tilespmem:s0+$0x70];
	[tilespmem:s10+$0xD0] =	vst v8;
	v9 =	vmul.f32 v9, v1  }
0x280: {  	v8 =	vld [tilespmem:s0+$0xFFFFFF00];
	[tilespmem:s10+$0xE0] =	vst v3  }
0x281: {  	v1 =	vmov v5;
	v3 =	vld [tilespmem:s0+$0xFFFFFF10];
	[tilespmem:s10+$0xF0] =	vst v9;
	s10 =	smov.u32 s0  }
0x282: {  	v5 =	vld [tilespmem:s0+$0xFFFFFF20]  }
0x283: {  	v9 =	vld [tilespmem:s0+$0xFFFFFF30]  }
0x284: {  	v10 =	vld [tilespmem:s0+$0xFFFFFF40];
	v7 =	vmul.f32 v7, v2  }
0x285: {  	v8 =	vmul.f32 v8, v6;
	v11 =	vld [tilespmem:s0+$0xFFFFFF50]  }
0x286: {  	v3 =	vmul.f32 v3, v6;
	v12 =	vld [tilespmem:s0+$0xFFFFFF60];
	[tilespmem:s0+$0x70] =	vst v7  }
0x287: {  	[tilespmem:s0+$0xFFFFFF00] =	vst v8;
	v5 =	vmul.f32 v5, v6;
	v7 =	vld [tilespmem:s0+$0xFFFFFF70]  }
0x288: {  	[tilespmem:s0+$0xFFFFFF10] =	vst v3;
	v3 =	vmul.f32 v9, v6;
	v8 =	vld [tilespmem:s0+$0xFFFFFF80]  }
0x289: {  	[tilespmem:s0+$0xFFFFFF20] =	vst v5;
	v5 =	vmul.f32 v10, v6;
	v9 =	vld [tilespmem:s0+$0xFFFFFF90]  }
0x28a: {  	[tilespmem:s0+$0xFFFFFF30] =	vst v3;
	v3 =	vmul.f32 v11, v6;
	v10 =	vld [tilespmem:s0+$0xFFFFFFA0]  }
0x28b: {  	[tilespmem:s0+$0xFFFFFF40] =	vst v5;
	v5 =	vmul.f32 v12, v6;
	v11 =	vld [tilespmem:s0+$0xFFFFFFB0]  }
0x28c: {  	[tilespmem:s0+$0xFFFFFF50] =	vst v3;
	v3 =	vmul.f32 v7, v6;
	v6 =	vld [tilespmem:s0+$0xFFFFFFC0]  }
0x28d: {  	[tilespmem:s0+$0xFFFFFF60] =	vst v5;
	v5 =	vmul.f32 v8, v4;
	v7 =	vld [tilespmem:s0+$0xFFFFFFD0]  }
0x28e: {  	[tilespmem:s0+$0xFFFFFF70] =	vst v3;
	v3 =	vmul.f32 v9, v4;
	v8 =	vld [tilespmem:s0+$0xFFFFFFE0]  }
0x28f: {  	[tilespmem:s0+$0xFFFFFF80] =	vst v5;
	v5 =	vmul.f32 v10, v4;
	v9 =	vld [tilespmem:s0+$0xFFFFFFF0]  }
0x290: {  	[tilespmem:s0+$0xFFFFFF90] =	vst v3;
	v3 =	vmul.f32 v11, v4;
	v10 =	vld [tilespmem:s0+$0x0]  }
0x291: {  	[tilespmem:s0+$0xFFFFFFA0] =	vst v5;
	v5 =	vmul.f32 v6, v4;
	v6 =	vld [tilespmem:s0+$0x10]  }
0x292: {  	[tilespmem:s0+$0xFFFFFFB0] =	vst v3;
	v3 =	vmul.f32 v7, v4;
	v7 =	vld [tilespmem:s0+$0x20]  }
0x293: {  	[tilespmem:s0+$0xFFFFFFC0] =	vst v5;
	v5 =	vmul.f32 v8, v4;
	v11 =	vld [tilespmem:s0+$0x30]  }
0x294: {  	[tilespmem:s0+$0xFFFFFFD0] =	vst v3;
	v3 =	vmul.f32 v9, v4;
	v9 =	vld [tilespmem:s0+$0x40]  }
.Ltmp4:
0x295: {  	[tilespmem:s0+$0xFFFFFFE0] =	vst v5;
	v5 =	vmul.f32 v10, v2;
	v4 =	vld [tilespmem:s0+$0x50];
	(pc) =	sbr.rel @p1 .LBB2_11-.Ltmp4, $4  }
0x296: {  	[tilespmem:s0+$0xFFFFFFF0] =	vst v3;
	v6 =	vmul.f32 v6, v2;
	v3 =	vld [tilespmem:s0+$0x60]  }
0x297: {  	s8 =	sadd.s32 $0x3, s4;
	v10 =	vmov s4;
	[tilespmem:s0+$0x0] =	vst v5;
	v13 =	vmul.f32 v7, v2;
	v8 =	vld [tilespmem:s0+$0x80]  }
0x298: {  	s14 =	sadd.s32 $0x1, s4;
	v12 =	vand.u32 $0xFFFFFFFC, v10;
	v5 =	vmov s8;
	[tilespmem:s0+$0x10] =	vst v6;
	v10 =	vmul.f32 v11, v2;
	v7 =	vld [tilespmem:s0+$0x90]  }
0x299: {  	v6 =	vbroadcast v12, $0x0;
	v12 =	vmov s14;
	s14 =	sadd.s32 $0x2, s4;
	s4 =	sadd.s32 $0x4, s4;
	[tilespmem:s0+$0x20] =	vst v13;
	v11 =	vmul.f32 v9, v2;
	v9 =	vld [tilespmem:s0+$0xA0]  }
0x29a: {  	v13 =	vld [tilespmem:s0+$0xB0]  }
0x29b: {  	v15 =	vld [tilespmem:s0+$0xC0]  }
0x29c: {  	v16 =	vld [tilespmem:s0+$0xD0]  }
0x29d: {  	v17 =	vld [tilespmem:s0+$0xE0]  }
0x29e: {  	v29 =	vld [tilespmem:s0+$0xF0];
	[tilespmem:s0+$0x30] =	vst v10;
	v4 =	vmul.f32 v4, v2  }
0x29f: {  	v5 =	vld.idx.msk [tilespmem:v5+s7+$0x0], $0xffff;
	[tilespmem:s0+$0x40] =	vst v11;
	v2 =	vmul.f32 v3, v2  }
0x2a0: {  	s4 =	sadd.s32 $0x200, s0;
	v3 =	vld.idx.msk [tilespmem:v6+s7+$0x0], $0xffff;
	v8 =	vmul.f32 v8, v1;
	[tilespmem:s0+$0x50] =	vst v4  }
0x2a1: {  	v14 =	vmov s14;
	v34 =	vld [tilespmem:s4+$0x70];
	v30 =	vmul.f32 v7, v1;
	[tilespmem:s0+$0x60] =	vst v2  }
0x2a2: {  	v14 =	vand.u32 $0xFFFFFFFE, v14;
	v35 =	vld [tilespmem:s4+$0xFFFFFF00];
	[tilespmem:s0+$0x80] =	vst v8;
	v2 =	vmul.f32 v9, v1  }
0x2a3: {  	v37 =	vld [tilespmem:s4+$0xFFFFFF10];
	v14 =	vbroadcast v14, $0x0;
	[tilespmem:s0+$0x90] =	vst v30;
	v33 =	vmul.f32 v13, v1  }
0x2a4: {  	v38 =	vld [tilespmem:s4+$0xFFFFFF20];
	[tilespmem:s0+$0xA0] =	vst v2;
	v2 =	vmul.f32 v15, v1  }
0x2a5: {  	v12 =	vand.u32 $0xFFFFFFFD, v12;
	v39 =	vld [tilespmem:s4+$0xFFFFFF30];
	v36 =	vmul.f32 v16, v1;
	[tilespmem:s0+$0xB0] =	vst v33  }
0x2a6: {  	v12 =	vbroadcast v12, $0x0;
	v41 =	vld [tilespmem:s4+$0xFFFFFF50];
	[tilespmem:s10+$0xC0] =	vst v2;
	v2 =	vmul.f32 v17, v1  }
0x2a7: {  	v43 =	vld [tilespmem:s4+$0xFFFFFF60];
	[tilespmem:s10+$0xD0] =	vst v36;
	v1 =	vmul.f32 v29, v1  }
0x2a8: {  	v42 =	vmul.f32 v37, v3;
	[tilespmem:s10+$0xE0] =	vst v2;
	v2 =	vld [tilespmem:s4+$0xFFFFFF40]  }
0x2a9: {  	v32 =	vld.idx.msk [tilespmem:v14+s7+$0x0], $0xffff;
	[tilespmem:s10+$0xF0] =	vst v1;
	v1 =	vmul.f32 v35, v3  }
0x2aa: {  	v44 =	vld [tilespmem:s4+$0xFFFFFF70];
	v4 =	vmul.f32 v39, v3;
	[tilespmem:s4+$0xFFFFFF10] =	vst v42  }
0x2ab: {  	v45 =	vld [tilespmem:s4+$0xFFFFFF80];
	[tilespmem:s4+$0xFFFFFF00] =	vst v1;
	v1 =	vmul.f32 v38, v3  }
0x2ac: {  	v46 =	vmul.f32 v41, v3;
	v31 =	vld.idx.msk [tilespmem:v12+s7+$0x0], $0xffff;
	[tilespmem:s4+$0xFFFFFF30] =	vst v4  }
0x2ad: {  	[tilespmem:s4+$0xFFFFFF20] =	vst v1;
	v1 =	vmul.f32 v2, v3;
	v2 =	vld [tilespmem:s4+$0xFFFFFF90]  }
0x2ae: {  	v47 =	vld [tilespmem:s4+$0xFFFFFFA0];
	[tilespmem:s4+$0xFFFFFF50] =	vst v46;
	v40 =	vmul.f32 v34, v32  }
0x2af: {  	v48 =	vld [tilespmem:s4+$0xFFFFFFB0];
	[tilespmem:s4+$0xFFFFFF40] =	vst v1;
	v1 =	vmul.f32 v43, v3  }
0x2b0: {  	v49 =	vld [tilespmem:s4+$0xFFFFFFC0];
	[tilespmem:s4+$0x70] =	vst v40;
	v3 =	vmul.f32 v44, v3  }
0x2b1: {  	v50 =	vld [tilespmem:s4+$0xFFFFFFD0];
	[tilespmem:s4+$0xFFFFFF60] =	vst v1;
	v1 =	vmul.f32 v45, v31  }
0x2b2: {  	[tilespmem:s4+$0xFFFFFF70] =	vst v3;
	v3 =	vld [tilespmem:s4+$0xFFFFFFE0];
	v2 =	vmul.f32 v2, v31  }
0x2b3: {  	v51 =	vld [tilespmem:s4+$0xFFFFFFF0];
	[tilespmem:s4+$0xFFFFFF80] =	vst v1;
	v1 =	vmul.f32 v47, v31  }
0x2b4: {  	v52 =	vld [tilespmem:s4+$0x0];
	[tilespmem:s4+$0xFFFFFF90] =	vst v2;
	v2 =	vmul.f32 v48, v31  }
0x2b5: {  	v53 =	vld [tilespmem:s4+$0x10];
	[tilespmem:s4+$0xFFFFFFA0] =	vst v1;
	v1 =	vmul.f32 v49, v31  }
0x2b6: {  	v54 =	vld [tilespmem:s4+$0x20];
	[tilespmem:s4+$0xFFFFFFB0] =	vst v2;
	v2 =	vmul.f32 v50, v31  }
0x2b7: {  	[tilespmem:s4+$0xFFFFFFC0] =	vst v1;
	v1 =	vmul.f32 v3, v31;
	v3 =	vld [tilespmem:s4+$0x30]  }
0x2b8: {  	v55 =	vld [tilespmem:s4+$0x40];
	[tilespmem:s4+$0xFFFFFFD0] =	vst v2;
	v2 =	vmul.f32 v51, v31  }
0x2b9: {  	v56 =	vld [tilespmem:s4+$0x50];
	[tilespmem:s4+$0xFFFFFFE0] =	vst v1;
	v1 =	vmul.f32 v52, v32  }
0x2ba: {  	v57 =	vld [tilespmem:s4+$0x60];
	[tilespmem:s4+$0xFFFFFFF0] =	vst v2;
	v2 =	vmul.f32 v53, v32  }
0x2bb: {  	v58 =	vld [tilespmem:s4+$0x80];
	[tilespmem:s4+$0x0] =	vst v1;
	v1 =	vmul.f32 v54, v32  }
0x2bc: {  	[tilespmem:s4+$0x10] =	vst v2;
	v2 =	vmul.f32 v3, v32;
	v3 =	vld [tilespmem:s4+$0x90]  }
0x2bd: {  	v59 =	vld [tilespmem:s4+$0xA0];
	[tilespmem:s4+$0x20] =	vst v1;
	v1 =	vmul.f32 v55, v32  }
0x2be: {  	v60 =	vld [tilespmem:s4+$0xB0];
	[tilespmem:s4+$0x30] =	vst v2;
	v2 =	vmul.f32 v56, v32  }
0x2bf: {  	v61 =	vld [tilespmem:s4+$0xC0];
	[tilespmem:s4+$0x40] =	vst v1;
	v1 =	vmul.f32 v57, v32  }
0x2c0: {  	v62 =	vld [tilespmem:s4+$0xD0];
	[tilespmem:s4+$0x50] =	vst v2;
	v2 =	vmul.f32 v58, v5  }
0x2c1: {  	[tilespmem:s4+$0x60] =	vst v1;
	v1 =	vmul.f32 v3, v5;
	v3 =	vld [tilespmem:s4+$0xE0]  }
0x2c2: {  	v63 =	vld [tilespmem:s4+$0xF0];
	[tilespmem:s4+$0x80] =	vst v2;
	v2 =	vmul.f32 v59, v5  }
0x2c3: {  	[tilespmem:s4+$0x90] =	vst v1;
	v1 =	vmul.f32 v60, v5  }
0x2c4: {  	[tilespmem:s4+$0xA0] =	vst v2;
	v2 =	vmul.f32 v61, v5  }
0x2c5: {  	[tilespmem:s4+$0xB0] =	vst v1;
	v1 =	vmul.f32 v62, v5  }
0x2c6: {  	[tilespmem:s4+$0xC0] =	vst v2;
	v2 =	vmul.f32 v3, v5  }
0x2c7: {  	[tilespmem:s4+$0xD0] =	vst v1;
	v1 =	vmul.f32 v63, v5  }
0x2c8: {  	[tilespmem:s4+$0xE0] =	vst v2  }
0x2c9: {  	[tilespmem:s4+$0xF0] =	vst v1  }
0x2ca: {  	[spmem:s1] =	stream.indirect.scatter.add.f32 [tilespmem:s2], [sflag:$0x7], $0x80, s25, s15, $0xb8;
	[tilespmem:$0x1E958] =	vst v63  }
0x2cb: {  	s29 =	sadd.s32 $0x1, s29;
	_ =	swait.ge [sflag:s6], $0x2800  }
0x2cc: {  	p1 =	sne.s32 s29, $0x5;
	[sflag:s6] =	ssyncset.done $0x0  }
.Ltmp5:
0x2cd: {  	[sflag:s6] =	ssyncadd.s32 $0xFFFFD800;
	(pc) =	sbr.rel @p1 .LBB2_4-.Ltmp5, $4  }
0x2ce: {  	[spmem:s3] =	stream.indirect.scatter.add.f32 [tilespmem:s7], [sflag:$0x7], $0x1, s25, s15, $0xb8;
	[tilespmem:$0x1E958] =	vst v63  }
0x2cf: {  	_ =	swait.ge [sflag:s6], $0x50  }
0x2d0: {  	[sflag:s6] =	ssyncset.done $0x0  }
0x2d1: {  	[sflag:s6] =	ssyncadd.s32 $0xFFFFFFB0  }
0x2d2: {  	s0 =	simm.s32 $0x6  }
0x2d3: {  	_ =	swait.ge [sflag:s0], $0x50  }
0x2d4: {  	[sflag:s0] =	ssyncset.done $0x0  }
0x2d5: {  	[sflag:s0] =	ssyncadd.s32 $0xFFFFFFB0  }
0x2d6: {  	s26 =	stileid.u32;
	[bflag:$0x0] =	sbarrier.arrive $0xFFFF  }
0x2d7: {  	s0 =	sshll.u32 s26, $0x6;
	s18 =	rddreg [dreg:$0x8]  }
0x2d8: {  	s0 =	sor.u32 $0x1C07, s0;
	s8 =	rddreg [dreg:$0x14];
	s4 =	sshrl.u32 s18, $0x3  }
0x2d9: {  	[hbm:s8], [sflag:s0] =	dma.local [spmem:s4], $0x2710  }
0x2da: {  	_ =	swait.ge [sflag:s6], $0x2710  }
0x2db: {  	[sflag:s6] =	ssyncset.done $0x0;
	s10 =	rddreg [dreg:$0x10]  }
0x2dc: {  	s30 =	rddreg [dreg:$0x12];
	[sflag:s6] =	ssyncadd.s32 $0xFFFFD8F0;
	s29 =	sshrl.u32 s10, $0x3  }
0x2dd: {  	[hbm:s30], [sflag:s0] =	dma.local [spmem:s29], $0x4E  }
0x2de: {  	_ =	swait.ge [sflag:s6], $0x4E  }
0x2df: {  	[sflag:s6] =	ssyncset.done $0x0;
	s26 =	rddreg [dreg:$0x1c]  }
0x2e0: {  	s8 =	rddreg [dreg:$0x15];
	[sflag:s6] =	ssyncadd.s32 $0xFFFFFFB2;
	s4 =	sshrl.u32 @!p0 s26, $0x3  }
0x2e1: {  	[hbm:s8], [sflag:s0] =	dma.local @!p0 [spmem:s4], $0x2  }
0x2e2: {  	s0 =	simm.s32 @!p0 $0x7  }
0x2e3: {  	_ =	swait.ge @!p0 [sflag:s0], $0x2  }
0x2e4: {  	s14 =	rddreg [dreg:$0x4]  }
0x2e5: {  	s31 =	rddreg [dreg:$0x16];
	s14 =	sadd.s32 $0x1, s14  }
0x2e6: {  	p1 =	sne.s32 s14, s31  }
.Ltmp6:
0x2e7: {  	_ = 	snop;
	(pc) =	sbr.rel @p1 .LBB2_1-.Ltmp6, $3  }
0x2e8: {  	_ =	sdelay $0x1  }
0x2e9: {  	[sflag:s0] =	ssyncset.done @!p0 $0x0  }
0x2ea: {  	[sflag:s0] =	ssyncadd.s32 @!p0 $0xFFFFFFFE  }
0x2eb: {  	_ =	sfence.sel $0x180000  }
0x2ec: {  	[bflag:$0x0] =	sbarrier.arrive $0xFFFF  }
0x2ed: {  	_ =	strace $0x9000004A  }
0x2ee: {  	s0 =	stileid.u32;
	[bflag:$0x2] =	sbarrier.arrive $0xFFFF  }
0x2ef: {  	p0 =	sne.s32 s0, $0x0;
	s0 =	rddreg [dreg:$0x3]  }
0x2f0: {  	s0 =	sadd.s32 @!p0 $0x100000, s0  }
0x2f1: {  	[sflag:s0] =	ssyncadd.tile.s32 @!p0 $0x1;
	_ =	shalt  }
.Lfunc_end2:
_tile_overlayer_lowered:
.L_overlay_start_2:
0x2f2: {  	(tag) =	ssettag $0x2  }
0x2f3: {  	s0 =	rddreg [dreg:$0x0];
	s2 =	stileid.u32  }
0x2f4: {  	s1 =	rddreg [dreg:$0x1];
	p0 =	sne.s32 s2, $0x0  }
0x2f5: {  	s3 =	rddreg [dreg:$0x2];
	[bflag:$0x3] =	sbarrier.arrive $0xFFFF;
	s2 =	simm.s32 @!p0 $0x1C07  }
0x2f6: {  	[timem:s3], [sflag:s2] =	dma.local @!p0 [hbm:s0], s1  }
0x2f7: {  	s0 =	simm.s32 @!p0 $0x7  }
0x2f8: {  	_ =	swait.ge @!p0 [sflag:s0], s1  }
0x2f9: {  	s1 =	ssub.s32 @!p0 $0x0, s1;
	[sflag:s0] =	ssyncset.done @!p0 $0x0  }
0x2fa: {  	[sflag:s0] =	ssyncadd.s32 @!p0 s1  }
0x2fb: {  	[bflag:$0x3] =	sbarrier.arrive $0xFFFF  }
0x2fc: {  	_ =	shalt  }

// kernel: kernel.7.cloned.1.call-start
scs
__scs_entry_jumppad:
0x0: {  	(pc) =	sbr.rel $0x88, $3  }
0x1: {  	(tag) =	ssettag $0x0;
	lr =	simm.s32 $0x1  }
0x2: {  	[smem:$0x3F94] =	sst lr;
	_ =	strace $0xD0000000  }
0x3: {  	_ = 	snop  }
0x4: {  	_ = 	snop  }
0x5: {  	_ = 	snop  }
0x6: {  	_ = 	snop  }
0x7: {  	_ = 	snop  }
__scs_overlays_trampoline_lowered:
0x8: {  	[smem:$0x3FA3] =	sst s0  }
0x9: {  	[smem:$0x3FA4] =	sst s1  }
0xa: {  	[smem:$0x3FA5] =	sst s2  }
0xb: {  	[smem:$0x3FA6] =	sst s3  }
0xc: {  	[smem:$0x3FA7] =	sst s4  }
0xd: {  	[smem:$0x3FA8] =	sst s5  }
0xe: {  	[smem:$0x3FA9] =	sst s6  }
0xf: {  	[smem:$0x3FAA] =	sst s7  }
0x10: {  	[smem:$0x3FAB] =	sst s8  }
0x11: {  	[smem:$0x3FAC] =	sst s9;
	s0 =	simm.s32 @!p0 $0x0  }
0x12: {  	s1 =	sld [smem:$0x3F92];
	s0 =	simm.s32 @p0 $0x1  }
0x13: {  	[smem:$0x3FAD] =	sst s0;
	s0 =	simm.s32 @!p1 $0x0  }
0x14: {  	s2 =	sld [smem:$0x3F91];
	s0 =	simm.s32 @p1 $0x1  }
0x15: {  	[smem:$0x3FAE] =	sst s0;
	s0 =	simm.s32 @!p2 $0x0  }
0x16: {  	s3 =	sld [smem:$0x3FDB];
	s0 =	simm.s32 @p2 $0x1  }
0x17: {  	s4 =	simm.s32 $0x1BF5;
	[smem:$0x3FB0] =	sst s0  }
0x18: {  	s0 =	sld [smem:$0x3F93];
	_ =	swait.ge [sflag:s4], $0x0  }
0x19: {  	s7 =	sld [smem:$0x3F94]  }
0x1a: {  	s8 =	sadd.s32 $0xFFFFE003, lr  }
0x1b: {  	s9 =	sadd.s32 $0xFFFFFEF7, lr;
	s5 =	simm.s32 $0xFFFFFFFF;
	p2 =	slt.u32 s8, $0xFFFFF086  }
0x1c: {  	p1 =	slt.u32 s9, $0xF7A;
	s5 =	simm.s32 @!p2 $0x0  }
0x1d: {  	s5 =	simm.s32 @p1 $0x1;
	p0 =	seq.s32 s7, s2  }
0x1e: {  	s7 =	smul.u32 @!p0 $0xF7A, s2;
	p2 =	seq.s32 @!p0 s5, $0x0  }
0x1f: {  	s9 =	smul.u32 $0xF7A, s1;
	s8 =	simm.s32 @!p0 $0x1BF5;
	p2 =	por !p2, p0  }
0x20: {  	[sflag:s8] =	ssyncset.s32 @!p0 $0xFFFFF086;
	s6 =	sadd.s32 @!p0 s3, s7;
	s7 =	simm.s32 @!p0 $0x108  }
0x21: {  	s3 =	sadd.s32 s3, s9;
	s6 =	sadd.s32 @!p0 $0x88, s6;
	s7 =	simm.s32 @p2 $0x1082  }
0x22: {  	[simem:s7], [sflag:s8] =	dma.local @!p0 [hbm:s6], $0xF7A  }
0x23: {  	s9 =	sor.u32 $0xD0000000, s2;
	s6 =	simm.s32 $0x108;
	_ =	swait.ge @!p0 [sflag:s8], $0x0  }
0x24: {  	s3 =	sadd.s32 $0x88, s3;
	s6 =	simm.s32 @!p1 $0x1082;
	[sflag:s4] =	ssyncset.s32 $0xFFFFF086  }
0x25: {  	[simem:s6], [sflag:s4] =	dma.local [hbm:s3], $0xF7A  }
0x26: {  	[smem:$0x3F94] =	sst s1;
	(tag) =	ssettag s2;
	_ =	strace s9  }
0x27: {  	s1 =	sld [smem:$0x3FA4]  }
0x28: {  	s2 =	sld [smem:$0x3FA5]  }
0x29: {  	s4 =	sld [smem:$0x3FA7]  }
0x2a: {  	p0 =	seq.s32 s5, $0x0;
	s5 =	sld [smem:$0x3FA8]  }
0x2b: {  	s6 =	sld [smem:$0x3FA9]  }
0x2c: {  	s7 =	sld [smem:$0x3FAA]  }
0x2d: {  	s3 =	simm.s32 $0x108;
	s8 =	sld [smem:$0x3FAB]  }
0x2e: {  	s3 =	simm.s32 @!p0 $0x1082;
	s9 =	sld [smem:$0x3FAC]  }
0x2f: {  	lr =	sadd.s32 s0, s3;
	s0 =	sld [smem:$0x3FA3]  }
0x30: {  	s3 =	sld [smem:$0x3FA6]  }
0x31: {  	[smem:$0x3FAF] =	sst s10  }
0x32: {  	s10 =	sld [smem:$0x3FAD];
	_ =	sdelay $0x3  }
0x33: {  	p0 =	seq.s32 s10, $0x1;
	s10 =	sld [smem:$0x3FAF];
	_ =	sdelay $0x3  }
0x34: {  	[smem:$0x3FAF] =	sst s10  }
0x35: {  	s10 =	sld [smem:$0x3FAE];
	_ =	sdelay $0x3  }
0x36: {  	p1 =	seq.s32 s10, $0x1;
	s10 =	sld [smem:$0x3FAF];
	_ =	sdelay $0x3  }
0x37: {  	[smem:$0x3FAF] =	sst s10  }
0x38: {  	s10 =	sld [smem:$0x3FB0]  }
0x39: {  	_ = 	snop;
	(pc) =	sbr.ind lr, $3  }
0x3a: {  	_ = 	snop  }
0x3b: {  	_ = 	snop  }
0x3c: {  	p2 =	seq.s32 s10, $0x1;
	s10 =	sld [smem:$0x3FAF]  }
0x3d: {  	_ =	shalt  }
0x3e: {  	_ =	shalt  }
0x3f: {  	_ =	shalt  }
0x40: {  	_ =	shalt  }
0x41: {  	_ =	shalt  }
0x42: {  	_ =	shalt  }
0x43: {  	_ =	shalt  }
0x44: {  	_ =	shalt  }
0x45: {  	_ =	shalt  }
0x46: {  	_ =	shalt  }
0x47: {  	_ =	shalt  }
0x48: {  	_ =	shalt  }
0x49: {  	_ =	shalt  }
0x4a: {  	_ =	shalt  }
0x4b: {  	_ =	shalt  }
0x4c: {  	_ =	shalt  }
0x4d: {  	_ =	shalt  }
0x4e: {  	_ =	shalt  }
0x4f: {  	_ =	shalt  }
0x50: {  	_ =	shalt  }
0x51: {  	_ =	shalt  }
0x52: {  	_ =	shalt  }
0x53: {  	_ =	shalt  }
0x54: {  	_ =	shalt  }
0x55: {  	_ =	shalt  }
0x56: {  	_ =	shalt  }
0x57: {  	_ =	shalt  }
0x58: {  	_ =	shalt  }
0x59: {  	_ =	shalt  }
0x5a: {  	_ =	shalt  }
0x5b: {  	_ =	shalt  }
0x5c: {  	_ =	shalt  }
0x5d: {  	_ =	shalt  }
0x5e: {  	_ =	shalt  }
0x5f: {  	_ =	shalt  }
0x60: {  	_ =	shalt  }
0x61: {  	_ =	shalt  }
0x62: {  	_ =	shalt  }
0x63: {  	_ =	shalt  }
0x64: {  	_ =	shalt  }
0x65: {  	_ =	shalt  }
0x66: {  	_ =	shalt  }
0x67: {  	_ =	shalt  }
0x68: {  	_ =	shalt  }
0x69: {  	_ =	shalt  }
0x6a: {  	_ =	shalt  }
0x6b: {  	_ =	shalt  }
0x6c: {  	_ =	shalt  }
0x6d: {  	_ =	shalt  }
0x6e: {  	_ =	shalt  }
0x6f: {  	_ =	shalt  }
0x70: {  	_ =	shalt  }
0x71: {  	_ =	shalt  }
0x72: {  	_ =	shalt  }
0x73: {  	_ =	shalt  }
0x74: {  	_ =	shalt  }
0x75: {  	_ =	shalt  }
0x76: {  	_ =	shalt  }
0x77: {  	_ =	shalt  }
0x78: {  	_ =	shalt  }
0x79: {  	_ =	shalt  }
0x7a: {  	_ =	shalt  }
0x7b: {  	_ =	shalt  }
0x7c: {  	_ =	shalt  }
0x7d: {  	_ =	shalt  }
0x7e: {  	_ =	shalt  }
0x7f: {  	_ =	shalt  }
0x80: {  	_ =	shalt  }
0x81: {  	_ =	shalt  }
0x82: {  	_ =	shalt  }
0x83: {  	_ =	shalt  }
0x84: {  	_ =	shalt  }
0x85: {  	_ =	shalt  }
0x86: {  	_ =	shalt  }
0x87: {  	_ =	shalt  }
.Lfunc_end0:
.L_simem_size_0:
called_computation_lowered:
.L_overlay_start_0:
0x88: {  	s2 =	sld [smem:$0x3FD9]  }
0x89: {  	s3 =	sld [smem:$0x3FFE];
	_ =	sdelay $0x1  }
0x8a: {  	s1 =	srdreg.scid  }
0x8b: {  	s0 =	sand.u32 $0x1, s1  }
0x8c: {  	s16 =	sshll.u32 s0, $0xA;
	s2 =	sadd.s32 s3, s2  }
0x8d: {  	s2 =	sadd.s32 s2, s16  }
0x8e: {  	[smem:$0x3FBB] =	sst s2  }
0x8f: {  	_ = 	snop  }
0x90: {  	(tm) =	ssettm $0x1  }
0x91: {  	s17 =	sld [smem:$0x3FFB];
	_ =	sdelay $0x3  }
0x92: {  	_ =	strace s17  }
0x93: {  	s2 =	sld [smem:$0x3FFC];
	_ =	sdelay $0x3  }
0x94: {  	_ =	strace s2  }
0x95: {  	s2 =	sld [smem:$0x3FFD];
	_ =	sdelay $0x3  }
0x96: {  	_ =	strace s2  }
0x97: {  	_ =	strace $0x8FFFFFFF  }
0x98: {  	s18 =	sld [smem:$0x3FDB];
	_ =	sdelay $0x1  }
0x99: {  	s19 =	simm.s32 $_scs_section_size  }
0x9a: {  	s4 =	simm.s32 $_size__tile_overlayer_lowered;
	s5 =	simm.s32 $_tile_overlayer_lowered  }
0x9b: {  	s22 =	simm.s32 $0x1BFF;
	s21 =	sshll.u32 s5, $0x1;
	s2 =	sadd.s32 s19, s18  }
0x9c: {  	s6 =	simm.s32 $0x0;
	s20 =	sshll.u32 s4, $0x1;
	s4 =	sadd.s32 s21, s2  }
0x9d: {  	[timem:s6], [sflag:s22] =	dma.local [hbm:s4], s20  }
0x9e: {  	_ =	swait.ge [sflag:s22], s20  }
0x9f: {  	s3 =	ssub.s32 $0x0, s20;
	[sflag:s22] =	ssyncset.done $0x0  }
0xa0: {  	[sflag:s22] =	ssyncadd.s32 s3;
	_ =	sdelay $0x1  }
0xa1: {  	s23 =	simm.s32 $0x1B8B  }
0xa2: {  	_ =	swait.ge [sflag:s23], $0x1  }
0xa3: {  	[sflag:s23] =	ssyncset.done $0x0  }
0xa4: {  	s25 =	simm.s32 $0x1B8E;
	s24 =	sld [smem:$0x3FFE];
	[sflag:s23] =	ssyncadd.s32 $0xFFFFFFFF  }
0xa5: {  	s26 =	simm.s32 $execute0_lowered;
	[smem:$0x3FD2] =	sst s25  }
0xa6: {  	s4 =	sshll.u32 s26, $0x1;
	_ =	strace $0x80000046;
	[dreg:$0x1] =	wrdreg $0xFFFFFFFF  }
0xa7: {  	s28 =	simm.s32 $_size_execute0_lowered;
	s2 =	sadd.s32 s2, s4;
	[dreg:$0x0] =	wrdreg $0x0  }
0xa8: {  	s4 =	sshll.u32 s28, $0x1;
	[dreg:$0x2] =	wrdreg s2  }
0xa9: {  	[dreg:$0x3] =	wrdreg s4  }
0xaa: {  	[dreg:$0x4] =	wrdreg $0xC0  }
0xab: {  	_ =	task [dreg:s6], $0x5FFFF  }
0xac: {  	[dreg:$0x1] =	wrdreg $0xFFFFFFFF  }
0xad: {  	[dreg:$0x0] =	wrdreg $0x60  }
0xae: {  	[dreg:$0x2] =	wrdreg s24  }
0xaf: {  	[dreg:$0x3] =	wrdreg $0x0  }
0xb0: {  	[dreg:$0x4] =	wrdreg $0x138800  }
0xb1: {  	[dreg:$0x5] =	wrdreg $0x9  }
0xb2: {  	_ =	task.clear_ibuf [dreg:s6], $0x6FFFF;
	_ =	strace $0x90000046  }
0xb3: {  	s29 =	simm.s32 $0x9;
	_ =	strace $0x80000048  }
0xb4: {  	_ =	swait.ge [sflag:s29], $0x1  }
0xb5: {  	[sflag:s29] =	ssyncadd.s32 $0xFFFFFFFF  }
0xb6: {  	_ =	strace $0x90000048  }
0xb7: {  	_ =	sfence  }
0xb8: {  	s30 =	sld [smem:$0x0];
	_ =	sdelay $0x2  }
0xb9: {  	s31 =	sshll.u32 s1, $0xD;
	s1 =	sshrl.u32 s1, $0x2  }
0xba: {  	s3 =	sand.u32 $0x4000, s31;
	s1 =	sadd.s32 s1, s30  }
0xbb: {  	s0 =	sor.u32 s3, s0;
	s1 =	sshll.u32 s1, $0x11  }
0xbc: {  	s0 =	sor.u32 s1, s0  }
0xbd: {  	s0 =	sadd.s32 $0x8F2B, s0  }
0xbe: {  	[sflag:s0] =	ssyncadd.remote.s32 $0x1  }
0xbf: {  	_ =	sfence.sel $0xFFFF  }
0xc0: {  	[dreg:$0x0] =	wrdreg $0xFFFFFFFF;
	(pc) =	sbr.abs _section_cstart, $3  }
0xc1: {  	[dreg:$0x1] =	wrdreg $0xFFFFFFFF  }
0xc2: {  	_ =	task.clear_ibuf [dreg:s6], $0x2FFFF;
	_ =	strace $0x9FFFFFFF  }
0xc3: {  	(tm) =	ssettm $0x7FFFFFFF  }
tec
execute0_lowered:
.L_overlay_start_1:
0x0: {  	(tag) =	ssettag $0x1  }
0x1: {  	s0 =	rddreg [dreg:$0x0]  }
0x2: {  	s1 =	rddreg [dreg:$0x1]  }
0x3: {  	s3 =	rddreg [dreg:$0x2];
	s14 =	simm.s32 $0x0  }
0x4: {  	s2 =	srdreg.scid;
	s8 =	stileid.u32;
	s28 =	simm.s32 $0x0  }
0x5: {  	[smem:$0x7FF] =	sst s14;
	s2 =	sand.u32 $0x1, s2;
	s4 =	smul.u32 $0x13880, s8  }
0x6: {  	s5 =	sadd.s32 $0x1E00, s0;
	s7 =	sadd.s32 $0x29600, s0;
	s29 =	sadd.s32 $0x29000, s0  }
0x7: {  	s30 =	sadd.s32 $0x33A00, s0;
	s9 =	sadd.s32 $0x29C00, s0;
	s10 =	smul.u32 $0x4E200, s8  }
0x8: {  	s12 =	sshll.u32 s8, $0x1;
	_ =	strace $0x80000047;
	[dreg:$0x5] =	wrdreg s7  }
0x9: {  	s6 =	smul.u32 $0x138800, s2;
	[dreg:$0x6] =	wrdreg s29;
	s31 =	ssub.s32 $0x2, s2  }
0xa: {  	p0 =	sne.s32 s8, $0xF;
	[dreg:$0x7] =	wrdreg s30;
	s11 =	sshrl.u32 s31, $0x1  }
0xb: {  	s10 =	sshrl.u32 s10, $0x2;
	s18 =	sadd.s32 s4, s1;
	s6 =	sadd.s32 s4, s6  }
0xc: {  	s7 =	ssub.s32 s31, s11;
	s11 =	sor.u32 s2, s12;
	s10 =	sadd.s32 s10, s1  }
0xd: {  	s12 =	smul.u32 $0x270, s8;
	[dreg:$0x8] =	wrdreg s18;
	s13 =	sadd.s32 $0x2800, s10  }
0xe: {  	s2 =	smul.u32 $0x2710, s2;
	s15 =	sadd.s32 $0x5000, s10;
	[dreg:$0x9] =	wrdreg s13  }
0xf: {  	s6 =	sshrl.u32 s6, $0x3;
	s16 =	sadd.s32 $0x7800, s10;
	[dreg:$0xa] =	wrdreg s15  }
0x10: {  	s17 =	sadd.s32 $0xA000, s10;
	s19 =	sadd.s32 $0xC800, s10;
	[dreg:$0xb] =	wrdreg s16  }
0x11: {  	s20 =	sadd.s32 $0xF000, s10;
	s10 =	sadd.s32 $0x11800, s10;
	[dreg:$0xc] =	wrdreg s17  }
0x12: {  	s24 =	smax.u32 s7, $0x1;
	s7 =	simm.s32 $0x198B8;
	[dreg:$0xd] =	wrdreg s19  }
0x13: {  	s6 =	sadd.s32 s6, s0;
	s0 =	sadd.s32 $0x8BA00, s0;
	[dreg:$0xe] =	wrdreg s20  }
0x14: {  	s21 =	sadd.s32 s12, s2;
	[dreg:$0xf] =	wrdreg s10;
	s10 =	sadd.s32 s12, s3  }
0x15: {  	s2 =	sshrl.u32 s2, $0x3;
	[dreg:$0x16] =	wrdreg s24;
	s13 =	simm.s32 $0x18918  }
0x16: {  	s15 =	simm.s32 $0x50;
	s16 =	simm.s32 $0x1;
	s17 =	simm.s32 $0x1C158  }
0x17: {  	s19 =	simm.s32 $0x2;
	s12 =	sadd.s32 $0x50, s10;
	[dreg:$0x10] =	wrdreg s10  }
0x18: {  	s20 =	simm.s32 $0x3;
	s22 =	sadd.s32 $0xA0, s10;
	[dreg:$0x11] =	wrdreg s12  }
0x19: {  	s24 =	simm.s32 $0x4;
	s23 =	sadd.s32 $0x3D800, s6;
	[dreg:$0x13] =	wrdreg s22  }
0x1a: {  	s4 =	sshrl.u32 s21, $0x3;
	s25 =	sadd.s32 $0xF0, s10;
	[dreg:$0x14] =	wrdreg s23  }
0x1b: {  	s26 =	sadd.s32 $0x140, s10;
	s29 =	sadd.s32 $0x190, s10;
	[dreg:$0x17] =	wrdreg s25  }
0x1c: {  	s30 =	sadd.s32 $0x1E0, s10;
	s31 =	sadd.s32 $0x230, s10;
	[dreg:$0x18] =	wrdreg s26  }
0x1d: {  	s6 =	simm.s32 $0x7;
	s21 =	simm.s32 $0x19908;
	[dreg:$0x19] =	wrdreg s29  }
0x1e: {  	s4 =	sadd.s32 s0, s4;
	s0 =	sadd.s32 s0, s2;
	[dreg:$0x1a] =	wrdreg s30  }
0x1f: {  	s22 =	smul.u32 $0x7D, s11;
	[dreg:$0x1b] =	wrdreg s31;
	s26 =	sadd.s32 $0x2700, s3  }
0x20: {  	s2 =	simm.s32 $0x19958;
	s11 =	simm.s32 $0x13AF8;
	[dreg:$0x12] =	wrdreg s4  }
0x21: {  	s12 =	simm.s32 $0x16208;
	s0 =	sadd.s32 $0x4E0, s0;
	[dreg:$0x1c] =	wrdreg s26  }
0x22: {  	v0 =	vimm.f32 $0.0e+00;
	s23 =	simm.s32 $0x5;
	s25 =	simm.s32 $0x19868;
	[dreg:$0x15] =	wrdreg s0  }
.LBB2_1:
0x23: {  	[dreg:$0x4] =	wrdreg s14;
	s0 =	simm.s32 $0x0;
	s4 =	simm.s32 $0x200  }
.LBB2_2:
0x24: {  	p1 =	sne.s32 s4, $0x9E00;
	[tilespmem:s0+$0x199C8] =	vst v0  }
0x25: {  	[tilespmem:s0+$0x19958] =	vst v0  }
0x26: {  	[tilespmem:s0+$0x19968] =	vst v0  }
.Ltmp0:
0x27: {  	[tilespmem:s0+$0x19978] =	vst v0;
	(pc) =	sbr.rel @p1 .LBB2_2-.Ltmp0, $4  }
0x28: {  	[tilespmem:s0+$0x19988] =	vst v0  }
0x29: {  	[tilespmem:s0+$0x19998] =	vst v0  }
0x2a: {  	[tilespmem:s0+$0x199A8] =	vst v0  }
0x2b: {  	[tilespmem:s0+$0x199B8] =	vst v0;
	s0 =	sshra.s32 s4, $0x2;
	s4 =	sadd.s32 $0x200, s4  }
0x2c: {  	[tilespmem:s0+$0x199C8] =	vst v0  }
0x2d: {  	[tilespmem:s0+$0x19958] =	vst v0  }
0x2e: {  	[tilespmem:s0+$0x19968] =	vst v0  }
0x2f: {  	[tilespmem:s0+$0x19978] =	vst v0  }
0x30: {  	[tilespmem:s0+$0x19988] =	vst v0  }
0x31: {  	[tilespmem:s0+$0x19998] =	vst v0  }
0x32: {  	[tilespmem:s0+$0x199A8] =	vst v0  }
0x33: {  	[tilespmem:s0+$0x199B8] =	vst v0  }
0x34: {  	[spmem:s18] =	stream.linear.scatter [tilespmem:s2], [sflag:$0x7], $0x2800, $0x38;
	[tilespmem:$0x1E958] =	vst v63  }
0x35: {  	_ =	swait.ge [sflag:s6], $0x2800  }
0x36: {  	[sflag:s6] =	ssyncset.done $0x0  }
0x37: {  	s18 =	rddreg [dreg:$0x9];
	[sflag:s6] =	ssyncadd.s32 $0xFFFFD800  }
0x38: {  	[spmem:s18] =	stream.linear.scatter [tilespmem:s2], [sflag:$0x7], $0x2800, $0x38;
	[tilespmem:$0x1E958] =	vst v63  }
0x39: {  	_ =	swait.ge [sflag:s6], $0x2800  }
0x3a: {  	[sflag:s6] =	ssyncset.done $0x0  }
0x3b: {  	s30 =	rddreg [dreg:$0xa];
	[sflag:s6] =	ssyncadd.s32 $0xFFFFD800  }
0x3c: {  	[spmem:s30] =	stream.linear.scatter [tilespmem:s2], [sflag:$0x7], $0x2800, $0x38;
	[tilespmem:$0x1E958] =	vst v63  }
0x3d: {  	_ =	swait.ge [sflag:s6], $0x2800  }
0x3e: {  	[sflag:s6] =	ssyncset.done $0x0  }
0x3f: {  	s31 =	rddreg [dreg:$0xb];
	[sflag:s6] =	ssyncadd.s32 $0xFFFFD800  }
0x40: {  	[spmem:s31] =	stream.linear.scatter [tilespmem:s2], [sflag:$0x7], $0x2800, $0x38;
	[tilespmem:$0x1E958] =	vst v63  }
0x41: {  	_ =	swait.ge [sflag:s6], $0x2800  }
0x42: {  	[sflag:s6] =	ssyncset.done $0x0  }
0x43: {  	s4 =	rddreg [dreg:$0xc];
	[sflag:s6] =	ssyncadd.s32 $0xFFFFD800  }
0x44: {  	[spmem:s4] =	stream.linear.scatter [tilespmem:s2], [sflag:$0x7], $0x2800, $0x38;
	[tilespmem:$0x1E958] =	vst v63  }
0x45: {  	_ =	swait.ge [sflag:s6], $0x2800  }
0x46: {  	[sflag:s6] =	ssyncset.done $0x0  }
0x47: {  	s8 =	rddreg [dreg:$0xd];
	[sflag:s6] =	ssyncadd.s32 $0xFFFFD800  }
0x48: {  	[spmem:s8] =	stream.linear.scatter [tilespmem:s2], [sflag:$0x7], $0x2800, $0x38;
	[tilespmem:$0x1E958] =	vst v63  }
0x49: {  	_ =	swait.ge [sflag:s6], $0x2800  }
0x4a: {  	[sflag:s6] =	ssyncset.done $0x0  }
0x4b: {  	s14 =	rddreg [dreg:$0xe];
	[sflag:s6] =	ssyncadd.s32 $0xFFFFD800  }
0x4c: {  	[spmem:s14] =	stream.linear.scatter [tilespmem:s2], [sflag:$0x7], $0x2800, $0x38;
	[tilespmem:$0x1E958] =	vst v63  }
0x4d: {  	_ =	swait.ge [sflag:s6], $0x2800  }
0x4e: {  	[sflag:s6] =	ssyncset.done $0x0  }
0x4f: {  	s18 =	rddreg [dreg:$0xf];
	[sflag:s6] =	ssyncadd.s32 $0xFFFFD800  }
0x50: {  	[spmem:s18] =	stream.linear.scatter [tilespmem:s2], [sflag:$0x7], $0x2080, $0x38;
	[tilespmem:$0x1E958] =	vst v63  }
0x51: {  	_ =	swait.ge [sflag:s6], $0x2080  }
0x52: {  	[sflag:s6] =	ssyncset.done $0x0  }
0x53: {  	[sflag:s6] =	ssyncadd.s32 $0xFFFFDF80  }
0x54: {  	[tilespmem:$0x198B8] =	vst v0  }
0x55: {  	[tilespmem:$0x198C8] =	vst v0  }
0x56: {  	[tilespmem:$0x198D8] =	vst v0  }
0x57: {  	[tilespmem:$0x198E8] =	vst v0  }
0x58: {  	[tilespmem:$0x198F8] =	vst v0  }
0x59: {  	[spmem:s10] =	stream.linear.scatter [tilespmem:s7], [sflag:$0x7], $0x50, $0x38;
	[tilespmem:$0x1E958] =	vst v63  }
0x5a: {  	_ =	swait.ge [sflag:s6], $0x50  }
0x5b: {  	[sflag:s6] =	ssyncset.done $0x0  }
0x5c: {  	s30 =	rddreg [dreg:$0x11];
	[sflag:s6] =	ssyncadd.s32 $0xFFFFFFB0  }
0x5d: {  	[spmem:s30] =	stream.linear.scatter [tilespmem:s7], [sflag:$0x7], $0x50, $0x38;
	[tilespmem:$0x1E958] =	vst v63  }
0x5e: {  	_ =	swait.ge [sflag:s6], $0x50  }
0x5f: {  	[sflag:s6] =	ssyncset.done $0x0  }
0x60: {  	s31 =	rddreg [dreg:$0x13];
	[sflag:s6] =	ssyncadd.s32 $0xFFFFFFB0  }
0x61: {  	[spmem:s31] =	stream.linear.scatter [tilespmem:s7], [sflag:$0x7], $0x50, $0x38;
	[tilespmem:$0x1E958] =	vst v63  }
0x62: {  	_ =	swait.ge [sflag:s6], $0x50  }
0x63: {  	[sflag:s6] =	ssyncset.done $0x0  }
0x64: {  	s4 =	rddreg [dreg:$0x17];
	[sflag:s6] =	ssyncadd.s32 $0xFFFFFFB0  }
0x65: {  	[spmem:s4] =	stream.linear.scatter [tilespmem:s7], [sflag:$0x7], $0x50, $0x38;
	[tilespmem:$0x1E958] =	vst v63  }
0x66: {  	_ =	swait.ge [sflag:s6], $0x50  }
0x67: {  	[sflag:s6] =	ssyncset.done $0x0  }
0x68: {  	s8 =	rddreg [dreg:$0x18];
	[sflag:s6] =	ssyncadd.s32 $0xFFFFFFB0  }
0x69: {  	[spmem:s8] =	stream.linear.scatter [tilespmem:s7], [sflag:$0x7], $0x50, $0x38;
	[tilespmem:$0x1E958] =	vst v63  }
0x6a: {  	_ =	swait.ge [sflag:s6], $0x50  }
0x6b: {  	[sflag:s6] =	ssyncset.done $0x0  }
0x6c: {  	s10 =	rddreg [dreg:$0x19];
	[sflag:s6] =	ssyncadd.s32 $0xFFFFFFB0  }
0x6d: {  	[spmem:s10] =	stream.linear.scatter [tilespmem:s7], [sflag:$0x7], $0x50, $0x38;
	[tilespmem:$0x1E958] =	vst v63  }
0x6e: {  	_ =	swait.ge [sflag:s6], $0x50  }
0x6f: {  	[sflag:s6] =	ssyncset.done $0x0  }
0x70: {  	s14 =	rddreg [dreg:$0x1a];
	[sflag:s6] =	ssyncadd.s32 $0xFFFFFFB0  }
0x71: {  	[spmem:s14] =	stream.linear.scatter [tilespmem:s7], [sflag:$0x7], $0x50, $0x38;
	[tilespmem:$0x1E958] =	vst v63  }
0x72: {  	_ =	swait.ge [sflag:s6], $0x50  }
0x73: {  	[sflag:s6] =	ssyncset.done $0x0  }
0x74: {  	s18 =	rddreg [dreg:$0x1b];
	[sflag:s6] =	ssyncadd.s32 $0xFFFFFFB0  }
0x75: {  	[spmem:s18] =	stream.linear.scatter [tilespmem:s7], [sflag:$0x7], $0x40, $0x38;
	[tilespmem:$0x1E958] =	vst v63  }
0x76: {  	_ =	swait.ge [sflag:s6], $0x40  }
0x77: {  	[sflag:s6] =	ssyncset.done $0x0  }
0x78: {  	s0 =	simm.s32 @!p0 $0x198B8;
	[sflag:s6] =	ssyncadd.s32 $0xFFFFFFC0  }
0x79: {  	[spmem:s26] =	stream.linear.scatter @!p0 [tilespmem:s0], [sflag:$0x7], $0x10, $0x38;
	[tilespmem:$0x1E958] =	vst v63  }
0x7a: {  	s0 =	simm.s32 @!p0 $0x7  }
0x7b: {  	_ =	swait.ge @!p0 [sflag:s0], $0x10  }
0x7c: {  	[sflag:s0] =	ssyncset.done @!p0 $0x0  }
0x7d: {  	[sflag:s0] =	ssyncadd.s32 @!p0 $0xFFFFFFF0  }
0x7e: {  	[bflag:$0x0] =	sbarrier.arrive $0xFFFF  }
0x7f: {  	s30 =	rddreg [dreg:$0x5]  }
0x80: {  	[tilespmem:s11], [sflag:$0x7] =	stream.linear.gather [hbm4b:s30+s28], $0x2710, $0x38;
	[tilespmem:$0x1E958] =	vst v63  }
0x81: {  	_ =	swait.ge [sflag:s6], $0x2710  }
0x82: {  	[sflag:s6] =	ssyncset.done $0x0  }
0x83: {  	s31 =	rddreg [dreg:$0x6];
	[sflag:s6] =	ssyncadd.s32 $0xFFFFD8F0  }
0x84: {  	[tilespmem:s12], [sflag:$0x7] =	stream.linear.gather [hbm4b:s31+s28], $0x2710, $0x38;
	[tilespmem:$0x1E958] =	vst v63  }
0x85: {  	_ =	swait.ge [sflag:s6], $0x2710  }
0x86: {  	[sflag:s6] =	ssyncset.done $0x0  }
0x87: {  	s29 =	simm.s32 $0x0;
	[sflag:s6] =	ssyncadd.s32 $0xFFFFD8F0  }
.LBB2_4:
0x88: {  	s0 =	smul.u32 $0x19, s29  }
0x89: {  	p1 =	seq.s32 s29, $0x0  }
0x8a: {  	s4 =	simm.s32 @!p1 $0x6;
	s0 =	sadd.s32 s22, s0  }
0x8b: {  	_ =	swait.ge @!p1 [sflag:s4], $0x50;
	s0 =	smul.u32 $0xA, s0  }
0x8c: {  	[sflag:s4] =	ssyncset.done @!p1 $0x0;
	s26 =	rddreg [dreg:$0x7]  }
0x8d: {  	[sflag:s4] =	ssyncadd.s32 @!p1 $0xFFFFFFB0;
	s4 =	sadd.s32 s26, s0  }
0x8e: {  	[tilespmem:s13], [sflag:$0x7] =	stream.linear.gather [hbm4b:s4+s28], $0x7D0, $0x38;
	[tilespmem:$0x1E958] =	vst v63  }
0x8f: {  	_ =	swait.ge [sflag:s6], $0x7D0  }
0x90: {  	[sflag:s6] =	ssyncset.done $0x0  }
0x91: {  	s31 =	simm.s32 $0x190E8;
	s0 =	sadd.s32 s9, s0;
	[sflag:s6] =	ssyncadd.s32 $0xFFFFF830  }
0x92: {  	[tilespmem:s31], [sflag:$0x7] =	stream.linear.gather [hbm4b:s0+s28], $0x7D0, $0x38;
	[tilespmem:$0x1E958] =	vst v63  }
0x93: {  	_ =	swait.ge [sflag:s6], $0x7D0  }
0x94: {  	[sflag:s6] =	ssyncset.done $0x0  }
0x95: {  	s30 =	simm.s32 $0x0;
	[sflag:s6] =	ssyncadd.s32 $0xFFFFF830  }
0x96: {  	[tilespmem:s2], [sflag:$0x1] =	stream.indirect.gather [hbm4b:s5+s15], $0x80, s13, s15, $0xb8;
	[tilespmem:$0x1E958] =	vst v63  }
.LBB2_5:
0x97: {  	p1 =	seq.s32 s30, $0x0  }
0x98: {  	s0 =	simm.s32 @!p1 $0x5  }
0x99: {  	_ =	swait.ge @!p1 [sflag:s0], $0x50  }
0x9a: {  	s31 =	smul.u32 $0xA0, s30;
	[sflag:s0] =	ssyncset.done @!p1 $0x0  }
0x9b: {  	[sflag:s0] =	ssyncadd.s32 @!p1 $0xFFFFFFB0  }
0x9c: {  	v1 =	vld [tilespmem:s31+$0x18918]  }
0x9d: {  	v2 =	vld [tilespmem:s31+$0x190E8];
	_ =	sdelay $0x6  }
0x9e: {  	v1 =	vld.idx.msk [tilespmem:v1+s11+$0x0], $0xffff  }
0x9f: {  	v2 =	vld.idx.msk [tilespmem:v2+s12+$0x0], $0xffff;
	_ =	sdelay $0x4  }
0xa0: {  	v1 =	vadd.f32 v2, v1;
	_ =	sdelay $0x1  }
0xa1: {  	v2 =	vmul.f32 $2.000000030e-01, v1  }
0xa2: {  	vm0 =	vgt.f32 v1, $0.0e+00  }
0xa3: {  	v1 =	vsel vm0, v1, v2  }
0xa4: {  	v1 =	vmul.f32 $1.442695020e+00, v1;
	_ =	sdelay $0x1  }
0xa5: {  	(erf) = vpow2.f32 v1;
	_ =	sdelay $0x8  }
0xa6: {  	v1 =	vpop (erf)  }
0xa7: {  	[tilespmem:$0x198B8] =	vst v1  }
0xa8: {  	v1 =	vld [tilespmem:s31+$0x18928]  }
0xa9: {  	v2 =	vld [tilespmem:s31+$0x190F8];
	_ =	sdelay $0x6  }
0xaa: {  	v1 =	vld.idx.msk [tilespmem:v1+s11+$0x0], $0xffff  }
0xab: {  	v2 =	vld.idx.msk [tilespmem:v2+s12+$0x0], $0xffff;
	_ =	sdelay $0x4  }
0xac: {  	v1 =	vadd.f32 v2, v1;
	_ =	sdelay $0x1  }
0xad: {  	v2 =	vmul.f32 $2.000000030e-01, v1  }
0xae: {  	vm12 =	vgt.f32 v1, $0.0e+00  }
0xaf: {  	v1 =	vsel vm12, v1, v2  }
0xb0: {  	v1 =	vmul.f32 $1.442695020e+00, v1;
	_ =	sdelay $0x1  }
0xb1: {  	(erf) = vpow2.f32 v1;
	_ =	sdelay $0x8  }
0xb2: {  	v1 =	vpop (erf)  }
0xb3: {  	[tilespmem:$0x198C8] =	vst v1  }
0xb4: {  	v1 =	vld [tilespmem:s31+$0x18938]  }
0xb5: {  	v2 =	vld [tilespmem:s31+$0x19108];
	_ =	sdelay $0x6  }
0xb6: {  	v1 =	vld.idx.msk [tilespmem:v1+s11+$0x0], $0xffff  }
0xb7: {  	v2 =	vld.idx.msk [tilespmem:v2+s12+$0x0], $0xffff;
	_ =	sdelay $0x4  }
0xb8: {  	v1 =	vadd.f32 v2, v1;
	_ =	sdelay $0x1  }
0xb9: {  	v2 =	vmul.f32 $2.000000030e-01, v1  }
0xba: {  	vm13 =	vgt.f32 v1, $0.0e+00  }
0xbb: {  	v1 =	vsel vm13, v1, v2  }
0xbc: {  	v1 =	vmul.f32 $1.442695020e+00, v1;
	_ =	sdelay $0x1  }
0xbd: {  	(erf) = vpow2.f32 v1;
	_ =	sdelay $0x8  }
0xbe: {  	v1 =	vpop (erf)  }
0xbf: {  	[tilespmem:$0x198D8] =	vst v1  }
0xc0: {  	v1 =	vld [tilespmem:s31+$0x18948]  }
0xc1: {  	v2 =	vld [tilespmem:s31+$0x19118];
	_ =	sdelay $0x6  }
0xc2: {  	v1 =	vld.idx.msk [tilespmem:v1+s11+$0x0], $0xffff  }
0xc3: {  	v2 =	vld.idx.msk [tilespmem:v2+s12+$0x0], $0xffff;
	_ =	sdelay $0x4  }
0xc4: {  	v1 =	vadd.f32 v2, v1;
	_ =	sdelay $0x1  }
0xc5: {  	v2 =	vmul.f32 $2.000000030e-01, v1  }
0xc6: {  	vm14 =	vgt.f32 v1, $0.0e+00  }
0xc7: {  	v1 =	vsel vm14, v1, v2  }
0xc8: {  	v1 =	vmul.f32 $1.442695020e+00, v1;
	_ =	sdelay $0x1  }
0xc9: {  	(erf) = vpow2.f32 v1;
	_ =	sdelay $0x8  }
0xca: {  	v1 =	vpop (erf)  }
0xcb: {  	[tilespmem:$0x198E8] =	vst v1  }
0xcc: {  	v1 =	vld [tilespmem:s31+$0x18958]  }
0xcd: {  	v2 =	vld [tilespmem:s31+$0x19128];
	_ =	sdelay $0x6  }
0xce: {  	v1 =	vld.idx.msk [tilespmem:v1+s11+$0x0], $0xffff  }
0xcf: {  	v2 =	vld.idx.msk [tilespmem:v2+s12+$0x0], $0xffff;
	_ =	sdelay $0x4  }
0xd0: {  	v1 =	vadd.f32 v2, v1;
	_ =	sdelay $0x1  }
0xd1: {  	v2 =	vmul.f32 $2.000000030e-01, v1  }
0xd2: {  	vm15 =	vgt.f32 v1, $0.0e+00  }
0xd3: {  	v1 =	vsel vm15, v1, v2  }
0xd4: {  	v1 =	vmul.f32 $1.442695020e+00, v1;
	_ =	sdelay $0x1  }
0xd5: {  	(erf) = vpow2.f32 v1;
	_ =	sdelay $0x8  }
0xd6: {  	s26 =	simm.s32 $0x0;
	v1 =	vpop (erf)  }
0xd7: {  	s4 =	simm.s32 $0x2;
	[tilespmem:$0x198F8] =	vst v1;
	v1 =	vmov s26  }
0xd8: {  	v2 =	vmov s4;
	_ =	swait.ge [sflag:s16], $0x2800;
	v1 =	vand.u32 $0xFFFFFFFC, v1  }
0xd9: {  	v2 =	vand.u32 $0xFFFFFFFE, v2;
	[sflag:s16] =	ssyncset.done $0x0;
	v1 =	vbroadcast v1, $0x0  }
0xda: {  	s0 =	simm.s32 @!p1 $0x4;
	v2 =	vbroadcast v2, $0x0;
	[sflag:s16] =	ssyncadd.s32 $0xFFFFD800  }
0xdb: {  	_ =	swait.ge @!p1 [sflag:s0], $0x2800  }
0xdc: {  	[sflag:s0] =	ssyncset.done @!p1 $0x0  }
0xdd: {  	s8 =	sadd.s32 $0x18968, s31;
	[sflag:s0] =	ssyncadd.s32 @!p1 $0xFFFFD800  }
0xde: {  	[tilespmem:s17], [sflag:$0x2] =	stream.indirect.gather [hbm4b:s5+s15], $0x80, s8, s15, $0xb8;
	[tilespmem:$0x1E958] =	vst v63  }
0xdf: {  	v1 =	vld.idx.msk [tilespmem:v1+s7+$0x0], $0xffff  }
0xe0: {  	s4 =	simm.s32 $0x1;
	s0 =	simm.s32 $0x19A58;
	v2 =	vld.idx.msk [tilespmem:v2+s7+$0x0], $0xffff  }
0xe1: {  	v3 =	vmov s4;
	v4 =	vld [tilespmem:s0+$0x70]  }
0xe2: {  	v3 =	vand.u32 $0xFFFFFFFD, v3;
	v5 =	vld [tilespmem:s0+$0xFFFFFF00]  }
0xe3: {  	v3 =	vbroadcast v3, $0x0;
	v6 =	vld [tilespmem:s0+$0xFFFFFF10]  }
0xe4: {  	v7 =	vld [tilespmem:s0+$0xFFFFFF20]  }
0xe5: {  	v8 =	vld [tilespmem:s0+$0xFFFFFF30]  }
0xe6: {  	v9 =	vld [tilespmem:s0+$0xFFFFFF40]  }
0xe7: {  	v10 =	vld [tilespmem:s0+$0xFFFFFF50]  }
0xe8: {  	v11 =	vld [tilespmem:s0+$0xFFFFFF60];
	v5 =	vmul.f32 v5, v1  }
0xe9: {  	v3 =	vld.idx.msk [tilespmem:v3+s7+$0x0], $0xffff;
	v4 =	vmul.f32 v4, v2  }
0xea: {  	v13 =	vld [tilespmem:s0+$0x40];
	[tilespmem:s0+$0xFFFFFF00] =	vst v5;
	v5 =	vmul.f32 v6, v1  }
0xeb: {  	v6 =	vld [tilespmem:s0+$0xFFFFFF70];
	[tilespmem:s0+$0x70] =	vst v4;
	v4 =	vmul.f32 v7, v1  }
0xec: {  	v7 =	vld [tilespmem:s0+$0xFFFFFF80];
	[tilespmem:s0+$0xFFFFFF10] =	vst v5;
	v5 =	vmul.f32 v8, v1  }
0xed: {  	v8 =	vld [tilespmem:s0+$0xFFFFFF90];
	[tilespmem:s0+$0xFFFFFF20] =	vst v4;
	v4 =	vmul.f32 v9, v1  }
0xee: {  	v9 =	vld [tilespmem:s0+$0xFFFFFFA0];
	[tilespmem:s0+$0xFFFFFF30] =	vst v5;
	v5 =	vmul.f32 v10, v1  }
0xef: {  	v10 =	vld [tilespmem:s0+$0xFFFFFFB0];
	[tilespmem:s0+$0xFFFFFF40] =	vst v4;
	v4 =	vmul.f32 v11, v1  }
0xf0: {  	v11 =	vld [tilespmem:s0+$0xFFFFFFC0];
	v6 =	vmul.f32 v6, v1;
	[tilespmem:s0+$0xFFFFFF50] =	vst v5  }
0xf1: {  	v5 =	vmul.f32 v7, v3;
	v7 =	vld [tilespmem:s0+$0xFFFFFFD0];
	[tilespmem:s0+$0xFFFFFF60] =	vst v4  }
0xf2: {  	s10 =	simm.s32 $0x3;
	v4 =	vld [tilespmem:s0+$0xFFFFFFE0];
	v8 =	vmul.f32 v8, v3;
	[tilespmem:s0+$0xFFFFFF70] =	vst v6  }
0xf3: {  	v12 =	vmov s10;
	v6 =	vld [tilespmem:s0+$0xFFFFFFF0];
	[tilespmem:s0+$0xFFFFFF80] =	vst v5;
	v5 =	vmul.f32 v9, v3  }
0xf4: {  	v9 =	vld [tilespmem:s0+$0x0];
	[tilespmem:s0+$0xFFFFFF90] =	vst v8;
	v8 =	vmul.f32 v10, v3  }
0xf5: {  	v10 =	vld [tilespmem:s0+$0x10];
	[tilespmem:s0+$0xFFFFFFA0] =	vst v5;
	v5 =	vmul.f32 v11, v3  }
0xf6: {  	[tilespmem:s0+$0xFFFFFFB0] =	vst v8;
	v7 =	vmul.f32 v7, v3;
	v8 =	vld [tilespmem:s0+$0x20]  }
0xf7: {  	v11 =	vld [tilespmem:s0+$0x30];
	v4 =	vmul.f32 v4, v3;
	[tilespmem:s0+$0xFFFFFFC0] =	vst v5  }
0xf8: {  	v1 =	vld.idx.msk [tilespmem:v12+s7+$0x0], $0xffff;
	v3 =	vmul.f32 v6, v3;
	[tilespmem:s0+$0xFFFFFFD0] =	vst v7  }
0xf9: {  	[tilespmem:s0+$0xFFFFFFE0] =	vst v4;
	v5 =	vmul.f32 v9, v2;
	v4 =	vld [tilespmem:s0+$0x50]  }
0xfa: {  	s14 =	simm.s32 $0x4;
	[tilespmem:s0+$0xFFFFFFF0] =	vst v3;
	v6 =	vmul.f32 v10, v2;
	v3 =	vld [tilespmem:s0+$0x60]  }
0xfb: {  	s18 =	simm.s32 $0x7;
	v7 =	vmov s14;
	[tilespmem:s0+$0x0] =	vst v5;
	v9 =	vmul.f32 v8, v2;
	v8 =	vld [tilespmem:s0+$0x80]  }
0xfc: {  	s10 =	sadd.s32 $0x190E8, s31;
	s4 =	simm.s32 $0x8;
	s14 =	simm.s32 $0x5;
	v12 =	vand.u32 $0xFFFFFFFC, v7;
	v7 =	vld [tilespmem:s0+$0x90];
	v5 =	vmov s18;
	v10 =	vmul.f32 v11, v2;
	[tilespmem:s0+$0x10] =	vst v6  }
0xfd: {  	s26 =	sadd.s32 $0x50, s31;
	v11 =	vmul.f32 v13, v2;
	s18 =	simm.s32 $0x19A58;
	v6 =	vbroadcast v12, $0x0;
	v12 =	vmov s14;
	s14 =	simm.s32 $0x6;
	[tilespmem:s0+$0x20] =	vst v9;
	v9 =	vld [tilespmem:s0+$0xA0]  }
.LBB2_6:
0xfe: {  	p2 =	slt.u32 s4, $0x4C;
	v12 =	vand.u32 $0xFFFFFFFD, v12;
	v13 =	vmov s14;
	[tilespmem:s0+$0x30] =	vst v10;
	v4 =	vmul.f32 v4, v2;
	v10 =	vld [tilespmem:s0+$0xB0]  }
0xff: {  	v12 =	vbroadcast v12, $0x0;
	v13 =	vand.u32 $0xFFFFFFFE, v13;
	[tilespmem:s0+$0x40] =	vst v11;
	v2 =	vmul.f32 v3, v2;
	v3 =	vld [tilespmem:s0+$0xC0]  }
0x100: {  	v11 =	vbroadcast v13, $0x0;
	[tilespmem:s0+$0x50] =	vst v4;
	v4 =	vmul.f32 v8, v1;
	v8 =	vld [tilespmem:s0+$0xD0]  }
0x101: {  	[tilespmem:s0+$0x60] =	vst v2;
	v2 =	vmul.f32 v7, v1;
	v7 =	vld [tilespmem:s0+$0xE0]  }
0x102: {  	[tilespmem:s0+$0x80] =	vst v4;
	v4 =	vmul.f32 v9, v1;
	v9 =	vld [tilespmem:s0+$0xF0]  }
0x103: {  	v5 =	vld.idx.msk [tilespmem:v5+s7+$0x0], $0xffff;
	[tilespmem:s0+$0x90] =	vst v2;
	v2 =	vmul.f32 v10, v1  }
0x104: {  	v6 =	vld.idx.msk [tilespmem:v6+s7+$0x0], $0xffff;
	[tilespmem:s0+$0xA0] =	vst v4;
	v3 =	vmul.f32 v3, v1  }
0x105: {  	v4 =	vld.idx.msk [tilespmem:v12+s7+$0x0], $0xffff;
	[tilespmem:s0+$0xB0] =	vst v2;
	v8 =	vmul.f32 v8, v1  }
0x106: {  	s0 =	sadd.s32 $0x200, s0;
	v2 =	vld.idx.msk [tilespmem:v11+s7+$0x0], $0xffff;
	[tilespmem:s18+$0xC0] =	vst v3;
	v3 =	vmul.f32 v7, v1  }
0x107: {  	v7 =	vld [tilespmem:s0+$0x70];
	[tilespmem:s18+$0xD0] =	vst v8;
	v9 =	vmul.f32 v9, v1  }
0x108: {  	v8 =	vld [tilespmem:s0+$0xFFFFFF00];
	[tilespmem:s18+$0xE0] =	vst v3  }
0x109: {  	v1 =	vmov v5;
	v3 =	vld [tilespmem:s0+$0xFFFFFF10];
	[tilespmem:s18+$0xF0] =	vst v9;
	s18 =	smov.u32 s0  }
0x10a: {  	v5 =	vld [tilespmem:s0+$0xFFFFFF20]  }
0x10b: {  	v9 =	vld [tilespmem:s0+$0xFFFFFF30]  }
0x10c: {  	v10 =	vld [tilespmem:s0+$0xFFFFFF40];
	v7 =	vmul.f32 v7, v2  }
0x10d: {  	v8 =	vmul.f32 v8, v6;
	v11 =	vld [tilespmem:s0+$0xFFFFFF50]  }
0x10e: {  	v3 =	vmul.f32 v3, v6;
	v12 =	vld [tilespmem:s0+$0xFFFFFF60];
	[tilespmem:s0+$0x70] =	vst v7  }
0x10f: {  	[tilespmem:s0+$0xFFFFFF00] =	vst v8;
	v5 =	vmul.f32 v5, v6;
	v7 =	vld [tilespmem:s0+$0xFFFFFF70]  }
0x110: {  	[tilespmem:s0+$0xFFFFFF10] =	vst v3;
	v3 =	vmul.f32 v9, v6;
	v8 =	vld [tilespmem:s0+$0xFFFFFF80]  }
0x111: {  	[tilespmem:s0+$0xFFFFFF20] =	vst v5;
	v5 =	vmul.f32 v10, v6;
	v9 =	vld [tilespmem:s0+$0xFFFFFF90]  }
0x112: {  	[tilespmem:s0+$0xFFFFFF30] =	vst v3;
	v3 =	vmul.f32 v11, v6;
	v10 =	vld [tilespmem:s0+$0xFFFFFFA0]  }
0x113: {  	[tilespmem:s0+$0xFFFFFF40] =	vst v5;
	v5 =	vmul.f32 v12, v6;
	v11 =	vld [tilespmem:s0+$0xFFFFFFB0]  }
0x114: {  	[tilespmem:s0+$0xFFFFFF50] =	vst v3;
	v3 =	vmul.f32 v7, v6;
	v6 =	vld [tilespmem:s0+$0xFFFFFFC0]  }
0x115: {  	[tilespmem:s0+$0xFFFFFF60] =	vst v5;
	v5 =	vmul.f32 v8, v4;
	v7 =	vld [tilespmem:s0+$0xFFFFFFD0]  }
0x116: {  	[tilespmem:s0+$0xFFFFFF70] =	vst v3;
	v3 =	vmul.f32 v9, v4;
	v8 =	vld [tilespmem:s0+$0xFFFFFFE0]  }
0x117: {  	[tilespmem:s0+$0xFFFFFF80] =	vst v5;
	v5 =	vmul.f32 v10, v4;
	v9 =	vld [tilespmem:s0+$0xFFFFFFF0]  }
0x118: {  	[tilespmem:s0+$0xFFFFFF90] =	vst v3;
	v3 =	vmul.f32 v11, v4;
	v10 =	vld [tilespmem:s0+$0x0]  }
0x119: {  	[tilespmem:s0+$0xFFFFFFA0] =	vst v5;
	v5 =	vmul.f32 v6, v4;
	v6 =	vld [tilespmem:s0+$0x10]  }
0x11a: {  	[tilespmem:s0+$0xFFFFFFB0] =	vst v3;
	v3 =	vmul.f32 v7, v4;
	v7 =	vld [tilespmem:s0+$0x20]  }
0x11b: {  	[tilespmem:s0+$0xFFFFFFC0] =	vst v5;
	v5 =	vmul.f32 v8, v4;
	v11 =	vld [tilespmem:s0+$0x30]  }
0x11c: {  	[tilespmem:s0+$0xFFFFFFD0] =	vst v3;
	v3 =	vmul.f32 v9, v4;
	v9 =	vld [tilespmem:s0+$0x40]  }
.Ltmp1:
0x11d: {  	[tilespmem:s0+$0xFFFFFFE0] =	vst v5;
	v5 =	vmul.f32 v10, v2;
	v4 =	vld [tilespmem:s0+$0x50];
	(pc) =	sbr.rel @p2 .LBB2_6-.Ltmp1, $4  }
0x11e: {  	[tilespmem:s0+$0xFFFFFFF0] =	vst v3;
	v6 =	vmul.f32 v6, v2;
	v3 =	vld [tilespmem:s0+$0x60]  }
0x11f: {  	s14 =	sadd.s32 $0x3, s4;
	v10 =	vmov s4;
	[tilespmem:s0+$0x0] =	vst v5;
	v13 =	vmul.f32 v7, v2;
	v8 =	vld [tilespmem:s0+$0x80]  }
0x120: {  	s8 =	sadd.s32 $0x1, s4;
	v12 =	vand.u32 $0xFFFFFFFC, v10;
	v5 =	vmov s14;
	[tilespmem:s0+$0x10] =	vst v6;
	v10 =	vmul.f32 v11, v2;
	v7 =	vld [tilespmem:s0+$0x90]  }
0x121: {  	s14 =	sadd.s32 $0x2, s4;
	s4 =	sadd.s32 $0x4, s4;
	v6 =	vbroadcast v12, $0x0;
	v12 =	vmov s8;
	[tilespmem:s0+$0x20] =	vst v13;
	v11 =	vmul.f32 v9, v2;
	v9 =	vld [tilespmem:s0+$0xA0]  }
0x122: {  	v13 =	vld [tilespmem:s0+$0xB0]  }
0x123: {  	v15 =	vld [tilespmem:s0+$0xC0]  }
0x124: {  	v14 =	vmov s14;
	v16 =	vld [tilespmem:s0+$0xD0]  }
0x125: {  	v17 =	vld [tilespmem:s0+$0xE0];
	[tilespmem:s0+$0x30] =	vst v10;
	v4 =	vmul.f32 v4, v2;
	v14 =	vand.u32 $0xFFFFFFFE, v14  }
0x126: {  	v12 =	vand.u32 $0xFFFFFFFD, v12;
	v5 =	vld.idx.msk [tilespmem:v5+s7+$0x0], $0xffff;
	[tilespmem:s0+$0x40] =	vst v11;
	v2 =	vmul.f32 v3, v2;
	v14 =	vbroadcast v14, $0x0  }
0x127: {  	s4 =	sadd.s32 $0x200, s0;
	v12 =	vbroadcast v12, $0x0;
	v3 =	vld.idx.msk [tilespmem:v6+s7+$0x0], $0xffff;
	v8 =	vmul.f32 v8, v1;
	[tilespmem:s0+$0x50] =	vst v4  }
0x128: {  	v10 =	vld [tilespmem:s4+$0xFFFFFF00];
	v4 =	vmul.f32 v7, v1;
	[tilespmem:s0+$0x60] =	vst v2  }
0x129: {  	[tilespmem:s0+$0x80] =	vst v8;
	v8 =	vld [tilespmem:s0+$0xF0];
	v2 =	vmul.f32 v9, v1  }
0x12a: {  	v11 =	vld [tilespmem:s4+$0xFFFFFF10];
	[tilespmem:s0+$0x90] =	vst v4;
	v4 =	vmul.f32 v13, v1  }
0x12b: {  	v9 =	vld [tilespmem:s4+$0x70];
	[tilespmem:s0+$0xA0] =	vst v2;
	v2 =	vmul.f32 v15, v1  }
0x12c: {  	[tilespmem:s0+$0xB0] =	vst v4;
	v4 =	vmul.f32 v16, v1;
	v7 =	vld.idx.msk [tilespmem:v14+s7+$0x0], $0xffff  }
0x12d: {  	v6 =	vld.idx.msk [tilespmem:v12+s7+$0x0], $0xffff;
	[tilespmem:s18+$0xC0] =	vst v2;
	v2 =	vmul.f32 v17, v1  }
0x12e: {  	v12 =	vld [tilespmem:s4+$0xFFFFFF20];
	[tilespmem:s18+$0xD0] =	vst v4;
	v1 =	vmul.f32 v8, v1  }
0x12f: {  	v4 =	vld [tilespmem:s4+$0xFFFFFF30];
	[tilespmem:s18+$0xE0] =	vst v2  }
0x130: {  	v2 =	vld [tilespmem:s4+$0xFFFFFF40];
	[tilespmem:s18+$0xF0] =	vst v1;
	v1 =	vmul.f32 v10, v3  }
0x131: {  	v8 =	vmul.f32 v9, v7;
	v9 =	vld [tilespmem:s4+$0xFFFFFF50]  }
0x132: {  	v10 =	vmul.f32 v11, v3;
	v11 =	vld [tilespmem:s4+$0xFFFFFF60];
	[tilespmem:s4+$0xFFFFFF00] =	vst v1  }
0x133: {  	v1 =	vmul.f32 v12, v3;
	[tilespmem:s4+$0x70] =	vst v8;
	v8 =	vld [tilespmem:s4+$0xFFFFFF70]  }
0x134: {  	[tilespmem:s4+$0xFFFFFF10] =	vst v10;
	v10 =	vld [tilespmem:s4+$0xFFFFFF80];
	v4 =	vmul.f32 v4, v3  }
0x135: {  	[tilespmem:s4+$0xFFFFFF20] =	vst v1;
	v1 =	vmul.f32 v2, v3;
	v2 =	vld [tilespmem:s4+$0xFFFFFF90]  }
0x136: {  	[tilespmem:s4+$0xFFFFFF30] =	vst v4;
	v4 =	vmul.f32 v9, v3;
	v9 =	vld [tilespmem:s4+$0xFFFFFFA0]  }
0x137: {  	[tilespmem:s4+$0xFFFFFF40] =	vst v1;
	v1 =	vmul.f32 v11, v3;
	v11 =	vld [tilespmem:s4+$0xFFFFFFB0]  }
0x138: {  	[tilespmem:s4+$0xFFFFFF50] =	vst v4;
	v3 =	vmul.f32 v8, v3;
	v4 =	vld [tilespmem:s4+$0xFFFFFFC0]  }
0x139: {  	[tilespmem:s4+$0xFFFFFF60] =	vst v1;
	v1 =	vmul.f32 v10, v6;
	v8 =	vld [tilespmem:s4+$0xFFFFFFD0]  }
0x13a: {  	v2 =	vmul.f32 v2, v6;
	[tilespmem:s4+$0xFFFFFF70] =	vst v3;
	v3 =	vld [tilespmem:s4+$0xFFFFFFE0]  }
0x13b: {  	[tilespmem:s4+$0xFFFFFF80] =	vst v1;
	v1 =	vmul.f32 v9, v6;
	v9 =	vld [tilespmem:s4+$0xFFFFFFF0]  }
0x13c: {  	v10 =	vld [tilespmem:s4+$0x0];
	[tilespmem:s4+$0xFFFFFF90] =	vst v2;
	v2 =	vmul.f32 v11, v6  }
0x13d: {  	[tilespmem:s4+$0xFFFFFFA0] =	vst v1;
	v1 =	vmul.f32 v4, v6;
	v4 =	vld [tilespmem:s4+$0x10]  }
0x13e: {  	[tilespmem:s4+$0xFFFFFFB0] =	vst v2;
	v2 =	vmul.f32 v8, v6;
	v8 =	vld [tilespmem:s4+$0x20]  }
0x13f: {  	[tilespmem:s4+$0xFFFFFFC0] =	vst v1;
	v1 =	vmul.f32 v3, v6;
	v3 =	vld [tilespmem:s4+$0x30]  }
0x140: {  	[tilespmem:s4+$0xFFFFFFD0] =	vst v2;
	v2 =	vmul.f32 v9, v6;
	v6 =	vld [tilespmem:s4+$0x40]  }
0x141: {  	v9 =	vld [tilespmem:s4+$0x50];
	[tilespmem:s4+$0xFFFFFFE0] =	vst v1;
	v1 =	vmul.f32 v10, v7  }
0x142: {  	[tilespmem:s4+$0xFFFFFFF0] =	vst v2;
	v2 =	vmul.f32 v4, v7;
	v4 =	vld [tilespmem:s4+$0x60]  }
0x143: {  	[tilespmem:s4+$0x0] =	vst v1;
	v1 =	vmul.f32 v8, v7;
	v8 =	vld [tilespmem:s4+$0x80]  }
0x144: {  	[tilespmem:s4+$0x10] =	vst v2;
	v2 =	vmul.f32 v3, v7;
	v3 =	vld [tilespmem:s4+$0x90]  }
0x145: {  	[tilespmem:s4+$0x20] =	vst v1;
	v1 =	vmul.f32 v6, v7;
	v6 =	vld [tilespmem:s4+$0xA0]  }
0x146: {  	[tilespmem:s4+$0x30] =	vst v2;
	v2 =	vmul.f32 v9, v7;
	v9 =	vld [tilespmem:s4+$0xB0]  }
0x147: {  	[tilespmem:s4+$0x40] =	vst v1;
	v1 =	vmul.f32 v4, v7;
	v4 =	vld [tilespmem:s4+$0xC0]  }
0x148: {  	v7 =	vld [tilespmem:s4+$0xD0];
	[tilespmem:s4+$0x50] =	vst v2;
	v2 =	vmul.f32 v8, v5  }
0x149: {  	[tilespmem:s4+$0x60] =	vst v1;
	v1 =	vmul.f32 v3, v5;
	v3 =	vld [tilespmem:s4+$0xE0]  }
0x14a: {  	[tilespmem:s4+$0x80] =	vst v2;
	v2 =	vmul.f32 v6, v5;
	v6 =	vld [tilespmem:s4+$0xF0]  }
0x14b: {  	[tilespmem:s4+$0x90] =	vst v1;
	v1 =	vmul.f32 v9, v5  }
0x14c: {  	[tilespmem:s4+$0xA0] =	vst v2;
	v2 =	vmul.f32 v4, v5  }
0x14d: {  	[tilespmem:s4+$0xB0] =	vst v1;
	v1 =	vmul.f32 v7, v5  }
0x14e: {  	[tilespmem:s4+$0xC0] =	vst v2;
	v2 =	vmul.f32 v3, v5  }
0x14f: {  	[tilespmem:s4+$0xD0] =	vst v1;
	v1 =	vmul.f32 v6, v5  }
0x150: {  	[tilespmem:s4+$0xE0] =	vst v2  }
0x151: {  	[tilespmem:s4+$0xF0] =	vst v1  }
0x152: {  	[spmem:s1] =	stream.indirect.scatter.add.f32 [tilespmem:s2], [sflag:$0x3], $0x80, s10, s15, $0xb8;
	[tilespmem:$0x1E958] =	vst v63  }
0x153: {  	s0 =	simm.s32 @!p1 $0x6  }
0x154: {  	[spmem:s3] =	stream.indirect.scatter.add.f32 [tilespmem:s7], [sflag:$0x5], $0x1, s10, s15, $0xb8;
	[tilespmem:$0x1E958] =	vst v63  }
0x155: {  	_ =	swait.ge @!p1 [sflag:s0], $0x50  }
0x156: {  	[sflag:s0] =	ssyncset.done @!p1 $0x0  }
0x157: {  	[sflag:s0] =	ssyncadd.s32 @!p1 $0xFFFFFFB0  }
0x158: {  	v1 =	vld [tilespmem:s26+$0x18918]  }
0x159: {  	v2 =	vld [tilespmem:s26+$0x190E8];
	_ =	sdelay $0x6  }
0x15a: {  	v1 =	vld.idx.msk [tilespmem:v1+s11+$0x0], $0xffff  }
0x15b: {  	v2 =	vld.idx.msk [tilespmem:v2+s12+$0x0], $0xffff;
	_ =	sdelay $0x4  }
0x15c: {  	v1 =	vadd.f32 v2, v1;
	_ =	sdelay $0x1  }
0x15d: {  	v2 =	vmul.f32 $2.000000030e-01, v1  }
0x15e: {  	vm0 =	vgt.f32 v1, $0.0e+00  }
0x15f: {  	v1 =	vsel vm0, v1, v2  }
0x160: {  	v1 =	vmul.f32 $1.442695020e+00, v1;
	_ =	sdelay $0x1  }
0x161: {  	(erf) = vpow2.f32 v1;
	_ =	sdelay $0x8  }
0x162: {  	v1 =	vpop (erf)  }
0x163: {  	[tilespmem:$0x19908] =	vst v1  }
0x164: {  	v1 =	vld [tilespmem:s31+$0x18978]  }
0x165: {  	v2 =	vld [tilespmem:s31+$0x19148];
	_ =	sdelay $0x6  }
0x166: {  	v1 =	vld.idx.msk [tilespmem:v1+s11+$0x0], $0xffff  }
0x167: {  	v2 =	vld.idx.msk [tilespmem:v2+s12+$0x0], $0xffff;
	_ =	sdelay $0x4  }
0x168: {  	v1 =	vadd.f32 v2, v1;
	_ =	sdelay $0x1  }
0x169: {  	v2 =	vmul.f32 $2.000000030e-01, v1  }
0x16a: {  	vm12 =	vgt.f32 v1, $0.0e+00  }
0x16b: {  	v1 =	vsel vm12, v1, v2  }
0x16c: {  	v1 =	vmul.f32 $1.442695020e+00, v1;
	_ =	sdelay $0x1  }
0x16d: {  	(erf) = vpow2.f32 v1;
	_ =	sdelay $0x8  }
0x16e: {  	v1 =	vpop (erf)  }
0x16f: {  	[tilespmem:$0x19918] =	vst v1  }
0x170: {  	v1 =	vld [tilespmem:s31+$0x18988]  }
0x171: {  	v2 =	vld [tilespmem:s31+$0x19158];
	_ =	sdelay $0x6  }
0x172: {  	v1 =	vld.idx.msk [tilespmem:v1+s11+$0x0], $0xffff  }
0x173: {  	v2 =	vld.idx.msk [tilespmem:v2+s12+$0x0], $0xffff;
	_ =	sdelay $0x4  }
0x174: {  	v1 =	vadd.f32 v2, v1;
	_ =	sdelay $0x1  }
0x175: {  	v2 =	vmul.f32 $2.000000030e-01, v1  }
0x176: {  	vm13 =	vgt.f32 v1, $0.0e+00  }
0x177: {  	v1 =	vsel vm13, v1, v2  }
0x178: {  	v1 =	vmul.f32 $1.442695020e+00, v1;
	_ =	sdelay $0x1  }
0x179: {  	(erf) = vpow2.f32 v1;
	_ =	sdelay $0x8  }
0x17a: {  	v1 =	vpop (erf)  }
0x17b: {  	[tilespmem:$0x19928] =	vst v1  }
0x17c: {  	v1 =	vld [tilespmem:s31+$0x18998]  }
0x17d: {  	v2 =	vld [tilespmem:s31+$0x19168];
	_ =	sdelay $0x6  }
0x17e: {  	v1 =	vld.idx.msk [tilespmem:v1+s11+$0x0], $0xffff  }
0x17f: {  	v2 =	vld.idx.msk [tilespmem:v2+s12+$0x0], $0xffff;
	_ =	sdelay $0x4  }
0x180: {  	v1 =	vadd.f32 v2, v1;
	_ =	sdelay $0x1  }
0x181: {  	v2 =	vmul.f32 $2.000000030e-01, v1  }
0x182: {  	vm14 =	vgt.f32 v1, $0.0e+00  }
0x183: {  	v1 =	vsel vm14, v1, v2  }
0x184: {  	v1 =	vmul.f32 $1.442695020e+00, v1;
	_ =	sdelay $0x1  }
0x185: {  	(erf) = vpow2.f32 v1;
	_ =	sdelay $0x8  }
0x186: {  	v1 =	vpop (erf)  }
0x187: {  	[tilespmem:$0x19938] =	vst v1  }
0x188: {  	v1 =	vld [tilespmem:s31+$0x189A8]  }
0x189: {  	v2 =	vld [tilespmem:s31+$0x19178];
	_ =	sdelay $0x6  }
0x18a: {  	v1 =	vld.idx.msk [tilespmem:v1+s11+$0x0], $0xffff  }
0x18b: {  	v2 =	vld.idx.msk [tilespmem:v2+s12+$0x0], $0xffff;
	_ =	sdelay $0x4  }
0x18c: {  	v1 =	vadd.f32 v2, v1;
	_ =	sdelay $0x1  }
0x18d: {  	v2 =	vmul.f32 $2.000000030e-01, v1  }
0x18e: {  	vm15 =	vgt.f32 v1, $0.0e+00  }
0x18f: {  	v1 =	vsel vm15, v1, v2  }
0x190: {  	v1 =	vmul.f32 $1.442695020e+00, v1;
	_ =	sdelay $0x1  }
0x191: {  	(erf) = vpow2.f32 v1;
	_ =	sdelay $0x8  }
0x192: {  	s31 =	simm.s32 $0x0;
	v1 =	vpop (erf)  }
0x193: {  	s4 =	simm.s32 $0x2;
	[tilespmem:$0x19948] =	vst v1;
	v1 =	vmov s31  }
0x194: {  	v2 =	vmov s4;
	_ =	swait.ge [sflag:s19], $0x2800;
	v1 =	vand.u32 $0xFFFFFFFC, v1  }
0x195: {  	v2 =	vand.u32 $0xFFFFFFFE, v2;
	[sflag:s19] =	ssyncset.done $0x0;
	v1 =	vbroadcast v1, $0x0  }
0x196: {  	s8 =	smul.u32 $0x280, s30;
	v2 =	vbroadcast v2, $0x0;
	[sflag:s19] =	ssyncadd.s32 $0xFFFFD800  }
0x197: {  	_ =	swait.ge [sflag:s20], $0x2800  }
0x198: {  	s0 =	sshra.s32 s8, $0x2;
	[sflag:s20] =	ssyncset.done $0x0  }
0x199: {  	s0 =	sadd.s32 $0x189B8, s0;
	[sflag:s20] =	ssyncadd.s32 $0xFFFFD800  }
0x19a: {  	[tilespmem:s2], [sflag:$0x1] =	stream.indirect.gather [hbm4b:s5+s15], $0x80, s0, s15, $0xb8;
	[tilespmem:$0x1E958] =	vst v63  }
0x19b: {  	v1 =	vld.idx.msk [tilespmem:v1+s21+$0x0], $0xffff  }
0x19c: {  	s10 =	simm.s32 $0x1;
	s0 =	simm.s32 $0x1C258;
	v2 =	vld.idx.msk [tilespmem:v2+s21+$0x0], $0xffff  }
0x19d: {  	v3 =	vmov s10;
	v4 =	vld [tilespmem:s0+$0x70]  }
0x19e: {  	v3 =	vand.u32 $0xFFFFFFFD, v3;
	v5 =	vld [tilespmem:s0+$0xFFFFFF00]  }
0x19f: {  	v3 =	vbroadcast v3, $0x0;
	v6 =	vld [tilespmem:s0+$0xFFFFFF10]  }
0x1a0: {  	v7 =	vld [tilespmem:s0+$0xFFFFFF20]  }
0x1a1: {  	v8 =	vld [tilespmem:s0+$0xFFFFFF30]  }
0x1a2: {  	v9 =	vld [tilespmem:s0+$0xFFFFFF40]  }
0x1a3: {  	v10 =	vld [tilespmem:s0+$0xFFFFFF50]  }
0x1a4: {  	v11 =	vld [tilespmem:s0+$0xFFFFFF60];
	v5 =	vmul.f32 v5, v1  }
0x1a5: {  	v3 =	vld.idx.msk [tilespmem:v3+s21+$0x0], $0xffff;
	v4 =	vmul.f32 v4, v2  }
0x1a6: {  	v13 =	vld [tilespmem:s0+$0x40];
	[tilespmem:s0+$0xFFFFFF00] =	vst v5;
	v5 =	vmul.f32 v6, v1  }
0x1a7: {  	v6 =	vld [tilespmem:s0+$0xFFFFFF70];
	[tilespmem:s0+$0x70] =	vst v4;
	v4 =	vmul.f32 v7, v1  }
0x1a8: {  	v7 =	vld [tilespmem:s0+$0xFFFFFF80];
	[tilespmem:s0+$0xFFFFFF10] =	vst v5;
	v5 =	vmul.f32 v8, v1  }
0x1a9: {  	v8 =	vld [tilespmem:s0+$0xFFFFFF90];
	[tilespmem:s0+$0xFFFFFF20] =	vst v4;
	v4 =	vmul.f32 v9, v1  }
0x1aa: {  	v9 =	vld [tilespmem:s0+$0xFFFFFFA0];
	[tilespmem:s0+$0xFFFFFF30] =	vst v5;
	v5 =	vmul.f32 v10, v1  }
0x1ab: {  	v10 =	vld [tilespmem:s0+$0xFFFFFFB0];
	[tilespmem:s0+$0xFFFFFF40] =	vst v4;
	v4 =	vmul.f32 v11, v1  }
0x1ac: {  	v11 =	vld [tilespmem:s0+$0xFFFFFFC0];
	v6 =	vmul.f32 v6, v1;
	[tilespmem:s0+$0xFFFFFF50] =	vst v5  }
0x1ad: {  	v5 =	vmul.f32 v7, v3;
	v7 =	vld [tilespmem:s0+$0xFFFFFFD0];
	[tilespmem:s0+$0xFFFFFF60] =	vst v4  }
0x1ae: {  	s14 =	simm.s32 $0x3;
	v4 =	vld [tilespmem:s0+$0xFFFFFFE0];
	v8 =	vmul.f32 v8, v3;
	[tilespmem:s0+$0xFFFFFF70] =	vst v6  }
0x1af: {  	v12 =	vmov s14;
	v6 =	vld [tilespmem:s0+$0xFFFFFFF0];
	[tilespmem:s0+$0xFFFFFF80] =	vst v5;
	v5 =	vmul.f32 v9, v3  }
0x1b0: {  	v9 =	vld [tilespmem:s0+$0x0];
	[tilespmem:s0+$0xFFFFFF90] =	vst v8;
	v8 =	vmul.f32 v10, v3  }
0x1b1: {  	v10 =	vld [tilespmem:s0+$0x10];
	[tilespmem:s0+$0xFFFFFFA0] =	vst v5;
	v5 =	vmul.f32 v11, v3  }
0x1b2: {  	[tilespmem:s0+$0xFFFFFFB0] =	vst v8;
	v7 =	vmul.f32 v7, v3;
	v8 =	vld [tilespmem:s0+$0x20]  }
0x1b3: {  	v11 =	vld [tilespmem:s0+$0x30];
	v4 =	vmul.f32 v4, v3;
	[tilespmem:s0+$0xFFFFFFC0] =	vst v5  }
0x1b4: {  	v1 =	vld.idx.msk [tilespmem:v12+s21+$0x0], $0xffff;
	v3 =	vmul.f32 v6, v3;
	[tilespmem:s0+$0xFFFFFFD0] =	vst v7  }
0x1b5: {  	[tilespmem:s0+$0xFFFFFFE0] =	vst v4;
	v5 =	vmul.f32 v9, v2;
	v4 =	vld [tilespmem:s0+$0x50]  }
0x1b6: {  	s18 =	simm.s32 $0x4;
	[tilespmem:s0+$0xFFFFFFF0] =	vst v3;
	v6 =	vmul.f32 v10, v2;
	v3 =	vld [tilespmem:s0+$0x60]  }
0x1b7: {  	s31 =	simm.s32 $0x7;
	v7 =	vmov s18;
	[tilespmem:s0+$0x0] =	vst v5;
	v9 =	vmul.f32 v8, v2;
	v8 =	vld [tilespmem:s0+$0x80]  }
0x1b8: {  	s14 =	simm.s32 $0x6;
	s8 =	simm.s32 $0x5;
	v12 =	vand.u32 $0xFFFFFFFC, v7;
	v7 =	vld [tilespmem:s0+$0x90];
	v5 =	vmov s31;
	v10 =	vmul.f32 v11, v2;
	[tilespmem:s0+$0x10] =	vst v6  }
0x1b9: {  	s10 =	sadd.s32 $0x190E8, s26;
	s4 =	simm.s32 $0x8;
	s18 =	simm.s32 $0x1C258;
	v11 =	vmul.f32 v13, v2;
	v6 =	vbroadcast v12, $0x0;
	v12 =	vmov s8;
	[tilespmem:s0+$0x20] =	vst v9;
	v9 =	vld [tilespmem:s0+$0xA0]  }
.LBB2_8:
0x1ba: {  	p1 =	slt.u32 s4, $0x4C;
	v12 =	vand.u32 $0xFFFFFFFD, v12;
	v13 =	vmov s14;
	[tilespmem:s0+$0x30] =	vst v10;
	v4 =	vmul.f32 v4, v2;
	v10 =	vld [tilespmem:s0+$0xB0]  }
0x1bb: {  	v12 =	vbroadcast v12, $0x0;
	v13 =	vand.u32 $0xFFFFFFFE, v13;
	[tilespmem:s0+$0x40] =	vst v11;
	v2 =	vmul.f32 v3, v2;
	v3 =	vld [tilespmem:s0+$0xC0]  }
0x1bc: {  	v11 =	vbroadcast v13, $0x0;
	[tilespmem:s0+$0x50] =	vst v4;
	v4 =	vmul.f32 v8, v1;
	v8 =	vld [tilespmem:s0+$0xD0]  }
0x1bd: {  	[tilespmem:s0+$0x60] =	vst v2;
	v2 =	vmul.f32 v7, v1;
	v7 =	vld [tilespmem:s0+$0xE0]  }
0x1be: {  	[tilespmem:s0+$0x80] =	vst v4;
	v4 =	vmul.f32 v9, v1;
	v9 =	vld [tilespmem:s0+$0xF0]  }
0x1bf: {  	v5 =	vld.idx.msk [tilespmem:v5+s21+$0x0], $0xffff;
	[tilespmem:s0+$0x90] =	vst v2;
	v2 =	vmul.f32 v10, v1  }
0x1c0: {  	v6 =	vld.idx.msk [tilespmem:v6+s21+$0x0], $0xffff;
	[tilespmem:s0+$0xA0] =	vst v4;
	v3 =	vmul.f32 v3, v1  }
0x1c1: {  	v4 =	vld.idx.msk [tilespmem:v12+s21+$0x0], $0xffff;
	[tilespmem:s0+$0xB0] =	vst v2;
	v8 =	vmul.f32 v8, v1  }
0x1c2: {  	s0 =	sadd.s32 $0x200, s0;
	v2 =	vld.idx.msk [tilespmem:v11+s21+$0x0], $0xffff;
	[tilespmem:s18+$0xC0] =	vst v3;
	v3 =	vmul.f32 v7, v1  }
0x1c3: {  	v7 =	vld [tilespmem:s0+$0x70];
	[tilespmem:s18+$0xD0] =	vst v8;
	v9 =	vmul.f32 v9, v1  }
0x1c4: {  	v8 =	vld [tilespmem:s0+$0xFFFFFF00];
	[tilespmem:s18+$0xE0] =	vst v3  }
0x1c5: {  	v1 =	vmov v5;
	v3 =	vld [tilespmem:s0+$0xFFFFFF10];
	[tilespmem:s18+$0xF0] =	vst v9;
	s18 =	smov.u32 s0  }
0x1c6: {  	v5 =	vld [tilespmem:s0+$0xFFFFFF20]  }
0x1c7: {  	v9 =	vld [tilespmem:s0+$0xFFFFFF30]  }
0x1c8: {  	v10 =	vld [tilespmem:s0+$0xFFFFFF40];
	v7 =	vmul.f32 v7, v2  }
0x1c9: {  	v8 =	vmul.f32 v8, v6;
	v11 =	vld [tilespmem:s0+$0xFFFFFF50]  }
0x1ca: {  	v3 =	vmul.f32 v3, v6;
	v12 =	vld [tilespmem:s0+$0xFFFFFF60];
	[tilespmem:s0+$0x70] =	vst v7  }
0x1cb: {  	[tilespmem:s0+$0xFFFFFF00] =	vst v8;
	v5 =	vmul.f32 v5, v6;
	v7 =	vld [tilespmem:s0+$0xFFFFFF70]  }
0x1cc: {  	[tilespmem:s0+$0xFFFFFF10] =	vst v3;
	v3 =	vmul.f32 v9, v6;
	v8 =	vld [tilespmem:s0+$0xFFFFFF80]  }
0x1cd: {  	[tilespmem:s0+$0xFFFFFF20] =	vst v5;
	v5 =	vmul.f32 v10, v6;
	v9 =	vld [tilespmem:s0+$0xFFFFFF90]  }
0x1ce: {  	[tilespmem:s0+$0xFFFFFF30] =	vst v3;
	v3 =	vmul.f32 v11, v6;
	v10 =	vld [tilespmem:s0+$0xFFFFFFA0]  }
0x1cf: {  	[tilespmem:s0+$0xFFFFFF40] =	vst v5;
	v5 =	vmul.f32 v12, v6;
	v11 =	vld [tilespmem:s0+$0xFFFFFFB0]  }
0x1d0: {  	[tilespmem:s0+$0xFFFFFF50] =	vst v3;
	v3 =	vmul.f32 v7, v6;
	v6 =	vld [tilespmem:s0+$0xFFFFFFC0]  }
0x1d1: {  	[tilespmem:s0+$0xFFFFFF60] =	vst v5;
	v5 =	vmul.f32 v8, v4;
	v7 =	vld [tilespmem:s0+$0xFFFFFFD0]  }
0x1d2: {  	[tilespmem:s0+$0xFFFFFF70] =	vst v3;
	v3 =	vmul.f32 v9, v4;
	v8 =	vld [tilespmem:s0+$0xFFFFFFE0]  }
0x1d3: {  	[tilespmem:s0+$0xFFFFFF80] =	vst v5;
	v5 =	vmul.f32 v10, v4;
	v9 =	vld [tilespmem:s0+$0xFFFFFFF0]  }
0x1d4: {  	[tilespmem:s0+$0xFFFFFF90] =	vst v3;
	v3 =	vmul.f32 v11, v4;
	v10 =	vld [tilespmem:s0+$0x0]  }
0x1d5: {  	[tilespmem:s0+$0xFFFFFFA0] =	vst v5;
	v5 =	vmul.f32 v6, v4;
	v6 =	vld [tilespmem:s0+$0x10]  }
0x1d6: {  	[tilespmem:s0+$0xFFFFFFB0] =	vst v3;
	v3 =	vmul.f32 v7, v4;
	v7 =	vld [tilespmem:s0+$0x20]  }
0x1d7: {  	[tilespmem:s0+$0xFFFFFFC0] =	vst v5;
	v5 =	vmul.f32 v8, v4;
	v11 =	vld [tilespmem:s0+$0x30]  }
0x1d8: {  	[tilespmem:s0+$0xFFFFFFD0] =	vst v3;
	v3 =	vmul.f32 v9, v4;
	v9 =	vld [tilespmem:s0+$0x40]  }
.Ltmp2:
0x1d9: {  	[tilespmem:s0+$0xFFFFFFE0] =	vst v5;
	v5 =	vmul.f32 v10, v2;
	v4 =	vld [tilespmem:s0+$0x50];
	(pc) =	sbr.rel @p1 .LBB2_8-.Ltmp2, $4  }
0x1da: {  	[tilespmem:s0+$0xFFFFFFF0] =	vst v3;
	v6 =	vmul.f32 v6, v2;
	v3 =	vld [tilespmem:s0+$0x60]  }
0x1db: {  	s8 =	sadd.s32 $0x3, s4;
	v10 =	vmov s4;
	[tilespmem:s0+$0x0] =	vst v5;
	v13 =	vmul.f32 v7, v2;
	v8 =	vld [tilespmem:s0+$0x80]  }
0x1dc: {  	s14 =	sadd.s32 $0x1, s4;
	v12 =	vand.u32 $0xFFFFFFFC, v10;
	v5 =	vmov s8;
	[tilespmem:s0+$0x10] =	vst v6;
	v10 =	vmul.f32 v11, v2;
	v7 =	vld [tilespmem:s0+$0x90]  }
0x1dd: {  	v6 =	vbroadcast v12, $0x0;
	v12 =	vmov s14;
	s14 =	sadd.s32 $0x2, s4;
	s4 =	sadd.s32 $0x4, s4;
	[tilespmem:s0+$0x20] =	vst v13;
	v11 =	vmul.f32 v9, v2;
	v9 =	vld [tilespmem:s0+$0xA0]  }
0x1de: {  	v13 =	vld [tilespmem:s0+$0xB0]  }
0x1df: {  	v15 =	vld [tilespmem:s0+$0xC0]  }
0x1e0: {  	v16 =	vld [tilespmem:s0+$0xD0]  }
0x1e1: {  	v17 =	vld [tilespmem:s0+$0xE0]  }
0x1e2: {  	v29 =	vld [tilespmem:s0+$0xF0];
	[tilespmem:s0+$0x30] =	vst v10;
	v4 =	vmul.f32 v4, v2  }
0x1e3: {  	v5 =	vld.idx.msk [tilespmem:v5+s21+$0x0], $0xffff;
	[tilespmem:s0+$0x40] =	vst v11;
	v2 =	vmul.f32 v3, v2  }
0x1e4: {  	s4 =	sadd.s32 $0x200, s0;
	v3 =	vld.idx.msk [tilespmem:v6+s21+$0x0], $0xffff;
	v8 =	vmul.f32 v8, v1;
	[tilespmem:s0+$0x50] =	vst v4  }
0x1e5: {  	v14 =	vmov s14;
	v34 =	vld [tilespmem:s4+$0x70];
	v30 =	vmul.f32 v7, v1;
	[tilespmem:s0+$0x60] =	vst v2  }
0x1e6: {  	v14 =	vand.u32 $0xFFFFFFFE, v14;
	v35 =	vld [tilespmem:s4+$0xFFFFFF00];
	[tilespmem:s0+$0x80] =	vst v8;
	v2 =	vmul.f32 v9, v1  }
0x1e7: {  	v37 =	vld [tilespmem:s4+$0xFFFFFF10];
	v14 =	vbroadcast v14, $0x0;
	[tilespmem:s0+$0x90] =	vst v30;
	v33 =	vmul.f32 v13, v1  }
0x1e8: {  	v38 =	vld [tilespmem:s4+$0xFFFFFF20];
	[tilespmem:s0+$0xA0] =	vst v2;
	v2 =	vmul.f32 v15, v1  }
0x1e9: {  	v12 =	vand.u32 $0xFFFFFFFD, v12;
	v39 =	vld [tilespmem:s4+$0xFFFFFF30];
	v36 =	vmul.f32 v16, v1;
	[tilespmem:s0+$0xB0] =	vst v33  }
0x1ea: {  	v12 =	vbroadcast v12, $0x0;
	v41 =	vld [tilespmem:s4+$0xFFFFFF50];
	[tilespmem:s18+$0xC0] =	vst v2;
	v2 =	vmul.f32 v17, v1  }
0x1eb: {  	v43 =	vld [tilespmem:s4+$0xFFFFFF60];
	[tilespmem:s18+$0xD0] =	vst v36;
	v1 =	vmul.f32 v29, v1  }
0x1ec: {  	v42 =	vmul.f32 v37, v3;
	[tilespmem:s18+$0xE0] =	vst v2;
	v2 =	vld [tilespmem:s4+$0xFFFFFF40]  }
0x1ed: {  	v32 =	vld.idx.msk [tilespmem:v14+s21+$0x0], $0xffff;
	[tilespmem:s18+$0xF0] =	vst v1;
	v1 =	vmul.f32 v35, v3  }
0x1ee: {  	v44 =	vld [tilespmem:s4+$0xFFFFFF70];
	v4 =	vmul.f32 v39, v3;
	[tilespmem:s4+$0xFFFFFF10] =	vst v42  }
0x1ef: {  	v45 =	vld [tilespmem:s4+$0xFFFFFF80];
	[tilespmem:s4+$0xFFFFFF00] =	vst v1;
	v1 =	vmul.f32 v38, v3  }
0x1f0: {  	v46 =	vmul.f32 v41, v3;
	v31 =	vld.idx.msk [tilespmem:v12+s21+$0x0], $0xffff;
	[tilespmem:s4+$0xFFFFFF30] =	vst v4  }
0x1f1: {  	[tilespmem:s4+$0xFFFFFF20] =	vst v1;
	v1 =	vmul.f32 v2, v3;
	v2 =	vld [tilespmem:s4+$0xFFFFFF90]  }
0x1f2: {  	v47 =	vld [tilespmem:s4+$0xFFFFFFA0];
	[tilespmem:s4+$0xFFFFFF50] =	vst v46;
	v40 =	vmul.f32 v34, v32  }
0x1f3: {  	v48 =	vld [tilespmem:s4+$0xFFFFFFB0];
	[tilespmem:s4+$0xFFFFFF40] =	vst v1;
	v1 =	vmul.f32 v43, v3  }
0x1f4: {  	v49 =	vld [tilespmem:s4+$0xFFFFFFC0];
	[tilespmem:s4+$0x70] =	vst v40;
	v3 =	vmul.f32 v44, v3  }
0x1f5: {  	v50 =	vld [tilespmem:s4+$0xFFFFFFD0];
	[tilespmem:s4+$0xFFFFFF60] =	vst v1;
	v1 =	vmul.f32 v45, v31  }
0x1f6: {  	[tilespmem:s4+$0xFFFFFF70] =	vst v3;
	v3 =	vld [tilespmem:s4+$0xFFFFFFE0];
	v2 =	vmul.f32 v2, v31  }
0x1f7: {  	v51 =	vld [tilespmem:s4+$0xFFFFFFF0];
	[tilespmem:s4+$0xFFFFFF80] =	vst v1;
	v1 =	vmul.f32 v47, v31  }
0x1f8: {  	v52 =	vld [tilespmem:s4+$0x0];
	[tilespmem:s4+$0xFFFFFF90] =	vst v2;
	v2 =	vmul.f32 v48, v31  }
0x1f9: {  	v53 =	vld [tilespmem:s4+$0x10];
	[tilespmem:s4+$0xFFFFFFA0] =	vst v1;
	v1 =	vmul.f32 v49, v31  }
0x1fa: {  	v54 =	vld [tilespmem:s4+$0x20];
	[tilespmem:s4+$0xFFFFFFB0] =	vst v2;
	v2 =	vmul.f32 v50, v31  }
0x1fb: {  	[tilespmem:s4+$0xFFFFFFC0] =	vst v1;
	v1 =	vmul.f32 v3, v31;
	v3 =	vld [tilespmem:s4+$0x30]  }
0x1fc: {  	v55 =	vld [tilespmem:s4+$0x40];
	[tilespmem:s4+$0xFFFFFFD0] =	vst v2;
	v2 =	vmul.f32 v51, v31  }
0x1fd: {  	v56 =	vld [tilespmem:s4+$0x50];
	[tilespmem:s4+$0xFFFFFFE0] =	vst v1;
	v1 =	vmul.f32 v52, v32  }
0x1fe: {  	v57 =	vld [tilespmem:s4+$0x60];
	[tilespmem:s4+$0xFFFFFFF0] =	vst v2;
	v2 =	vmul.f32 v53, v32  }
0x1ff: {  	v58 =	vld [tilespmem:s4+$0x80];
	[tilespmem:s4+$0x0] =	vst v1;
	v1 =	vmul.f32 v54, v32  }
0x200: {  	[tilespmem:s4+$0x10] =	vst v2;
	v2 =	vmul.f32 v3, v32;
	v3 =	vld [tilespmem:s4+$0x90]  }
0x201: {  	v59 =	vld [tilespmem:s4+$0xA0];
	[tilespmem:s4+$0x20] =	vst v1;
	v1 =	vmul.f32 v55, v32  }
0x202: {  	v60 =	vld [tilespmem:s4+$0xB0];
	[tilespmem:s4+$0x30] =	vst v2;
	v2 =	vmul.f32 v56, v32  }
0x203: {  	v61 =	vld [tilespmem:s4+$0xC0];
	[tilespmem:s4+$0x40] =	vst v1;
	v1 =	vmul.f32 v57, v32  }
0x204: {  	v62 =	vld [tilespmem:s4+$0xD0];
	[tilespmem:s4+$0x50] =	vst v2;
	v2 =	vmul.f32 v58, v5  }
0x205: {  	[tilespmem:s4+$0x60] =	vst v1;
	v1 =	vmul.f32 v3, v5;
	v3 =	vld [tilespmem:s4+$0xE0]  }
0x206: {  	v63 =	vld [tilespmem:s4+$0xF0];
	[tilespmem:s4+$0x80] =	vst v2;
	v2 =	vmul.f32 v59, v5  }
0x207: {  	[tilespmem:s4+$0x90] =	vst v1;
	v1 =	vmul.f32 v60, v5  }
0x208: {  	[tilespmem:s4+$0xA0] =	vst v2;
	v2 =	vmul.f32 v61, v5  }
0x209: {  	[tilespmem:s4+$0xB0] =	vst v1;
	v1 =	vmul.f32 v62, v5  }
0x20a: {  	s30 =	sadd.s32 $0x1, s30;
	[tilespmem:s4+$0xC0] =	vst v2;
	v2 =	vmul.f32 v3, v5  }
0x20b: {  	p1 =	sne.s32 s30, $0xC;
	[tilespmem:s4+$0xD0] =	vst v1;
	v1 =	vmul.f32 v63, v5  }
.Ltmp3:
0x20c: {  	[tilespmem:s4+$0xE0] =	vst v2;
	(pc) =	sbr.rel @p1 .LBB2_5-.Ltmp3, $4  }
0x20d: {  	[tilespmem:s4+$0xF0] =	vst v1  }
0x20e: {  	[spmem:s1] =	stream.indirect.scatter.add.f32 [tilespmem:s17], [sflag:$0x4], $0x80, s10, s15, $0xb8;
	[tilespmem:$0x1E958] =	vst v63  }
0x20f: {  	_ = 	snop  }
0x210: {  	[spmem:s3] =	stream.indirect.scatter.add.f32 [tilespmem:s21], [sflag:$0x6], $0x1, s10, s15, $0xb8;
	[tilespmem:$0x1E958] =	vst v63  }
0x211: {  	_ =	swait.ge [sflag:s23], $0x50  }
0x212: {  	[sflag:s23] =	ssyncset.done $0x0  }
0x213: {  	[sflag:s23] =	ssyncadd.s32 $0xFFFFFFB0  }
0x214: {  	v1 =	vld [tilespmem:$0x19098]  }
0x215: {  	v2 =	vld [tilespmem:$0x19868];
	_ =	sdelay $0x6  }
0x216: {  	v1 =	vld.idx.msk [tilespmem:v1+s11+$0x0], $0xffff  }
0x217: {  	v2 =	vld.idx.msk [tilespmem:v2+s12+$0x0], $0xffff;
	_ =	sdelay $0x4  }
0x218: {  	v1 =	vadd.f32 v2, v1;
	_ =	sdelay $0x1  }
0x219: {  	v2 =	vmul.f32 $2.000000030e-01, v1  }
0x21a: {  	vm0 =	vgt.f32 v1, $0.0e+00  }
0x21b: {  	v1 =	vsel vm0, v1, v2  }
0x21c: {  	v1 =	vmul.f32 $1.442695020e+00, v1;
	_ =	sdelay $0x1  }
0x21d: {  	(erf) = vpow2.f32 v1;
	_ =	sdelay $0x2  }
0x21e: {  	v1 =	vld [tilespmem:$0x190A8]  }
0x21f: {  	v2 =	vld [tilespmem:$0x19878];
	_ =	sdelay $0x4  }
0x220: {  	v3 =	vpop (erf)  }
0x221: {  	[tilespmem:$0x198B8] =	vst v3  }
0x222: {  	v1 =	vld.idx.msk [tilespmem:v1+s11+$0x0], $0xffff  }
0x223: {  	v2 =	vld.idx.msk [tilespmem:v2+s12+$0x0], $0xffff;
	_ =	sdelay $0x4  }
0x224: {  	v1 =	vadd.f32 v2, v1;
	_ =	sdelay $0x1  }
0x225: {  	v2 =	vmul.f32 $2.000000030e-01, v1  }
0x226: {  	vm12 =	vgt.f32 v1, $0.0e+00  }
0x227: {  	v1 =	vsel vm12, v1, v2  }
0x228: {  	v1 =	vmul.f32 $1.442695020e+00, v1;
	_ =	sdelay $0x1  }
0x229: {  	(erf) = vpow2.f32 v1;
	_ =	sdelay $0x2  }
0x22a: {  	v1 =	vld [tilespmem:$0x190B8]  }
0x22b: {  	v2 =	vld [tilespmem:$0x19888];
	_ =	sdelay $0x4  }
0x22c: {  	v3 =	vpop (erf)  }
0x22d: {  	[tilespmem:$0x198C8] =	vst v3  }
0x22e: {  	v1 =	vld.idx.msk [tilespmem:v1+s11+$0x0], $0xffff  }
0x22f: {  	v2 =	vld.idx.msk [tilespmem:v2+s12+$0x0], $0xffff;
	_ =	sdelay $0x4  }
0x230: {  	v1 =	vadd.f32 v2, v1;
	_ =	sdelay $0x1  }
0x231: {  	v2 =	vmul.f32 $2.000000030e-01, v1  }
0x232: {  	vm13 =	vgt.f32 v1, $0.0e+00  }
0x233: {  	v1 =	vsel vm13, v1, v2  }
0x234: {  	v1 =	vmul.f32 $1.442695020e+00, v1;
	_ =	sdelay $0x1  }
0x235: {  	(erf) = vpow2.f32 v1;
	_ =	sdelay $0x2  }
0x236: {  	v1 =	vld [tilespmem:$0x190C8]  }
0x237: {  	v2 =	vld [tilespmem:$0x19898];
	_ =	sdelay $0x4  }
0x238: {  	v3 =	vpop (erf)  }
0x239: {  	[tilespmem:$0x198D8] =	vst v3  }
0x23a: {  	v1 =	vld.idx.msk [tilespmem:v1+s11+$0x0], $0xffff  }
0x23b: {  	v2 =	vld.idx.msk [tilespmem:v2+s12+$0x0], $0xffff;
	_ =	sdelay $0x4  }
0x23c: {  	v1 =	vadd.f32 v2, v1;
	_ =	sdelay $0x1  }
0x23d: {  	v2 =	vmul.f32 $2.000000030e-01, v1  }
0x23e: {  	vm14 =	vgt.f32 v1, $0.0e+00  }
0x23f: {  	v1 =	vsel vm14, v1, v2  }
0x240: {  	v1 =	vmul.f32 $1.442695020e+00, v1;
	_ =	sdelay $0x1  }
0x241: {  	(erf) = vpow2.f32 v1;
	_ =	sdelay $0x2  }
0x242: {  	v1 =	vld [tilespmem:$0x190D8]  }
0x243: {  	v2 =	vld [tilespmem:$0x198A8];
	_ =	sdelay $0x4  }
0x244: {  	v3 =	vpop (erf)  }
0x245: {  	[tilespmem:$0x198E8] =	vst v3  }
0x246: {  	v1 =	vld.idx.msk [tilespmem:v1+s11+$0x0], $0xffff  }
0x247: {  	v2 =	vld.idx.msk [tilespmem:v2+s12+$0x0], $0xffff;
	_ =	sdelay $0x4  }
0x248: {  	v1 =	vadd.f32 v2, v1;
	_ =	sdelay $0x1  }
0x249: {  	v2 =	vmul.f32 $2.000000030e-01, v1  }
0x24a: {  	vm15 =	vgt.f32 v1, $0.0e+00  }
0x24b: {  	v1 =	vsel vm15, v1, v2  }
0x24c: {  	v1 =	vmul.f32 $1.442695020e+00, v1;
	_ =	sdelay $0x1  }
0x24d: {  	(erf) = vpow2.f32 v1;
	_ =	sdelay $0x7  }
0x24e: {  	s0 =	simm.s32 $0x0  }
0x24f: {  	v2 =	vmov s0;
	v1 =	vpop (erf)  }
0x250: {  	[tilespmem:$0x198F8] =	vst v1;
	v1 =	vand.u32 $0xFFFFFFFC, v2  }
0x251: {  	_ =	swait.ge [sflag:s16], $0x2800;
	v1 =	vbroadcast v1, $0x0  }
0x252: {  	[sflag:s16] =	ssyncset.done $0x0  }
0x253: {  	s18 =	simm.s32 $0x2;
	[sflag:s16] =	ssyncadd.s32 $0xFFFFD800  }
0x254: {  	v2 =	vmov s18;
	_ =	swait.ge [sflag:s24], $0x2800  }
0x255: {  	v2 =	vand.u32 $0xFFFFFFFE, v2;
	[sflag:s24] =	ssyncset.done $0x0  }
0x256: {  	v2 =	vbroadcast v2, $0x0;
	[sflag:s24] =	ssyncadd.s32 $0xFFFFD800  }
0x257: {  	s0 =	simm.s32 $0x19A58;
	v1 =	vld.idx.msk [tilespmem:v1+s7+$0x0], $0xffff  }
0x258: {  	s4 =	simm.s32 $0x1;
	v4 =	vld [tilespmem:s0+$0x70]  }
0x259: {  	v3 =	vmov s4;
	v5 =	vld [tilespmem:s0+$0xFFFFFF00]  }
0x25a: {  	v3 =	vand.u32 $0xFFFFFFFD, v3;
	v6 =	vld [tilespmem:s0+$0xFFFFFF10]  }
0x25b: {  	v3 =	vbroadcast v3, $0x0;
	v7 =	vld [tilespmem:s0+$0xFFFFFF20]  }
0x25c: {  	v2 =	vld.idx.msk [tilespmem:v2+s7+$0x0], $0xffff  }
0x25d: {  	v8 =	vld [tilespmem:s0+$0xFFFFFF30]  }
0x25e: {  	v9 =	vld [tilespmem:s0+$0xFFFFFF40]  }
0x25f: {  	v10 =	vld [tilespmem:s0+$0xFFFFFF50]  }
0x260: {  	v11 =	vld [tilespmem:s0+$0xFFFFFF60];
	v5 =	vmul.f32 v5, v1  }
0x261: {  	v3 =	vld.idx.msk [tilespmem:v3+s7+$0x0], $0xffff;
	v4 =	vmul.f32 v4, v2  }
0x262: {  	v13 =	vld [tilespmem:s0+$0x40];
	[tilespmem:s0+$0xFFFFFF00] =	vst v5;
	v5 =	vmul.f32 v6, v1  }
0x263: {  	v6 =	vld [tilespmem:s0+$0xFFFFFF70];
	[tilespmem:s0+$0x70] =	vst v4;
	v4 =	vmul.f32 v7, v1  }
0x264: {  	v7 =	vld [tilespmem:s0+$0xFFFFFF80];
	[tilespmem:s0+$0xFFFFFF10] =	vst v5;
	v5 =	vmul.f32 v8, v1  }
0x265: {  	v8 =	vld [tilespmem:s0+$0xFFFFFF90];
	[tilespmem:s0+$0xFFFFFF20] =	vst v4;
	v4 =	vmul.f32 v9, v1  }
0x266: {  	v9 =	vld [tilespmem:s0+$0xFFFFFFA0];
	[tilespmem:s0+$0xFFFFFF30] =	vst v5;
	v5 =	vmul.f32 v10, v1  }
0x267: {  	v10 =	vld [tilespmem:s0+$0xFFFFFFB0];
	[tilespmem:s0+$0xFFFFFF40] =	vst v4;
	v4 =	vmul.f32 v11, v1  }
0x268: {  	v11 =	vld [tilespmem:s0+$0xFFFFFFC0];
	v6 =	vmul.f32 v6, v1;
	[tilespmem:s0+$0xFFFFFF50] =	vst v5  }
0x269: {  	v5 =	vmul.f32 v7, v3;
	v7 =	vld [tilespmem:s0+$0xFFFFFFD0];
	[tilespmem:s0+$0xFFFFFF60] =	vst v4  }
0x26a: {  	s26 =	simm.s32 $0x3;
	v4 =	vld [tilespmem:s0+$0xFFFFFFE0];
	v8 =	vmul.f32 v8, v3;
	[tilespmem:s0+$0xFFFFFF70] =	vst v6  }
0x26b: {  	v12 =	vmov s26;
	v6 =	vld [tilespmem:s0+$0xFFFFFFF0];
	[tilespmem:s0+$0xFFFFFF80] =	vst v5;
	v5 =	vmul.f32 v9, v3  }
0x26c: {  	v9 =	vld [tilespmem:s0+$0x0];
	[tilespmem:s0+$0xFFFFFF90] =	vst v8;
	v8 =	vmul.f32 v10, v3  }
0x26d: {  	v10 =	vld [tilespmem:s0+$0x10];
	[tilespmem:s0+$0xFFFFFFA0] =	vst v5;
	v5 =	vmul.f32 v11, v3  }
0x26e: {  	[tilespmem:s0+$0xFFFFFFB0] =	vst v8;
	v7 =	vmul.f32 v7, v3;
	v8 =	vld [tilespmem:s0+$0x20]  }
0x26f: {  	v11 =	vld [tilespmem:s0+$0x30];
	[tilespmem:s0+$0xFFFFFFC0] =	vst v5;
	v4 =	vmul.f32 v4, v3  }
0x270: {  	v1 =	vld.idx.msk [tilespmem:v12+s7+$0x0], $0xffff;
	v3 =	vmul.f32 v6, v3;
	[tilespmem:s0+$0xFFFFFFD0] =	vst v7  }
0x271: {  	v5 =	vmul.f32 v9, v2;
	[tilespmem:s0+$0xFFFFFFE0] =	vst v4;
	v4 =	vld [tilespmem:s0+$0x50]  }
0x272: {  	s30 =	simm.s32 $0x4;
	[tilespmem:s0+$0xFFFFFFF0] =	vst v3;
	v6 =	vmul.f32 v10, v2;
	v3 =	vld [tilespmem:s0+$0x60]  }
0x273: {  	s31 =	simm.s32 $0x7;
	v7 =	vmov s30;
	[tilespmem:s0+$0x0] =	vst v5;
	v9 =	vmul.f32 v8, v2;
	v8 =	vld [tilespmem:s0+$0x80]  }
0x274: {  	s8 =	simm.s32 $0x5;
	v12 =	vand.u32 $0xFFFFFFFC, v7;
	v7 =	vld [tilespmem:s0+$0x90];
	v5 =	vmov s31;
	v10 =	vmul.f32 v11, v2;
	[tilespmem:s0+$0x10] =	vst v6  }
0x275: {  	s14 =	simm.s32 $0x6;
	s10 =	simm.s32 $0x19A58;
	s4 =	simm.s32 $0x8;
	v11 =	vmul.f32 v13, v2;
	v6 =	vbroadcast v12, $0x0;
	v12 =	vmov s8;
	[tilespmem:s0+$0x20] =	vst v9;
	v9 =	vld [tilespmem:s0+$0xA0]  }
.LBB2_11:
0x276: {  	p1 =	slt.u32 s4, $0x4C;
	v12 =	vand.u32 $0xFFFFFFFD, v12;
	v13 =	vmov s14;
	[tilespmem:s0+$0x30] =	vst v10;
	v4 =	vmul.f32 v4, v2;
	v10 =	vld [tilespmem:s0+$0xB0]  }
0x277: {  	v12 =	vbroadcast v12, $0x0;
	v13 =	vand.u32 $0xFFFFFFFE, v13;
	[tilespmem:s0+$0x40] =	vst v11;
	v2 =	vmul.f32 v3, v2;
	v3 =	vld [tilespmem:s0+$0xC0]  }
0x278: {  	v11 =	vbroadcast v13, $0x0;
	[tilespmem:s0+$0x50] =	vst v4;
	v4 =	vmul.f32 v8, v1;
	v8 =	vld [tilespmem:s0+$0xD0]  }
0x279: {  	[tilespmem:s0+$0x60] =	vst v2;
	v2 =	vmul.f32 v7, v1;
	v7 =	vld [tilespmem:s0+$0xE0]  }
0x27a: {  	[tilespmem:s0+$0x80] =	vst v4;
	v4 =	vmul.f32 v9, v1;
	v9 =	vld [tilespmem:s0+$0xF0]  }
0x27b: {  	v5 =	vld.idx.msk [tilespmem:v5+s7+$0x0], $0xffff;
	[tilespmem:s0+$0x90] =	vst v2;
	v2 =	vmul.f32 v10, v1  }
0x27c: {  	v6 =	vld.idx.msk [tilespmem:v6+s7+$0x0], $0xffff;
	[tilespmem:s0+$0xA0] =	vst v4;
	v3 =	vmul.f32 v3, v1  }
0x27d: {  	v4 =	vld.idx.msk [tilespmem:v12+s7+$0x0], $0xffff;
	[tilespmem:s0+$0xB0] =	vst v2;
	v8 =	vmul.f32 v8, v1  }
0x27e: {  	s0 =	sadd.s32 $0x200, s0;
	v2 =	vld.idx.msk [tilespmem:v11+s7+$0x0], $0xffff;
	[tilespmem:s10+$0xC0] =	vst v3;
	v3 =	vmul.f32 v7, v1  }
0x27f: {  	v7 =	vld [tilespmem:s0+$0x70];
	[tilespmem:s10+$0xD0] =	vst v8;
	v9 =	vmul.f32 v9, v1  }
0x280: {  	v8 =	vld [tilespmem:s0+$0xFFFFFF00];
	[tilespmem:s10+$0xE0] =	vst v3  }
0x281: {  	v1 =	vmov v5;
	v3 =	vld [tilespmem:s0+$0xFFFFFF10];
	[tilespmem:s10+$0xF0] =	vst v9;
	s10 =	smov.u32 s0  }
0x282: {  	v5 =	vld [tilespmem:s0+$0xFFFFFF20]  }
0x283: {  	v9 =	vld [tilespmem:s0+$0xFFFFFF30]  }
0x284: {  	v10 =	vld [tilespmem:s0+$0xFFFFFF40];
	v7 =	vmul.f32 v7, v2  }
0x285: {  	v8 =	vmul.f32 v8, v6;
	v11 =	vld [tilespmem:s0+$0xFFFFFF50]  }
0x286: {  	v3 =	vmul.f32 v3, v6;
	v12 =	vld [tilespmem:s0+$0xFFFFFF60];
	[tilespmem:s0+$0x70] =	vst v7  }
0x287: {  	[tilespmem:s0+$0xFFFFFF00] =	vst v8;
	v5 =	vmul.f32 v5, v6;
	v7 =	vld [tilespmem:s0+$0xFFFFFF70]  }
0x288: {  	[tilespmem:s0+$0xFFFFFF10] =	vst v3;
	v3 =	vmul.f32 v9, v6;
	v8 =	vld [tilespmem:s0+$0xFFFFFF80]  }
0x289: {  	[tilespmem:s0+$0xFFFFFF20] =	vst v5;
	v5 =	vmul.f32 v10, v6;
	v9 =	vld [tilespmem:s0+$0xFFFFFF90]  }
0x28a: {  	[tilespmem:s0+$0xFFFFFF30] =	vst v3;
	v3 =	vmul.f32 v11, v6;
	v10 =	vld [tilespmem:s0+$0xFFFFFFA0]  }
0x28b: {  	[tilespmem:s0+$0xFFFFFF40] =	vst v5;
	v5 =	vmul.f32 v12, v6;
	v11 =	vld [tilespmem:s0+$0xFFFFFFB0]  }
0x28c: {  	[tilespmem:s0+$0xFFFFFF50] =	vst v3;
	v3 =	vmul.f32 v7, v6;
	v6 =	vld [tilespmem:s0+$0xFFFFFFC0]  }
0x28d: {  	[tilespmem:s0+$0xFFFFFF60] =	vst v5;
	v5 =	vmul.f32 v8, v4;
	v7 =	vld [tilespmem:s0+$0xFFFFFFD0]  }
0x28e: {  	[tilespmem:s0+$0xFFFFFF70] =	vst v3;
	v3 =	vmul.f32 v9, v4;
	v8 =	vld [tilespmem:s0+$0xFFFFFFE0]  }
0x28f: {  	[tilespmem:s0+$0xFFFFFF80] =	vst v5;
	v5 =	vmul.f32 v10, v4;
	v9 =	vld [tilespmem:s0+$0xFFFFFFF0]  }
0x290: {  	[tilespmem:s0+$0xFFFFFF90] =	vst v3;
	v3 =	vmul.f32 v11, v4;
	v10 =	vld [tilespmem:s0+$0x0]  }
0x291: {  	[tilespmem:s0+$0xFFFFFFA0] =	vst v5;
	v5 =	vmul.f32 v6, v4;
	v6 =	vld [tilespmem:s0+$0x10]  }
0x292: {  	[tilespmem:s0+$0xFFFFFFB0] =	vst v3;
	v3 =	vmul.f32 v7, v4;
	v7 =	vld [tilespmem:s0+$0x20]  }
0x293: {  	[tilespmem:s0+$0xFFFFFFC0] =	vst v5;
	v5 =	vmul.f32 v8, v4;
	v11 =	vld [tilespmem:s0+$0x30]  }
0x294: {  	[tilespmem:s0+$0xFFFFFFD0] =	vst v3;
	v3 =	vmul.f32 v9, v4;
	v9 =	vld [tilespmem:s0+$0x40]  }
.Ltmp4:
0x295: {  	[tilespmem:s0+$0xFFFFFFE0] =	vst v5;
	v5 =	vmul.f32 v10, v2;
	v4 =	vld [tilespmem:s0+$0x50];
	(pc) =	sbr.rel @p1 .LBB2_11-.Ltmp4, $4  }
0x296: {  	[tilespmem:s0+$0xFFFFFFF0] =	vst v3;
	v6 =	vmul.f32 v6, v2;
	v3 =	vld [tilespmem:s0+$0x60]  }
0x297: {  	s8 =	sadd.s32 $0x3, s4;
	v10 =	vmov s4;
	[tilespmem:s0+$0x0] =	vst v5;
	v13 =	vmul.f32 v7, v2;
	v8 =	vld [tilespmem:s0+$0x80]  }
0x298: {  	s14 =	sadd.s32 $0x1, s4;
	v12 =	vand.u32 $0xFFFFFFFC, v10;
	v5 =	vmov s8;
	[tilespmem:s0+$0x10] =	vst v6;
	v10 =	vmul.f32 v11, v2;
	v7 =	vld [tilespmem:s0+$0x90]  }
0x299: {  	v6 =	vbroadcast v12, $0x0;
	v12 =	vmov s14;
	s14 =	sadd.s32 $0x2, s4;
	s4 =	sadd.s32 $0x4, s4;
	[tilespmem:s0+$0x20] =	vst v13;
	v11 =	vmul.f32 v9, v2;
	v9 =	vld [tilespmem:s0+$0xA0]  }
0x29a: {  	v13 =	vld [tilespmem:s0+$0xB0]  }
0x29b: {  	v15 =	vld [tilespmem:s0+$0xC0]  }
0x29c: {  	v16 =	vld [tilespmem:s0+$0xD0]  }
0x29d: {  	v17 =	vld [tilespmem:s0+$0xE0]  }
0x29e: {  	v29 =	vld [tilespmem:s0+$0xF0];
	[tilespmem:s0+$0x30] =	vst v10;
	v4 =	vmul.f32 v4, v2  }
0x29f: {  	v5 =	vld.idx.msk [tilespmem:v5+s7+$0x0], $0xffff;
	[tilespmem:s0+$0x40] =	vst v11;
	v2 =	vmul.f32 v3, v2  }
0x2a0: {  	s4 =	sadd.s32 $0x200, s0;
	v3 =	vld.idx.msk [tilespmem:v6+s7+$0x0], $0xffff;
	v8 =	vmul.f32 v8, v1;
	[tilespmem:s0+$0x50] =	vst v4  }
0x2a1: {  	v14 =	vmov s14;
	v34 =	vld [tilespmem:s4+$0x70];
	v30 =	vmul.f32 v7, v1;
	[tilespmem:s0+$0x60] =	vst v2  }
0x2a2: {  	v14 =	vand.u32 $0xFFFFFFFE, v14;
	v35 =	vld [tilespmem:s4+$0xFFFFFF00];
	[tilespmem:s0+$0x80] =	vst v8;
	v2 =	vmul.f32 v9, v1  }
0x2a3: {  	v37 =	vld [tilespmem:s4+$0xFFFFFF10];
	v14 =	vbroadcast v14, $0x0;
	[tilespmem:s0+$0x90] =	vst v30;
	v33 =	vmul.f32 v13, v1  }
0x2a4: {  	v38 =	vld [tilespmem:s4+$0xFFFFFF20];
	[tilespmem:s0+$0xA0] =	vst v2;
	v2 =	vmul.f32 v15, v1  }
0x2a5: {  	v12 =	vand.u32 $0xFFFFFFFD, v12;
	v39 =	vld [tilespmem:s4+$0xFFFFFF30];
	v36 =	vmul.f32 v16, v1;
	[tilespmem:s0+$0xB0] =	vst v33  }
0x2a6: {  	v12 =	vbroadcast v12, $0x0;
	v41 =	vld [tilespmem:s4+$0xFFFFFF50];
	[tilespmem:s10+$0xC0] =	vst v2;
	v2 =	vmul.f32 v17, v1  }
0x2a7: {  	v43 =	vld [tilespmem:s4+$0xFFFFFF60];
	[tilespmem:s10+$0xD0] =	vst v36;
	v1 =	vmul.f32 v29, v1  }
0x2a8: {  	v42 =	vmul.f32 v37, v3;
	[tilespmem:s10+$0xE0] =	vst v2;
	v2 =	vld [tilespmem:s4+$0xFFFFFF40]  }
0x2a9: {  	v32 =	vld.idx.msk [tilespmem:v14+s7+$0x0], $0xffff;
	[tilespmem:s10+$0xF0] =	vst v1;
	v1 =	vmul.f32 v35, v3  }
0x2aa: {  	v44 =	vld [tilespmem:s4+$0xFFFFFF70];
	v4 =	vmul.f32 v39, v3;
	[tilespmem:s4+$0xFFFFFF10] =	vst v42  }
0x2ab: {  	v45 =	vld [tilespmem:s4+$0xFFFFFF80];
	[tilespmem:s4+$0xFFFFFF00] =	vst v1;
	v1 =	vmul.f32 v38, v3  }
0x2ac: {  	v46 =	vmul.f32 v41, v3;
	v31 =	vld.idx.msk [tilespmem:v12+s7+$0x0], $0xffff;
	[tilespmem:s4+$0xFFFFFF30] =	vst v4  }
0x2ad: {  	[tilespmem:s4+$0xFFFFFF20] =	vst v1;
	v1 =	vmul.f32 v2, v3;
	v2 =	vld [tilespmem:s4+$0xFFFFFF90]  }
0x2ae: {  	v47 =	vld [tilespmem:s4+$0xFFFFFFA0];
	[tilespmem:s4+$0xFFFFFF50] =	vst v46;
	v40 =	vmul.f32 v34, v32  }
0x2af: {  	v48 =	vld [tilespmem:s4+$0xFFFFFFB0];
	[tilespmem:s4+$0xFFFFFF40] =	vst v1;
	v1 =	vmul.f32 v43, v3  }
0x2b0: {  	v49 =	vld [tilespmem:s4+$0xFFFFFFC0];
	[tilespmem:s4+$0x70] =	vst v40;
	v3 =	vmul.f32 v44, v3  }
0x2b1: {  	v50 =	vld [tilespmem:s4+$0xFFFFFFD0];
	[tilespmem:s4+$0xFFFFFF60] =	vst v1;
	v1 =	vmul.f32 v45, v31  }
0x2b2: {  	[tilespmem:s4+$0xFFFFFF70] =	vst v3;
	v3 =	vld [tilespmem:s4+$0xFFFFFFE0];
	v2 =	vmul.f32 v2, v31  }
0x2b3: {  	v51 =	vld [tilespmem:s4+$0xFFFFFFF0];
	[tilespmem:s4+$0xFFFFFF80] =	vst v1;
	v1 =	vmul.f32 v47, v31  }
0x2b4: {  	v52 =	vld [tilespmem:s4+$0x0];
	[tilespmem:s4+$0xFFFFFF90] =	vst v2;
	v2 =	vmul.f32 v48, v31  }
0x2b5: {  	v53 =	vld [tilespmem:s4+$0x10];
	[tilespmem:s4+$0xFFFFFFA0] =	vst v1;
	v1 =	vmul.f32 v49, v31  }
0x2b6: {  	v54 =	vld [tilespmem:s4+$0x20];
	[tilespmem:s4+$0xFFFFFFB0] =	vst v2;
	v2 =	vmul.f32 v50, v31  }
0x2b7: {  	[tilespmem:s4+$0xFFFFFFC0] =	vst v1;
	v1 =	vmul.f32 v3, v31;
	v3 =	vld [tilespmem:s4+$0x30]  }
0x2b8: {  	v55 =	vld [tilespmem:s4+$0x40];
	[tilespmem:s4+$0xFFFFFFD0] =	vst v2;
	v2 =	vmul.f32 v51, v31  }
0x2b9: {  	v56 =	vld [tilespmem:s4+$0x50];
	[tilespmem:s4+$0xFFFFFFE0] =	vst v1;
	v1 =	vmul.f32 v52, v32  }
0x2ba: {  	v57 =	vld [tilespmem:s4+$0x60];
	[tilespmem:s4+$0xFFFFFFF0] =	vst v2;
	v2 =	vmul.f32 v53, v32  }
0x2bb: {  	v58 =	vld [tilespmem:s4+$0x80];
	[tilespmem:s4+$0x0] =	vst v1;
	v1 =	vmul.f32 v54, v32  }
0x2bc: {  	[tilespmem:s4+$0x10] =	vst v2;
	v2 =	vmul.f32 v3, v32;
	v3 =	vld [tilespmem:s4+$0x90]  }
0x2bd: {  	v59 =	vld [tilespmem:s4+$0xA0];
	[tilespmem:s4+$0x20] =	vst v1;
	v1 =	vmul.f32 v55, v32  }
0x2be: {  	v60 =	vld [tilespmem:s4+$0xB0];
	[tilespmem:s4+$0x30] =	vst v2;
	v2 =	vmul.f32 v56, v32  }
0x2bf: {  	v61 =	vld [tilespmem:s4+$0xC0];
	[tilespmem:s4+$0x40] =	vst v1;
	v1 =	vmul.f32 v57, v32  }
0x2c0: {  	v62 =	vld [tilespmem:s4+$0xD0];
	[tilespmem:s4+$0x50] =	vst v2;
	v2 =	vmul.f32 v58, v5  }
0x2c1: {  	[tilespmem:s4+$0x60] =	vst v1;
	v1 =	vmul.f32 v3, v5;
	v3 =	vld [tilespmem:s4+$0xE0]  }
0x2c2: {  	v63 =	vld [tilespmem:s4+$0xF0];
	[tilespmem:s4+$0x80] =	vst v2;
	v2 =	vmul.f32 v59, v5  }
0x2c3: {  	[tilespmem:s4+$0x90] =	vst v1;
	v1 =	vmul.f32 v60, v5  }
0x2c4: {  	[tilespmem:s4+$0xA0] =	vst v2;
	v2 =	vmul.f32 v61, v5  }
0x2c5: {  	[tilespmem:s4+$0xB0] =	vst v1;
	v1 =	vmul.f32 v62, v5  }
0x2c6: {  	[tilespmem:s4+$0xC0] =	vst v2;
	v2 =	vmul.f32 v3, v5  }
0x2c7: {  	[tilespmem:s4+$0xD0] =	vst v1;
	v1 =	vmul.f32 v63, v5  }
0x2c8: {  	[tilespmem:s4+$0xE0] =	vst v2  }
0x2c9: {  	[tilespmem:s4+$0xF0] =	vst v1  }
0x2ca: {  	[spmem:s1] =	stream.indirect.scatter.add.f32 [tilespmem:s2], [sflag:$0x7], $0x80, s25, s15, $0xb8;
	[tilespmem:$0x1E958] =	vst v63  }
0x2cb: {  	s29 =	sadd.s32 $0x1, s29;
	_ =	swait.ge [sflag:s6], $0x2800  }
0x2cc: {  	p1 =	sne.s32 s29, $0x5;
	[sflag:s6] =	ssyncset.done $0x0  }
.Ltmp5:
0x2cd: {  	[sflag:s6] =	ssyncadd.s32 $0xFFFFD800;
	(pc) =	sbr.rel @p1 .LBB2_4-.Ltmp5, $4  }
0x2ce: {  	[spmem:s3] =	stream.indirect.scatter.add.f32 [tilespmem:s7], [sflag:$0x7], $0x1, s25, s15, $0xb8;
	[tilespmem:$0x1E958] =	vst v63  }
0x2cf: {  	_ =	swait.ge [sflag:s6], $0x50  }
0x2d0: {  	[sflag:s6] =	ssyncset.done $0x0  }
0x2d1: {  	[sflag:s6] =	ssyncadd.s32 $0xFFFFFFB0  }
0x2d2: {  	s0 =	simm.s32 $0x6  }
0x2d3: {  	_ =	swait.ge [sflag:s0], $0x50  }
0x2d4: {  	[sflag:s0] =	ssyncset.done $0x0  }
0x2d5: {  	[sflag:s0] =	ssyncadd.s32 $0xFFFFFFB0  }
0x2d6: {  	s26 =	stileid.u32;
	[bflag:$0x0] =	sbarrier.arrive $0xFFFF  }
0x2d7: {  	s0 =	sshll.u32 s26, $0x6;
	s18 =	rddreg [dreg:$0x8]  }
0x2d8: {  	s0 =	sor.u32 $0x1C07, s0;
	s8 =	rddreg [dreg:$0x14];
	s4 =	sshrl.u32 s18, $0x3  }
0x2d9: {  	[hbm:s8], [sflag:s0] =	dma.local [spmem:s4], $0x2710  }
0x2da: {  	_ =	swait.ge [sflag:s6], $0x2710  }
0x2db: {  	[sflag:s6] =	ssyncset.done $0x0;
	s10 =	rddreg [dreg:$0x10]  }
0x2dc: {  	s30 =	rddreg [dreg:$0x12];
	[sflag:s6] =	ssyncadd.s32 $0xFFFFD8F0;
	s29 =	sshrl.u32 s10, $0x3  }
0x2dd: {  	[hbm:s30], [sflag:s0] =	dma.local [spmem:s29], $0x4E  }
0x2de: {  	_ =	swait.ge [sflag:s6], $0x4E  }
0x2df: {  	[sflag:s6] =	ssyncset.done $0x0;
	s26 =	rddreg [dreg:$0x1c]  }
0x2e0: {  	s8 =	rddreg [dreg:$0x15];
	[sflag:s6] =	ssyncadd.s32 $0xFFFFFFB2;
	s4 =	sshrl.u32 @!p0 s26, $0x3  }
0x2e1: {  	[hbm:s8], [sflag:s0] =	dma.local @!p0 [spmem:s4], $0x2  }
0x2e2: {  	s0 =	simm.s32 @!p0 $0x7  }
0x2e3: {  	_ =	swait.ge @!p0 [sflag:s0], $0x2  }
0x2e4: {  	s14 =	rddreg [dreg:$0x4]  }
0x2e5: {  	s31 =	rddreg [dreg:$0x16];
	s14 =	sadd.s32 $0x1, s14  }
0x2e6: {  	p1 =	sne.s32 s14, s31  }
.Ltmp6:
0x2e7: {  	_ = 	snop;
	(pc) =	sbr.rel @p1 .LBB2_1-.Ltmp6, $3  }
0x2e8: {  	_ =	sdelay $0x1  }
0x2e9: {  	[sflag:s0] =	ssyncset.done @!p0 $0x0  }
0x2ea: {  	[sflag:s0] =	ssyncadd.s32 @!p0 $0xFFFFFFFE  }
0x2eb: {  	_ =	sfence.sel $0x180000  }
0x2ec: {  	[bflag:$0x0] =	sbarrier.arrive $0xFFFF  }
0x2ed: {  	_ =	strace $0x90000047  }
0x2ee: {  	s0 =	stileid.u32;
	[bflag:$0x2] =	sbarrier.arrive $0xFFFF  }
0x2ef: {  	p0 =	sne.s32 s0, $0x0;
	s0 =	rddreg [dreg:$0x3]  }
0x2f0: {  	s0 =	sadd.s32 @!p0 $0x100000, s0  }
0x2f1: {  	[sflag:s0] =	ssyncadd.tile.s32 @!p0 $0x1;
	_ =	shalt  }
.Lfunc_end2:
_tile_overlayer_lowered:
.L_overlay_start_2:
0x2f2: {  	(tag) =	ssettag $0x2  }
0x2f3: {  	s0 =	rddreg [dreg:$0x0];
	s2 =	stileid.u32  }
0x2f4: {  	s1 =	rddreg [dreg:$0x1];
	p0 =	sne.s32 s2, $0x0  }
0x2f5: {  	s3 =	rddreg [dreg:$0x2];
	[bflag:$0x3] =	sbarrier.arrive $0xFFFF;
	s2 =	simm.s32 @!p0 $0x1C07  }
0x2f6: {  	[timem:s3], [sflag:s2] =	dma.local @!p0 [hbm:s0], s1  }
0x2f7: {  	s0 =	simm.s32 @!p0 $0x7  }
0x2f8: {  	_ =	swait.ge @!p0 [sflag:s0], s1  }
0x2f9: {  	s1 =	ssub.s32 @!p0 $0x0, s1;
	[sflag:s0] =	ssyncset.done @!p0 $0x0  }
0x2fa: {  	[sflag:s0] =	ssyncadd.s32 @!p0 s1  }
0x2fb: {  	[bflag:$0x3] =	sbarrier.arrive $0xFFFF  }
0x2fc: {  	_ =	shalt  }

</sc_bundles>
